<compile_context>
chip_gen: v7x
topology: tpu7x:2x2x1
jax: 0.10.2.dev20260603
libtpu: 0.0.44.dev20260713+nightly
codegen_flags: <defaults>
</compile_context>

<pallas_src>
import functools

import jax
import jax.numpy as jnp
from jax import lax
from jax.experimental import pallas as pl
from jax.experimental.pallas import tpu as pltpu
from jax.experimental.pallas import tpu_sc as plsc

N = 10000
E = 160000
TAU0 = 0.1

NS = 16
NP = 10112
ROWS_PT = NP // NS
EP = 163840
K = 128
K1 = 40
EPT1 = EP // NS
NCH1 = EPT1 // K1
EPT2 = EP // (2 * NS)
NCH2 = EPT2 // K
EROWS = EP // K
EROWS1 = EP // K1
NCH5 = EPT2 // K1


def _ring4(nch, issue_gather, wait_gather, scatter_start, scatter_wait):
    for i in range(min(4, nch)):
        issue_gather(i, i)

    def quad(i4, carry):
        for q in range(4):
            i = i4 * 4 + q
            nb = (q + 1) % 4

            @pl.when(i >= 3)
            def _prep(i=i, nb=nb):
                scatter_wait(i - 3, nb)

                @pl.when(i + 1 < nch)
                def _ig(i=i, nb=nb):
                    issue_gather(i + 1, nb)

            wait_gather(i, q)
            scatter_start(i, q)
        return carry

    lax.fori_loop(0, nch // 4, quad, 0)
    for k in range(3):
        i = nch - 3 + k
        scatter_wait(i, i % 4)

_mesh = plsc.VectorSubcoreMesh(core_axis_name="c", subcore_axis_name="s")
_sc_params = pltpu.CompilerParams(use_tc_tiling_on_sc=False,
                                  needs_layout_passes=False)


def _p1_body(t1a, t1b, sidx, didx, zrows, zcnt, onesr, agg_o, cnt_o,
             src_all, dst_all, b0, b1, b2, b3, ones_v, acc, accc,
             g0, g1, g2, g3, s0, s1, s2, s3):
    c = lax.axis_index("c")
    s = lax.axis_index("s")
    r0 = s * ROWS_PT
    bufs = [b0, b1, b2, b3]
    gsem = [g0, g1, g2, g3]
    ssem = [s0, s1, s2, s3]
    pltpu.sync_copy(zrows, acc.at[pl.ds(r0, ROWS_PT)])
    pltpu.sync_copy(zcnt, accc.at[pl.ds(r0, ROWS_PT)])
    pltpu.sync_copy(onesr, ones_v)
    pltpu.sync_copy(sidx.at[pl.ds(s * NCH1, NCH1)], src_all)
    pltpu.sync_copy(didx.at[pl.ds(s * NCH1, NCH1)], dst_all)
    plsc.subcore_barrier()

    def issue_gather(i, q):
        @pl.when(c == 0)
        def _a():
            pltpu.async_copy(t1a.at[src_all.at[i]], bufs[q], gsem[q])

        @pl.when(c == 1)
        def _b():
            pltpu.async_copy(t1b.at[src_all.at[i]], bufs[q], gsem[q])

    def wait_gather(i, q):
        pltpu.make_async_copy(t1a.at[src_all.at[i]], bufs[q], gsem[q]).wait()

    def scatter_start(i, q):
        pltpu.async_copy(bufs[q], acc.at[dst_all.at[i]], ssem[q], add=True)
        pltpu.async_copy(ones_v, accc.at[dst_all.at[i]], ssem[q], add=True)

    def scatter_wait(i, q):
        pltpu.make_async_copy(bufs[q], acc.at[dst_all.at[i]], ssem[q]).wait()
        pltpu.make_async_copy(ones_v, accc.at[dst_all.at[i]], ssem[q]).wait()

    _ring4(NCH1, issue_gather, wait_gather, scatter_start, scatter_wait)
    plsc.subcore_barrier()
    pltpu.sync_copy(acc.at[pl.ds(r0, ROWS_PT)], agg_o.at[c, pl.ds(r0, ROWS_PT)])
    pltpu.sync_copy(accc.at[pl.ds(r0, ROWS_PT)], cnt_o.at[c, pl.ds(r0, ROWS_PT)])


_sc_pass1 = pl.kernel(
    _p1_body, mesh=_mesh, compiler_params=_sc_params,
    out_type=[jax.ShapeDtypeStruct((2, NP, 128), jnp.float32),
              jax.ShapeDtypeStruct((2, NP, 8), jnp.float32)],
    scratch_types=(
        [pltpu.VMEM((NCH1, K1), jnp.int32),
         pltpu.VMEM((NCH1, K1), jnp.int32)]
        + [pltpu.VMEM((K1, 128), jnp.float32)] * 4
        + [pltpu.VMEM((K1, 8), jnp.float32),
           pltpu.VMEM_SHARED((NP, 128), jnp.float32),
           pltpu.VMEM_SHARED((NP, 8), jnp.float32)]
        + [pltpu.SemaphoreType.DMA] * 8
    ))


def _p3_body(qtab, sidx, didx, zq, sq_o, src_all, dst_all, b0, b1, b2, b3,
             acc, g0, g1, g2, g3, s0, s1, s2, s3):
    c = lax.axis_index("c")
    s = lax.axis_index("s")
    r0 = s * ROWS_PT
    w = c * NS + s
    bufs = [b0, b1, b2, b3]
    gsem = [g0, g1, g2, g3]
    ssem = [s0, s1, s2, s3]
    pltpu.sync_copy(zq, acc.at[pl.ds(r0, ROWS_PT)])
    pltpu.sync_copy(sidx.at[pl.ds(w * NCH2, NCH2)], src_all)
    pltpu.sync_copy(didx.at[pl.ds(w * NCH2, NCH2)], dst_all)
    plsc.subcore_barrier()

    def issue_gather(i, q):
        pltpu.async_copy(qtab.at[src_all.at[i]], bufs[q], gsem[q])

    def wait_gather(i, q):
        pltpu.make_async_copy(qtab.at[src_all.at[i]], bufs[q], gsem[q]).wait()

    def scatter_start(i, q):
        pltpu.async_copy(bufs[q], acc.at[dst_all.at[i]], ssem[q], add=True)

    def scatter_wait(i, q):
        pltpu.make_async_copy(bufs[q], acc.at[dst_all.at[i]], ssem[q]).wait()

    _ring4(NCH2, issue_gather, wait_gather, scatter_start, scatter_wait)
    plsc.subcore_barrier()
    pltpu.sync_copy(acc.at[pl.ds(r0, ROWS_PT)], sq_o.at[c, pl.ds(r0, ROWS_PT)])


_sc_pass3 = pl.kernel(
    _p3_body, mesh=_mesh, compiler_params=_sc_params,
    out_type=[jax.ShapeDtypeStruct((2, NP, 16), jnp.float32)],
    scratch_types=(
        [pltpu.VMEM((NCH2, K), jnp.int32),
         pltpu.VMEM((NCH2, K), jnp.int32)]
        + [pltpu.VMEM((K, 16), jnp.float32)] * 4
        + [pltpu.VMEM_SHARED((NP, 16), jnp.float32)]
        + [pltpu.SemaphoreType.DMA] * 8
    ))


def _p5a_body(yta, ytb, sidx, didx, zrows, ya_o,
              src_all, dst_all, b0, b1, b2, b3, acc,
              g0, g1, g2, g3, s0, s1, s2, s3):
    c = lax.axis_index("c")
    s = lax.axis_index("s")
    r0 = s * ROWS_PT
    bufs = [b0, b1, b2, b3]
    gsem = [g0, g1, g2, g3]
    ssem = [s0, s1, s2, s3]
    pltpu.sync_copy(zrows, acc.at[pl.ds(r0, ROWS_PT)])
    pltpu.sync_copy(sidx.at[pl.ds(s * NCH1, NCH1)], src_all)
    pltpu.sync_copy(didx.at[pl.ds(s * NCH1, NCH1)], dst_all)
    plsc.subcore_barrier()

    def issue_gather(i, q):
        @pl.when(c == 0)
        def _a():
            pltpu.async_copy(yta.at[src_all.at[i]], bufs[q], gsem[q])

        @pl.when(c == 1)
        def _b():
            pltpu.async_copy(ytb.at[src_all.at[i]], bufs[q], gsem[q])

    def wait_gather(i, q):
        pltpu.make_async_copy(yta.at[src_all.at[i]], bufs[q], gsem[q]).wait()

    def scatter_start(i, q):
        pltpu.async_copy(bufs[q], acc.at[dst_all.at[i]], ssem[q], add=True)

    def scatter_wait(i, q):
        pltpu.make_async_copy(bufs[q], acc.at[dst_all.at[i]], ssem[q]).wait()

    _ring4(NCH1, issue_gather, wait_gather, scatter_start, scatter_wait)
    plsc.subcore_barrier()
    pltpu.sync_copy(acc.at[pl.ds(r0, ROWS_PT)], ya_o.at[c, pl.ds(r0, ROWS_PT)])


_sc_pass5a = pl.kernel(
    _p5a_body, mesh=_mesh, compiler_params=_sc_params,
    out_type=[jax.ShapeDtypeStruct((2, NP, 128), jnp.bfloat16)],
    scratch_types=(
        [pltpu.VMEM((NCH1, K1), jnp.int32),
         pltpu.VMEM((NCH1, K1), jnp.int32)]
        + [pltpu.VMEM((K1, 128), jnp.bfloat16)] * 4
        + [pltpu.VMEM_SHARED((NP, 128), jnp.bfloat16)]
        + [pltpu.SemaphoreType.DMA] * 8
    ))


def _p5b_body(sidx, didx, ptab, eat, zea, eaa_o,
              esrc_all, edst_all, ea0, ea1, st0, st1, ptab_v, accea,
              e0s, e1s, s0s, s1s):
    c = lax.axis_index("c")
    s = lax.axis_index("s")
    r0 = s * ROWS_PT
    w = c * NS + s
    eat_v = [ea0, ea1]
    stage = [st0, st1]
    esem = [e0s, e1s]
    ssem = [s0s, s1s]
    pltpu.sync_copy(zea, accea.at[pl.ds(r0, ROWS_PT)])
    pltpu.sync_copy(zea.at[pl.ds(0, K)], st0)
    pltpu.sync_copy(zea.at[pl.ds(0, K)], st1)
    pltpu.sync_copy(ptab, ptab_v)
    pltpu.sync_copy(sidx.at[pl.ds(w * NCH2, NCH2)], esrc_all)
    pltpu.sync_copy(didx.at[pl.ds(w * NCH2, NCH2)], edst_all)
    plsc.subcore_barrier()

    iot = lax.iota(jnp.int32, 16)
    base_e = w * EPT2

    def eload(g, q):
        pltpu.async_copy(eat.at[:, pl.ds(base_e + g * K, K)], eat_v[q],
                         esem[q])

    def ewait(g, q):
        pltpu.make_async_copy(eat.at[:, pl.ds(base_e + g * K, K)], eat_v[q],
                              esem[q]).wait()

    def swait(i, q):
        pltpu.make_async_copy(stage[q], accea.at[edst_all.at[i]],
                              ssem[q]).wait()

    def compute(g, q):
        def group(g2, carry2):
            b = g2 * 16
            idxv = esrc_all[g, pl.ds(b, 16)]
            pv = plsc.load_gather(ptab_v, [idxv])
            rows16 = b + iot
            for j in range(16):
                colv = eat_v[q][j, pl.ds(b, 16)]
                plsc.store_scatter(
                    stage[q], [rows16, jnp.full((16,), j, jnp.int32)],
                    colv * pv)
            plsc.store_scatter(
                stage[q], [rows16, jnp.full((16,), 16, jnp.int32)], pv)
            return carry2

        lax.fori_loop(0, K // 16, group, 0)
        pltpu.async_copy(stage[q], accea.at[edst_all.at[g]], ssem[q],
                         add=True)

    eload(0, 0)

    def pair(p, carry):
        g0 = 2 * p
        eload(g0 + 1, 1)
        ewait(g0, 0)

        @pl.when(g0 >= 2)
        def _w0():
            swait(g0 - 2, 0)

        compute(g0, 0)

        @pl.when(g0 + 2 < NCH2)
        def _l2():
            eload(g0 + 2, 0)

        ewait(g0 + 1, 1)

        @pl.when(g0 >= 1)
        def _w1():
            swait(g0 - 1, 1)

        compute(g0 + 1, 1)
        return carry

    lax.fori_loop(0, NCH2 // 2, pair, 0)
    swait(NCH2 - 2, 0)
    swait(NCH2 - 1, 1)
    plsc.subcore_barrier()
    pltpu.sync_copy(accea.at[pl.ds(r0, ROWS_PT)], eaa_o.at[c, pl.ds(r0, ROWS_PT)])


_sc_pass5b = pl.kernel(
    _p5b_body, mesh=_mesh, compiler_params=_sc_params,
    out_type=[jax.ShapeDtypeStruct((2, NP, 32), jnp.float32)],
    scratch_types=(
        [pltpu.VMEM((NCH2, K), jnp.int32),
         pltpu.VMEM((NCH2, K), jnp.int32)]
        + [pltpu.VMEM((16, K), jnp.float32)] * 2
        + [pltpu.VMEM((K, 32), jnp.float32)] * 2
        + [pltpu.VMEM((N,), jnp.float32),
           pltpu.VMEM_SHARED((NP, 32), jnp.float32)]
        + [pltpu.SemaphoreType.DMA] * 4
    ))


BN = 1000
GRID = N // BN


def _dot(a, b):
    return lax.dot_general(a, b, (((1,), (0,)), ((), ())),
                           precision=lax.Precision.HIGHEST,
                           preferred_element_type=jnp.float32)


def _dot_fast(a, b):
    return lax.dot_general(a, b, (((1,), (0,)), ((), ())),
                           preferred_element_type=jnp.float32)


def _tc2_body(x_r, agg_r, cnt_r, w1_r, w2_r, w3_r, w4_r, wt_r, we_r,
              q_r, v_r):
    x = x_r[...]
    agg = agg_r[...]
    A = (jnp.concatenate([agg[0], agg[1]], axis=1) + x) \
        / (cnt_r[...][0][:, 0:1] + 1.0)
    hin = jnp.maximum(_dot(A, w1_r[...]), 0.0)
    hout = jnp.maximum(_dot(A, w3_r[...]), 0.0)
    qin = _dot(hin, w2_r[...])
    qout = _dot(hout, w4_r[...])
    tz = _dot(A, wt_r[...])
    temp = jnp.maximum(tz, 0.0) + jnp.log(1.0 + jnp.exp(-jnp.abs(tz))) + TAU0
    q_r[...] = jnp.concatenate(
        [qin, qout, temp, jnp.zeros((BN, 11), jnp.float32)], axis=1)
    v_r[...] = _dot_fast(x, we_r[...])


def _tc4_body(q_r, sq_r, cnt_r, gd_r, v_r, y_r, p_r):
    Qb = q_r[...]
    sq = sq_r[...]
    SQ = sq[0] + sq[1]
    d1 = cnt_r[...][0][:, 0:1] + 1.0
    gd = gd_r[...]
    temp = Qb[:, 4:5]
    zin = ((SQ[:, 0:1] + Qb[:, 0:1] - SQ[:, 1:2] - Qb[:, 1:2]) / d1
           + gd[:, 0:1]) / temp
    zout = ((SQ[:, 2:3] + Qb[:, 2:3] - SQ[:, 3:4] - Qb[:, 3:4]) / d1
            + gd[:, 1:2]) / temp
    pin = 1.0 / (1.0 + jnp.exp(-zin))
    pout = 1.0 / (1.0 + jnp.exp(-zout))
    y = pout * v_r[...]
    y_r[...] = jnp.stack([y[:, :128], y[:, 128:]], axis=0).astype(jnp.bfloat16)
    p_r[...] = jnp.concatenate(
        [pout, pin, jnp.zeros((BN, 6), jnp.float32)], axis=1)


def _tc6_body(ya_r, ea_r, p_r, v_r, wedge_r, wenv_r, be_r, lg_r, lb_r, o_r):
    ya = ya_r[...].astype(jnp.float32)
    Sv = jnp.concatenate([ya[0], ya[1]], axis=1)
    ea = ea_r[...]
    ea2 = ea[0] + ea[1]
    Sea = ea2[:, 0:16]
    Sp = ea2[:, 16:17]
    pin = p_r[...][:, 1:2]
    wee = _dot_fast(wedge_r[...], wenv_r[...])
    num = pin * (Sv + _dot_fast(Sea, wee)) + v_r[...]
    h = num / (pin * Sp + 1.0) + be_r[...]
    mu = jnp.mean(h, axis=1, keepdims=True)
    var = jnp.mean((h - mu) ** 2, axis=1, keepdims=True)
    o_r[...] = (h - mu) / jnp.sqrt(var + 1e-5) * lg_r[...] + lb_r[...]


def _full(shape):
    return pl.BlockSpec(shape, lambda i: tuple(0 for _ in shape))


def _rows(shape):
    if len(shape) == 2:
        return pl.BlockSpec(shape, lambda i: (i, 0))
    return pl.BlockSpec(shape, lambda i: (0, i, 0))


_tc_pass2 = pl.pallas_call(
    _tc2_body,
    grid=(GRID,),
    in_specs=[_rows((BN, 256)), _rows((2, BN, 128)), _rows((1, BN, 8)),
              _full((256, 256)), _full((256, 2)), _full((256, 256)),
              _full((256, 2)), _full((256, 1)), _full((256, 256))],
    out_specs=[_rows((BN, 16)), _rows((BN, 256))],
    out_shape=[jax.ShapeDtypeStruct((N, 16), jnp.float32),
               jax.ShapeDtypeStruct((N, 256), jnp.float32)],
)

_tc_pass4 = pl.pallas_call(
    _tc4_body,
    grid=(GRID,),
    in_specs=[_rows((BN, 16)), _rows((2, BN, 16)), _rows((1, BN, 8)),
              _rows((BN, 8)), _rows((BN, 256))],
    out_specs=[_rows((2, BN, 128)), _rows((BN, 8))],
    out_shape=[jax.ShapeDtypeStruct((2, N, 128), jnp.bfloat16),
               jax.ShapeDtypeStruct((N, 8), jnp.float32)],
)

_tc_pass6 = pl.pallas_call(
    _tc6_body,
    grid=(GRID,),
    in_specs=[_rows((2, BN, 128)), _rows((2, BN, 32)), _rows((BN, 8)),
              _rows((BN, 256)), _full((16, 256)), _full((256, 256)),
              _full((1, 256)), _full((1, 256)), _full((1, 256))],
    out_specs=[_rows((BN, 256))],
    out_shape=[jax.ShapeDtypeStruct((N, 256), jnp.float32)],
)


def kernel(x, edge_index, edge_attr, W_env, b_env, W_edge, W_in1, W_in2,
           W_out1, W_out2, W_temp, ln_gamma, ln_beta):
    f32 = jnp.float32
    src = edge_index[0]
    dst = edge_index[1]
    pad = EP - E
    srcp = jnp.concatenate([src, jnp.zeros((pad,), jnp.int32)])
    dstp = jnp.concatenate([dst, jnp.full((pad,), N, jnp.int32)])
    sidx = srcp.reshape(EROWS, K)
    didx = dstp.reshape(EROWS, K)
    sidx1 = srcp.reshape(EROWS1, K1)
    didx1 = dstp.reshape(EROWS1, K1)

    zrows = jnp.zeros((ROWS_PT, 128), f32)
    zcnt = jnp.zeros((ROWS_PT, 8), f32)
    zq = jnp.zeros((ROWS_PT, 16), f32)
    zea = jnp.zeros((ROWS_PT, 32), f32)
    onesr = jnp.concatenate(
        [jnp.ones((K1, 1), f32), jnp.zeros((K1, 7), f32)], axis=1)

    agg_s, cnt_s = _sc_pass1(x[:, :128], x[:, 128:], sidx1, didx1,
                             zrows, zcnt, onesr)

    Q, v = _tc_pass2(x, agg_s, cnt_s, W_in1, W_in2, W_out1,
                     W_out2, W_temp, W_env)

    (sq_s,) = _sc_pass3(Q, sidx, didx, zq)

    gkey = jax.random.key(42)
    k1, k2 = jax.random.split(gkey)
    u_in = jax.random.uniform(k1, (N, 2), f32, 1e-6, 1.0 - 1e-6)
    u_out = jax.random.uniform(k2, (N, 2), f32, 1e-6, 1.0 - 1e-6)
    g_in = -jnp.log(-jnp.log(u_in))
    g_out = -jnp.log(-jnp.log(u_out))
    gd = jnp.concatenate(
        [(g_in[:, 0] - g_in[:, 1])[:, None],
         (g_out[:, 0] - g_out[:, 1])[:, None],
         jnp.zeros((N, 6), f32)], axis=1)
    ys, P = _tc_pass4(Q, sq_s, cnt_s, gd, v)

    ptab = P[:, 0]
    eat = jnp.pad(edge_attr, ((0, pad), (0, 0))).T
    (ya_s,) = _sc_pass5a(ys[0], ys[1], sidx1, didx1,
                         jnp.zeros((ROWS_PT, 128), jnp.bfloat16))
    (eaa_s,) = _sc_pass5b(sidx, didx, ptab, eat, zea)

    out = _tc_pass6(ya_s, eaa_s, P, v, W_edge, W_env,
                    b_env.reshape(1, 256), ln_gamma.reshape(1, 256),
                    ln_beta.reshape(1, 256))
    return out[0]

# --- scband reference (transcript-rebuilt; emitter-appended) ---
"""Pipeline reference for scband-integrated-co-gnnlayer-47605417509000 (READ-ONLY COPY).

The authoritative reference and input builder live on the scoring server;
editing this copy changes nothing except your own understanding.
"""

import jax, jax.numpy as jnp
import numpy as np

N = 10000
E = 160000
D_IN = 256
D_OUT = 256
D_EDGE = 16
HIDDEN = 256
TAU0 = 0.1


def setup_inputs(seed: int = 0) -> dict:
    key = jax.random.key(seed)
    ks = jax.random.split(key, 14)
    def w(k, shape, fan_in):
        return jax.random.normal(k, shape, jnp.float32) / np.sqrt(fan_in)
    inp = {}
    inp["x"] = jax.random.normal(ks[0], (N, D_IN), jnp.float32)
    inp["edge_index"] = jax.random.randint(ks[1], (2, E), 0, N, jnp.int32)
    inp["edge_attr"] = jax.random.normal(ks[2], (E, D_EDGE), jnp.float32)
    inp["W_env"] = w(ks[3], (D_IN, D_OUT), D_IN)
    inp["b_env"] = jnp.zeros((D_OUT,), jnp.float32)
    inp["W_edge"] = w(ks[4], (D_EDGE, D_IN), D_EDGE)
    inp["W_in1"] = w(ks[5], (D_IN, HIDDEN), D_IN)
    inp["W_in2"] = w(ks[6], (HIDDEN, 2), HIDDEN)
    inp["W_out1"] = w(ks[7], (D_IN, HIDDEN), D_IN)
    inp["W_out2"] = w(ks[8], (HIDDEN, 2), HIDDEN)
    inp["W_temp"] = w(ks[9], (D_IN, 1), D_IN)
    inp["ln_gamma"] = jnp.ones((D_OUT,), jnp.float32)
    inp["ln_beta"] = jnp.zeros((D_OUT,), jnp.float32)
    return inp


def _gcn(h, src, dst, W, edge_w=None):
    # mean-normalized GCN-style conv with self loop
    msg = h[src] if edge_w is None else h[src] * edge_w[:, None]
    agg = jax.ops.segment_sum(msg, dst, num_segments=N)
    ew = jnp.ones((src.shape[0],), h.dtype) if edge_w is None else edge_w
    deg = jax.ops.segment_sum(ew, dst, num_segments=N)
    return ((agg + h) / (deg[:, None] + 1.0)) @ W


def reference(x, edge_index, edge_attr, W_env, b_env, W_edge, W_in1, W_in2, W_out1, W_out2, W_temp, ln_gamma, ln_beta):
    src, dst = edge_index[0], edge_index[1]
    # action networks (2-layer GCN) producing in/out action logits
    in_logits = _gcn(jax.nn.relu(_gcn(x, src, dst, W_in1)), src, dst, W_in2)
    out_logits = _gcn(jax.nn.relu(_gcn(x, src, dst, W_out1)), src, dst, W_out2)
    # learned temperature (TempSoftPlus with GCN temp model)
    temp = jax.nn.softplus(_gcn(x, src, dst, W_temp)) + TAU0
    # gumbel-softmax edge action sampling (soft, fixed key for determinism)
    gkey = jax.random.key(42)
    k1, k2 = jax.random.split(gkey)
    u_in = jax.random.uniform(k1, in_logits.shape, jnp.float32, 1e-6, 1.0 - 1e-6)
    u_out = jax.random.uniform(k2, out_logits.shape, jnp.float32, 1e-6, 1.0 - 1e-6)
    g_in = -jnp.log(-jnp.log(u_in))
    g_out = -jnp.log(-jnp.log(u_out))
    p_in = jax.nn.softmax((in_logits + g_in) / temp, axis=-1)[:, 0]
    p_out = jax.nn.softmax((out_logits + g_out) / temp, axis=-1)[:, 0]
    # edge active iff src broadcasts and dst listens
    edge_w = p_out[src] * p_in[dst]
    # environment GCN with edge features
    msg = (x[src] + edge_attr @ W_edge) * edge_w[:, None]
    agg = jax.ops.segment_sum(msg, dst, num_segments=N)
    deg = jax.ops.segment_sum(edge_w, dst, num_segments=N)
    h = ((agg + x) / (deg[:, None] + 1.0)) @ W_env + b_env
    # post-process: LayerNorm (dropout is identity in eval)
    mu = jnp.mean(h, axis=-1, keepdims=True)
    var = jnp.var(h, axis=-1, keepdims=True)
    return (h - mu) / jnp.sqrt(var + 1e-5) * ln_gamma + ln_beta

if __name__ == "__main__":
    import jax
    _d = setup_inputs()
    print(jax.jit(kernel)(*tuple(_d.values())))

</pallas_src>

<mosaic_0001>
#map = affine_map<(d0, d1) -> (0, 0)>
#map1 = affine_map<(d0, d1) -> (0, 0, 0)>
module attributes {stable_mosaic.version = 14 : i64} {
  func.func @_p1_body(%arg0: i32, %arg1: i32, %arg2: memref<10000x128xf32, #tpu.memory_space<hbm>>, %arg3: memref<10000x128xf32, #tpu.memory_space<hbm>>, %arg4: memref<4096x40xi32, #tpu.memory_space<hbm>>, %arg5: memref<4096x40xi32, #tpu.memory_space<hbm>>, %arg6: memref<632x128xf32, #tpu.memory_space<hbm>>, %arg7: memref<632x8xf32, #tpu.memory_space<hbm>>, %arg8: memref<40x8xf32, #tpu.memory_space<hbm>>, %arg9: memref<2x10112x128xf32, #tpu.memory_space<hbm>>, %arg10: memref<2x10112x8xf32, #tpu.memory_space<hbm>>, %arg11: memref<256x40xi32, #tpu.memory_space<vmem>>, %arg12: memref<256x40xi32, #tpu.memory_space<vmem>>, %arg13: memref<40x128xf32, #tpu.memory_space<vmem>>, %arg14: memref<40x128xf32, #tpu.memory_space<vmem>>, %arg15: memref<40x128xf32, #tpu.memory_space<vmem>>, %arg16: memref<40x128xf32, #tpu.memory_space<vmem>>, %arg17: memref<40x8xf32, #tpu.memory_space<vmem>>, %arg18: memref<10112x128xf32, #tpu.memory_space<vmem_shared>>, %arg19: memref<10112x8xf32, #tpu.memory_space<vmem_shared>>, %arg20: memref<!tpu.dma_semaphore, #tpu.memory_space<semaphore_mem>>, %arg21: memref<!tpu.dma_semaphore, #tpu.memory_space<semaphore_mem>>, %arg22: memref<!tpu.dma_semaphore, #tpu.memory_space<semaphore_mem>>, %arg23: memref<!tpu.dma_semaphore, #tpu.memory_space<semaphore_mem>>, %arg24: memref<!tpu.dma_semaphore, #tpu.memory_space<semaphore_mem>>, %arg25: memref<!tpu.dma_semaphore, #tpu.memory_space<semaphore_mem>>, %arg26: memref<!tpu.dma_semaphore, #tpu.memory_space<semaphore_mem>>, %arg27: memref<!tpu.dma_semaphore, #tpu.memory_space<semaphore_mem>>) attributes {dimension_semantics = [#tpu.dimension_semantics<core_parallel>, #tpu.dimension_semantics<subcore_parallel>], iteration_bounds = array<i64: 2, 16>, scalar_prefetch = 0 : i64, scratch_operands = 17 : i64, tpu.core_type = #tpu.core_type<sc_vector_subcore>, window_params = [{transform_indices = #map}, {transform_indices = #map}, {transform_indices = #map}, {transform_indices = #map}, {transform_indices = #map}, {transform_indices = #map}, {transform_indices = #map}, {transform_indices = #map1}, {transform_indices = #map1}]} {
    %mul3A = arith.constant 632 : i32
    %mul3A_0 = arith.muli %arg1, %mul3A : i32
    "tpu.region"() ({
      %run_scoped3A = tpu.sem_alloc : memref<!tpu.dma_semaphore, #tpu.memory_space<semaphore_mem>>
      %dma_start3A = arith.constant 0 : i32
      %dma_start3A_89 = tpu.memref_slice %arg18[%mul3A_0, %dma_start3A] : memref<10112x128xf32, #tpu.memory_space<vmem_shared>> -> memref<632x128xf32, #tpu.memory_space<vmem_shared>>
      tpu.enqueue_dma source(%arg6 : memref<632x128xf32, #tpu.memory_space<hbm>>) target(%dma_start3A_89 : memref<632x128xf32, #tpu.memory_space<vmem_shared>>) target_semaphore(%run_scoped3A : memref<!tpu.dma_semaphore, #tpu.memory_space<semaphore_mem>>)
      %dma_wait3A_90 = arith.constant 0 : i32
      %dma_wait3A_91 = tpu.memref_slice %arg18[%mul3A_0, %dma_wait3A_90] : memref<10112x128xf32, #tpu.memory_space<vmem_shared>> -> memref<632x128xf32, #tpu.memory_space<vmem_shared>>
      tpu.wait_dma2 semaphore(%run_scoped3A : memref<!tpu.dma_semaphore, #tpu.memory_space<semaphore_mem>>) src(%arg6 : memref<632x128xf32, #tpu.memory_space<hbm>>) dst(%dma_wait3A_91 : memref<632x128xf32, #tpu.memory_space<vmem_shared>>)
      tpu.yield
    }) : () -> ()
    "tpu.region"() ({
      %run_scoped3A = tpu.sem_alloc : memref<!tpu.dma_semaphore, #tpu.memory_space<semaphore_mem>>
      %dma_start3A = arith.constant 0 : i32
      %dma_start3A_89 = tpu.memref_slice %arg19[%mul3A_0, %dma_start3A] : memref<10112x8xf32, #tpu.memory_space<vmem_shared>> -> memref<632x8xf32, #tpu.memory_space<vmem_shared>>
      tpu.enqueue_dma source(%arg7 : memref<632x8xf32, #tpu.memory_space<hbm>>) target(%dma_start3A_89 : memref<632x8xf32, #tpu.memory_space<vmem_shared>>) target_semaphore(%run_scoped3A : memref<!tpu.dma_semaphore, #tpu.memory_space<semaphore_mem>>)
      %dma_wait3A_90 = arith.constant 0 : i32
      %dma_wait3A_91 = tpu.memref_slice %arg19[%mul3A_0, %dma_wait3A_90] : memref<10112x8xf32, #tpu.memory_space<vmem_shared>> -> memref<632x8xf32, #tpu.memory_space<vmem_shared>>
      tpu.wait_dma2 semaphore(%run_scoped3A : memref<!tpu.dma_semaphore, #tpu.memory_space<semaphore_mem>>) src(%arg7 : memref<632x8xf32, #tpu.memory_space<hbm>>) dst(%dma_wait3A_91 : memref<632x8xf32, #tpu.memory_space<vmem_shared>>)
      tpu.yield
    }) : () -> ()
    "tpu.region"() ({
      %run_scoped3A = tpu.sem_alloc : memref<!tpu.dma_semaphore, #tpu.memory_space<semaphore_mem>>
      tpu.enqueue_dma source(%arg8 : memref<40x8xf32, #tpu.memory_space<hbm>>) target(%arg17 : memref<40x8xf32, #tpu.memory_space<vmem>>) target_semaphore(%run_scoped3A : memref<!tpu.dma_semaphore, #tpu.memory_space<semaphore_mem>>)
      tpu.wait_dma2 semaphore(%run_scoped3A : memref<!tpu.dma_semaphore, #tpu.memory_space<semaphore_mem>>) src(%arg8 : memref<40x8xf32, #tpu.memory_space<hbm>>) dst(%arg17 : memref<40x8xf32, #tpu.memory_space<vmem>>)
      tpu.yield
    }) : () -> ()
    %mul3A_1 = arith.constant 256 : i32
    %mul3A_2 = arith.muli %arg1, %mul3A_1 : i32
    "tpu.region"() ({
      %run_scoped3A = tpu.sem_alloc : memref<!tpu.dma_semaphore, #tpu.memory_space<semaphore_mem>>
      %dma_start3A = arith.constant 0 : i32
      %dma_start3A_89 = tpu.memref_slice %arg4[%mul3A_2, %dma_start3A] : memref<4096x40xi32, #tpu.memory_space<hbm>> -> memref<256x40xi32, #tpu.memory_space<hbm>>
      %dma_start3A_90 = arith.constant 0 : i32
      %dma_start3A_91 = tpu.memref_slice %arg4[%mul3A_2, %dma_start3A_90] : memref<4096x40xi32, #tpu.memory_space<hbm>> -> memref<256x40xi32, #tpu.memory_space<hbm>>
      tpu.enqueue_dma source(%dma_start3A_91 : memref<256x40xi32, #tpu.memory_space<hbm>>) target(%arg11 : memref<256x40xi32, #tpu.memory_space<vmem>>) target_semaphore(%run_scoped3A : memref<!tpu.dma_semaphore, #tpu.memory_space<semaphore_mem>>)
      %dma_wait3A_92 = arith.constant 0 : i32
      %dma_wait3A_93 = tpu.memref_slice %arg4[%mul3A_2, %dma_wait3A_92] : memref<4096x40xi32, #tpu.memory_space<hbm>> -> memref<256x40xi32, #tpu.memory_space<hbm>>
      %dma_wait3A_94 = arith.constant 0 : i32
      %dma_wait3A_95 = tpu.memref_slice %arg4[%mul3A_2, %dma_wait3A_94] : memref<4096x40xi32, #tpu.memory_space<hbm>> -> memref<256x40xi32, #tpu.memory_space<hbm>>
      tpu.wait_dma2 semaphore(%run_scoped3A : memref<!tpu.dma_semaphore, #tpu.memory_space<semaphore_mem>>) src(%dma_wait3A_95 : memref<256x40xi32, #tpu.memory_space<hbm>>) dst(%arg11 : memref<256x40xi32, #tpu.memory_space<vmem>>)
      tpu.yield
    }) : () -> ()
    %mul3A_3 = arith.constant 256 : i32
    %mul3A_4 = arith.muli %arg1, %mul3A_3 : i32
    "tpu.region"() ({
      %run_scoped3A = tpu.sem_alloc : memref<!tpu.dma_semaphore, #tpu.memory_space<semaphore_mem>>
      %dma_start3A = arith.constant 0 : i32
      %dma_start3A_89 = tpu.memref_slice %arg5[%mul3A_4, %dma_start3A] : memref<4096x40xi32, #tpu.memory_space<hbm>> -> memref<256x40xi32, #tpu.memory_space<hbm>>
      %dma_start3A_90 = arith.constant 0 : i32
      %dma_start3A_91 = tpu.memref_slice %arg5[%mul3A_4, %dma_start3A_90] : memref<4096x40xi32, #tpu.memory_space<hbm>> -> memref<256x40xi32, #tpu.memory_space<hbm>>
      tpu.enqueue_dma source(%dma_start3A_91 : memref<256x40xi32, #tpu.memory_space<hbm>>) target(%arg12 : memref<256x40xi32, #tpu.memory_space<vmem>>) target_semaphore(%run_scoped3A : memref<!tpu.dma_semaphore, #tpu.memory_space<semaphore_mem>>)
      %dma_wait3A_92 = arith.constant 0 : i32
      %dma_wait3A_93 = tpu.memref_slice %arg5[%mul3A_4, %dma_wait3A_92] : memref<4096x40xi32, #tpu.memory_space<hbm>> -> memref<256x40xi32, #tpu.memory_space<hbm>>
      %dma_wait3A_94 = arith.constant 0 : i32
      %dma_wait3A_95 = tpu.memref_slice %arg5[%mul3A_4, %dma_wait3A_94] : memref<4096x40xi32, #tpu.memory_space<hbm>> -> memref<256x40xi32, #tpu.memory_space<hbm>>
      tpu.wait_dma2 semaphore(%run_scoped3A : memref<!tpu.dma_semaphore, #tpu.memory_space<semaphore_mem>>) src(%dma_wait3A_95 : memref<256x40xi32, #tpu.memory_space<hbm>>) dst(%arg12 : memref<256x40xi32, #tpu.memory_space<vmem>>)
      tpu.yield
    }) : () -> ()
    %barrier3A = arith.constant 0 : index
    tpu.barrier barrier_id(%barrier3A)
    %eq3A = arith.constant 0 : i32
    %eq3A_5 = arith.cmpi eq, %arg0, %eq3A : i32
    %convert_element_type3A = arith.extui %eq3A_5 : i1 to i32
    %cond3A = arith.constant 0 : i32
    %cond3A_6 = arith.cmpi ne, %convert_element_type3A, %cond3A : i32
    scf.if %cond3A_6 {
      %dma_start3A = arith.constant 0 : i32
      %dma_start3A_89 = arith.constant 0 : i32
      %dma_start3A_90 = tpu.memref_slice %arg11[%dma_start3A, %dma_start3A_89] : memref<256x40xi32, #tpu.memory_space<vmem>> -> memref<1x40xi32, #tpu.memory_space<vmem>>
      %dma_start3A_91 = tpu.memref_squeeze %dma_start3A_90 : memref<1x40xi32, #tpu.memory_space<vmem>> -> memref<40xi32, #tpu.memory_space<vmem>>
      %dma_start3A_92 = arith.constant 0 : i32
      %dma_start3A_93 = arith.constant 0 : i32
      %dma_start3A_94 = tpu.memref_slice %arg2[%dma_start3A_92, %dma_start3A_93] : memref<10000x128xf32, #tpu.memory_space<hbm>> -> memref<10000x128xf32, #tpu.memory_space<hbm>>
      tpu.enqueue_indirect_dma source(%dma_start3A_94 : memref<10000x128xf32, #tpu.memory_space<hbm>>) target(%arg13 : memref<40x128xf32, #tpu.memory_space<vmem>>) offsets(%dma_start3A_91 : memref<40xi32, #tpu.memory_space<vmem>>) semaphore(%arg20 : memref<!tpu.dma_semaphore, #tpu.memory_space<semaphore_mem>>)
    } else {
    }
    %eq3A_7 = arith.constant 1 : i32
    %eq3A_8 = arith.cmpi eq, %arg0, %eq3A_7 : i32
    %convert_element_type3A_9 = arith.extui %eq3A_8 : i1 to i32
    %cond3A_10 = arith.constant 0 : i32
    %cond3A_11 = arith.cmpi ne, %convert_element_type3A_9, %cond3A_10 : i32
    scf.if %cond3A_11 {
      %dma_start3A = arith.constant 0 : i32
      %dma_start3A_89 = arith.constant 0 : i32
      %dma_start3A_90 = tpu.memref_slice %arg11[%dma_start3A, %dma_start3A_89] : memref<256x40xi32, #tpu.memory_space<vmem>> -> memref<1x40xi32, #tpu.memory_space<vmem>>
      %dma_start3A_91 = tpu.memref_squeeze %dma_start3A_90 : memref<1x40xi32, #tpu.memory_space<vmem>> -> memref<40xi32, #tpu.memory_space<vmem>>
      %dma_start3A_92 = arith.constant 0 : i32
      %dma_start3A_93 = arith.constant 0 : i32
      %dma_start3A_94 = tpu.memref_slice %arg3[%dma_start3A_92, %dma_start3A_93] : memref<10000x128xf32, #tpu.memory_space<hbm>> -> memref<10000x128xf32, #tpu.memory_space<hbm>>
      tpu.enqueue_indirect_dma source(%dma_start3A_94 : memref<10000x128xf32, #tpu.memory_space<hbm>>) target(%arg13 : memref<40x128xf32, #tpu.memory_space<vmem>>) offsets(%dma_start3A_91 : memref<40xi32, #tpu.memory_space<vmem>>) semaphore(%arg20 : memref<!tpu.dma_semaphore, #tpu.memory_space<semaphore_mem>>)
    } else {
    }
    %eq3A_12 = arith.constant 0 : i32
    %eq3A_13 = arith.cmpi eq, %arg0, %eq3A_12 : i32
    %convert_element_type3A_14 = arith.extui %eq3A_13 : i1 to i32
    %cond3A_15 = arith.constant 0 : i32
    %cond3A_16 = arith.cmpi ne, %convert_element_type3A_14, %cond3A_15 : i32
    scf.if %cond3A_16 {
      %dma_start3A = arith.constant 1 : i32
      %dma_start3A_89 = arith.constant 0 : i32
      %dma_start3A_90 = tpu.memref_slice %arg11[%dma_start3A, %dma_start3A_89] : memref<256x40xi32, #tpu.memory_space<vmem>> -> memref<1x40xi32, #tpu.memory_space<vmem>>
      %dma_start3A_91 = tpu.memref_squeeze %dma_start3A_90 : memref<1x40xi32, #tpu.memory_space<vmem>> -> memref<40xi32, #tpu.memory_space<vmem>>
      %dma_start3A_92 = arith.constant 0 : i32
      %dma_start3A_93 = arith.constant 0 : i32
      %dma_start3A_94 = tpu.memref_slice %arg2[%dma_start3A_92, %dma_start3A_93] : memref<10000x128xf32, #tpu.memory_space<hbm>> -> memref<10000x128xf32, #tpu.memory_space<hbm>>
      tpu.enqueue_indirect_dma source(%dma_start3A_94 : memref<10000x128xf32, #tpu.memory_space<hbm>>) target(%arg14 : memref<40x128xf32, #tpu.memory_space<vmem>>) offsets(%dma_start3A_91 : memref<40xi32, #tpu.memory_space<vmem>>) semaphore(%arg21 : memref<!tpu.dma_semaphore, #tpu.memory_space<semaphore_mem>>)
    } else {
    }
    %eq3A_17 = arith.constant 1 : i32
    %eq3A_18 = arith.cmpi eq, %arg0, %eq3A_17 : i32
    %convert_element_type3A_19 = arith.extui %eq3A_18 : i1 to i32
    %cond3A_20 = arith.constant 0 : i32
    %cond3A_21 = arith.cmpi ne, %convert_element_type3A_19, %cond3A_20 : i32
    scf.if %cond3A_21 {
      %dma_start3A = arith.constant 1 : i32
      %dma_start3A_89 = arith.constant 0 : i32
      %dma_start3A_90 = tpu.memref_slice %arg11[%dma_start3A, %dma_start3A_89] : memref<256x40xi32, #tpu.memory_space<vmem>> -> memref<1x40xi32, #tpu.memory_space<vmem>>
      %dma_start3A_91 = tpu.memref_squeeze %dma_start3A_90 : memref<1x40xi32, #tpu.memory_space<vmem>> -> memref<40xi32, #tpu.memory_space<vmem>>
      %dma_start3A_92 = arith.constant 0 : i32
      %dma_start3A_93 = arith.constant 0 : i32
      %dma_start3A_94 = tpu.memref_slice %arg3[%dma_start3A_92, %dma_start3A_93] : memref<10000x128xf32, #tpu.memory_space<hbm>> -> memref<10000x128xf32, #tpu.memory_space<hbm>>
      tpu.enqueue_indirect_dma source(%dma_start3A_94 : memref<10000x128xf32, #tpu.memory_space<hbm>>) target(%arg14 : memref<40x128xf32, #tpu.memory_space<vmem>>) offsets(%dma_start3A_91 : memref<40xi32, #tpu.memory_space<vmem>>) semaphore(%arg21 : memref<!tpu.dma_semaphore, #tpu.memory_space<semaphore_mem>>)
    } else {
    }
    %eq3A_22 = arith.constant 0 : i32
    %eq3A_23 = arith.cmpi eq, %arg0, %eq3A_22 : i32
    %convert_element_type3A_24 = arith.extui %eq3A_23 : i1 to i32
    %cond3A_25 = arith.constant 0 : i32
    %cond3A_26 = arith.cmpi ne, %convert_element_type3A_24, %cond3A_25 : i32
    scf.if %cond3A_26 {
      %dma_start3A = arith.constant 2 : i32
      %dma_start3A_89 = arith.constant 0 : i32
      %dma_start3A_90 = tpu.memref_slice %arg11[%dma_start3A, %dma_start3A_89] : memref<256x40xi32, #tpu.memory_space<vmem>> -> memref<1x40xi32, #tpu.memory_space<vmem>>
      %dma_start3A_91 = tpu.memref_squeeze %dma_start3A_90 : memref<1x40xi32, #tpu.memory_space<vmem>> -> memref<40xi32, #tpu.memory_space<vmem>>
      %dma_start3A_92 = arith.constant 0 : i32
      %dma_start3A_93 = arith.constant 0 : i32
      %dma_start3A_94 = tpu.memref_slice %arg2[%dma_start3A_92, %dma_start3A_93] : memref<10000x128xf32, #tpu.memory_space<hbm>> -> memref<10000x128xf32, #tpu.memory_space<hbm>>
      tpu.enqueue_indirect_dma source(%dma_start3A_94 : memref<10000x128xf32, #tpu.memory_space<hbm>>) target(%arg15 : memref<40x128xf32, #tpu.memory_space<vmem>>) offsets(%dma_start3A_91 : memref<40xi32, #tpu.memory_space<vmem>>) semaphore(%arg22 : memref<!tpu.dma_semaphore, #tpu.memory_space<semaphore_mem>>)
    } else {
    }
    %eq3A_27 = arith.constant 1 : i32
    %eq3A_28 = arith.cmpi eq, %arg0, %eq3A_27 : i32
    %convert_element_type3A_29 = arith.extui %eq3A_28 : i1 to i32
    %cond3A_30 = arith.constant 0 : i32
    %cond3A_31 = arith.cmpi ne, %convert_element_type3A_29, %cond3A_30 : i32
    scf.if %cond3A_31 {
      %dma_start3A = arith.constant 2 : i32
      %dma_start3A_89 = arith.constant 0 : i32
      %dma_start3A_90 = tpu.memref_slice %arg11[%dma_start3A, %dma_start3A_89] : memref<256x40xi32, #tpu.memory_space<vmem>> -> memref<1x40xi32, #tpu.memory_space<vmem>>
      %dma_start3A_91 = tpu.memref_squeeze %dma_start3A_90 : memref<1x40xi32, #tpu.memory_space<vmem>> -> memref<40xi32, #tpu.memory_space<vmem>>
      %dma_start3A_92 = arith.constant 0 : i32
      %dma_start3A_93 = arith.constant 0 : i32
      %dma_start3A_94 = tpu.memref_slice %arg3[%dma_start3A_92, %dma_start3A_93] : memref<10000x128xf32, #tpu.memory_space<hbm>> -> memref<10000x128xf32, #tpu.memory_space<hbm>>
      tpu.enqueue_indirect_dma source(%dma_start3A_94 : memref<10000x128xf32, #tpu.memory_space<hbm>>) target(%arg15 : memref<40x128xf32, #tpu.memory_space<vmem>>) offsets(%dma_start3A_91 : memref<40xi32, #tpu.memory_space<vmem>>) semaphore(%arg22 : memref<!tpu.dma_semaphore, #tpu.memory_space<semaphore_mem>>)
    } else {
    }
    %eq3A_32 = arith.constant 0 : i32
    %eq3A_33 = arith.cmpi eq, %arg0, %eq3A_32 : i32
    %convert_element_type3A_34 = arith.extui %eq3A_33 : i1 to i32
    %cond3A_35 = arith.constant 0 : i32
    %cond3A_36 = arith.cmpi ne, %convert_element_type3A_34, %cond3A_35 : i32
    scf.if %cond3A_36 {
      %dma_start3A = arith.constant 3 : i32
      %dma_start3A_89 = arith.constant 0 : i32
      %dma_start3A_90 = tpu.memref_slice %arg11[%dma_start3A, %dma_start3A_89] : memref<256x40xi32, #tpu.memory_space<vmem>> -> memref<1x40xi32, #tpu.memory_space<vmem>>
      %dma_start3A_91 = tpu.memref_squeeze %dma_start3A_90 : memref<1x40xi32, #tpu.memory_space<vmem>> -> memref<40xi32, #tpu.memory_space<vmem>>
      %dma_start3A_92 = arith.constant 0 : i32
      %dma_start3A_93 = arith.constant 0 : i32
      %dma_start3A_94 = tpu.memref_slice %arg2[%dma_start3A_92, %dma_start3A_93] : memref<10000x128xf32, #tpu.memory_space<hbm>> -> memref<10000x128xf32, #tpu.memory_space<hbm>>
      tpu.enqueue_indirect_dma source(%dma_start3A_94 : memref<10000x128xf32, #tpu.memory_space<hbm>>) target(%arg16 : memref<40x128xf32, #tpu.memory_space<vmem>>) offsets(%dma_start3A_91 : memref<40xi32, #tpu.memory_space<vmem>>) semaphore(%arg23 : memref<!tpu.dma_semaphore, #tpu.memory_space<semaphore_mem>>)
    } else {
    }
    %eq3A_37 = arith.constant 1 : i32
    %eq3A_38 = arith.cmpi eq, %arg0, %eq3A_37 : i32
    %convert_element_type3A_39 = arith.extui %eq3A_38 : i1 to i32
    %cond3A_40 = arith.constant 0 : i32
    %cond3A_41 = arith.cmpi ne, %convert_element_type3A_39, %cond3A_40 : i32
    scf.if %cond3A_41 {
      %dma_start3A = arith.constant 3 : i32
      %dma_start3A_89 = arith.constant 0 : i32
      %dma_start3A_90 = tpu.memref_slice %arg11[%dma_start3A, %dma_start3A_89] : memref<256x40xi32, #tpu.memory_space<vmem>> -> memref<1x40xi32, #tpu.memory_space<vmem>>
      %dma_start3A_91 = tpu.memref_squeeze %dma_start3A_90 : memref<1x40xi32, #tpu.memory_space<vmem>> -> memref<40xi32, #tpu.memory_space<vmem>>
      %dma_start3A_92 = arith.constant 0 : i32
      %dma_start3A_93 = arith.constant 0 : i32
      %dma_start3A_94 = tpu.memref_slice %arg3[%dma_start3A_92, %dma_start3A_93] : memref<10000x128xf32, #tpu.memory_space<hbm>> -> memref<10000x128xf32, #tpu.memory_space<hbm>>
      tpu.enqueue_indirect_dma source(%dma_start3A_94 : memref<10000x128xf32, #tpu.memory_space<hbm>>) target(%arg16 : memref<40x128xf32, #tpu.memory_space<vmem>>) offsets(%dma_start3A_91 : memref<40xi32, #tpu.memory_space<vmem>>) semaphore(%arg23 : memref<!tpu.dma_semaphore, #tpu.memory_space<semaphore_mem>>)
    } else {
    }
    %scan3A = arith.constant 0 : i32
    %scan3A_42 = arith.constant 0 : i32
    %scan3A_43 = arith.constant 64 : i32
    %scan3A_44 = arith.addi %scan3A_42, %scan3A_43 : i32
    %scan3A_45 = arith.constant 1 : i32
    scf.for %scan3A_89 = %scan3A_42 to %scan3A_44 step %scan3A_45  : i32 {
      %mul3A_90 = arith.constant 4 : i32
      %mul3A_91 = arith.muli %scan3A_89, %mul3A_90 : i32
      %add3A = arith.constant 0 : i32
      %add3A_92 = arith.addi %mul3A_91, %add3A : i32
      %ge3A = arith.constant 3 : i32
      %ge3A_93 = arith.cmpi sge, %add3A_92, %ge3A : i32
      %convert_element_type3A_94 = arith.extui %ge3A_93 : i1 to i32
      %cond3A_95 = arith.constant 0 : i32
      %cond3A_96 = arith.cmpi ne, %convert_element_type3A_94, %cond3A_95 : i32
      scf.if %cond3A_96 {
        %sub3A = arith.constant 3 : i32
        %sub3A_195 = arith.subi %add3A_92, %sub3A : i32
        %dma_wait3A_196 = arith.constant 0 : i32
        %dma_wait3A_197 = tpu.memref_slice %arg12[%sub3A_195, %dma_wait3A_196] : memref<256x40xi32, #tpu.memory_space<vmem>> -> memref<1x40xi32, #tpu.memory_space<vmem>>
        %dma_wait3A_198 = tpu.memref_squeeze %dma_wait3A_197 : memref<1x40xi32, #tpu.memory_space<vmem>> -> memref<40xi32, #tpu.memory_space<vmem>>
        %dma_wait3A_199 = arith.constant 0 : i32
        %dma_wait3A_200 = arith.constant 0 : i32
        %dma_wait3A_201 = tpu.memref_slice %arg18[%dma_wait3A_199, %dma_wait3A_200] : memref<10112x128xf32, #tpu.memory_space<vmem_shared>> -> memref<10112x128xf32, #tpu.memory_space<vmem_shared>>
        tpu.wait_indirect_dma semaphore(%arg25 : memref<!tpu.dma_semaphore, #tpu.memory_space<semaphore_mem>>) src(%arg14 : memref<40x128xf32, #tpu.memory_space<vmem>>) dst(%dma_wait3A_201 : memref<10112x128xf32, #tpu.memory_space<vmem_shared>>)
        %dma_wait3A_202 = arith.constant 0 : i32
        %dma_wait3A_203 = tpu.memref_slice %arg12[%sub3A_195, %dma_wait3A_202] : memref<256x40xi32, #tpu.memory_space<vmem>> -> memref<1x40xi32, #tpu.memory_space<vmem>>
        %dma_wait3A_204 = tpu.memref_squeeze %dma_wait3A_203 : memref<1x40xi32, #tpu.memory_space<vmem>> -> memref<40xi32, #tpu.memory_space<vmem>>
        %dma_wait3A_205 = arith.constant 0 : i32
        %dma_wait3A_206 = arith.constant 0 : i32
        %dma_wait3A_207 = tpu.memref_slice %arg19[%dma_wait3A_205, %dma_wait3A_206] : memref<10112x8xf32, #tpu.memory_space<vmem_shared>> -> memref<10112x8xf32, #tpu.memory_space<vmem_shared>>
        tpu.wait_indirect_dma semaphore(%arg25 : memref<!tpu.dma_semaphore, #tpu.memory_space<semaphore_mem>>) src(%arg17 : memref<40x8xf32, #tpu.memory_space<vmem>>) dst(%dma_wait3A_207 : memref<10112x8xf32, #tpu.memory_space<vmem_shared>>)
        %add3A_208 = arith.constant 1 : i32
        %add3A_209 = arith.addi %add3A_92, %add3A_208 : i32
        %lt3A = arith.constant 256 : i32
        %lt3A_210 = arith.cmpi slt, %add3A_209, %lt3A : i32
        %convert_element_type3A_211 = arith.extui %lt3A_210 : i1 to i32
        %cond3A_212 = arith.constant 0 : i32
        %cond3A_213 = arith.cmpi ne, %convert_element_type3A_211, %cond3A_212 : i32
        scf.if %cond3A_213 {
          %add3A_214 = arith.constant 1 : i32
          %add3A_215 = arith.addi %add3A_92, %add3A_214 : i32
          %eq3A_216 = arith.constant 0 : i32
          %eq3A_217 = arith.cmpi eq, %arg0, %eq3A_216 : i32
          %convert_element_type3A_218 = arith.extui %eq3A_217 : i1 to i32
          %cond3A_219 = arith.constant 0 : i32
          %cond3A_220 = arith.cmpi ne, %convert_element_type3A_218, %cond3A_219 : i32
          scf.if %cond3A_220 {
            %dma_start3A_226 = arith.constant 0 : i32
            %dma_start3A_227 = tpu.memref_slice %arg11[%add3A_215, %dma_start3A_226] : memref<256x40xi32, #tpu.memory_space<vmem>> -> memref<1x40xi32, #tpu.memory_space<vmem>>
            %dma_start3A_228 = tpu.memref_squeeze %dma_start3A_227 : memref<1x40xi32, #tpu.memory_space<vmem>> -> memref<40xi32, #tpu.memory_space<vmem>>
            %dma_start3A_229 = arith.constant 0 : i32
            %dma_start3A_230 = arith.constant 0 : i32
            %dma_start3A_231 = tpu.memref_slice %arg2[%dma_start3A_229, %dma_start3A_230] : memref<10000x128xf32, #tpu.memory_space<hbm>> -> memref<10000x128xf32, #tpu.memory_space<hbm>>
            tpu.enqueue_indirect_dma source(%dma_start3A_231 : memref<10000x128xf32, #tpu.memory_space<hbm>>) target(%arg14 : memref<40x128xf32, #tpu.memory_space<vmem>>) offsets(%dma_start3A_228 : memref<40xi32, #tpu.memory_space<vmem>>) semaphore(%arg21 : memref<!tpu.dma_semaphore, #tpu.memory_space<semaphore_mem>>)
          } else {
          }
          %eq3A_221 = arith.constant 1 : i32
          %eq3A_222 = arith.cmpi eq, %arg0, %eq3A_221 : i32
          %convert_element_type3A_223 = arith.extui %eq3A_222 : i1 to i32
          %cond3A_224 = arith.constant 0 : i32
          %cond3A_225 = arith.cmpi ne, %convert_element_type3A_223, %cond3A_224 : i32
          scf.if %cond3A_225 {
            %dma_start3A_226 = arith.constant 0 : i32
            %dma_start3A_227 = tpu.memref_slice %arg11[%add3A_215, %dma_start3A_226] : memref<256x40xi32, #tpu.memory_space<vmem>> -> memref<1x40xi32, #tpu.memory_space<vmem>>
            %dma_start3A_228 = tpu.memref_squeeze %dma_start3A_227 : memref<1x40xi32, #tpu.memory_space<vmem>> -> memref<40xi32, #tpu.memory_space<vmem>>
            %dma_start3A_229 = arith.constant 0 : i32
            %dma_start3A_230 = arith.constant 0 : i32
            %dma_start3A_231 = tpu.memref_slice %arg3[%dma_start3A_229, %dma_start3A_230] : memref<10000x128xf32, #tpu.memory_space<hbm>> -> memref<10000x128xf32, #tpu.memory_space<hbm>>
            tpu.enqueue_indirect_dma source(%dma_start3A_231 : memref<10000x128xf32, #tpu.memory_space<hbm>>) target(%arg14 : memref<40x128xf32, #tpu.memory_space<vmem>>) offsets(%dma_start3A_228 : memref<40xi32, #tpu.memory_space<vmem>>) semaphore(%arg21 : memref<!tpu.dma_semaphore, #tpu.memory_space<semaphore_mem>>)
          } else {
          }
        } else {
        }
      } else {
      }
      %dma_wait3A_97 = arith.constant 0 : i32
      %dma_wait3A_98 = tpu.memref_slice %arg11[%add3A_92, %dma_wait3A_97] : memref<256x40xi32, #tpu.memory_space<vmem>> -> memref<1x40xi32, #tpu.memory_space<vmem>>
      %dma_wait3A_99 = tpu.memref_squeeze %dma_wait3A_98 : memref<1x40xi32, #tpu.memory_space<vmem>> -> memref<40xi32, #tpu.memory_space<vmem>>
      %dma_wait3A_100 = arith.constant 0 : i32
      %dma_wait3A_101 = arith.constant 0 : i32
      %dma_wait3A_102 = tpu.memref_slice %arg2[%dma_wait3A_100, %dma_wait3A_101] : memref<10000x128xf32, #tpu.memory_space<hbm>> -> memref<10000x128xf32, #tpu.memory_space<hbm>>
      tpu.wait_indirect_dma semaphore(%arg20 : memref<!tpu.dma_semaphore, #tpu.memory_space<semaphore_mem>>) src(%dma_wait3A_102 : memref<10000x128xf32, #tpu.memory_space<hbm>>) dst(%arg13 : memref<40x128xf32, #tpu.memory_space<vmem>>)
      %dma_start3A = arith.constant 0 : i32
      %dma_start3A_103 = tpu.memref_slice %arg12[%add3A_92, %dma_start3A] : memref<256x40xi32, #tpu.memory_space<vmem>> -> memref<1x40xi32, #tpu.memory_space<vmem>>
      %dma_start3A_104 = tpu.memref_squeeze %dma_start3A_103 : memref<1x40xi32, #tpu.memory_space<vmem>> -> memref<40xi32, #tpu.memory_space<vmem>>
      %dma_start3A_105 = arith.constant 0 : i32
      %dma_start3A_106 = arith.constant 0 : i32
      %dma_start3A_107 = tpu.memref_slice %arg18[%dma_start3A_105, %dma_start3A_106] : memref<10112x128xf32, #tpu.memory_space<vmem_shared>> -> memref<10112x128xf32, #tpu.memory_space<vmem_shared>>
      tpu.enqueue_indirect_dma source(%arg13 : memref<40x128xf32, #tpu.memory_space<vmem>>) target(%dma_start3A_107 : memref<10112x128xf32, #tpu.memory_space<vmem_shared>>) offsets(%dma_start3A_104 : memref<40xi32, #tpu.memory_space<vmem>>) semaphore(%arg24 : memref<!tpu.dma_semaphore, #tpu.memory_space<semaphore_mem>>) {add = true}
      %dma_start3A_108 = arith.constant 0 : i32
      %dma_start3A_109 = tpu.memref_slice %arg12[%add3A_92, %dma_start3A_108] : memref<256x40xi32, #tpu.memory_space<vmem>> -> memref<1x40xi32, #tpu.memory_space<vmem>>
      %dma_start3A_110 = tpu.memref_squeeze %dma_start3A_109 : memref<1x40xi32, #tpu.memory_space<vmem>> -> memref<40xi32, #tpu.memory_space<vmem>>
      %dma_start3A_111 = arith.constant 0 : i32
      %dma_start3A_112 = arith.constant 0 : i32
      %dma_start3A_113 = tpu.memref_slice %arg19[%dma_start3A_111, %dma_start3A_112] : memref<10112x8xf32, #tpu.memory_space<vmem_shared>> -> memref<10112x8xf32, #tpu.memory_space<vmem_shared>>
      tpu.enqueue_indirect_dma source(%arg17 : memref<40x8xf32, #tpu.memory_space<vmem>>) target(%dma_start3A_113 : memref<10112x8xf32, #tpu.memory_space<vmem_shared>>) offsets(%dma_start3A_110 : memref<40xi32, #tpu.memory_space<vmem>>) semaphore(%arg24 : memref<!tpu.dma_semaphore, #tpu.memory_space<semaphore_mem>>) {add = true}
      %mul3A_114 = arith.constant 4 : i32
      %mul3A_115 = arith.muli %scan3A_89, %mul3A_114 : i32
      %add3A_116 = arith.constant 1 : i32
      %add3A_117 = arith.addi %mul3A_115, %add3A_116 : i32
      %ge3A_118 = arith.constant 3 : i32
      %ge3A_119 = arith.cmpi sge, %add3A_117, %ge3A_118 : i32
      %convert_element_type3A_120 = arith.extui %ge3A_119 : i1 to i32
      %cond3A_121 = arith.constant 0 : i32
      %cond3A_122 = arith.cmpi ne, %convert_element_type3A_120, %cond3A_121 : i32
      scf.if %cond3A_122 {
        %sub3A = arith.constant 3 : i32
        %sub3A_195 = arith.subi %add3A_117, %sub3A : i32
        %dma_wait3A_196 = arith.constant 0 : i32
        %dma_wait3A_197 = tpu.memref_slice %arg12[%sub3A_195, %dma_wait3A_196] : memref<256x40xi32, #tpu.memory_space<vmem>> -> memref<1x40xi32, #tpu.memory_space<vmem>>
        %dma_wait3A_198 = tpu.memref_squeeze %dma_wait3A_197 : memref<1x40xi32, #tpu.memory_space<vmem>> -> memref<40xi32, #tpu.memory_space<vmem>>
        %dma_wait3A_199 = arith.constant 0 : i32
        %dma_wait3A_200 = arith.constant 0 : i32
        %dma_wait3A_201 = tpu.memref_slice %arg18[%dma_wait3A_199, %dma_wait3A_200] : memref<10112x128xf32, #tpu.memory_space<vmem_shared>> -> memref<10112x128xf32, #tpu.memory_space<vmem_shared>>
        tpu.wait_indirect_dma semaphore(%arg26 : memref<!tpu.dma_semaphore, #tpu.memory_space<semaphore_mem>>) src(%arg15 : memref<40x128xf32, #tpu.memory_space<vmem>>) dst(%dma_wait3A_201 : memref<10112x128xf32, #tpu.memory_space<vmem_shared>>)
        %dma_wait3A_202 = arith.constant 0 : i32
        %dma_wait3A_203 = tpu.memref_slice %arg12[%sub3A_195, %dma_wait3A_202] : memref<256x40xi32, #tpu.memory_space<vmem>> -> memref<1x40xi32, #tpu.memory_space<vmem>>
        %dma_wait3A_204 = tpu.memref_squeeze %dma_wait3A_203 : memref<1x40xi32, #tpu.memory_space<vmem>> -> memref<40xi32, #tpu.memory_space<vmem>>
        %dma_wait3A_205 = arith.constant 0 : i32
        %dma_wait3A_206 = arith.constant 0 : i32
        %dma_wait3A_207 = tpu.memref_slice %arg19[%dma_wait3A_205, %dma_wait3A_206] : memref<10112x8xf32, #tpu.memory_space<vmem_shared>> -> memref<10112x8xf32, #tpu.memory_space<vmem_shared>>
        tpu.wait_indirect_dma semaphore(%arg26 : memref<!tpu.dma_semaphore, #tpu.memory_space<semaphore_mem>>) src(%arg17 : memref<40x8xf32, #tpu.memory_space<vmem>>) dst(%dma_wait3A_207 : memref<10112x8xf32, #tpu.memory_space<vmem_shared>>)
        %add3A_208 = arith.constant 1 : i32
        %add3A_209 = arith.addi %add3A_117, %add3A_208 : i32
        %lt3A = arith.constant 256 : i32
        %lt3A_210 = arith.cmpi slt, %add3A_209, %lt3A : i32
        %convert_element_type3A_211 = arith.extui %lt3A_210 : i1 to i32
        %cond3A_212 = arith.constant 0 : i32
        %cond3A_213 = arith.cmpi ne, %convert_element_type3A_211, %cond3A_212 : i32
        scf.if %cond3A_213 {
          %add3A_214 = arith.constant 1 : i32
          %add3A_215 = arith.addi %add3A_117, %add3A_214 : i32
          %eq3A_216 = arith.constant 0 : i32
          %eq3A_217 = arith.cmpi eq, %arg0, %eq3A_216 : i32
          %convert_element_type3A_218 = arith.extui %eq3A_217 : i1 to i32
          %cond3A_219 = arith.constant 0 : i32
          %cond3A_220 = arith.cmpi ne, %convert_element_type3A_218, %cond3A_219 : i32
          scf.if %cond3A_220 {
            %dma_start3A_226 = arith.constant 0 : i32
            %dma_start3A_227 = tpu.memref_slice %arg11[%add3A_215, %dma_start3A_226] : memref<256x40xi32, #tpu.memory_space<vmem>> -> memref<1x40xi32, #tpu.memory_space<vmem>>
            %dma_start3A_228 = tpu.memref_squeeze %dma_start3A_227 : memref<1x40xi32, #tpu.memory_space<vmem>> -> memref<40xi32, #tpu.memory_space<vmem>>
            %dma_start3A_229 = arith.constant 0 : i32
            %dma_start3A_230 = arith.constant 0 : i32
            %dma_start3A_231 = tpu.memref_slice %arg2[%dma_start3A_229, %dma_start3A_230] : memref<10000x128xf32, #tpu.memory_space<hbm>> -> memref<10000x128xf32, #tpu.memory_space<hbm>>
            tpu.enqueue_indirect_dma source(%dma_start3A_231 : memref<10000x128xf32, #tpu.memory_space<hbm>>) target(%arg15 : memref<40x128xf32, #tpu.memory_space<vmem>>) offsets(%dma_start3A_228 : memref<40xi32, #tpu.memory_space<vmem>>) semaphore(%arg22 : memref<!tpu.dma_semaphore, #tpu.memory_space<semaphore_mem>>)
          } else {
          }
          %eq3A_221 = arith.constant 1 : i32
          %eq3A_222 = arith.cmpi eq, %arg0, %eq3A_221 : i32
          %convert_element_type3A_223 = arith.extui %eq3A_222 : i1 to i32
          %cond3A_224 = arith.constant 0 : i32
          %cond3A_225 = arith.cmpi ne, %convert_element_type3A_223, %cond3A_224 : i32
          scf.if %cond3A_225 {
            %dma_start3A_226 = arith.constant 0 : i32
            %dma_start3A_227 = tpu.memref_slice %arg11[%add3A_215, %dma_start3A_226] : memref<256x40xi32, #tpu.memory_space<vmem>> -> memref<1x40xi32, #tpu.memory_space<vmem>>
            %dma_start3A_228 = tpu.memref_squeeze %dma_start3A_227 : memref<1x40xi32, #tpu.memory_space<vmem>> -> memref<40xi32, #tpu.memory_space<vmem>>
            %dma_start3A_229 = arith.constant 0 : i32
            %dma_start3A_230 = arith.constant 0 : i32
            %dma_start3A_231 = tpu.memref_slice %arg3[%dma_start3A_229, %dma_start3A_230] : memref<10000x128xf32, #tpu.memory_space<hbm>> -> memref<10000x128xf32, #tpu.memory_space<hbm>>
            tpu.enqueue_indirect_dma source(%dma_start3A_231 : memref<10000x128xf32, #tpu.memory_space<hbm>>) target(%arg15 : memref<40x128xf32, #tpu.memory_space<vmem>>) offsets(%dma_start3A_228 : memref<40xi32, #tpu.memory_space<vmem>>) semaphore(%arg22 : memref<!tpu.dma_semaphore, #tpu.memory_space<semaphore_mem>>)
          } else {
          }
        } else {
        }
      } else {
      }
      %dma_wait3A_123 = arith.constant 0 : i32
      %dma_wait3A_124 = tpu.memref_slice %arg11[%add3A_117, %dma_wait3A_123] : memref<256x40xi32, #tpu.memory_space<vmem>> -> memref<1x40xi32, #tpu.memory_space<vmem>>
      %dma_wait3A_125 = tpu.memref_squeeze %dma_wait3A_124 : memref<1x40xi32, #tpu.memory_space<vmem>> -> memref<40xi32, #tpu.memory_space<vmem>>
      %dma_wait3A_126 = arith.constant 0 : i32
      %dma_wait3A_127 = arith.constant 0 : i32
      %dma_wait3A_128 = tpu.memref_slice %arg2[%dma_wait3A_126, %dma_wait3A_127] : memref<10000x128xf32, #tpu.memory_space<hbm>> -> memref<10000x128xf32, #tpu.memory_space<hbm>>
      tpu.wait_indirect_dma semaphore(%arg21 : memref<!tpu.dma_semaphore, #tpu.memory_space<semaphore_mem>>) src(%dma_wait3A_128 : memref<10000x128xf32, #tpu.memory_space<hbm>>) dst(%arg14 : memref<40x128xf32, #tpu.memory_space<vmem>>)
      %dma_start3A_129 = arith.constant 0 : i32
      %dma_start3A_130 = tpu.memref_slice %arg12[%add3A_117, %dma_start3A_129] : memref<256x40xi32, #tpu.memory_space<vmem>> -> memref<1x40xi32, #tpu.memory_space<vmem>>
      %dma_start3A_131 = tpu.memref_squeeze %dma_start3A_130 : memref<1x40xi32, #tpu.memory_space<vmem>> -> memref<40xi32, #tpu.memory_space<vmem>>
      %dma_start3A_132 = arith.constant 0 : i32
      %dma_start3A_133 = arith.constant 0 : i32
      %dma_start3A_134 = tpu.memref_slice %arg18[%dma_start3A_132, %dma_start3A_133] : memref<10112x128xf32, #tpu.memory_space<vmem_shared>> -> memref<10112x128xf32, #tpu.memory_space<vmem_shared>>
      tpu.enqueue_indirect_dma source(%arg14 : memref<40x128xf32, #tpu.memory_space<vmem>>) target(%dma_start3A_134 : memref<10112x128xf32, #tpu.memory_space<vmem_shared>>) offsets(%dma_start3A_131 : memref<40xi32, #tpu.memory_space<vmem>>) semaphore(%arg25 : memref<!tpu.dma_semaphore, #tpu.memory_space<semaphore_mem>>) {add = true}
      %dma_start3A_135 = arith.constant 0 : i32
      %dma_start3A_136 = tpu.memref_slice %arg12[%add3A_117, %dma_start3A_135] : memref<256x40xi32, #tpu.memory_space<vmem>> -> memref<1x40xi32, #tpu.memory_space<vmem>>
      %dma_start3A_137 = tpu.memref_squeeze %dma_start3A_136 : memref<1x40xi32, #tpu.memory_space<vmem>> -> memref<40xi32, #tpu.memory_space<vmem>>
      %dma_start3A_138 = arith.constant 0 : i32
      %dma_start3A_139 = arith.constant 0 : i32
      %dma_start3A_140 = tpu.memref_slice %arg19[%dma_start3A_138, %dma_start3A_139] : memref<10112x8xf32, #tpu.memory_space<vmem_shared>> -> memref<10112x8xf32, #tpu.memory_space<vmem_shared>>
      tpu.enqueue_indirect_dma source(%arg17 : memref<40x8xf32, #tpu.memory_space<vmem>>) target(%dma_start3A_140 : memref<10112x8xf32, #tpu.memory_space<vmem_shared>>) offsets(%dma_start3A_137 : memref<40xi32, #tpu.memory_space<vmem>>) semaphore(%arg25 : memref<!tpu.dma_semaphore, #tpu.memory_space<semaphore_mem>>) {add = true}
      %mul3A_141 = arith.constant 4 : i32
      %mul3A_142 = arith.muli %scan3A_89, %mul3A_141 : i32
      %add3A_143 = arith.constant 2 : i32
      %add3A_144 = arith.addi %mul3A_142, %add3A_143 : i32
      %ge3A_145 = arith.constant 3 : i32
      %ge3A_146 = arith.cmpi sge, %add3A_144, %ge3A_145 : i32
      %convert_element_type3A_147 = arith.extui %ge3A_146 : i1 to i32
      %cond3A_148 = arith.constant 0 : i32
      %cond3A_149 = arith.cmpi ne, %convert_element_type3A_147, %cond3A_148 : i32
      scf.if %cond3A_149 {
        %sub3A = arith.constant 3 : i32
        %sub3A_195 = arith.subi %add3A_144, %sub3A : i32
        %dma_wait3A_196 = arith.constant 0 : i32
        %dma_wait3A_197 = tpu.memref_slice %arg12[%sub3A_195, %dma_wait3A_196] : memref<256x40xi32, #tpu.memory_space<vmem>> -> memref<1x40xi32, #tpu.memory_space<vmem>>
        %dma_wait3A_198 = tpu.memref_squeeze %dma_wait3A_197 : memref<1x40xi32, #tpu.memory_space<vmem>> -> memref<40xi32, #tpu.memory_space<vmem>>
        %dma_wait3A_199 = arith.constant 0 : i32
        %dma_wait3A_200 = arith.constant 0 : i32
        %dma_wait3A_201 = tpu.memref_slice %arg18[%dma_wait3A_199, %dma_wait3A_200] : memref<10112x128xf32, #tpu.memory_space<vmem_shared>> -> memref<10112x128xf32, #tpu.memory_space<vmem_shared>>
        tpu.wait_indirect_dma semaphore(%arg27 : memref<!tpu.dma_semaphore, #tpu.memory_space<semaphore_mem>>) src(%arg16 : memref<40x128xf32, #tpu.memory_space<vmem>>) dst(%dma_wait3A_201 : memref<10112x128xf32, #tpu.memory_space<vmem_shared>>)
        %dma_wait3A_202 = arith.constant 0 : i32
        %dma_wait3A_203 = tpu.memref_slice %arg12[%sub3A_195, %dma_wait3A_202] : memref<256x40xi32, #tpu.memory_space<vmem>> -> memref<1x40xi32, #tpu.memory_space<vmem>>
        %dma_wait3A_204 = tpu.memref_squeeze %dma_wait3A_203 : memref<1x40xi32, #tpu.memory_space<vmem>> -> memref<40xi32, #tpu.memory_space<vmem>>
        %dma_wait3A_205 = arith.constant 0 : i32
        %dma_wait3A_206 = arith.constant 0 : i32
        %dma_wait3A_207 = tpu.memref_slice %arg19[%dma_wait3A_205, %dma_wait3A_206] : memref<10112x8xf32, #tpu.memory_space<vmem_shared>> -> memref<10112x8xf32, #tpu.memory_space<vmem_shared>>
        tpu.wait_indirect_dma semaphore(%arg27 : memref<!tpu.dma_semaphore, #tpu.memory_space<semaphore_mem>>) src(%arg17 : memref<40x8xf32, #tpu.memory_space<vmem>>) dst(%dma_wait3A_207 : memref<10112x8xf32, #tpu.memory_space<vmem_shared>>)
        %add3A_208 = arith.constant 1 : i32
        %add3A_209 = arith.addi %add3A_144, %add3A_208 : i32
        %lt3A = arith.constant 256 : i32
        %lt3A_210 = arith.cmpi slt, %add3A_209, %lt3A : i32
        %convert_element_type3A_211 = arith.extui %lt3A_210 : i1 to i32
        %cond3A_212 = arith.constant 0 : i32
        %cond3A_213 = arith.cmpi ne, %convert_element_type3A_211, %cond3A_212 : i32
        scf.if %cond3A_213 {
          %add3A_214 = arith.constant 1 : i32
          %add3A_215 = arith.addi %add3A_144, %add3A_214 : i32
          %eq3A_216 = arith.constant 0 : i32
          %eq3A_217 = arith.cmpi eq, %arg0, %eq3A_216 : i32
          %convert_element_type3A_218 = arith.extui %eq3A_217 : i1 to i32
          %cond3A_219 = arith.constant 0 : i32
          %cond3A_220 = arith.cmpi ne, %convert_element_type3A_218, %cond3A_219 : i32
          scf.if %cond3A_220 {
            %dma_start3A_226 = arith.constant 0 : i32
            %dma_start3A_227 = tpu.memref_slice %arg11[%add3A_215, %dma_start3A_226] : memref<256x40xi32, #tpu.memory_space<vmem>> -> memref<1x40xi32, #tpu.memory_space<vmem>>
            %dma_start3A_228 = tpu.memref_squeeze %dma_start3A_227 : memref<1x40xi32, #tpu.memory_space<vmem>> -> memref<40xi32, #tpu.memory_space<vmem>>
            %dma_start3A_229 = arith.constant 0 : i32
            %dma_start3A_230 = arith.constant 0 : i32
            %dma_start3A_231 = tpu.memref_slice %arg2[%dma_start3A_229, %dma_start3A_230] : memref<10000x128xf32, #tpu.memory_space<hbm>> -> memref<10000x128xf32, #tpu.memory_space<hbm>>
            tpu.enqueue_indirect_dma source(%dma_start3A_231 : memref<10000x128xf32, #tpu.memory_space<hbm>>) target(%arg16 : memref<40x128xf32, #tpu.memory_space<vmem>>) offsets(%dma_start3A_228 : memref<40xi32, #tpu.memory_space<vmem>>) semaphore(%arg23 : memref<!tpu.dma_semaphore, #tpu.memory_space<semaphore_mem>>)
          } else {
          }
          %eq3A_221 = arith.constant 1 : i32
          %eq3A_222 = arith.cmpi eq, %arg0, %eq3A_221 : i32
          %convert_element_type3A_223 = arith.extui %eq3A_222 : i1 to i32
          %cond3A_224 = arith.constant 0 : i32
          %cond3A_225 = arith.cmpi ne, %convert_element_type3A_223, %cond3A_224 : i32
          scf.if %cond3A_225 {
            %dma_start3A_226 = arith.constant 0 : i32
            %dma_start3A_227 = tpu.memref_slice %arg11[%add3A_215, %dma_start3A_226] : memref<256x40xi32, #tpu.memory_space<vmem>> -> memref<1x40xi32, #tpu.memory_space<vmem>>
            %dma_start3A_228 = tpu.memref_squeeze %dma_start3A_227 : memref<1x40xi32, #tpu.memory_space<vmem>> -> memref<40xi32, #tpu.memory_space<vmem>>
            %dma_start3A_229 = arith.constant 0 : i32
            %dma_start3A_230 = arith.constant 0 : i32
            %dma_start3A_231 = tpu.memref_slice %arg3[%dma_start3A_229, %dma_start3A_230] : memref<10000x128xf32, #tpu.memory_space<hbm>> -> memref<10000x128xf32, #tpu.memory_space<hbm>>
            tpu.enqueue_indirect_dma source(%dma_start3A_231 : memref<10000x128xf32, #tpu.memory_space<hbm>>) target(%arg16 : memref<40x128xf32, #tpu.memory_space<vmem>>) offsets(%dma_start3A_228 : memref<40xi32, #tpu.memory_space<vmem>>) semaphore(%arg23 : memref<!tpu.dma_semaphore, #tpu.memory_space<semaphore_mem>>)
          } else {
          }
        } else {
        }
      } else {
      }
      %dma_wait3A_150 = arith.constant 0 : i32
      %dma_wait3A_151 = tpu.memref_slice %arg11[%add3A_144, %dma_wait3A_150] : memref<256x40xi32, #tpu.memory_space<vmem>> -> memref<1x40xi32, #tpu.memory_space<vmem>>
      %dma_wait3A_152 = tpu.memref_squeeze %dma_wait3A_151 : memref<1x40xi32, #tpu.memory_space<vmem>> -> memref<40xi32, #tpu.memory_space<vmem>>
      %dma_wait3A_153 = arith.constant 0 : i32
      %dma_wait3A_154 = arith.constant 0 : i32
      %dma_wait3A_155 = tpu.memref_slice %arg2[%dma_wait3A_153, %dma_wait3A_154] : memref<10000x128xf32, #tpu.memory_space<hbm>> -> memref<10000x128xf32, #tpu.memory_space<hbm>>
      tpu.wait_indirect_dma semaphore(%arg22 : memref<!tpu.dma_semaphore, #tpu.memory_space<semaphore_mem>>) src(%dma_wait3A_155 : memref<10000x128xf32, #tpu.memory_space<hbm>>) dst(%arg15 : memref<40x128xf32, #tpu.memory_space<vmem>>)
      %dma_start3A_156 = arith.constant 0 : i32
      %dma_start3A_157 = tpu.memref_slice %arg12[%add3A_144, %dma_start3A_156] : memref<256x40xi32, #tpu.memory_space<vmem>> -> memref<1x40xi32, #tpu.memory_space<vmem>>
      %dma_start3A_158 = tpu.memref_squeeze %dma_start3A_157 : memref<1x40xi32, #tpu.memory_space<vmem>> -> memref<40xi32, #tpu.memory_space<vmem>>
      %dma_start3A_159 = arith.constant 0 : i32
      %dma_start3A_160 = arith.constant 0 : i32
      %dma_start3A_161 = tpu.memref_slice %arg18[%dma_start3A_159, %dma_start3A_160] : memref<10112x128xf32, #tpu.memory_space<vmem_shared>> -> memref<10112x128xf32, #tpu.memory_space<vmem_shared>>
      tpu.enqueue_indirect_dma source(%arg15 : memref<40x128xf32, #tpu.memory_space<vmem>>) target(%dma_start3A_161 : memref<10112x128xf32, #tpu.memory_space<vmem_shared>>) offsets(%dma_start3A_158 : memref<40xi32, #tpu.memory_space<vmem>>) semaphore(%arg26 : memref<!tpu.dma_semaphore, #tpu.memory_space<semaphore_mem>>) {add = true}
      %dma_start3A_162 = arith.constant 0 : i32
      %dma_start3A_163 = tpu.memref_slice %arg12[%add3A_144, %dma_start3A_162] : memref<256x40xi32, #tpu.memory_space<vmem>> -> memref<1x40xi32, #tpu.memory_space<vmem>>
      %dma_start3A_164 = tpu.memref_squeeze %dma_start3A_163 : memref<1x40xi32, #tpu.memory_space<vmem>> -> memref<40xi32, #tpu.memory_space<vmem>>
      %dma_start3A_165 = arith.constant 0 : i32
      %dma_start3A_166 = arith.constant 0 : i32
      %dma_start3A_167 = tpu.memref_slice %arg19[%dma_start3A_165, %dma_start3A_166] : memref<10112x8xf32, #tpu.memory_space<vmem_shared>> -> memref<10112x8xf32, #tpu.memory_space<vmem_shared>>
      tpu.enqueue_indirect_dma source(%arg17 : memref<40x8xf32, #tpu.memory_space<vmem>>) target(%dma_start3A_167 : memref<10112x8xf32, #tpu.memory_space<vmem_shared>>) offsets(%dma_start3A_164 : memref<40xi32, #tpu.memory_space<vmem>>) semaphore(%arg26 : memref<!tpu.dma_semaphore, #tpu.memory_space<semaphore_mem>>) {add = true}
      %mul3A_168 = arith.constant 4 : i32
      %mul3A_169 = arith.muli %scan3A_89, %mul3A_168 : i32
      %add3A_170 = arith.constant 3 : i32
      %add3A_171 = arith.addi %mul3A_169, %add3A_170 : i32
      %ge3A_172 = arith.constant 3 : i32
      %ge3A_173 = arith.cmpi sge, %add3A_171, %ge3A_172 : i32
      %convert_element_type3A_174 = arith.extui %ge3A_173 : i1 to i32
      %cond3A_175 = arith.constant 0 : i32
      %cond3A_176 = arith.cmpi ne, %convert_element_type3A_174, %cond3A_175 : i32
      scf.if %cond3A_176 {
        %sub3A = arith.constant 3 : i32
        %sub3A_195 = arith.subi %add3A_171, %sub3A : i32
        %dma_wait3A_196 = arith.constant 0 : i32
        %dma_wait3A_197 = tpu.memref_slice %arg12[%sub3A_195, %dma_wait3A_196] : memref<256x40xi32, #tpu.memory_space<vmem>> -> memref<1x40xi32, #tpu.memory_space<vmem>>
        %dma_wait3A_198 = tpu.memref_squeeze %dma_wait3A_197 : memref<1x40xi32, #tpu.memory_space<vmem>> -> memref<40xi32, #tpu.memory_space<vmem>>
        %dma_wait3A_199 = arith.constant 0 : i32
        %dma_wait3A_200 = arith.constant 0 : i32
        %dma_wait3A_201 = tpu.memref_slice %arg18[%dma_wait3A_199, %dma_wait3A_200] : memref<10112x128xf32, #tpu.memory_space<vmem_shared>> -> memref<10112x128xf32, #tpu.memory_space<vmem_shared>>
        tpu.wait_indirect_dma semaphore(%arg24 : memref<!tpu.dma_semaphore, #tpu.memory_space<semaphore_mem>>) src(%arg13 : memref<40x128xf32, #tpu.memory_space<vmem>>) dst(%dma_wait3A_201 : memref<10112x128xf32, #tpu.memory_space<vmem_shared>>)
        %dma_wait3A_202 = arith.constant 0 : i32
        %dma_wait3A_203 = tpu.memref_slice %arg12[%sub3A_195, %dma_wait3A_202] : memref<256x40xi32, #tpu.memory_space<vmem>> -> memref<1x40xi32, #tpu.memory_space<vmem>>
        %dma_wait3A_204 = tpu.memref_squeeze %dma_wait3A_203 : memref<1x40xi32, #tpu.memory_space<vmem>> -> memref<40xi32, #tpu.memory_space<vmem>>
        %dma_wait3A_205 = arith.constant 0 : i32
        %dma_wait3A_206 = arith.constant 0 : i32
        %dma_wait3A_207 = tpu.memref_slice %arg19[%dma_wait3A_205, %dma_wait3A_206] : memref<10112x8xf32, #tpu.memory_space<vmem_shared>> -> memref<10112x8xf32, #tpu.memory_space<vmem_shared>>
        tpu.wait_indirect_dma semaphore(%arg24 : memref<!tpu.dma_semaphore, #tpu.memory_space<semaphore_mem>>) src(%arg17 : memref<40x8xf32, #tpu.memory_space<vmem>>) dst(%dma_wait3A_207 : memref<10112x8xf32, #tpu.memory_space<vmem_shared>>)
        %add3A_208 = arith.constant 1 : i32
        %add3A_209 = arith.addi %add3A_171, %add3A_208 : i32
        %lt3A = arith.constant 256 : i32
        %lt3A_210 = arith.cmpi slt, %add3A_209, %lt3A : i32
        %convert_element_type3A_211 = arith.extui %lt3A_210 : i1 to i32
        %cond3A_212 = arith.constant 0 : i32
        %cond3A_213 = arith.cmpi ne, %convert_element_type3A_211, %cond3A_212 : i32
        scf.if %cond3A_213 {
          %add3A_214 = arith.constant 1 : i32
          %add3A_215 = arith.addi %add3A_171, %add3A_214 : i32
          %eq3A_216 = arith.constant 0 : i32
          %eq3A_217 = arith.cmpi eq, %arg0, %eq3A_216 : i32
          %convert_element_type3A_218 = arith.extui %eq3A_217 : i1 to i32
          %cond3A_219 = arith.constant 0 : i32
          %cond3A_220 = arith.cmpi ne, %convert_element_type3A_218, %cond3A_219 : i32
          scf.if %cond3A_220 {
            %dma_start3A_226 = arith.constant 0 : i32
            %dma_start3A_227 = tpu.memref_slice %arg11[%add3A_215, %dma_start3A_226] : memref<256x40xi32, #tpu.memory_space<vmem>> -> memref<1x40xi32, #tpu.memory_space<vmem>>
            %dma_start3A_228 = tpu.memref_squeeze %dma_start3A_227 : memref<1x40xi32, #tpu.memory_space<vmem>> -> memref<40xi32, #tpu.memory_space<vmem>>
            %dma_start3A_229 = arith.constant 0 : i32
            %dma_start3A_230 = arith.constant 0 : i32
            %dma_start3A_231 = tpu.memref_slice %arg2[%dma_start3A_229, %dma_start3A_230] : memref<10000x128xf32, #tpu.memory_space<hbm>> -> memref<10000x128xf32, #tpu.memory_space<hbm>>
            tpu.enqueue_indirect_dma source(%dma_start3A_231 : memref<10000x128xf32, #tpu.memory_space<hbm>>) target(%arg13 : memref<40x128xf32, #tpu.memory_space<vmem>>) offsets(%dma_start3A_228 : memref<40xi32, #tpu.memory_space<vmem>>) semaphore(%arg20 : memref<!tpu.dma_semaphore, #tpu.memory_space<semaphore_mem>>)
          } else {
          }
          %eq3A_221 = arith.constant 1 : i32
          %eq3A_222 = arith.cmpi eq, %arg0, %eq3A_221 : i32
          %convert_element_type3A_223 = arith.extui %eq3A_222 : i1 to i32
          %cond3A_224 = arith.constant 0 : i32
          %cond3A_225 = arith.cmpi ne, %convert_element_type3A_223, %cond3A_224 : i32
          scf.if %cond3A_225 {
            %dma_start3A_226 = arith.constant 0 : i32
            %dma_start3A_227 = tpu.memref_slice %arg11[%add3A_215, %dma_start3A_226] : memref<256x40xi32, #tpu.memory_space<vmem>> -> memref<1x40xi32, #tpu.memory_space<vmem>>
            %dma_start3A_228 = tpu.memref_squeeze %dma_start3A_227 : memref<1x40xi32, #tpu.memory_space<vmem>> -> memref<40xi32, #tpu.memory_space<vmem>>
            %dma_start3A_229 = arith.constant 0 : i32
            %dma_start3A_230 = arith.constant 0 : i32
            %dma_start3A_231 = tpu.memref_slice %arg3[%dma_start3A_229, %dma_start3A_230] : memref<10000x128xf32, #tpu.memory_space<hbm>> -> memref<10000x128xf32, #tpu.memory_space<hbm>>
            tpu.enqueue_indirect_dma source(%dma_start3A_231 : memref<10000x128xf32, #tpu.memory_space<hbm>>) target(%arg13 : memref<40x128xf32, #tpu.memory_space<vmem>>) offsets(%dma_start3A_228 : memref<40xi32, #tpu.memory_space<vmem>>) semaphore(%arg20 : memref<!tpu.dma_semaphore, #tpu.memory_space<semaphore_mem>>)
          } else {
          }
        } else {
        }
      } else {
      }
      %dma_wait3A_177 = arith.constant 0 : i32
      %dma_wait3A_178 = tpu.memref_slice %arg11[%add3A_171, %dma_wait3A_177] : memref<256x40xi32, #tpu.memory_space<vmem>> -> memref<1x40xi32, #tpu.memory_space<vmem>>
      %dma_wait3A_179 = tpu.memref_squeeze %dma_wait3A_178 : memref<1x40xi32, #tpu.memory_space<vmem>> -> memref<40xi32, #tpu.memory_space<vmem>>
      %dma_wait3A_180 = arith.constant 0 : i32
      %dma_wait3A_181 = arith.constant 0 : i32
      %dma_wait3A_182 = tpu.memref_slice %arg2[%dma_wait3A_180, %dma_wait3A_181] : memref<10000x128xf32, #tpu.memory_space<hbm>> -> memref<10000x128xf32, #tpu.memory_space<hbm>>
      tpu.wait_indirect_dma semaphore(%arg23 : memref<!tpu.dma_semaphore, #tpu.memory_space<semaphore_mem>>) src(%dma_wait3A_182 : memref<10000x128xf32, #tpu.memory_space<hbm>>) dst(%arg16 : memref<40x128xf32, #tpu.memory_space<vmem>>)
      %dma_start3A_183 = arith.constant 0 : i32
      %dma_start3A_184 = tpu.memref_slice %arg12[%add3A_171, %dma_start3A_183] : memref<256x40xi32, #tpu.memory_space<vmem>> -> memref<1x40xi32, #tpu.memory_space<vmem>>
      %dma_start3A_185 = tpu.memref_squeeze %dma_start3A_184 : memref<1x40xi32, #tpu.memory_space<vmem>> -> memref<40xi32, #tpu.memory_space<vmem>>
      %dma_start3A_186 = arith.constant 0 : i32
      %dma_start3A_187 = arith.constant 0 : i32
      %dma_start3A_188 = tpu.memref_slice %arg18[%dma_start3A_186, %dma_start3A_187] : memref<10112x128xf32, #tpu.memory_space<vmem_shared>> -> memref<10112x128xf32, #tpu.memory_space<vmem_shared>>
      tpu.enqueue_indirect_dma source(%arg16 : memref<40x128xf32, #tpu.memory_space<vmem>>) target(%dma_start3A_188 : memref<10112x128xf32, #tpu.memory_space<vmem_shared>>) offsets(%dma_start3A_185 : memref<40xi32, #tpu.memory_space<vmem>>) semaphore(%arg27 : memref<!tpu.dma_semaphore, #tpu.memory_space<semaphore_mem>>) {add = true}
      %dma_start3A_189 = arith.constant 0 : i32
      %dma_start3A_190 = tpu.memref_slice %arg12[%add3A_171, %dma_start3A_189] : memref<256x40xi32, #tpu.memory_space<vmem>> -> memref<1x40xi32, #tpu.memory_space<vmem>>
      %dma_start3A_191 = tpu.memref_squeeze %dma_start3A_190 : memref<1x40xi32, #tpu.memory_space<vmem>> -> memref<40xi32, #tpu.memory_space<vmem>>
      %dma_start3A_192 = arith.constant 0 : i32
      %dma_start3A_193 = arith.constant 0 : i32
      %dma_start3A_194 = tpu.memref_slice %arg19[%dma_start3A_192, %dma_start3A_193] : memref<10112x8xf32, #tpu.memory_space<vmem_shared>> -> memref<10112x8xf32, #tpu.memory_space<vmem_shared>>
      tpu.enqueue_indirect_dma source(%arg17 : memref<40x8xf32, #tpu.memory_space<vmem>>) target(%dma_start3A_194 : memref<10112x8xf32, #tpu.memory_space<vmem_shared>>) offsets(%dma_start3A_191 : memref<40xi32, #tpu.memory_space<vmem>>) semaphore(%arg27 : memref<!tpu.dma_semaphore, #tpu.memory_space<semaphore_mem>>) {add = true}
    }
    %scan3A_46 = arith.constant 64 : i32
    %dma_wait3A = arith.constant 253 : i32
    %dma_wait3A_47 = arith.constant 0 : i32
    %dma_wait3A_48 = tpu.memref_slice %arg12[%dma_wait3A, %dma_wait3A_47] : memref<256x40xi32, #tpu.memory_space<vmem>> -> memref<1x40xi32, #tpu.memory_space<vmem>>
    %dma_wait3A_49 = tpu.memref_squeeze %dma_wait3A_48 : memref<1x40xi32, #tpu.memory_space<vmem>> -> memref<40xi32, #tpu.memory_space<vmem>>
    %dma_wait3A_50 = arith.constant 0 : i32
    %dma_wait3A_51 = arith.constant 0 : i32
    %dma_wait3A_52 = tpu.memref_slice %arg18[%dma_wait3A_50, %dma_wait3A_51] : memref<10112x128xf32, #tpu.memory_space<vmem_shared>> -> memref<10112x128xf32, #tpu.memory_space<vmem_shared>>
    tpu.wait_indirect_dma semaphore(%arg25 : memref<!tpu.dma_semaphore, #tpu.memory_space<semaphore_mem>>) src(%arg14 : memref<40x128xf32, #tpu.memory_space<vmem>>) dst(%dma_wait3A_52 : memref<10112x128xf32, #tpu.memory_space<vmem_shared>>)
    %dma_wait3A_53 = arith.constant 253 : i32
    %dma_wait3A_54 = arith.constant 0 : i32
    %dma_wait3A_55 = tpu.memref_slice %arg12[%dma_wait3A_53, %dma_wait3A_54] : memref<256x40xi32, #tpu.memory_space<vmem>> -> memref<1x40xi32, #tpu.memory_space<vmem>>
    %dma_wait3A_56 = tpu.memref_squeeze %dma_wait3A_55 : memref<1x40xi32, #tpu.memory_space<vmem>> -> memref<40xi32, #tpu.memory_space<vmem>>
    %dma_wait3A_57 = arith.constant 0 : i32
    %dma_wait3A_58 = arith.constant 0 : i32
    %dma_wait3A_59 = tpu.memref_slice %arg19[%dma_wait3A_57, %dma_wait3A_58] : memref<10112x8xf32, #tpu.memory_space<vmem_shared>> -> memref<10112x8xf32, #tpu.memory_space<vmem_shared>>
    tpu.wait_indirect_dma semaphore(%arg25 : memref<!tpu.dma_semaphore, #tpu.memory_space<semaphore_mem>>) src(%arg17 : memref<40x8xf32, #tpu.memory_space<vmem>>) dst(%dma_wait3A_59 : memref<10112x8xf32, #tpu.memory_space<vmem_shared>>)
    %dma_wait3A_60 = arith.constant 254 : i32
    %dma_wait3A_61 = arith.constant 0 : i32
    %dma_wait3A_62 = tpu.memref_slice %arg12[%dma_wait3A_60, %dma_wait3A_61] : memref<256x40xi32, #tpu.memory_space<vmem>> -> memref<1x40xi32, #tpu.memory_space<vmem>>
    %dma_wait3A_63 = tpu.memref_squeeze %dma_wait3A_62 : memref<1x40xi32, #tpu.memory_space<vmem>> -> memref<40xi32, #tpu.memory_space<vmem>>
    %dma_wait3A_64 = arith.constant 0 : i32
    %dma_wait3A_65 = arith.constant 0 : i32
    %dma_wait3A_66 = tpu.memref_slice %arg18[%dma_wait3A_64, %dma_wait3A_65] : memref<10112x128xf32, #tpu.memory_space<vmem_shared>> -> memref<10112x128xf32, #tpu.memory_space<vmem_shared>>
    tpu.wait_indirect_dma semaphore(%arg26 : memref<!tpu.dma_semaphore, #tpu.memory_space<semaphore_mem>>) src(%arg15 : memref<40x128xf32, #tpu.memory_space<vmem>>) dst(%dma_wait3A_66 : memref<10112x128xf32, #tpu.memory_space<vmem_shared>>)
    %dma_wait3A_67 = arith.constant 254 : i32
    %dma_wait3A_68 = arith.constant 0 : i32
    %dma_wait3A_69 = tpu.memref_slice %arg12[%dma_wait3A_67, %dma_wait3A_68] : memref<256x40xi32, #tpu.memory_space<vmem>> -> memref<1x40xi32, #tpu.memory_space<vmem>>
    %dma_wait3A_70 = tpu.memref_squeeze %dma_wait3A_69 : memref<1x40xi32, #tpu.memory_space<vmem>> -> memref<40xi32, #tpu.memory_space<vmem>>
    %dma_wait3A_71 = arith.constant 0 : i32
    %dma_wait3A_72 = arith.constant 0 : i32
    %dma_wait3A_73 = tpu.memref_slice %arg19[%dma_wait3A_71, %dma_wait3A_72] : memref<10112x8xf32, #tpu.memory_space<vmem_shared>> -> memref<10112x8xf32, #tpu.memory_space<vmem_shared>>
    tpu.wait_indirect_dma semaphore(%arg26 : memref<!tpu.dma_semaphore, #tpu.memory_space<semaphore_mem>>) src(%arg17 : memref<40x8xf32, #tpu.memory_space<vmem>>) dst(%dma_wait3A_73 : memref<10112x8xf32, #tpu.memory_space<vmem_shared>>)
    %dma_wait3A_74 = arith.constant 255 : i32
    %dma_wait3A_75 = arith.constant 0 : i32
    %dma_wait3A_76 = tpu.memref_slice %arg12[%dma_wait3A_74, %dma_wait3A_75] : memref<256x40xi32, #tpu.memory_space<vmem>> -> memref<1x40xi32, #tpu.memory_space<vmem>>
    %dma_wait3A_77 = tpu.memref_squeeze %dma_wait3A_76 : memref<1x40xi32, #tpu.memory_space<vmem>> -> memref<40xi32, #tpu.memory_space<vmem>>
    %dma_wait3A_78 = arith.constant 0 : i32
    %dma_wait3A_79 = arith.constant 0 : i32
    %dma_wait3A_80 = tpu.memref_slice %arg18[%dma_wait3A_78, %dma_wait3A_79] : memref<10112x128xf32, #tpu.memory_space<vmem_shared>> -> memref<10112x128xf32, #tpu.memory_space<vmem_shared>>
    tpu.wait_indirect_dma semaphore(%arg27 : memref<!tpu.dma_semaphore, #tpu.memory_space<semaphore_mem>>) src(%arg16 : memref<40x128xf32, #tpu.memory_space<vmem>>) dst(%dma_wait3A_80 : memref<10112x128xf32, #tpu.memory_space<vmem_shared>>)
    %dma_wait3A_81 = arith.constant 255 : i32
    %dma_wait3A_82 = arith.constant 0 : i32
    %dma_wait3A_83 = tpu.memref_slice %arg12[%dma_wait3A_81, %dma_wait3A_82] : memref<256x40xi32, #tpu.memory_space<vmem>> -> memref<1x40xi32, #tpu.memory_space<vmem>>
    %dma_wait3A_84 = tpu.memref_squeeze %dma_wait3A_83 : memref<1x40xi32, #tpu.memory_space<vmem>> -> memref<40xi32, #tpu.memory_space<vmem>>
    %dma_wait3A_85 = arith.constant 0 : i32
    %dma_wait3A_86 = arith.constant 0 : i32
    %dma_wait3A_87 = tpu.memref_slice %arg19[%dma_wait3A_85, %dma_wait3A_86] : memref<10112x8xf32, #tpu.memory_space<vmem_shared>> -> memref<10112x8xf32, #tpu.memory_space<vmem_shared>>
    tpu.wait_indirect_dma semaphore(%arg27 : memref<!tpu.dma_semaphore, #tpu.memory_space<semaphore_mem>>) src(%arg17 : memref<40x8xf32, #tpu.memory_space<vmem>>) dst(%dma_wait3A_87 : memref<10112x8xf32, #tpu.memory_space<vmem_shared>>)
    %barrier3A_88 = arith.constant 0 : index
    tpu.barrier barrier_id(%barrier3A_88)
    "tpu.region"() ({
      %run_scoped3A = tpu.sem_alloc : memref<!tpu.dma_semaphore, #tpu.memory_space<semaphore_mem>>
      %dma_start3A = arith.constant 0 : i32
      %dma_start3A_89 = tpu.memref_slice %arg9[%arg0, %mul3A_0, %dma_start3A] : memref<2x10112x128xf32, #tpu.memory_space<hbm>> -> memref<1x632x128xf32, #tpu.memory_space<hbm>>
      %dma_start3A_90 = tpu.memref_squeeze %dma_start3A_89 : memref<1x632x128xf32, #tpu.memory_space<hbm>> -> memref<632x128xf32, #tpu.memory_space<hbm>>
      %dma_start3A_91 = arith.constant 0 : i32
      %dma_start3A_92 = tpu.memref_slice %arg18[%mul3A_0, %dma_start3A_91] : memref<10112x128xf32, #tpu.memory_space<vmem_shared>> -> memref<632x128xf32, #tpu.memory_space<vmem_shared>>
      tpu.enqueue_dma source(%dma_start3A_92 : memref<632x128xf32, #tpu.memory_space<vmem_shared>>) target(%dma_start3A_90 : memref<632x128xf32, #tpu.memory_space<hbm>>) target_semaphore(%run_scoped3A : memref<!tpu.dma_semaphore, #tpu.memory_space<semaphore_mem>>)
      %dma_wait3A_93 = arith.constant 0 : i32
      %dma_wait3A_94 = tpu.memref_slice %arg9[%arg0, %mul3A_0, %dma_wait3A_93] : memref<2x10112x128xf32, #tpu.memory_space<hbm>> -> memref<1x632x128xf32, #tpu.memory_space<hbm>>
      %dma_wait3A_95 = tpu.memref_squeeze %dma_wait3A_94 : memref<1x632x128xf32, #tpu.memory_space<hbm>> -> memref<632x128xf32, #tpu.memory_space<hbm>>
      %dma_wait3A_96 = arith.constant 0 : i32
      %dma_wait3A_97 = tpu.memref_slice %arg18[%mul3A_0, %dma_wait3A_96] : memref<10112x128xf32, #tpu.memory_space<vmem_shared>> -> memref<632x128xf32, #tpu.memory_space<vmem_shared>>
      tpu.wait_dma2 semaphore(%run_scoped3A : memref<!tpu.dma_semaphore, #tpu.memory_space<semaphore_mem>>) src(%dma_wait3A_97 : memref<632x128xf32, #tpu.memory_space<vmem_shared>>) dst(%dma_wait3A_95 : memref<632x128xf32, #tpu.memory_space<hbm>>)
      tpu.yield
    }) : () -> ()
    "tpu.region"() ({
      %run_scoped3A = tpu.sem_alloc : memref<!tpu.dma_semaphore, #tpu.memory_space<semaphore_mem>>
      %dma_start3A = arith.constant 0 : i32
      %dma_start3A_89 = tpu.memref_slice %arg10[%arg0, %mul3A_0, %dma_start3A] : memref<2x10112x8xf32, #tpu.memory_space<hbm>> -> memref<1x632x8xf32, #tpu.memory_space<hbm>>
      %dma_start3A_90 = tpu.memref_squeeze %dma_start3A_89 : memref<1x632x8xf32, #tpu.memory_space<hbm>> -> memref<632x8xf32, #tpu.memory_space<hbm>>
      %dma_start3A_91 = arith.constant 0 : i32
      %dma_start3A_92 = tpu.memref_slice %arg19[%mul3A_0, %dma_start3A_91] : memref<10112x8xf32, #tpu.memory_space<vmem_shared>> -> memref<632x8xf32, #tpu.memory_space<vmem_shared>>
      tpu.enqueue_dma source(%dma_start3A_92 : memref<632x8xf32, #tpu.memory_space<vmem_shared>>) target(%dma_start3A_90 : memref<632x8xf32, #tpu.memory_space<hbm>>) target_semaphore(%run_scoped3A : memref<!tpu.dma_semaphore, #tpu.memory_space<semaphore_mem>>)
      %dma_wait3A_93 = arith.constant 0 : i32
      %dma_wait3A_94 = tpu.memref_slice %arg10[%arg0, %mul3A_0, %dma_wait3A_93] : memref<2x10112x8xf32, #tpu.memory_space<hbm>> -> memref<1x632x8xf32, #tpu.memory_space<hbm>>
      %dma_wait3A_95 = tpu.memref_squeeze %dma_wait3A_94 : memref<1x632x8xf32, #tpu.memory_space<hbm>> -> memref<632x8xf32, #tpu.memory_space<hbm>>
      %dma_wait3A_96 = arith.constant 0 : i32
      %dma_wait3A_97 = tpu.memref_slice %arg19[%mul3A_0, %dma_wait3A_96] : memref<10112x8xf32, #tpu.memory_space<vmem_shared>> -> memref<632x8xf32, #tpu.memory_space<vmem_shared>>
      tpu.wait_dma2 semaphore(%run_scoped3A : memref<!tpu.dma_semaphore, #tpu.memory_space<semaphore_mem>>) src(%dma_wait3A_97 : memref<632x8xf32, #tpu.memory_space<vmem_shared>>) dst(%dma_wait3A_95 : memref<632x8xf32, #tpu.memory_space<hbm>>)
      tpu.yield
    }) : () -> ()
    return
  }
}

#map = affine_map<(d0, d1) -> (0, 0)>
#map1 = affine_map<(d0, d1) -> (0, 0, 0)>
module attributes {stable_mosaic.version = 14 : i64} {
  func.func @_p5a_body(%arg0: i32, %arg1: i32, %arg2: memref<10000x128xbf16, #tpu.memory_space<hbm>>, %arg3: memref<10000x128xbf16, #tpu.memory_space<hbm>>, %arg4: memref<4096x40xi32, #tpu.memory_space<hbm>>, %arg5: memref<4096x40xi32, #tpu.memory_space<hbm>>, %arg6: memref<632x128xbf16, #tpu.memory_space<hbm>>, %arg7: memref<2x10112x128xbf16, #tpu.memory_space<hbm>>, %arg8: memref<256x40xi32, #tpu.memory_space<vmem>>, %arg9: memref<256x40xi32, #tpu.memory_space<vmem>>, %arg10: memref<40x128xbf16, #tpu.memory_space<vmem>>, %arg11: memref<40x128xbf16, #tpu.memory_space<vmem>>, %arg12: memref<40x128xbf16, #tpu.memory_space<vmem>>, %arg13: memref<40x128xbf16, #tpu.memory_space<vmem>>, %arg14: memref<10112x128xbf16, #tpu.memory_space<vmem_shared>>, %arg15: memref<!tpu.dma_semaphore, #tpu.memory_space<semaphore_mem>>, %arg16: memref<!tpu.dma_semaphore, #tpu.memory_space<semaphore_mem>>, %arg17: memref<!tpu.dma_semaphore, #tpu.memory_space<semaphore_mem>>, %arg18: memref<!tpu.dma_semaphore, #tpu.memory_space<semaphore_mem>>, %arg19: memref<!tpu.dma_semaphore, #tpu.memory_space<semaphore_mem>>, %arg20: memref<!tpu.dma_semaphore, #tpu.memory_space<semaphore_mem>>, %arg21: memref<!tpu.dma_semaphore, #tpu.memory_space<semaphore_mem>>, %arg22: memref<!tpu.dma_semaphore, #tpu.memory_space<semaphore_mem>>) attributes {dimension_semantics = [#tpu.dimension_semantics<core_parallel>, #tpu.dimension_semantics<subcore_parallel>], iteration_bounds = array<i64: 2, 16>, scalar_prefetch = 0 : i64, scratch_operands = 15 : i64, tpu.core_type = #tpu.core_type<sc_vector_subcore>, window_params = [{transform_indices = #map}, {transform_indices = #map}, {transform_indices = #map}, {transform_indices = #map}, {transform_indices = #map}, {transform_indices = #map1}]} {
    %mul3A = arith.constant 632 : i32
    %mul3A_0 = arith.muli %arg1, %mul3A : i32
    "tpu.region"() ({
      %run_scoped3A = tpu.sem_alloc : memref<!tpu.dma_semaphore, #tpu.memory_space<semaphore_mem>>
      %dma_start3A = arith.constant 0 : i32
      %dma_start3A_68 = tpu.memref_slice %arg14[%mul3A_0, %dma_start3A] : memref<10112x128xbf16, #tpu.memory_space<vmem_shared>> -> memref<632x128xbf16, #tpu.memory_space<vmem_shared>>
      tpu.enqueue_dma source(%arg6 : memref<632x128xbf16, #tpu.memory_space<hbm>>) target(%dma_start3A_68 : memref<632x128xbf16, #tpu.memory_space<vmem_shared>>) target_semaphore(%run_scoped3A : memref<!tpu.dma_semaphore, #tpu.memory_space<semaphore_mem>>)
      %dma_wait3A_69 = arith.constant 0 : i32
      %dma_wait3A_70 = tpu.memref_slice %arg14[%mul3A_0, %dma_wait3A_69] : memref<10112x128xbf16, #tpu.memory_space<vmem_shared>> -> memref<632x128xbf16, #tpu.memory_space<vmem_shared>>
      tpu.wait_dma2 semaphore(%run_scoped3A : memref<!tpu.dma_semaphore, #tpu.memory_space<semaphore_mem>>) src(%arg6 : memref<632x128xbf16, #tpu.memory_space<hbm>>) dst(%dma_wait3A_70 : memref<632x128xbf16, #tpu.memory_space<vmem_shared>>)
      tpu.yield
    }) : () -> ()
    %mul3A_1 = arith.constant 256 : i32
    %mul3A_2 = arith.muli %arg1, %mul3A_1 : i32
    "tpu.region"() ({
      %run_scoped3A = tpu.sem_alloc : memref<!tpu.dma_semaphore, #tpu.memory_space<semaphore_mem>>
      %dma_start3A = arith.constant 0 : i32
      %dma_start3A_68 = tpu.memref_slice %arg4[%mul3A_2, %dma_start3A] : memref<4096x40xi32, #tpu.memory_space<hbm>> -> memref<256x40xi32, #tpu.memory_space<hbm>>
      %dma_start3A_69 = arith.constant 0 : i32
      %dma_start3A_70 = tpu.memref_slice %arg4[%mul3A_2, %dma_start3A_69] : memref<4096x40xi32, #tpu.memory_space<hbm>> -> memref<256x40xi32, #tpu.memory_space<hbm>>
      tpu.enqueue_dma source(%dma_start3A_70 : memref<256x40xi32, #tpu.memory_space<hbm>>) target(%arg8 : memref<256x40xi32, #tpu.memory_space<vmem>>) target_semaphore(%run_scoped3A : memref<!tpu.dma_semaphore, #tpu.memory_space<semaphore_mem>>)
      %dma_wait3A_71 = arith.constant 0 : i32
      %dma_wait3A_72 = tpu.memref_slice %arg4[%mul3A_2, %dma_wait3A_71] : memref<4096x40xi32, #tpu.memory_space<hbm>> -> memref<256x40xi32, #tpu.memory_space<hbm>>
      %dma_wait3A_73 = arith.constant 0 : i32
      %dma_wait3A_74 = tpu.memref_slice %arg4[%mul3A_2, %dma_wait3A_73] : memref<4096x40xi32, #tpu.memory_space<hbm>> -> memref<256x40xi32, #tpu.memory_space<hbm>>
      tpu.wait_dma2 semaphore(%run_scoped3A : memref<!tpu.dma_semaphore, #tpu.memory_space<semaphore_mem>>) src(%dma_wait3A_74 : memref<256x40xi32, #tpu.memory_space<hbm>>) dst(%arg8 : memref<256x40xi32, #tpu.memory_space<vmem>>)
      tpu.yield
    }) : () -> ()
    %mul3A_3 = arith.constant 256 : i32
    %mul3A_4 = arith.muli %arg1, %mul3A_3 : i32
    "tpu.region"() ({
      %run_scoped3A = tpu.sem_alloc : memref<!tpu.dma_semaphore, #tpu.memory_space<semaphore_mem>>
      %dma_start3A = arith.constant 0 : i32
      %dma_start3A_68 = tpu.memref_slice %arg5[%mul3A_4, %dma_start3A] : memref<4096x40xi32, #tpu.memory_space<hbm>> -> memref<256x40xi32, #tpu.memory_space<hbm>>
      %dma_start3A_69 = arith.constant 0 : i32
      %dma_start3A_70 = tpu.memref_slice %arg5[%mul3A_4, %dma_start3A_69] : memref<4096x40xi32, #tpu.memory_space<hbm>> -> memref<256x40xi32, #tpu.memory_space<hbm>>
      tpu.enqueue_dma source(%dma_start3A_70 : memref<256x40xi32, #tpu.memory_space<hbm>>) target(%arg9 : memref<256x40xi32, #tpu.memory_space<vmem>>) target_semaphore(%run_scoped3A : memref<!tpu.dma_semaphore, #tpu.memory_space<semaphore_mem>>)
      %dma_wait3A_71 = arith.constant 0 : i32
      %dma_wait3A_72 = tpu.memref_slice %arg5[%mul3A_4, %dma_wait3A_71] : memref<4096x40xi32, #tpu.memory_space<hbm>> -> memref<256x40xi32, #tpu.memory_space<hbm>>
      %dma_wait3A_73 = arith.constant 0 : i32
      %dma_wait3A_74 = tpu.memref_slice %arg5[%mul3A_4, %dma_wait3A_73] : memref<4096x40xi32, #tpu.memory_space<hbm>> -> memref<256x40xi32, #tpu.memory_space<hbm>>
      tpu.wait_dma2 semaphore(%run_scoped3A : memref<!tpu.dma_semaphore, #tpu.memory_space<semaphore_mem>>) src(%dma_wait3A_74 : memref<256x40xi32, #tpu.memory_space<hbm>>) dst(%arg9 : memref<256x40xi32, #tpu.memory_space<vmem>>)
      tpu.yield
    }) : () -> ()
    %barrier3A = arith.constant 0 : index
    tpu.barrier barrier_id(%barrier3A)
    %eq3A = arith.constant 0 : i32
    %eq3A_5 = arith.cmpi eq, %arg0, %eq3A : i32
    %convert_element_type3A = arith.extui %eq3A_5 : i1 to i32
    %cond3A = arith.constant 0 : i32
    %cond3A_6 = arith.cmpi ne, %convert_element_type3A, %cond3A : i32
    scf.if %cond3A_6 {
      %dma_start3A = arith.constant 0 : i32
      %dma_start3A_68 = arith.constant 0 : i32
      %dma_start3A_69 = tpu.memref_slice %arg8[%dma_start3A, %dma_start3A_68] : memref<256x40xi32, #tpu.memory_space<vmem>> -> memref<1x40xi32, #tpu.memory_space<vmem>>
      %dma_start3A_70 = tpu.memref_squeeze %dma_start3A_69 : memref<1x40xi32, #tpu.memory_space<vmem>> -> memref<40xi32, #tpu.memory_space<vmem>>
      %dma_start3A_71 = arith.constant 0 : i32
      %dma_start3A_72 = arith.constant 0 : i32
      %dma_start3A_73 = tpu.memref_slice %arg2[%dma_start3A_71, %dma_start3A_72] : memref<10000x128xbf16, #tpu.memory_space<hbm>> -> memref<10000x128xbf16, #tpu.memory_space<hbm>>
      tpu.enqueue_indirect_dma source(%dma_start3A_73 : memref<10000x128xbf16, #tpu.memory_space<hbm>>) target(%arg10 : memref<40x128xbf16, #tpu.memory_space<vmem>>) offsets(%dma_start3A_70 : memref<40xi32, #tpu.memory_space<vmem>>) semaphore(%arg15 : memref<!tpu.dma_semaphore, #tpu.memory_space<semaphore_mem>>)
    } else {
    }
    %eq3A_7 = arith.constant 1 : i32
    %eq3A_8 = arith.cmpi eq, %arg0, %eq3A_7 : i32
    %convert_element_type3A_9 = arith.extui %eq3A_8 : i1 to i32
    %cond3A_10 = arith.constant 0 : i32
    %cond3A_11 = arith.cmpi ne, %convert_element_type3A_9, %cond3A_10 : i32
    scf.if %cond3A_11 {
      %dma_start3A = arith.constant 0 : i32
      %dma_start3A_68 = arith.constant 0 : i32
      %dma_start3A_69 = tpu.memref_slice %arg8[%dma_start3A, %dma_start3A_68] : memref<256x40xi32, #tpu.memory_space<vmem>> -> memref<1x40xi32, #tpu.memory_space<vmem>>
      %dma_start3A_70 = tpu.memref_squeeze %dma_start3A_69 : memref<1x40xi32, #tpu.memory_space<vmem>> -> memref<40xi32, #tpu.memory_space<vmem>>
      %dma_start3A_71 = arith.constant 0 : i32
      %dma_start3A_72 = arith.constant 0 : i32
      %dma_start3A_73 = tpu.memref_slice %arg3[%dma_start3A_71, %dma_start3A_72] : memref<10000x128xbf16, #tpu.memory_space<hbm>> -> memref<10000x128xbf16, #tpu.memory_space<hbm>>
      tpu.enqueue_indirect_dma source(%dma_start3A_73 : memref<10000x128xbf16, #tpu.memory_space<hbm>>) target(%arg10 : memref<40x128xbf16, #tpu.memory_space<vmem>>) offsets(%dma_start3A_70 : memref<40xi32, #tpu.memory_space<vmem>>) semaphore(%arg15 : memref<!tpu.dma_semaphore, #tpu.memory_space<semaphore_mem>>)
    } else {
    }
    %eq3A_12 = arith.constant 0 : i32
    %eq3A_13 = arith.cmpi eq, %arg0, %eq3A_12 : i32
    %convert_element_type3A_14 = arith.extui %eq3A_13 : i1 to i32
    %cond3A_15 = arith.constant 0 : i32
    %cond3A_16 = arith.cmpi ne, %convert_element_type3A_14, %cond3A_15 : i32
    scf.if %cond3A_16 {
      %dma_start3A = arith.constant 1 : i32
      %dma_start3A_68 = arith.constant 0 : i32
      %dma_start3A_69 = tpu.memref_slice %arg8[%dma_start3A, %dma_start3A_68] : memref<256x40xi32, #tpu.memory_space<vmem>> -> memref<1x40xi32, #tpu.memory_space<vmem>>
      %dma_start3A_70 = tpu.memref_squeeze %dma_start3A_69 : memref<1x40xi32, #tpu.memory_space<vmem>> -> memref<40xi32, #tpu.memory_space<vmem>>
      %dma_start3A_71 = arith.constant 0 : i32
      %dma_start3A_72 = arith.constant 0 : i32
      %dma_start3A_73 = tpu.memref_slice %arg2[%dma_start3A_71, %dma_start3A_72] : memref<10000x128xbf16, #tpu.memory_space<hbm>> -> memref<10000x128xbf16, #tpu.memory_space<hbm>>
      tpu.enqueue_indirect_dma source(%dma_start3A_73 : memref<10000x128xbf16, #tpu.memory_space<hbm>>) target(%arg11 : memref<40x128xbf16, #tpu.memory_space<vmem>>) offsets(%dma_start3A_70 : memref<40xi32, #tpu.memory_space<vmem>>) semaphore(%arg16 : memref<!tpu.dma_semaphore, #tpu.memory_space<semaphore_mem>>)
    } else {
    }
    %eq3A_17 = arith.constant 1 : i32
    %eq3A_18 = arith.cmpi eq, %arg0, %eq3A_17 : i32
    %convert_element_type3A_19 = arith.extui %eq3A_18 : i1 to i32
    %cond3A_20 = arith.constant 0 : i32
    %cond3A_21 = arith.cmpi ne, %convert_element_type3A_19, %cond3A_20 : i32
    scf.if %cond3A_21 {
      %dma_start3A = arith.constant 1 : i32
      %dma_start3A_68 = arith.constant 0 : i32
      %dma_start3A_69 = tpu.memref_slice %arg8[%dma_start3A, %dma_start3A_68] : memref<256x40xi32, #tpu.memory_space<vmem>> -> memref<1x40xi32, #tpu.memory_space<vmem>>
      %dma_start3A_70 = tpu.memref_squeeze %dma_start3A_69 : memref<1x40xi32, #tpu.memory_space<vmem>> -> memref<40xi32, #tpu.memory_space<vmem>>
      %dma_start3A_71 = arith.constant 0 : i32
      %dma_start3A_72 = arith.constant 0 : i32
      %dma_start3A_73 = tpu.memref_slice %arg3[%dma_start3A_71, %dma_start3A_72] : memref<10000x128xbf16, #tpu.memory_space<hbm>> -> memref<10000x128xbf16, #tpu.memory_space<hbm>>
      tpu.enqueue_indirect_dma source(%dma_start3A_73 : memref<10000x128xbf16, #tpu.memory_space<hbm>>) target(%arg11 : memref<40x128xbf16, #tpu.memory_space<vmem>>) offsets(%dma_start3A_70 : memref<40xi32, #tpu.memory_space<vmem>>) semaphore(%arg16 : memref<!tpu.dma_semaphore, #tpu.memory_space<semaphore_mem>>)
    } else {
    }
    %eq3A_22 = arith.constant 0 : i32
    %eq3A_23 = arith.cmpi eq, %arg0, %eq3A_22 : i32
    %convert_element_type3A_24 = arith.extui %eq3A_23 : i1 to i32
    %cond3A_25 = arith.constant 0 : i32
    %cond3A_26 = arith.cmpi ne, %convert_element_type3A_24, %cond3A_25 : i32
    scf.if %cond3A_26 {
      %dma_start3A = arith.constant 2 : i32
      %dma_start3A_68 = arith.constant 0 : i32
      %dma_start3A_69 = tpu.memref_slice %arg8[%dma_start3A, %dma_start3A_68] : memref<256x40xi32, #tpu.memory_space<vmem>> -> memref<1x40xi32, #tpu.memory_space<vmem>>
      %dma_start3A_70 = tpu.memref_squeeze %dma_start3A_69 : memref<1x40xi32, #tpu.memory_space<vmem>> -> memref<40xi32, #tpu.memory_space<vmem>>
      %dma_start3A_71 = arith.constant 0 : i32
      %dma_start3A_72 = arith.constant 0 : i32
      %dma_start3A_73 = tpu.memref_slice %arg2[%dma_start3A_71, %dma_start3A_72] : memref<10000x128xbf16, #tpu.memory_space<hbm>> -> memref<10000x128xbf16, #tpu.memory_space<hbm>>
      tpu.enqueue_indirect_dma source(%dma_start3A_73 : memref<10000x128xbf16, #tpu.memory_space<hbm>>) target(%arg12 : memref<40x128xbf16, #tpu.memory_space<vmem>>) offsets(%dma_start3A_70 : memref<40xi32, #tpu.memory_space<vmem>>) semaphore(%arg17 : memref<!tpu.dma_semaphore, #tpu.memory_space<semaphore_mem>>)
    } else {
    }
    %eq3A_27 = arith.constant 1 : i32
    %eq3A_28 = arith.cmpi eq, %arg0, %eq3A_27 : i32
    %convert_element_type3A_29 = arith.extui %eq3A_28 : i1 to i32
    %cond3A_30 = arith.constant 0 : i32
    %cond3A_31 = arith.cmpi ne, %convert_element_type3A_29, %cond3A_30 : i32
    scf.if %cond3A_31 {
      %dma_start3A = arith.constant 2 : i32
      %dma_start3A_68 = arith.constant 0 : i32
      %dma_start3A_69 = tpu.memref_slice %arg8[%dma_start3A, %dma_start3A_68] : memref<256x40xi32, #tpu.memory_space<vmem>> -> memref<1x40xi32, #tpu.memory_space<vmem>>
      %dma_start3A_70 = tpu.memref_squeeze %dma_start3A_69 : memref<1x40xi32, #tpu.memory_space<vmem>> -> memref<40xi32, #tpu.memory_space<vmem>>
      %dma_start3A_71 = arith.constant 0 : i32
      %dma_start3A_72 = arith.constant 0 : i32
      %dma_start3A_73 = tpu.memref_slice %arg3[%dma_start3A_71, %dma_start3A_72] : memref<10000x128xbf16, #tpu.memory_space<hbm>> -> memref<10000x128xbf16, #tpu.memory_space<hbm>>
      tpu.enqueue_indirect_dma source(%dma_start3A_73 : memref<10000x128xbf16, #tpu.memory_space<hbm>>) target(%arg12 : memref<40x128xbf16, #tpu.memory_space<vmem>>) offsets(%dma_start3A_70 : memref<40xi32, #tpu.memory_space<vmem>>) semaphore(%arg17 : memref<!tpu.dma_semaphore, #tpu.memory_space<semaphore_mem>>)
    } else {
    }
    %eq3A_32 = arith.constant 0 : i32
    %eq3A_33 = arith.cmpi eq, %arg0, %eq3A_32 : i32
    %convert_element_type3A_34 = arith.extui %eq3A_33 : i1 to i32
    %cond3A_35 = arith.constant 0 : i32
    %cond3A_36 = arith.cmpi ne, %convert_element_type3A_34, %cond3A_35 : i32
    scf.if %cond3A_36 {
      %dma_start3A = arith.constant 3 : i32
      %dma_start3A_68 = arith.constant 0 : i32
      %dma_start3A_69 = tpu.memref_slice %arg8[%dma_start3A, %dma_start3A_68] : memref<256x40xi32, #tpu.memory_space<vmem>> -> memref<1x40xi32, #tpu.memory_space<vmem>>
      %dma_start3A_70 = tpu.memref_squeeze %dma_start3A_69 : memref<1x40xi32, #tpu.memory_space<vmem>> -> memref<40xi32, #tpu.memory_space<vmem>>
      %dma_start3A_71 = arith.constant 0 : i32
      %dma_start3A_72 = arith.constant 0 : i32
      %dma_start3A_73 = tpu.memref_slice %arg2[%dma_start3A_71, %dma_start3A_72] : memref<10000x128xbf16, #tpu.memory_space<hbm>> -> memref<10000x128xbf16, #tpu.memory_space<hbm>>
      tpu.enqueue_indirect_dma source(%dma_start3A_73 : memref<10000x128xbf16, #tpu.memory_space<hbm>>) target(%arg13 : memref<40x128xbf16, #tpu.memory_space<vmem>>) offsets(%dma_start3A_70 : memref<40xi32, #tpu.memory_space<vmem>>) semaphore(%arg18 : memref<!tpu.dma_semaphore, #tpu.memory_space<semaphore_mem>>)
    } else {
    }
    %eq3A_37 = arith.constant 1 : i32
    %eq3A_38 = arith.cmpi eq, %arg0, %eq3A_37 : i32
    %convert_element_type3A_39 = arith.extui %eq3A_38 : i1 to i32
    %cond3A_40 = arith.constant 0 : i32
    %cond3A_41 = arith.cmpi ne, %convert_element_type3A_39, %cond3A_40 : i32
    scf.if %cond3A_41 {
      %dma_start3A = arith.constant 3 : i32
      %dma_start3A_68 = arith.constant 0 : i32
      %dma_start3A_69 = tpu.memref_slice %arg8[%dma_start3A, %dma_start3A_68] : memref<256x40xi32, #tpu.memory_space<vmem>> -> memref<1x40xi32, #tpu.memory_space<vmem>>
      %dma_start3A_70 = tpu.memref_squeeze %dma_start3A_69 : memref<1x40xi32, #tpu.memory_space<vmem>> -> memref<40xi32, #tpu.memory_space<vmem>>
      %dma_start3A_71 = arith.constant 0 : i32
      %dma_start3A_72 = arith.constant 0 : i32
      %dma_start3A_73 = tpu.memref_slice %arg3[%dma_start3A_71, %dma_start3A_72] : memref<10000x128xbf16, #tpu.memory_space<hbm>> -> memref<10000x128xbf16, #tpu.memory_space<hbm>>
      tpu.enqueue_indirect_dma source(%dma_start3A_73 : memref<10000x128xbf16, #tpu.memory_space<hbm>>) target(%arg13 : memref<40x128xbf16, #tpu.memory_space<vmem>>) offsets(%dma_start3A_70 : memref<40xi32, #tpu.memory_space<vmem>>) semaphore(%arg18 : memref<!tpu.dma_semaphore, #tpu.memory_space<semaphore_mem>>)
    } else {
    }
    %scan3A = arith.constant 0 : i32
    %scan3A_42 = arith.constant 0 : i32
    %scan3A_43 = arith.constant 64 : i32
    %scan3A_44 = arith.addi %scan3A_42, %scan3A_43 : i32
    %scan3A_45 = arith.constant 1 : i32
    scf.for %scan3A_68 = %scan3A_42 to %scan3A_44 step %scan3A_45  : i32 {
      %mul3A_69 = arith.constant 4 : i32
      %mul3A_70 = arith.muli %scan3A_68, %mul3A_69 : i32
      %add3A = arith.constant 0 : i32
      %add3A_71 = arith.addi %mul3A_70, %add3A : i32
      %ge3A = arith.constant 3 : i32
      %ge3A_72 = arith.cmpi sge, %add3A_71, %ge3A : i32
      %convert_element_type3A_73 = arith.extui %ge3A_72 : i1 to i32
      %cond3A_74 = arith.constant 0 : i32
      %cond3A_75 = arith.cmpi ne, %convert_element_type3A_73, %cond3A_74 : i32
      scf.if %cond3A_75 {
        %sub3A = arith.constant 3 : i32
        %sub3A_150 = arith.subi %add3A_71, %sub3A : i32
        %dma_wait3A_151 = arith.constant 0 : i32
        %dma_wait3A_152 = tpu.memref_slice %arg9[%sub3A_150, %dma_wait3A_151] : memref<256x40xi32, #tpu.memory_space<vmem>> -> memref<1x40xi32, #tpu.memory_space<vmem>>
        %dma_wait3A_153 = tpu.memref_squeeze %dma_wait3A_152 : memref<1x40xi32, #tpu.memory_space<vmem>> -> memref<40xi32, #tpu.memory_space<vmem>>
        %dma_wait3A_154 = arith.constant 0 : i32
        %dma_wait3A_155 = arith.constant 0 : i32
        %dma_wait3A_156 = tpu.memref_slice %arg14[%dma_wait3A_154, %dma_wait3A_155] : memref<10112x128xbf16, #tpu.memory_space<vmem_shared>> -> memref<10112x128xbf16, #tpu.memory_space<vmem_shared>>
        tpu.wait_indirect_dma semaphore(%arg20 : memref<!tpu.dma_semaphore, #tpu.memory_space<semaphore_mem>>) src(%arg11 : memref<40x128xbf16, #tpu.memory_space<vmem>>) dst(%dma_wait3A_156 : memref<10112x128xbf16, #tpu.memory_space<vmem_shared>>)
        %add3A_157 = arith.constant 1 : i32
        %add3A_158 = arith.addi %add3A_71, %add3A_157 : i32
        %lt3A = arith.constant 256 : i32
        %lt3A_159 = arith.cmpi slt, %add3A_158, %lt3A : i32
        %convert_element_type3A_160 = arith.extui %lt3A_159 : i1 to i32
        %cond3A_161 = arith.constant 0 : i32
        %cond3A_162 = arith.cmpi ne, %convert_element_type3A_160, %cond3A_161 : i32
        scf.if %cond3A_162 {
          %add3A_163 = arith.constant 1 : i32
          %add3A_164 = arith.addi %add3A_71, %add3A_163 : i32
          %eq3A_165 = arith.constant 0 : i32
          %eq3A_166 = arith.cmpi eq, %arg0, %eq3A_165 : i32
          %convert_element_type3A_167 = arith.extui %eq3A_166 : i1 to i32
          %cond3A_168 = arith.constant 0 : i32
          %cond3A_169 = arith.cmpi ne, %convert_element_type3A_167, %cond3A_168 : i32
          scf.if %cond3A_169 {
            %dma_start3A_175 = arith.constant 0 : i32
            %dma_start3A_176 = tpu.memref_slice %arg8[%add3A_164, %dma_start3A_175] : memref<256x40xi32, #tpu.memory_space<vmem>> -> memref<1x40xi32, #tpu.memory_space<vmem>>
            %dma_start3A_177 = tpu.memref_squeeze %dma_start3A_176 : memref<1x40xi32, #tpu.memory_space<vmem>> -> memref<40xi32, #tpu.memory_space<vmem>>
            %dma_start3A_178 = arith.constant 0 : i32
            %dma_start3A_179 = arith.constant 0 : i32
            %dma_start3A_180 = tpu.memref_slice %arg2[%dma_start3A_178, %dma_start3A_179] : memref<10000x128xbf16, #tpu.memory_space<hbm>> -> memref<10000x128xbf16, #tpu.memory_space<hbm>>
            tpu.enqueue_indirect_dma source(%dma_start3A_180 : memref<10000x128xbf16, #tpu.memory_space<hbm>>) target(%arg11 : memref<40x128xbf16, #tpu.memory_space<vmem>>) offsets(%dma_start3A_177 : memref<40xi32, #tpu.memory_space<vmem>>) semaphore(%arg16 : memref<!tpu.dma_semaphore, #tpu.memory_space<semaphore_mem>>)
          } else {
          }
          %eq3A_170 = arith.constant 1 : i32
          %eq3A_171 = arith.cmpi eq, %arg0, %eq3A_170 : i32
          %convert_element_type3A_172 = arith.extui %eq3A_171 : i1 to i32
          %cond3A_173 = arith.constant 0 : i32
          %cond3A_174 = arith.cmpi ne, %convert_element_type3A_172, %cond3A_173 : i32
          scf.if %cond3A_174 {
            %dma_start3A_175 = arith.constant 0 : i32
            %dma_start3A_176 = tpu.memref_slice %arg8[%add3A_164, %dma_start3A_175] : memref<256x40xi32, #tpu.memory_space<vmem>> -> memref<1x40xi32, #tpu.memory_space<vmem>>
            %dma_start3A_177 = tpu.memref_squeeze %dma_start3A_176 : memref<1x40xi32, #tpu.memory_space<vmem>> -> memref<40xi32, #tpu.memory_space<vmem>>
            %dma_start3A_178 = arith.constant 0 : i32
            %dma_start3A_179 = arith.constant 0 : i32
            %dma_start3A_180 = tpu.memref_slice %arg3[%dma_start3A_178, %dma_start3A_179] : memref<10000x128xbf16, #tpu.memory_space<hbm>> -> memref<10000x128xbf16, #tpu.memory_space<hbm>>
            tpu.enqueue_indirect_dma source(%dma_start3A_180 : memref<10000x128xbf16, #tpu.memory_space<hbm>>) target(%arg11 : memref<40x128xbf16, #tpu.memory_space<vmem>>) offsets(%dma_start3A_177 : memref<40xi32, #tpu.memory_space<vmem>>) semaphore(%arg16 : memref<!tpu.dma_semaphore, #tpu.memory_space<semaphore_mem>>)
          } else {
          }
        } else {
        }
      } else {
      }
      %dma_wait3A_76 = arith.constant 0 : i32
      %dma_wait3A_77 = tpu.memref_slice %arg8[%add3A_71, %dma_wait3A_76] : memref<256x40xi32, #tpu.memory_space<vmem>> -> memref<1x40xi32, #tpu.memory_space<vmem>>
      %dma_wait3A_78 = tpu.memref_squeeze %dma_wait3A_77 : memref<1x40xi32, #tpu.memory_space<vmem>> -> memref<40xi32, #tpu.memory_space<vmem>>
      %dma_wait3A_79 = arith.constant 0 : i32
      %dma_wait3A_80 = arith.constant 0 : i32
      %dma_wait3A_81 = tpu.memref_slice %arg2[%dma_wait3A_79, %dma_wait3A_80] : memref<10000x128xbf16, #tpu.memory_space<hbm>> -> memref<10000x128xbf16, #tpu.memory_space<hbm>>
      tpu.wait_indirect_dma semaphore(%arg15 : memref<!tpu.dma_semaphore, #tpu.memory_space<semaphore_mem>>) src(%dma_wait3A_81 : memref<10000x128xbf16, #tpu.memory_space<hbm>>) dst(%arg10 : memref<40x128xbf16, #tpu.memory_space<vmem>>)
      %dma_start3A = arith.constant 0 : i32
      %dma_start3A_82 = tpu.memref_slice %arg9[%add3A_71, %dma_start3A] : memref<256x40xi32, #tpu.memory_space<vmem>> -> memref<1x40xi32, #tpu.memory_space<vmem>>
      %dma_start3A_83 = tpu.memref_squeeze %dma_start3A_82 : memref<1x40xi32, #tpu.memory_space<vmem>> -> memref<40xi32, #tpu.memory_space<vmem>>
      %dma_start3A_84 = arith.constant 0 : i32
      %dma_start3A_85 = arith.constant 0 : i32
      %dma_start3A_86 = tpu.memref_slice %arg14[%dma_start3A_84, %dma_start3A_85] : memref<10112x128xbf16, #tpu.memory_space<vmem_shared>> -> memref<10112x128xbf16, #tpu.memory_space<vmem_shared>>
      tpu.enqueue_indirect_dma source(%arg10 : memref<40x128xbf16, #tpu.memory_space<vmem>>) target(%dma_start3A_86 : memref<10112x128xbf16, #tpu.memory_space<vmem_shared>>) offsets(%dma_start3A_83 : memref<40xi32, #tpu.memory_space<vmem>>) semaphore(%arg19 : memref<!tpu.dma_semaphore, #tpu.memory_space<semaphore_mem>>) {add = true}
      %mul3A_87 = arith.constant 4 : i32
      %mul3A_88 = arith.muli %scan3A_68, %mul3A_87 : i32
      %add3A_89 = arith.constant 1 : i32
      %add3A_90 = arith.addi %mul3A_88, %add3A_89 : i32
      %ge3A_91 = arith.constant 3 : i32
      %ge3A_92 = arith.cmpi sge, %add3A_90, %ge3A_91 : i32
      %convert_element_type3A_93 = arith.extui %ge3A_92 : i1 to i32
      %cond3A_94 = arith.constant 0 : i32
      %cond3A_95 = arith.cmpi ne, %convert_element_type3A_93, %cond3A_94 : i32
      scf.if %cond3A_95 {
        %sub3A = arith.constant 3 : i32
        %sub3A_150 = arith.subi %add3A_90, %sub3A : i32
        %dma_wait3A_151 = arith.constant 0 : i32
        %dma_wait3A_152 = tpu.memref_slice %arg9[%sub3A_150, %dma_wait3A_151] : memref<256x40xi32, #tpu.memory_space<vmem>> -> memref<1x40xi32, #tpu.memory_space<vmem>>
        %dma_wait3A_153 = tpu.memref_squeeze %dma_wait3A_152 : memref<1x40xi32, #tpu.memory_space<vmem>> -> memref<40xi32, #tpu.memory_space<vmem>>
        %dma_wait3A_154 = arith.constant 0 : i32
        %dma_wait3A_155 = arith.constant 0 : i32
        %dma_wait3A_156 = tpu.memref_slice %arg14[%dma_wait3A_154, %dma_wait3A_155] : memref<10112x128xbf16, #tpu.memory_space<vmem_shared>> -> memref<10112x128xbf16, #tpu.memory_space<vmem_shared>>
        tpu.wait_indirect_dma semaphore(%arg21 : memref<!tpu.dma_semaphore, #tpu.memory_space<semaphore_mem>>) src(%arg12 : memref<40x128xbf16, #tpu.memory_space<vmem>>) dst(%dma_wait3A_156 : memref<10112x128xbf16, #tpu.memory_space<vmem_shared>>)
        %add3A_157 = arith.constant 1 : i32
        %add3A_158 = arith.addi %add3A_90, %add3A_157 : i32
        %lt3A = arith.constant 256 : i32
        %lt3A_159 = arith.cmpi slt, %add3A_158, %lt3A : i32
        %convert_element_type3A_160 = arith.extui %lt3A_159 : i1 to i32
        %cond3A_161 = arith.constant 0 : i32
        %cond3A_162 = arith.cmpi ne, %convert_element_type3A_160, %cond3A_161 : i32
        scf.if %cond3A_162 {
          %add3A_163 = arith.constant 1 : i32
          %add3A_164 = arith.addi %add3A_90, %add3A_163 : i32
          %eq3A_165 = arith.constant 0 : i32
          %eq3A_166 = arith.cmpi eq, %arg0, %eq3A_165 : i32
          %convert_element_type3A_167 = arith.extui %eq3A_166 : i1 to i32
          %cond3A_168 = arith.constant 0 : i32
          %cond3A_169 = arith.cmpi ne, %convert_element_type3A_167, %cond3A_168 : i32
          scf.if %cond3A_169 {
            %dma_start3A_175 = arith.constant 0 : i32
            %dma_start3A_176 = tpu.memref_slice %arg8[%add3A_164, %dma_start3A_175] : memref<256x40xi32, #tpu.memory_space<vmem>> -> memref<1x40xi32, #tpu.memory_space<vmem>>
            %dma_start3A_177 = tpu.memref_squeeze %dma_start3A_176 : memref<1x40xi32, #tpu.memory_space<vmem>> -> memref<40xi32, #tpu.memory_space<vmem>>
            %dma_start3A_178 = arith.constant 0 : i32
            %dma_start3A_179 = arith.constant 0 : i32
            %dma_start3A_180 = tpu.memref_slice %arg2[%dma_start3A_178, %dma_start3A_179] : memref<10000x128xbf16, #tpu.memory_space<hbm>> -> memref<10000x128xbf16, #tpu.memory_space<hbm>>
            tpu.enqueue_indirect_dma source(%dma_start3A_180 : memref<10000x128xbf16, #tpu.memory_space<hbm>>) target(%arg12 : memref<40x128xbf16, #tpu.memory_space<vmem>>) offsets(%dma_start3A_177 : memref<40xi32, #tpu.memory_space<vmem>>) semaphore(%arg17 : memref<!tpu.dma_semaphore, #tpu.memory_space<semaphore_mem>>)
          } else {
          }
          %eq3A_170 = arith.constant 1 : i32
          %eq3A_171 = arith.cmpi eq, %arg0, %eq3A_170 : i32
          %convert_element_type3A_172 = arith.extui %eq3A_171 : i1 to i32
          %cond3A_173 = arith.constant 0 : i32
          %cond3A_174 = arith.cmpi ne, %convert_element_type3A_172, %cond3A_173 : i32
          scf.if %cond3A_174 {
            %dma_start3A_175 = arith.constant 0 : i32
            %dma_start3A_176 = tpu.memref_slice %arg8[%add3A_164, %dma_start3A_175] : memref<256x40xi32, #tpu.memory_space<vmem>> -> memref<1x40xi32, #tpu.memory_space<vmem>>
            %dma_start3A_177 = tpu.memref_squeeze %dma_start3A_176 : memref<1x40xi32, #tpu.memory_space<vmem>> -> memref<40xi32, #tpu.memory_space<vmem>>
            %dma_start3A_178 = arith.constant 0 : i32
            %dma_start3A_179 = arith.constant 0 : i32
            %dma_start3A_180 = tpu.memref_slice %arg3[%dma_start3A_178, %dma_start3A_179] : memref<10000x128xbf16, #tpu.memory_space<hbm>> -> memref<10000x128xbf16, #tpu.memory_space<hbm>>
            tpu.enqueue_indirect_dma source(%dma_start3A_180 : memref<10000x128xbf16, #tpu.memory_space<hbm>>) target(%arg12 : memref<40x128xbf16, #tpu.memory_space<vmem>>) offsets(%dma_start3A_177 : memref<40xi32, #tpu.memory_space<vmem>>) semaphore(%arg17 : memref<!tpu.dma_semaphore, #tpu.memory_space<semaphore_mem>>)
          } else {
          }
        } else {
        }
      } else {
      }
      %dma_wait3A_96 = arith.constant 0 : i32
      %dma_wait3A_97 = tpu.memref_slice %arg8[%add3A_90, %dma_wait3A_96] : memref<256x40xi32, #tpu.memory_space<vmem>> -> memref<1x40xi32, #tpu.memory_space<vmem>>
      %dma_wait3A_98 = tpu.memref_squeeze %dma_wait3A_97 : memref<1x40xi32, #tpu.memory_space<vmem>> -> memref<40xi32, #tpu.memory_space<vmem>>
      %dma_wait3A_99 = arith.constant 0 : i32
      %dma_wait3A_100 = arith.constant 0 : i32
      %dma_wait3A_101 = tpu.memref_slice %arg2[%dma_wait3A_99, %dma_wait3A_100] : memref<10000x128xbf16, #tpu.memory_space<hbm>> -> memref<10000x128xbf16, #tpu.memory_space<hbm>>
      tpu.wait_indirect_dma semaphore(%arg16 : memref<!tpu.dma_semaphore, #tpu.memory_space<semaphore_mem>>) src(%dma_wait3A_101 : memref<10000x128xbf16, #tpu.memory_space<hbm>>) dst(%arg11 : memref<40x128xbf16, #tpu.memory_space<vmem>>)
      %dma_start3A_102 = arith.constant 0 : i32
      %dma_start3A_103 = tpu.memref_slice %arg9[%add3A_90, %dma_start3A_102] : memref<256x40xi32, #tpu.memory_space<vmem>> -> memref<1x40xi32, #tpu.memory_space<vmem>>
      %dma_start3A_104 = tpu.memref_squeeze %dma_start3A_103 : memref<1x40xi32, #tpu.memory_space<vmem>> -> memref<40xi32, #tpu.memory_space<vmem>>
      %dma_start3A_105 = arith.constant 0 : i32
      %dma_start3A_106 = arith.constant 0 : i32
      %dma_start3A_107 = tpu.memref_slice %arg14[%dma_start3A_105, %dma_start3A_106] : memref<10112x128xbf16, #tpu.memory_space<vmem_shared>> -> memref<10112x128xbf16, #tpu.memory_space<vmem_shared>>
      tpu.enqueue_indirect_dma source(%arg11 : memref<40x128xbf16, #tpu.memory_space<vmem>>) target(%dma_start3A_107 : memref<10112x128xbf16, #tpu.memory_space<vmem_shared>>) offsets(%dma_start3A_104 : memref<40xi32, #tpu.memory_space<vmem>>) semaphore(%arg20 : memref<!tpu.dma_semaphore, #tpu.memory_space<semaphore_mem>>) {add = true}
      %mul3A_108 = arith.constant 4 : i32
      %mul3A_109 = arith.muli %scan3A_68, %mul3A_108 : i32
      %add3A_110 = arith.constant 2 : i32
      %add3A_111 = arith.addi %mul3A_109, %add3A_110 : i32
      %ge3A_112 = arith.constant 3 : i32
      %ge3A_113 = arith.cmpi sge, %add3A_111, %ge3A_112 : i32
      %convert_element_type3A_114 = arith.extui %ge3A_113 : i1 to i32
      %cond3A_115 = arith.constant 0 : i32
      %cond3A_116 = arith.cmpi ne, %convert_element_type3A_114, %cond3A_115 : i32
      scf.if %cond3A_116 {
        %sub3A = arith.constant 3 : i32
        %sub3A_150 = arith.subi %add3A_111, %sub3A : i32
        %dma_wait3A_151 = arith.constant 0 : i32
        %dma_wait3A_152 = tpu.memref_slice %arg9[%sub3A_150, %dma_wait3A_151] : memref<256x40xi32, #tpu.memory_space<vmem>> -> memref<1x40xi32, #tpu.memory_space<vmem>>
        %dma_wait3A_153 = tpu.memref_squeeze %dma_wait3A_152 : memref<1x40xi32, #tpu.memory_space<vmem>> -> memref<40xi32, #tpu.memory_space<vmem>>
        %dma_wait3A_154 = arith.constant 0 : i32
        %dma_wait3A_155 = arith.constant 0 : i32
        %dma_wait3A_156 = tpu.memref_slice %arg14[%dma_wait3A_154, %dma_wait3A_155] : memref<10112x128xbf16, #tpu.memory_space<vmem_shared>> -> memref<10112x128xbf16, #tpu.memory_space<vmem_shared>>
        tpu.wait_indirect_dma semaphore(%arg22 : memref<!tpu.dma_semaphore, #tpu.memory_space<semaphore_mem>>) src(%arg13 : memref<40x128xbf16, #tpu.memory_space<vmem>>) dst(%dma_wait3A_156 : memref<10112x128xbf16, #tpu.memory_space<vmem_shared>>)
        %add3A_157 = arith.constant 1 : i32
        %add3A_158 = arith.addi %add3A_111, %add3A_157 : i32
        %lt3A = arith.constant 256 : i32
        %lt3A_159 = arith.cmpi slt, %add3A_158, %lt3A : i32
        %convert_element_type3A_160 = arith.extui %lt3A_159 : i1 to i32
        %cond3A_161 = arith.constant 0 : i32
        %cond3A_162 = arith.cmpi ne, %convert_element_type3A_160, %cond3A_161 : i32
        scf.if %cond3A_162 {
          %add3A_163 = arith.constant 1 : i32
          %add3A_164 = arith.addi %add3A_111, %add3A_163 : i32
          %eq3A_165 = arith.constant 0 : i32
          %eq3A_166 = arith.cmpi eq, %arg0, %eq3A_165 : i32
          %convert_element_type3A_167 = arith.extui %eq3A_166 : i1 to i32
          %cond3A_168 = arith.constant 0 : i32
          %cond3A_169 = arith.cmpi ne, %convert_element_type3A_167, %cond3A_168 : i32
          scf.if %cond3A_169 {
            %dma_start3A_175 = arith.constant 0 : i32
            %dma_start3A_176 = tpu.memref_slice %arg8[%add3A_164, %dma_start3A_175] : memref<256x40xi32, #tpu.memory_space<vmem>> -> memref<1x40xi32, #tpu.memory_space<vmem>>
            %dma_start3A_177 = tpu.memref_squeeze %dma_start3A_176 : memref<1x40xi32, #tpu.memory_space<vmem>> -> memref<40xi32, #tpu.memory_space<vmem>>
            %dma_start3A_178 = arith.constant 0 : i32
            %dma_start3A_179 = arith.constant 0 : i32
            %dma_start3A_180 = tpu.memref_slice %arg2[%dma_start3A_178, %dma_start3A_179] : memref<10000x128xbf16, #tpu.memory_space<hbm>> -> memref<10000x128xbf16, #tpu.memory_space<hbm>>
            tpu.enqueue_indirect_dma source(%dma_start3A_180 : memref<10000x128xbf16, #tpu.memory_space<hbm>>) target(%arg13 : memref<40x128xbf16, #tpu.memory_space<vmem>>) offsets(%dma_start3A_177 : memref<40xi32, #tpu.memory_space<vmem>>) semaphore(%arg18 : memref<!tpu.dma_semaphore, #tpu.memory_space<semaphore_mem>>)
          } else {
          }
          %eq3A_170 = arith.constant 1 : i32
          %eq3A_171 = arith.cmpi eq, %arg0, %eq3A_170 : i32
          %convert_element_type3A_172 = arith.extui %eq3A_171 : i1 to i32
          %cond3A_173 = arith.constant 0 : i32
          %cond3A_174 = arith.cmpi ne, %convert_element_type3A_172, %cond3A_173 : i32
          scf.if %cond3A_174 {
            %dma_start3A_175 = arith.constant 0 : i32
            %dma_start3A_176 = tpu.memref_slice %arg8[%add3A_164, %dma_start3A_175] : memref<256x40xi32, #tpu.memory_space<vmem>> -> memref<1x40xi32, #tpu.memory_space<vmem>>
            %dma_start3A_177 = tpu.memref_squeeze %dma_start3A_176 : memref<1x40xi32, #tpu.memory_space<vmem>> -> memref<40xi32, #tpu.memory_space<vmem>>
            %dma_start3A_178 = arith.constant 0 : i32
            %dma_start3A_179 = arith.constant 0 : i32
            %dma_start3A_180 = tpu.memref_slice %arg3[%dma_start3A_178, %dma_start3A_179] : memref<10000x128xbf16, #tpu.memory_space<hbm>> -> memref<10000x128xbf16, #tpu.memory_space<hbm>>
            tpu.enqueue_indirect_dma source(%dma_start3A_180 : memref<10000x128xbf16, #tpu.memory_space<hbm>>) target(%arg13 : memref<40x128xbf16, #tpu.memory_space<vmem>>) offsets(%dma_start3A_177 : memref<40xi32, #tpu.memory_space<vmem>>) semaphore(%arg18 : memref<!tpu.dma_semaphore, #tpu.memory_space<semaphore_mem>>)
          } else {
          }
        } else {
        }
      } else {
      }
      %dma_wait3A_117 = arith.constant 0 : i32
      %dma_wait3A_118 = tpu.memref_slice %arg8[%add3A_111, %dma_wait3A_117] : memref<256x40xi32, #tpu.memory_space<vmem>> -> memref<1x40xi32, #tpu.memory_space<vmem>>
      %dma_wait3A_119 = tpu.memref_squeeze %dma_wait3A_118 : memref<1x40xi32, #tpu.memory_space<vmem>> -> memref<40xi32, #tpu.memory_space<vmem>>
      %dma_wait3A_120 = arith.constant 0 : i32
      %dma_wait3A_121 = arith.constant 0 : i32
      %dma_wait3A_122 = tpu.memref_slice %arg2[%dma_wait3A_120, %dma_wait3A_121] : memref<10000x128xbf16, #tpu.memory_space<hbm>> -> memref<10000x128xbf16, #tpu.memory_space<hbm>>
      tpu.wait_indirect_dma semaphore(%arg17 : memref<!tpu.dma_semaphore, #tpu.memory_space<semaphore_mem>>) src(%dma_wait3A_122 : memref<10000x128xbf16, #tpu.memory_space<hbm>>) dst(%arg12 : memref<40x128xbf16, #tpu.memory_space<vmem>>)
      %dma_start3A_123 = arith.constant 0 : i32
      %dma_start3A_124 = tpu.memref_slice %arg9[%add3A_111, %dma_start3A_123] : memref<256x40xi32, #tpu.memory_space<vmem>> -> memref<1x40xi32, #tpu.memory_space<vmem>>
      %dma_start3A_125 = tpu.memref_squeeze %dma_start3A_124 : memref<1x40xi32, #tpu.memory_space<vmem>> -> memref<40xi32, #tpu.memory_space<vmem>>
      %dma_start3A_126 = arith.constant 0 : i32
      %dma_start3A_127 = arith.constant 0 : i32
      %dma_start3A_128 = tpu.memref_slice %arg14[%dma_start3A_126, %dma_start3A_127] : memref<10112x128xbf16, #tpu.memory_space<vmem_shared>> -> memref<10112x128xbf16, #tpu.memory_space<vmem_shared>>
      tpu.enqueue_indirect_dma source(%arg12 : memref<40x128xbf16, #tpu.memory_space<vmem>>) target(%dma_start3A_128 : memref<10112x128xbf16, #tpu.memory_space<vmem_shared>>) offsets(%dma_start3A_125 : memref<40xi32, #tpu.memory_space<vmem>>) semaphore(%arg21 : memref<!tpu.dma_semaphore, #tpu.memory_space<semaphore_mem>>) {add = true}
      %mul3A_129 = arith.constant 4 : i32
      %mul3A_130 = arith.muli %scan3A_68, %mul3A_129 : i32
      %add3A_131 = arith.constant 3 : i32
      %add3A_132 = arith.addi %mul3A_130, %add3A_131 : i32
      %ge3A_133 = arith.constant 3 : i32
      %ge3A_134 = arith.cmpi sge, %add3A_132, %ge3A_133 : i32
      %convert_element_type3A_135 = arith.extui %ge3A_134 : i1 to i32
      %cond3A_136 = arith.constant 0 : i32
      %cond3A_137 = arith.cmpi ne, %convert_element_type3A_135, %cond3A_136 : i32
      scf.if %cond3A_137 {
        %sub3A = arith.constant 3 : i32
        %sub3A_150 = arith.subi %add3A_132, %sub3A : i32
        %dma_wait3A_151 = arith.constant 0 : i32
        %dma_wait3A_152 = tpu.memref_slice %arg9[%sub3A_150, %dma_wait3A_151] : memref<256x40xi32, #tpu.memory_space<vmem>> -> memref<1x40xi32, #tpu.memory_space<vmem>>
        %dma_wait3A_153 = tpu.memref_squeeze %dma_wait3A_152 : memref<1x40xi32, #tpu.memory_space<vmem>> -> memref<40xi32, #tpu.memory_space<vmem>>
        %dma_wait3A_154 = arith.constant 0 : i32
        %dma_wait3A_155 = arith.constant 0 : i32
        %dma_wait3A_156 = tpu.memref_slice %arg14[%dma_wait3A_154, %dma_wait3A_155] : memref<10112x128xbf16, #tpu.memory_space<vmem_shared>> -> memref<10112x128xbf16, #tpu.memory_space<vmem_shared>>
        tpu.wait_indirect_dma semaphore(%arg19 : memref<!tpu.dma_semaphore, #tpu.memory_space<semaphore_mem>>) src(%arg10 : memref<40x128xbf16, #tpu.memory_space<vmem>>) dst(%dma_wait3A_156 : memref<10112x128xbf16, #tpu.memory_space<vmem_shared>>)
        %add3A_157 = arith.constant 1 : i32
        %add3A_158 = arith.addi %add3A_132, %add3A_157 : i32
        %lt3A = arith.constant 256 : i32
        %lt3A_159 = arith.cmpi slt, %add3A_158, %lt3A : i32
        %convert_element_type3A_160 = arith.extui %lt3A_159 : i1 to i32
        %cond3A_161 = arith.constant 0 : i32
        %cond3A_162 = arith.cmpi ne, %convert_element_type3A_160, %cond3A_161 : i32
        scf.if %cond3A_162 {
          %add3A_163 = arith.constant 1 : i32
          %add3A_164 = arith.addi %add3A_132, %add3A_163 : i32
          %eq3A_165 = arith.constant 0 : i32
          %eq3A_166 = arith.cmpi eq, %arg0, %eq3A_165 : i32
          %convert_element_type3A_167 = arith.extui %eq3A_166 : i1 to i32
          %cond3A_168 = arith.constant 0 : i32
          %cond3A_169 = arith.cmpi ne, %convert_element_type3A_167, %cond3A_168 : i32
          scf.if %cond3A_169 {
            %dma_start3A_175 = arith.constant 0 : i32
            %dma_start3A_176 = tpu.memref_slice %arg8[%add3A_164, %dma_start3A_175] : memref<256x40xi32, #tpu.memory_space<vmem>> -> memref<1x40xi32, #tpu.memory_space<vmem>>
            %dma_start3A_177 = tpu.memref_squeeze %dma_start3A_176 : memref<1x40xi32, #tpu.memory_space<vmem>> -> memref<40xi32, #tpu.memory_space<vmem>>
            %dma_start3A_178 = arith.constant 0 : i32
            %dma_start3A_179 = arith.constant 0 : i32
            %dma_start3A_180 = tpu.memref_slice %arg2[%dma_start3A_178, %dma_start3A_179] : memref<10000x128xbf16, #tpu.memory_space<hbm>> -> memref<10000x128xbf16, #tpu.memory_space<hbm>>
            tpu.enqueue_indirect_dma source(%dma_start3A_180 : memref<10000x128xbf16, #tpu.memory_space<hbm>>) target(%arg10 : memref<40x128xbf16, #tpu.memory_space<vmem>>) offsets(%dma_start3A_177 : memref<40xi32, #tpu.memory_space<vmem>>) semaphore(%arg15 : memref<!tpu.dma_semaphore, #tpu.memory_space<semaphore_mem>>)
          } else {
          }
          %eq3A_170 = arith.constant 1 : i32
          %eq3A_171 = arith.cmpi eq, %arg0, %eq3A_170 : i32
          %convert_element_type3A_172 = arith.extui %eq3A_171 : i1 to i32
          %cond3A_173 = arith.constant 0 : i32
          %cond3A_174 = arith.cmpi ne, %convert_element_type3A_172, %cond3A_173 : i32
          scf.if %cond3A_174 {
            %dma_start3A_175 = arith.constant 0 : i32
            %dma_start3A_176 = tpu.memref_slice %arg8[%add3A_164, %dma_start3A_175] : memref<256x40xi32, #tpu.memory_space<vmem>> -> memref<1x40xi32, #tpu.memory_space<vmem>>
            %dma_start3A_177 = tpu.memref_squeeze %dma_start3A_176 : memref<1x40xi32, #tpu.memory_space<vmem>> -> memref<40xi32, #tpu.memory_space<vmem>>
            %dma_start3A_178 = arith.constant 0 : i32
            %dma_start3A_179 = arith.constant 0 : i32
            %dma_start3A_180 = tpu.memref_slice %arg3[%dma_start3A_178, %dma_start3A_179] : memref<10000x128xbf16, #tpu.memory_space<hbm>> -> memref<10000x128xbf16, #tpu.memory_space<hbm>>
            tpu.enqueue_indirect_dma source(%dma_start3A_180 : memref<10000x128xbf16, #tpu.memory_space<hbm>>) target(%arg10 : memref<40x128xbf16, #tpu.memory_space<vmem>>) offsets(%dma_start3A_177 : memref<40xi32, #tpu.memory_space<vmem>>) semaphore(%arg15 : memref<!tpu.dma_semaphore, #tpu.memory_space<semaphore_mem>>)
          } else {
          }
        } else {
        }
      } else {
      }
      %dma_wait3A_138 = arith.constant 0 : i32
      %dma_wait3A_139 = tpu.memref_slice %arg8[%add3A_132, %dma_wait3A_138] : memref<256x40xi32, #tpu.memory_space<vmem>> -> memref<1x40xi32, #tpu.memory_space<vmem>>
      %dma_wait3A_140 = tpu.memref_squeeze %dma_wait3A_139 : memref<1x40xi32, #tpu.memory_space<vmem>> -> memref<40xi32, #tpu.memory_space<vmem>>
      %dma_wait3A_141 = arith.constant 0 : i32
      %dma_wait3A_142 = arith.constant 0 : i32
      %dma_wait3A_143 = tpu.memref_slice %arg2[%dma_wait3A_141, %dma_wait3A_142] : memref<10000x128xbf16, #tpu.memory_space<hbm>> -> memref<10000x128xbf16, #tpu.memory_space<hbm>>
      tpu.wait_indirect_dma semaphore(%arg18 : memref<!tpu.dma_semaphore, #tpu.memory_space<semaphore_mem>>) src(%dma_wait3A_143 : memref<10000x128xbf16, #tpu.memory_space<hbm>>) dst(%arg13 : memref<40x128xbf16, #tpu.memory_space<vmem>>)
      %dma_start3A_144 = arith.constant 0 : i32
      %dma_start3A_145 = tpu.memref_slice %arg9[%add3A_132, %dma_start3A_144] : memref<256x40xi32, #tpu.memory_space<vmem>> -> memref<1x40xi32, #tpu.memory_space<vmem>>
      %dma_start3A_146 = tpu.memref_squeeze %dma_start3A_145 : memref<1x40xi32, #tpu.memory_space<vmem>> -> memref<40xi32, #tpu.memory_space<vmem>>
      %dma_start3A_147 = arith.constant 0 : i32
      %dma_start3A_148 = arith.constant 0 : i32
      %dma_start3A_149 = tpu.memref_slice %arg14[%dma_start3A_147, %dma_start3A_148] : memref<10112x128xbf16, #tpu.memory_space<vmem_shared>> -> memref<10112x128xbf16, #tpu.memory_space<vmem_shared>>
      tpu.enqueue_indirect_dma source(%arg13 : memref<40x128xbf16, #tpu.memory_space<vmem>>) target(%dma_start3A_149 : memref<10112x128xbf16, #tpu.memory_space<vmem_shared>>) offsets(%dma_start3A_146 : memref<40xi32, #tpu.memory_space<vmem>>) semaphore(%arg22 : memref<!tpu.dma_semaphore, #tpu.memory_space<semaphore_mem>>) {add = true}
    }
    %scan3A_46 = arith.constant 64 : i32
    %dma_wait3A = arith.constant 253 : i32
    %dma_wait3A_47 = arith.constant 0 : i32
    %dma_wait3A_48 = tpu.memref_slice %arg9[%dma_wait3A, %dma_wait3A_47] : memref<256x40xi32, #tpu.memory_space<vmem>> -> memref<1x40xi32, #tpu.memory_space<vmem>>
    %dma_wait3A_49 = tpu.memref_squeeze %dma_wait3A_48 : memref<1x40xi32, #tpu.memory_space<vmem>> -> memref<40xi32, #tpu.memory_space<vmem>>
    %dma_wait3A_50 = arith.constant 0 : i32
    %dma_wait3A_51 = arith.constant 0 : i32
    %dma_wait3A_52 = tpu.memref_slice %arg14[%dma_wait3A_50, %dma_wait3A_51] : memref<10112x128xbf16, #tpu.memory_space<vmem_shared>> -> memref<10112x128xbf16, #tpu.memory_space<vmem_shared>>
    tpu.wait_indirect_dma semaphore(%arg20 : memref<!tpu.dma_semaphore, #tpu.memory_space<semaphore_mem>>) src(%arg11 : memref<40x128xbf16, #tpu.memory_space<vmem>>) dst(%dma_wait3A_52 : memref<10112x128xbf16, #tpu.memory_space<vmem_shared>>)
    %dma_wait3A_53 = arith.constant 254 : i32
    %dma_wait3A_54 = arith.constant 0 : i32
    %dma_wait3A_55 = tpu.memref_slice %arg9[%dma_wait3A_53, %dma_wait3A_54] : memref<256x40xi32, #tpu.memory_space<vmem>> -> memref<1x40xi32, #tpu.memory_space<vmem>>
    %dma_wait3A_56 = tpu.memref_squeeze %dma_wait3A_55 : memref<1x40xi32, #tpu.memory_space<vmem>> -> memref<40xi32, #tpu.memory_space<vmem>>
    %dma_wait3A_57 = arith.constant 0 : i32
    %dma_wait3A_58 = arith.constant 0 : i32
    %dma_wait3A_59 = tpu.memref_slice %arg14[%dma_wait3A_57, %dma_wait3A_58] : memref<10112x128xbf16, #tpu.memory_space<vmem_shared>> -> memref<10112x128xbf16, #tpu.memory_space<vmem_shared>>
    tpu.wait_indirect_dma semaphore(%arg21 : memref<!tpu.dma_semaphore, #tpu.memory_space<semaphore_mem>>) src(%arg12 : memref<40x128xbf16, #tpu.memory_space<vmem>>) dst(%dma_wait3A_59 : memref<10112x128xbf16, #tpu.memory_space<vmem_shared>>)
    %dma_wait3A_60 = arith.constant 255 : i32
    %dma_wait3A_61 = arith.constant 0 : i32
    %dma_wait3A_62 = tpu.memref_slice %arg9[%dma_wait3A_60, %dma_wait3A_61] : memref<256x40xi32, #tpu.memory_space<vmem>> -> memref<1x40xi32, #tpu.memory_space<vmem>>
    %dma_wait3A_63 = tpu.memref_squeeze %dma_wait3A_62 : memref<1x40xi32, #tpu.memory_space<vmem>> -> memref<40xi32, #tpu.memory_space<vmem>>
    %dma_wait3A_64 = arith.constant 0 : i32
    %dma_wait3A_65 = arith.constant 0 : i32
    %dma_wait3A_66 = tpu.memref_slice %arg14[%dma_wait3A_64, %dma_wait3A_65] : memref<10112x128xbf16, #tpu.memory_space<vmem_shared>> -> memref<10112x128xbf16, #tpu.memory_space<vmem_shared>>
    tpu.wait_indirect_dma semaphore(%arg22 : memref<!tpu.dma_semaphore, #tpu.memory_space<semaphore_mem>>) src(%arg13 : memref<40x128xbf16, #tpu.memory_space<vmem>>) dst(%dma_wait3A_66 : memref<10112x128xbf16, #tpu.memory_space<vmem_shared>>)
    %barrier3A_67 = arith.constant 0 : index
    tpu.barrier barrier_id(%barrier3A_67)
    "tpu.region"() ({
      %run_scoped3A = tpu.sem_alloc : memref<!tpu.dma_semaphore, #tpu.memory_space<semaphore_mem>>
      %dma_start3A = arith.constant 0 : i32
      %dma_start3A_68 = tpu.memref_slice %arg7[%arg0, %mul3A_0, %dma_start3A] : memref<2x10112x128xbf16, #tpu.memory_space<hbm>> -> memref<1x632x128xbf16, #tpu.memory_space<hbm>>
      %dma_start3A_69 = tpu.memref_squeeze %dma_start3A_68 : memref<1x632x128xbf16, #tpu.memory_space<hbm>> -> memref<632x128xbf16, #tpu.memory_space<hbm>>
      %dma_start3A_70 = arith.constant 0 : i32
      %dma_start3A_71 = tpu.memref_slice %arg14[%mul3A_0, %dma_start3A_70] : memref<10112x128xbf16, #tpu.memory_space<vmem_shared>> -> memref<632x128xbf16, #tpu.memory_space<vmem_shared>>
      tpu.enqueue_dma source(%dma_start3A_71 : memref<632x128xbf16, #tpu.memory_space<vmem_shared>>) target(%dma_start3A_69 : memref<632x128xbf16, #tpu.memory_space<hbm>>) target_semaphore(%run_scoped3A : memref<!tpu.dma_semaphore, #tpu.memory_space<semaphore_mem>>)
      %dma_wait3A_72 = arith.constant 0 : i32
      %dma_wait3A_73 = tpu.memref_slice %arg7[%arg0, %mul3A_0, %dma_wait3A_72] : memref<2x10112x128xbf16, #tpu.memory_space<hbm>> -> memref<1x632x128xbf16, #tpu.memory_space<hbm>>
      %dma_wait3A_74 = tpu.memref_squeeze %dma_wait3A_73 : memref<1x632x128xbf16, #tpu.memory_space<hbm>> -> memref<632x128xbf16, #tpu.memory_space<hbm>>
      %dma_wait3A_75 = arith.constant 0 : i32
      %dma_wait3A_76 = tpu.memref_slice %arg14[%mul3A_0, %dma_wait3A_75] : memref<10112x128xbf16, #tpu.memory_space<vmem_shared>> -> memref<632x128xbf16, #tpu.memory_space<vmem_shared>>
      tpu.wait_dma2 semaphore(%run_scoped3A : memref<!tpu.dma_semaphore, #tpu.memory_space<semaphore_mem>>) src(%dma_wait3A_76 : memref<632x128xbf16, #tpu.memory_space<vmem_shared>>) dst(%dma_wait3A_74 : memref<632x128xbf16, #tpu.memory_space<hbm>>)
      tpu.yield
    }) : () -> ()
    return
  }
}

#map = affine_map<(d0, d1) -> (0, 0)>
#map1 = affine_map<(d0, d1) -> (0)>
#map2 = affine_map<(d0, d1) -> (0, 0, 0)>
module attributes {stable_mosaic.version = 14 : i64} {
  func.func @_p5b_body(%arg0: i32, %arg1: i32, %arg2: memref<1280x128xi32, #tpu.memory_space<hbm>>, %arg3: memref<1280x128xi32, #tpu.memory_space<hbm>>, %arg4: memref<10000xf32, #tpu.memory_space<hbm>>, %arg5: memref<16x163840xf32, #tpu.memory_space<hbm>>, %arg6: memref<632x32xf32, #tpu.memory_space<hbm>>, %arg7: memref<2x10112x32xf32, #tpu.memory_space<hbm>>, %arg8: memref<40x128xi32, #tpu.memory_space<vmem>>, %arg9: memref<40x128xi32, #tpu.memory_space<vmem>>, %arg10: memref<16x128xf32, #tpu.memory_space<vmem>>, %arg11: memref<16x128xf32, #tpu.memory_space<vmem>>, %arg12: memref<128x32xf32, #tpu.memory_space<vmem>>, %arg13: memref<128x32xf32, #tpu.memory_space<vmem>>, %arg14: memref<10000xf32, #tpu.memory_space<vmem>>, %arg15: memref<10112x32xf32, #tpu.memory_space<vmem_shared>>, %arg16: memref<!tpu.dma_semaphore, #tpu.memory_space<semaphore_mem>>, %arg17: memref<!tpu.dma_semaphore, #tpu.memory_space<semaphore_mem>>, %arg18: memref<!tpu.dma_semaphore, #tpu.memory_space<semaphore_mem>>, %arg19: memref<!tpu.dma_semaphore, #tpu.memory_space<semaphore_mem>>) attributes {dimension_semantics = [#tpu.dimension_semantics<core_parallel>, #tpu.dimension_semantics<subcore_parallel>], iteration_bounds = array<i64: 2, 16>, scalar_prefetch = 0 : i64, scratch_operands = 12 : i64, tpu.core_type = #tpu.core_type<sc_vector_subcore>, window_params = [{transform_indices = #map}, {transform_indices = #map}, {transform_indices = #map1}, {transform_indices = #map}, {transform_indices = #map}, {transform_indices = #map2}]} {
    %mul3A = arith.constant 632 : i32
    %mul3A_0 = arith.muli %arg1, %mul3A : i32
    %mul3A_1 = arith.constant 16 : i32
    %mul3A_2 = arith.muli %arg0, %mul3A_1 : i32
    %add3A = arith.addi %mul3A_2, %arg1 : i32
    "tpu.region"() ({
      %run_scoped3A = tpu.sem_alloc : memref<!tpu.dma_semaphore, #tpu.memory_space<semaphore_mem>>
      %dma_start3A_33 = arith.constant 0 : i32
      %dma_start3A_34 = tpu.memref_slice %arg15[%mul3A_0, %dma_start3A_33] : memref<10112x32xf32, #tpu.memory_space<vmem_shared>> -> memref<632x32xf32, #tpu.memory_space<vmem_shared>>
      tpu.enqueue_dma source(%arg6 : memref<632x32xf32, #tpu.memory_space<hbm>>) target(%dma_start3A_34 : memref<632x32xf32, #tpu.memory_space<vmem_shared>>) target_semaphore(%run_scoped3A : memref<!tpu.dma_semaphore, #tpu.memory_space<semaphore_mem>>)
      %dma_wait3A_35 = arith.constant 0 : i32
      %dma_wait3A_36 = tpu.memref_slice %arg15[%mul3A_0, %dma_wait3A_35] : memref<10112x32xf32, #tpu.memory_space<vmem_shared>> -> memref<632x32xf32, #tpu.memory_space<vmem_shared>>
      tpu.wait_dma2 semaphore(%run_scoped3A : memref<!tpu.dma_semaphore, #tpu.memory_space<semaphore_mem>>) src(%arg6 : memref<632x32xf32, #tpu.memory_space<hbm>>) dst(%dma_wait3A_36 : memref<632x32xf32, #tpu.memory_space<vmem_shared>>)
      tpu.yield
    }) : () -> ()
    "tpu.region"() ({
      %run_scoped3A = tpu.sem_alloc : memref<!tpu.dma_semaphore, #tpu.memory_space<semaphore_mem>>
      %dma_start3A_33 = arith.constant 0 : i32
      %dma_start3A_34 = arith.constant 0 : i32
      %dma_start3A_35 = tpu.memref_slice %arg6[%dma_start3A_33, %dma_start3A_34] : memref<632x32xf32, #tpu.memory_space<hbm>> -> memref<128x32xf32, #tpu.memory_space<hbm>>
      %dma_start3A_36 = arith.constant 0 : i32
      %dma_start3A_37 = arith.constant 0 : i32
      %dma_start3A_38 = tpu.memref_slice %arg6[%dma_start3A_36, %dma_start3A_37] : memref<632x32xf32, #tpu.memory_space<hbm>> -> memref<128x32xf32, #tpu.memory_space<hbm>>
      tpu.enqueue_dma source(%dma_start3A_38 : memref<128x32xf32, #tpu.memory_space<hbm>>) target(%arg12 : memref<128x32xf32, #tpu.memory_space<vmem>>) target_semaphore(%run_scoped3A : memref<!tpu.dma_semaphore, #tpu.memory_space<semaphore_mem>>)
      %dma_wait3A_39 = arith.constant 0 : i32
      %dma_wait3A_40 = arith.constant 0 : i32
      %dma_wait3A_41 = tpu.memref_slice %arg6[%dma_wait3A_39, %dma_wait3A_40] : memref<632x32xf32, #tpu.memory_space<hbm>> -> memref<128x32xf32, #tpu.memory_space<hbm>>
      %dma_wait3A_42 = arith.constant 0 : i32
      %dma_wait3A_43 = arith.constant 0 : i32
      %dma_wait3A_44 = tpu.memref_slice %arg6[%dma_wait3A_42, %dma_wait3A_43] : memref<632x32xf32, #tpu.memory_space<hbm>> -> memref<128x32xf32, #tpu.memory_space<hbm>>
      tpu.wait_dma2 semaphore(%run_scoped3A : memref<!tpu.dma_semaphore, #tpu.memory_space<semaphore_mem>>) src(%dma_wait3A_44 : memref<128x32xf32, #tpu.memory_space<hbm>>) dst(%arg12 : memref<128x32xf32, #tpu.memory_space<vmem>>)
      tpu.yield
    }) : () -> ()
    "tpu.region"() ({
      %run_scoped3A = tpu.sem_alloc : memref<!tpu.dma_semaphore, #tpu.memory_space<semaphore_mem>>
      %dma_start3A_33 = arith.constant 0 : i32
      %dma_start3A_34 = arith.constant 0 : i32
      %dma_start3A_35 = tpu.memref_slice %arg6[%dma_start3A_33, %dma_start3A_34] : memref<632x32xf32, #tpu.memory_space<hbm>> -> memref<128x32xf32, #tpu.memory_space<hbm>>
      %dma_start3A_36 = arith.constant 0 : i32
      %dma_start3A_37 = arith.constant 0 : i32
      %dma_start3A_38 = tpu.memref_slice %arg6[%dma_start3A_36, %dma_start3A_37] : memref<632x32xf32, #tpu.memory_space<hbm>> -> memref<128x32xf32, #tpu.memory_space<hbm>>
      tpu.enqueue_dma source(%dma_start3A_38 : memref<128x32xf32, #tpu.memory_space<hbm>>) target(%arg13 : memref<128x32xf32, #tpu.memory_space<vmem>>) target_semaphore(%run_scoped3A : memref<!tpu.dma_semaphore, #tpu.memory_space<semaphore_mem>>)
      %dma_wait3A_39 = arith.constant 0 : i32
      %dma_wait3A_40 = arith.constant 0 : i32
      %dma_wait3A_41 = tpu.memref_slice %arg6[%dma_wait3A_39, %dma_wait3A_40] : memref<632x32xf32, #tpu.memory_space<hbm>> -> memref<128x32xf32, #tpu.memory_space<hbm>>
      %dma_wait3A_42 = arith.constant 0 : i32
      %dma_wait3A_43 = arith.constant 0 : i32
      %dma_wait3A_44 = tpu.memref_slice %arg6[%dma_wait3A_42, %dma_wait3A_43] : memref<632x32xf32, #tpu.memory_space<hbm>> -> memref<128x32xf32, #tpu.memory_space<hbm>>
      tpu.wait_dma2 semaphore(%run_scoped3A : memref<!tpu.dma_semaphore, #tpu.memory_space<semaphore_mem>>) src(%dma_wait3A_44 : memref<128x32xf32, #tpu.memory_space<hbm>>) dst(%arg13 : memref<128x32xf32, #tpu.memory_space<vmem>>)
      tpu.yield
    }) : () -> ()
    "tpu.region"() ({
      %run_scoped3A = tpu.sem_alloc : memref<!tpu.dma_semaphore, #tpu.memory_space<semaphore_mem>>
      tpu.enqueue_dma source(%arg4 : memref<10000xf32, #tpu.memory_space<hbm>>) target(%arg14 : memref<10000xf32, #tpu.memory_space<vmem>>) target_semaphore(%run_scoped3A : memref<!tpu.dma_semaphore, #tpu.memory_space<semaphore_mem>>)
      tpu.wait_dma2 semaphore(%run_scoped3A : memref<!tpu.dma_semaphore, #tpu.memory_space<semaphore_mem>>) src(%arg4 : memref<10000xf32, #tpu.memory_space<hbm>>) dst(%arg14 : memref<10000xf32, #tpu.memory_space<vmem>>)
      tpu.yield
    }) : () -> ()
    %mul3A_3 = arith.constant 40 : i32
    %mul3A_4 = arith.muli %add3A, %mul3A_3 : i32
    "tpu.region"() ({
      %run_scoped3A = tpu.sem_alloc : memref<!tpu.dma_semaphore, #tpu.memory_space<semaphore_mem>>
      %dma_start3A_33 = arith.constant 0 : i32
      %dma_start3A_34 = tpu.memref_slice %arg2[%mul3A_4, %dma_start3A_33] : memref<1280x128xi32, #tpu.memory_space<hbm>> -> memref<40x128xi32, #tpu.memory_space<hbm>>
      %dma_start3A_35 = arith.constant 0 : i32
      %dma_start3A_36 = tpu.memref_slice %arg2[%mul3A_4, %dma_start3A_35] : memref<1280x128xi32, #tpu.memory_space<hbm>> -> memref<40x128xi32, #tpu.memory_space<hbm>>
      tpu.enqueue_dma source(%dma_start3A_36 : memref<40x128xi32, #tpu.memory_space<hbm>>) target(%arg8 : memref<40x128xi32, #tpu.memory_space<vmem>>) target_semaphore(%run_scoped3A : memref<!tpu.dma_semaphore, #tpu.memory_space<semaphore_mem>>)
      %dma_wait3A_37 = arith.constant 0 : i32
      %dma_wait3A_38 = tpu.memref_slice %arg2[%mul3A_4, %dma_wait3A_37] : memref<1280x128xi32, #tpu.memory_space<hbm>> -> memref<40x128xi32, #tpu.memory_space<hbm>>
      %dma_wait3A_39 = arith.constant 0 : i32
      %dma_wait3A_40 = tpu.memref_slice %arg2[%mul3A_4, %dma_wait3A_39] : memref<1280x128xi32, #tpu.memory_space<hbm>> -> memref<40x128xi32, #tpu.memory_space<hbm>>
      tpu.wait_dma2 semaphore(%run_scoped3A : memref<!tpu.dma_semaphore, #tpu.memory_space<semaphore_mem>>) src(%dma_wait3A_40 : memref<40x128xi32, #tpu.memory_space<hbm>>) dst(%arg8 : memref<40x128xi32, #tpu.memory_space<vmem>>)
      tpu.yield
    }) : () -> ()
    %mul3A_5 = arith.constant 40 : i32
    %mul3A_6 = arith.muli %add3A, %mul3A_5 : i32
    "tpu.region"() ({
      %run_scoped3A = tpu.sem_alloc : memref<!tpu.dma_semaphore, #tpu.memory_space<semaphore_mem>>
      %dma_start3A_33 = arith.constant 0 : i32
      %dma_start3A_34 = tpu.memref_slice %arg3[%mul3A_6, %dma_start3A_33] : memref<1280x128xi32, #tpu.memory_space<hbm>> -> memref<40x128xi32, #tpu.memory_space<hbm>>
      %dma_start3A_35 = arith.constant 0 : i32
      %dma_start3A_36 = tpu.memref_slice %arg3[%mul3A_6, %dma_start3A_35] : memref<1280x128xi32, #tpu.memory_space<hbm>> -> memref<40x128xi32, #tpu.memory_space<hbm>>
      tpu.enqueue_dma source(%dma_start3A_36 : memref<40x128xi32, #tpu.memory_space<hbm>>) target(%arg9 : memref<40x128xi32, #tpu.memory_space<vmem>>) target_semaphore(%run_scoped3A : memref<!tpu.dma_semaphore, #tpu.memory_space<semaphore_mem>>)
      %dma_wait3A_37 = arith.constant 0 : i32
      %dma_wait3A_38 = tpu.memref_slice %arg3[%mul3A_6, %dma_wait3A_37] : memref<1280x128xi32, #tpu.memory_space<hbm>> -> memref<40x128xi32, #tpu.memory_space<hbm>>
      %dma_wait3A_39 = arith.constant 0 : i32
      %dma_wait3A_40 = tpu.memref_slice %arg3[%mul3A_6, %dma_wait3A_39] : memref<1280x128xi32, #tpu.memory_space<hbm>> -> memref<40x128xi32, #tpu.memory_space<hbm>>
      tpu.wait_dma2 semaphore(%run_scoped3A : memref<!tpu.dma_semaphore, #tpu.memory_space<semaphore_mem>>) src(%dma_wait3A_40 : memref<40x128xi32, #tpu.memory_space<hbm>>) dst(%arg9 : memref<40x128xi32, #tpu.memory_space<vmem>>)
      tpu.yield
    }) : () -> ()
    %barrier3A = arith.constant 0 : index
    tpu.barrier barrier_id(%barrier3A)
    %iota3A = tpu.iota {dimensions = array<i32: 0>} : vector<16xi32>
    %mul3A_7 = arith.constant 5120 : i32
    %mul3A_8 = arith.muli %add3A, %mul3A_7 : i32
    %add3A_9 = arith.constant 0 : i32
    %add3A_10 = arith.addi %mul3A_8, %add3A_9 : i32
    %dma_start3A = arith.constant 0 : i32
    %dma_start3A_11 = tpu.memref_slice %arg5[%dma_start3A, %add3A_10] : memref<16x163840xf32, #tpu.memory_space<hbm>> -> memref<16x128xf32, #tpu.memory_space<hbm>>
    %dma_start3A_12 = arith.constant 0 : i32
    %dma_start3A_13 = tpu.memref_slice %arg5[%dma_start3A_12, %add3A_10] : memref<16x163840xf32, #tpu.memory_space<hbm>> -> memref<16x128xf32, #tpu.memory_space<hbm>>
    tpu.enqueue_dma source(%dma_start3A_13 : memref<16x128xf32, #tpu.memory_space<hbm>>) target(%arg10 : memref<16x128xf32, #tpu.memory_space<vmem>>) target_semaphore(%arg16 : memref<!tpu.dma_semaphore, #tpu.memory_space<semaphore_mem>>)
    %scan3A = arith.constant 0 : i32
    %scan3A_14 = arith.constant 0 : i32
    %scan3A_15 = arith.constant 20 : i32
    %scan3A_16 = arith.addi %scan3A_14, %scan3A_15 : i32
    %scan3A_17 = arith.constant 1 : i32
    scf.for %scan3A_33 = %scan3A_14 to %scan3A_16 step %scan3A_17  : i32 {
      %mul3A_34 = arith.constant 2 : i32
      %mul3A_35 = arith.muli %mul3A_34, %scan3A_33 : i32
      %add3A_36 = arith.constant 1 : i32
      %add3A_37 = arith.addi %mul3A_35, %add3A_36 : i32
      %mul3A_38 = arith.constant 128 : i32
      %mul3A_39 = arith.muli %add3A_37, %mul3A_38 : i32
      %add3A_40 = arith.addi %mul3A_8, %mul3A_39 : i32
      %dma_start3A_41 = arith.constant 0 : i32
      %dma_start3A_42 = tpu.memref_slice %arg5[%dma_start3A_41, %add3A_40] : memref<16x163840xf32, #tpu.memory_space<hbm>> -> memref<16x128xf32, #tpu.memory_space<hbm>>
      %dma_start3A_43 = arith.constant 0 : i32
      %dma_start3A_44 = tpu.memref_slice %arg5[%dma_start3A_43, %add3A_40] : memref<16x163840xf32, #tpu.memory_space<hbm>> -> memref<16x128xf32, #tpu.memory_space<hbm>>
      tpu.enqueue_dma source(%dma_start3A_44 : memref<16x128xf32, #tpu.memory_space<hbm>>) target(%arg11 : memref<16x128xf32, #tpu.memory_space<vmem>>) target_semaphore(%arg17 : memref<!tpu.dma_semaphore, #tpu.memory_space<semaphore_mem>>)
      %mul3A_45 = arith.constant 128 : i32
      %mul3A_46 = arith.muli %mul3A_35, %mul3A_45 : i32
      %add3A_47 = arith.addi %mul3A_8, %mul3A_46 : i32
      %dma_wait3A_48 = arith.constant 0 : i32
      %dma_wait3A_49 = tpu.memref_slice %arg5[%dma_wait3A_48, %add3A_47] : memref<16x163840xf32, #tpu.memory_space<hbm>> -> memref<16x128xf32, #tpu.memory_space<hbm>>
      %dma_wait3A_50 = arith.constant 0 : i32
      %dma_wait3A_51 = tpu.memref_slice %arg5[%dma_wait3A_50, %add3A_47] : memref<16x163840xf32, #tpu.memory_space<hbm>> -> memref<16x128xf32, #tpu.memory_space<hbm>>
      tpu.wait_dma2 semaphore(%arg16 : memref<!tpu.dma_semaphore, #tpu.memory_space<semaphore_mem>>) src(%dma_wait3A_51 : memref<16x128xf32, #tpu.memory_space<hbm>>) dst(%arg10 : memref<16x128xf32, #tpu.memory_space<vmem>>)
      %ge3A = arith.constant 2 : i32
      %ge3A_52 = arith.cmpi sge, %mul3A_35, %ge3A : i32
      %convert_element_type3A = arith.extui %ge3A_52 : i1 to i32
      %cond3A = arith.constant 0 : i32
      %cond3A_53 = arith.cmpi ne, %convert_element_type3A, %cond3A : i32
      scf.if %cond3A_53 {
        %sub3A = arith.constant 2 : i32
        %sub3A_100 = arith.subi %mul3A_35, %sub3A : i32
        %dma_wait3A_101 = arith.constant 0 : i32
        %dma_wait3A_102 = tpu.memref_slice %arg9[%sub3A_100, %dma_wait3A_101] : memref<40x128xi32, #tpu.memory_space<vmem>> -> memref<1x128xi32, #tpu.memory_space<vmem>>
        %dma_wait3A_103 = tpu.memref_squeeze %dma_wait3A_102 : memref<1x128xi32, #tpu.memory_space<vmem>> -> memref<128xi32, #tpu.memory_space<vmem>>
        %dma_wait3A_104 = arith.constant 0 : i32
        %dma_wait3A_105 = arith.constant 0 : i32
        %dma_wait3A_106 = tpu.memref_slice %arg15[%dma_wait3A_104, %dma_wait3A_105] : memref<10112x32xf32, #tpu.memory_space<vmem_shared>> -> memref<10112x32xf32, #tpu.memory_space<vmem_shared>>
        tpu.wait_indirect_dma semaphore(%arg18 : memref<!tpu.dma_semaphore, #tpu.memory_space<semaphore_mem>>) src(%arg12 : memref<128x32xf32, #tpu.memory_space<vmem>>) dst(%dma_wait3A_106 : memref<10112x32xf32, #tpu.memory_space<vmem_shared>>)
      } else {
      }
      %scan3A_54 = arith.constant 0 : i32
      %scan3A_55 = arith.constant 0 : i32
      %scan3A_56 = arith.constant 8 : i32
      %scan3A_57 = arith.addi %scan3A_55, %scan3A_56 : i32
      %scan3A_58 = arith.constant 1 : i32
      scf.for %scan3A_100 = %scan3A_55 to %scan3A_57 step %scan3A_58  : i32 {
        %mul3A_101 = arith.constant 16 : i32
        %mul3A_102 = arith.muli %scan3A_100, %mul3A_101 : i32
        %get3A = arith.index_cast %mul3A_35 : i32 to index
        %get3A_103 = arith.index_cast %mul3A_102 : i32 to index
        %get3A_104 = tpu.vector_load %arg8[%get3A, %get3A_103] {strides = array<i32>} : memref<40x128xi32, #tpu.memory_space<vmem>>, vector<16xi32>,
        %gather3A = tpu.vector_load_idx %arg14[%get3A_104] : memref<10000xf32, #tpu.memory_space<vmem>>[vector<16xi32>], vector<16xf32>,
        %add3A_105 = vector.broadcast %mul3A_102 : i32 to vector<16xi32>
        %add3A_106 = arith.addi %add3A_105, %iota3A : vector<16xi32>
        %get3A_107 = arith.constant 0 : i32
        %get3A_108 = arith.index_cast %get3A_107 : i32 to index
        %get3A_109 = arith.index_cast %mul3A_102 : i32 to index
        %get3A_110 = tpu.vector_load %arg10[%get3A_108, %get3A_109] {strides = array<i32>} : memref<16x128xf32, #tpu.memory_space<vmem>>, vector<16xf32>,
        %broadcast_in_dim3A = arith.constant 0 : i32
        %broadcast_in_dim3A_111 = vector.broadcast %broadcast_in_dim3A : i32 to vector<16xi32>
        %mul3A_112 = arith.mulf %get3A_110, %gather3A : vector<16xf32>
        tpu.vector_store_idx %arg12[%add3A_106, %broadcast_in_dim3A_111], %mul3A_112 : memref<128x32xf32, #tpu.memory_space<vmem>>[vector<16xi32>, vector<16xi32>], vector<16xf32>,
        %get3A_113 = arith.constant 1 : i32
        %get3A_114 = arith.index_cast %get3A_113 : i32 to index
        %get3A_115 = arith.index_cast %mul3A_102 : i32 to index
        %get3A_116 = tpu.vector_load %arg10[%get3A_114, %get3A_115] {strides = array<i32>} : memref<16x128xf32, #tpu.memory_space<vmem>>, vector<16xf32>,
        %broadcast_in_dim3A_117 = arith.constant 1 : i32
        %broadcast_in_dim3A_118 = vector.broadcast %broadcast_in_dim3A_117 : i32 to vector<16xi32>
        %mul3A_119 = arith.mulf %get3A_116, %gather3A : vector<16xf32>
        tpu.vector_store_idx %arg12[%add3A_106, %broadcast_in_dim3A_118], %mul3A_119 : memref<128x32xf32, #tpu.memory_space<vmem>>[vector<16xi32>, vector<16xi32>], vector<16xf32>,
        %get3A_120 = arith.constant 2 : i32
        %get3A_121 = arith.index_cast %get3A_120 : i32 to index
        %get3A_122 = arith.index_cast %mul3A_102 : i32 to index
        %get3A_123 = tpu.vector_load %arg10[%get3A_121, %get3A_122] {strides = array<i32>} : memref<16x128xf32, #tpu.memory_space<vmem>>, vector<16xf32>,
        %broadcast_in_dim3A_124 = arith.constant 2 : i32
        %broadcast_in_dim3A_125 = vector.broadcast %broadcast_in_dim3A_124 : i32 to vector<16xi32>
        %mul3A_126 = arith.mulf %get3A_123, %gather3A : vector<16xf32>
        tpu.vector_store_idx %arg12[%add3A_106, %broadcast_in_dim3A_125], %mul3A_126 : memref<128x32xf32, #tpu.memory_space<vmem>>[vector<16xi32>, vector<16xi32>], vector<16xf32>,
        %get3A_127 = arith.constant 3 : i32
        %get3A_128 = arith.index_cast %get3A_127 : i32 to index
        %get3A_129 = arith.index_cast %mul3A_102 : i32 to index
        %get3A_130 = tpu.vector_load %arg10[%get3A_128, %get3A_129] {strides = array<i32>} : memref<16x128xf32, #tpu.memory_space<vmem>>, vector<16xf32>,
        %broadcast_in_dim3A_131 = arith.constant 3 : i32
        %broadcast_in_dim3A_132 = vector.broadcast %broadcast_in_dim3A_131 : i32 to vector<16xi32>
        %mul3A_133 = arith.mulf %get3A_130, %gather3A : vector<16xf32>
        tpu.vector_store_idx %arg12[%add3A_106, %broadcast_in_dim3A_132], %mul3A_133 : memref<128x32xf32, #tpu.memory_space<vmem>>[vector<16xi32>, vector<16xi32>], vector<16xf32>,
        %get3A_134 = arith.constant 4 : i32
        %get3A_135 = arith.index_cast %get3A_134 : i32 to index
        %get3A_136 = arith.index_cast %mul3A_102 : i32 to index
        %get3A_137 = tpu.vector_load %arg10[%get3A_135, %get3A_136] {strides = array<i32>} : memref<16x128xf32, #tpu.memory_space<vmem>>, vector<16xf32>,
        %broadcast_in_dim3A_138 = arith.constant 4 : i32
        %broadcast_in_dim3A_139 = vector.broadcast %broadcast_in_dim3A_138 : i32 to vector<16xi32>
        %mul3A_140 = arith.mulf %get3A_137, %gather3A : vector<16xf32>
        tpu.vector_store_idx %arg12[%add3A_106, %broadcast_in_dim3A_139], %mul3A_140 : memref<128x32xf32, #tpu.memory_space<vmem>>[vector<16xi32>, vector<16xi32>], vector<16xf32>,
        %get3A_141 = arith.constant 5 : i32
        %get3A_142 = arith.index_cast %get3A_141 : i32 to index
        %get3A_143 = arith.index_cast %mul3A_102 : i32 to index
        %get3A_144 = tpu.vector_load %arg10[%get3A_142, %get3A_143] {strides = array<i32>} : memref<16x128xf32, #tpu.memory_space<vmem>>, vector<16xf32>,
        %broadcast_in_dim3A_145 = arith.constant 5 : i32
        %broadcast_in_dim3A_146 = vector.broadcast %broadcast_in_dim3A_145 : i32 to vector<16xi32>
        %mul3A_147 = arith.mulf %get3A_144, %gather3A : vector<16xf32>
        tpu.vector_store_idx %arg12[%add3A_106, %broadcast_in_dim3A_146], %mul3A_147 : memref<128x32xf32, #tpu.memory_space<vmem>>[vector<16xi32>, vector<16xi32>], vector<16xf32>,
        %get3A_148 = arith.constant 6 : i32
        %get3A_149 = arith.index_cast %get3A_148 : i32 to index
        %get3A_150 = arith.index_cast %mul3A_102 : i32 to index
        %get3A_151 = tpu.vector_load %arg10[%get3A_149, %get3A_150] {strides = array<i32>} : memref<16x128xf32, #tpu.memory_space<vmem>>, vector<16xf32>,
        %broadcast_in_dim3A_152 = arith.constant 6 : i32
        %broadcast_in_dim3A_153 = vector.broadcast %broadcast_in_dim3A_152 : i32 to vector<16xi32>
        %mul3A_154 = arith.mulf %get3A_151, %gather3A : vector<16xf32>
        tpu.vector_store_idx %arg12[%add3A_106, %broadcast_in_dim3A_153], %mul3A_154 : memref<128x32xf32, #tpu.memory_space<vmem>>[vector<16xi32>, vector<16xi32>], vector<16xf32>,
        %get3A_155 = arith.constant 7 : i32
        %get3A_156 = arith.index_cast %get3A_155 : i32 to index
        %get3A_157 = arith.index_cast %mul3A_102 : i32 to index
        %get3A_158 = tpu.vector_load %arg10[%get3A_156, %get3A_157] {strides = array<i32>} : memref<16x128xf32, #tpu.memory_space<vmem>>, vector<16xf32>,
        %broadcast_in_dim3A_159 = arith.constant 7 : i32
        %broadcast_in_dim3A_160 = vector.broadcast %broadcast_in_dim3A_159 : i32 to vector<16xi32>
        %mul3A_161 = arith.mulf %get3A_158, %gather3A : vector<16xf32>
        tpu.vector_store_idx %arg12[%add3A_106, %broadcast_in_dim3A_160], %mul3A_161 : memref<128x32xf32, #tpu.memory_space<vmem>>[vector<16xi32>, vector<16xi32>], vector<16xf32>,
        %get3A_162 = arith.constant 8 : i32
        %get3A_163 = arith.index_cast %get3A_162 : i32 to index
        %get3A_164 = arith.index_cast %mul3A_102 : i32 to index
        %get3A_165 = tpu.vector_load %arg10[%get3A_163, %get3A_164] {strides = array<i32>} : memref<16x128xf32, #tpu.memory_space<vmem>>, vector<16xf32>,
        %broadcast_in_dim3A_166 = arith.constant 8 : i32
        %broadcast_in_dim3A_167 = vector.broadcast %broadcast_in_dim3A_166 : i32 to vector<16xi32>
        %mul3A_168 = arith.mulf %get3A_165, %gather3A : vector<16xf32>
        tpu.vector_store_idx %arg12[%add3A_106, %broadcast_in_dim3A_167], %mul3A_168 : memref<128x32xf32, #tpu.memory_space<vmem>>[vector<16xi32>, vector<16xi32>], vector<16xf32>,
        %get3A_169 = arith.constant 9 : i32
        %get3A_170 = arith.index_cast %get3A_169 : i32 to index
        %get3A_171 = arith.index_cast %mul3A_102 : i32 to index
        %get3A_172 = tpu.vector_load %arg10[%get3A_170, %get3A_171] {strides = array<i32>} : memref<16x128xf32, #tpu.memory_space<vmem>>, vector<16xf32>,
        %broadcast_in_dim3A_173 = arith.constant 9 : i32
        %broadcast_in_dim3A_174 = vector.broadcast %broadcast_in_dim3A_173 : i32 to vector<16xi32>
        %mul3A_175 = arith.mulf %get3A_172, %gather3A : vector<16xf32>
        tpu.vector_store_idx %arg12[%add3A_106, %broadcast_in_dim3A_174], %mul3A_175 : memref<128x32xf32, #tpu.memory_space<vmem>>[vector<16xi32>, vector<16xi32>], vector<16xf32>,
        %get3A_176 = arith.constant 10 : i32
        %get3A_177 = arith.index_cast %get3A_176 : i32 to index
        %get3A_178 = arith.index_cast %mul3A_102 : i32 to index
        %get3A_179 = tpu.vector_load %arg10[%get3A_177, %get3A_178] {strides = array<i32>} : memref<16x128xf32, #tpu.memory_space<vmem>>, vector<16xf32>,
        %broadcast_in_dim3A_180 = arith.constant 10 : i32
        %broadcast_in_dim3A_181 = vector.broadcast %broadcast_in_dim3A_180 : i32 to vector<16xi32>
        %mul3A_182 = arith.mulf %get3A_179, %gather3A : vector<16xf32>
        tpu.vector_store_idx %arg12[%add3A_106, %broadcast_in_dim3A_181], %mul3A_182 : memref<128x32xf32, #tpu.memory_space<vmem>>[vector<16xi32>, vector<16xi32>], vector<16xf32>,
        %get3A_183 = arith.constant 11 : i32
        %get3A_184 = arith.index_cast %get3A_183 : i32 to index
        %get3A_185 = arith.index_cast %mul3A_102 : i32 to index
        %get3A_186 = tpu.vector_load %arg10[%get3A_184, %get3A_185] {strides = array<i32>} : memref<16x128xf32, #tpu.memory_space<vmem>>, vector<16xf32>,
        %broadcast_in_dim3A_187 = arith.constant 11 : i32
        %broadcast_in_dim3A_188 = vector.broadcast %broadcast_in_dim3A_187 : i32 to vector<16xi32>
        %mul3A_189 = arith.mulf %get3A_186, %gather3A : vector<16xf32>
        tpu.vector_store_idx %arg12[%add3A_106, %broadcast_in_dim3A_188], %mul3A_189 : memref<128x32xf32, #tpu.memory_space<vmem>>[vector<16xi32>, vector<16xi32>], vector<16xf32>,
        %get3A_190 = arith.constant 12 : i32
        %get3A_191 = arith.index_cast %get3A_190 : i32 to index
        %get3A_192 = arith.index_cast %mul3A_102 : i32 to index
        %get3A_193 = tpu.vector_load %arg10[%get3A_191, %get3A_192] {strides = array<i32>} : memref<16x128xf32, #tpu.memory_space<vmem>>, vector<16xf32>,
        %broadcast_in_dim3A_194 = arith.constant 12 : i32
        %broadcast_in_dim3A_195 = vector.broadcast %broadcast_in_dim3A_194 : i32 to vector<16xi32>
        %mul3A_196 = arith.mulf %get3A_193, %gather3A : vector<16xf32>
        tpu.vector_store_idx %arg12[%add3A_106, %broadcast_in_dim3A_195], %mul3A_196 : memref<128x32xf32, #tpu.memory_space<vmem>>[vector<16xi32>, vector<16xi32>], vector<16xf32>,
        %get3A_197 = arith.constant 13 : i32
        %get3A_198 = arith.index_cast %get3A_197 : i32 to index
        %get3A_199 = arith.index_cast %mul3A_102 : i32 to index
        %get3A_200 = tpu.vector_load %arg10[%get3A_198, %get3A_199] {strides = array<i32>} : memref<16x128xf32, #tpu.memory_space<vmem>>, vector<16xf32>,
        %broadcast_in_dim3A_201 = arith.constant 13 : i32
        %broadcast_in_dim3A_202 = vector.broadcast %broadcast_in_dim3A_201 : i32 to vector<16xi32>
        %mul3A_203 = arith.mulf %get3A_200, %gather3A : vector<16xf32>
        tpu.vector_store_idx %arg12[%add3A_106, %broadcast_in_dim3A_202], %mul3A_203 : memref<128x32xf32, #tpu.memory_space<vmem>>[vector<16xi32>, vector<16xi32>], vector<16xf32>,
        %get3A_204 = arith.constant 14 : i32
        %get3A_205 = arith.index_cast %get3A_204 : i32 to index
        %get3A_206 = arith.index_cast %mul3A_102 : i32 to index
        %get3A_207 = tpu.vector_load %arg10[%get3A_205, %get3A_206] {strides = array<i32>} : memref<16x128xf32, #tpu.memory_space<vmem>>, vector<16xf32>,
        %broadcast_in_dim3A_208 = arith.constant 14 : i32
        %broadcast_in_dim3A_209 = vector.broadcast %broadcast_in_dim3A_208 : i32 to vector<16xi32>
        %mul3A_210 = arith.mulf %get3A_207, %gather3A : vector<16xf32>
        tpu.vector_store_idx %arg12[%add3A_106, %broadcast_in_dim3A_209], %mul3A_210 : memref<128x32xf32, #tpu.memory_space<vmem>>[vector<16xi32>, vector<16xi32>], vector<16xf32>,
        %get3A_211 = arith.constant 15 : i32
        %get3A_212 = arith.index_cast %get3A_211 : i32 to index
        %get3A_213 = arith.index_cast %mul3A_102 : i32 to index
        %get3A_214 = tpu.vector_load %arg10[%get3A_212, %get3A_213] {strides = array<i32>} : memref<16x128xf32, #tpu.memory_space<vmem>>, vector<16xf32>,
        %broadcast_in_dim3A_215 = arith.constant 15 : i32
        %broadcast_in_dim3A_216 = vector.broadcast %broadcast_in_dim3A_215 : i32 to vector<16xi32>
        %mul3A_217 = arith.mulf %get3A_214, %gather3A : vector<16xf32>
        tpu.vector_store_idx %arg12[%add3A_106, %broadcast_in_dim3A_216], %mul3A_217 : memref<128x32xf32, #tpu.memory_space<vmem>>[vector<16xi32>, vector<16xi32>], vector<16xf32>,
        %broadcast_in_dim3A_218 = arith.constant 16 : i32
        %broadcast_in_dim3A_219 = vector.broadcast %broadcast_in_dim3A_218 : i32 to vector<16xi32>
        tpu.vector_store_idx %arg12[%add3A_106, %broadcast_in_dim3A_219], %gather3A : memref<128x32xf32, #tpu.memory_space<vmem>>[vector<16xi32>, vector<16xi32>], vector<16xf32>,
      }
      %scan3A_59 = arith.constant 8 : i32
      %dma_start3A_60 = arith.constant 0 : i32
      %dma_start3A_61 = tpu.memref_slice %arg9[%mul3A_35, %dma_start3A_60] : memref<40x128xi32, #tpu.memory_space<vmem>> -> memref<1x128xi32, #tpu.memory_space<vmem>>
      %dma_start3A_62 = tpu.memref_squeeze %dma_start3A_61 : memref<1x128xi32, #tpu.memory_space<vmem>> -> memref<128xi32, #tpu.memory_space<vmem>>
      %dma_start3A_63 = arith.constant 0 : i32
      %dma_start3A_64 = arith.constant 0 : i32
      %dma_start3A_65 = tpu.memref_slice %arg15[%dma_start3A_63, %dma_start3A_64] : memref<10112x32xf32, #tpu.memory_space<vmem_shared>> -> memref<10112x32xf32, #tpu.memory_space<vmem_shared>>
      tpu.enqueue_indirect_dma source(%arg12 : memref<128x32xf32, #tpu.memory_space<vmem>>) target(%dma_start3A_65 : memref<10112x32xf32, #tpu.memory_space<vmem_shared>>) offsets(%dma_start3A_62 : memref<128xi32, #tpu.memory_space<vmem>>) semaphore(%arg18 : memref<!tpu.dma_semaphore, #tpu.memory_space<semaphore_mem>>) {add = true}
      %add3A_66 = arith.constant 2 : i32
      %add3A_67 = arith.addi %mul3A_35, %add3A_66 : i32
      %lt3A = arith.constant 40 : i32
      %lt3A_68 = arith.cmpi slt, %add3A_67, %lt3A : i32
      %convert_element_type3A_69 = arith.extui %lt3A_68 : i1 to i32
      %cond3A_70 = arith.constant 0 : i32
      %cond3A_71 = arith.cmpi ne, %convert_element_type3A_69, %cond3A_70 : i32
      scf.if %cond3A_71 {
        %add3A_100 = arith.constant 2 : i32
        %add3A_101 = arith.addi %mul3A_35, %add3A_100 : i32
        %mul3A_102 = arith.constant 128 : i32
        %mul3A_103 = arith.muli %add3A_101, %mul3A_102 : i32
        %add3A_104 = arith.addi %mul3A_8, %mul3A_103 : i32
        %dma_start3A_105 = arith.constant 0 : i32
        %dma_start3A_106 = tpu.memref_slice %arg5[%dma_start3A_105, %add3A_104] : memref<16x163840xf32, #tpu.memory_space<hbm>> -> memref<16x128xf32, #tpu.memory_space<hbm>>
        %dma_start3A_107 = arith.constant 0 : i32
        %dma_start3A_108 = tpu.memref_slice %arg5[%dma_start3A_107, %add3A_104] : memref<16x163840xf32, #tpu.memory_space<hbm>> -> memref<16x128xf32, #tpu.memory_space<hbm>>
        tpu.enqueue_dma source(%dma_start3A_108 : memref<16x128xf32, #tpu.memory_space<hbm>>) target(%arg10 : memref<16x128xf32, #tpu.memory_space<vmem>>) target_semaphore(%arg16 : memref<!tpu.dma_semaphore, #tpu.memory_space<semaphore_mem>>)
      } else {
      }
      %add3A_72 = arith.constant 1 : i32
      %add3A_73 = arith.addi %mul3A_35, %add3A_72 : i32
      %mul3A_74 = arith.constant 128 : i32
      %mul3A_75 = arith.muli %add3A_73, %mul3A_74 : i32
      %add3A_76 = arith.addi %mul3A_8, %mul3A_75 : i32
      %dma_wait3A_77 = arith.constant 0 : i32
      %dma_wait3A_78 = tpu.memref_slice %arg5[%dma_wait3A_77, %add3A_76] : memref<16x163840xf32, #tpu.memory_space<hbm>> -> memref<16x128xf32, #tpu.memory_space<hbm>>
      %dma_wait3A_79 = arith.constant 0 : i32
      %dma_wait3A_80 = tpu.memref_slice %arg5[%dma_wait3A_79, %add3A_76] : memref<16x163840xf32, #tpu.memory_space<hbm>> -> memref<16x128xf32, #tpu.memory_space<hbm>>
      tpu.wait_dma2 semaphore(%arg17 : memref<!tpu.dma_semaphore, #tpu.memory_space<semaphore_mem>>) src(%dma_wait3A_80 : memref<16x128xf32, #tpu.memory_space<hbm>>) dst(%arg11 : memref<16x128xf32, #tpu.memory_space<vmem>>)
      %ge3A_81 = arith.constant 1 : i32
      %ge3A_82 = arith.cmpi sge, %mul3A_35, %ge3A_81 : i32
      %convert_element_type3A_83 = arith.extui %ge3A_82 : i1 to i32
      %cond3A_84 = arith.constant 0 : i32
      %cond3A_85 = arith.cmpi ne, %convert_element_type3A_83, %cond3A_84 : i32
      scf.if %cond3A_85 {
        %sub3A = arith.constant 1 : i32
        %sub3A_100 = arith.subi %mul3A_35, %sub3A : i32
        %dma_wait3A_101 = arith.constant 0 : i32
        %dma_wait3A_102 = tpu.memref_slice %arg9[%sub3A_100, %dma_wait3A_101] : memref<40x128xi32, #tpu.memory_space<vmem>> -> memref<1x128xi32, #tpu.memory_space<vmem>>
        %dma_wait3A_103 = tpu.memref_squeeze %dma_wait3A_102 : memref<1x128xi32, #tpu.memory_space<vmem>> -> memref<128xi32, #tpu.memory_space<vmem>>
        %dma_wait3A_104 = arith.constant 0 : i32
        %dma_wait3A_105 = arith.constant 0 : i32
        %dma_wait3A_106 = tpu.memref_slice %arg15[%dma_wait3A_104, %dma_wait3A_105] : memref<10112x32xf32, #tpu.memory_space<vmem_shared>> -> memref<10112x32xf32, #tpu.memory_space<vmem_shared>>
        tpu.wait_indirect_dma semaphore(%arg19 : memref<!tpu.dma_semaphore, #tpu.memory_space<semaphore_mem>>) src(%arg13 : memref<128x32xf32, #tpu.memory_space<vmem>>) dst(%dma_wait3A_106 : memref<10112x32xf32, #tpu.memory_space<vmem_shared>>)
      } else {
      }
      %add3A_86 = arith.constant 1 : i32
      %add3A_87 = arith.addi %mul3A_35, %add3A_86 : i32
      %scan3A_88 = arith.constant 0 : i32
      %scan3A_89 = arith.constant 0 : i32
      %scan3A_90 = arith.constant 8 : i32
      %scan3A_91 = arith.addi %scan3A_89, %scan3A_90 : i32
      %scan3A_92 = arith.constant 1 : i32
      scf.for %scan3A_100 = %scan3A_89 to %scan3A_91 step %scan3A_92  : i32 {
        %mul3A_101 = arith.constant 16 : i32
        %mul3A_102 = arith.muli %scan3A_100, %mul3A_101 : i32
        %get3A = arith.index_cast %add3A_87 : i32 to index
        %get3A_103 = arith.index_cast %mul3A_102 : i32 to index
        %get3A_104 = tpu.vector_load %arg8[%get3A, %get3A_103] {strides = array<i32>} : memref<40x128xi32, #tpu.memory_space<vmem>>, vector<16xi32>,
        %gather3A = tpu.vector_load_idx %arg14[%get3A_104] : memref<10000xf32, #tpu.memory_space<vmem>>[vector<16xi32>], vector<16xf32>,
        %add3A_105 = vector.broadcast %mul3A_102 : i32 to vector<16xi32>
        %add3A_106 = arith.addi %add3A_105, %iota3A : vector<16xi32>
        %get3A_107 = arith.constant 0 : i32
        %get3A_108 = arith.index_cast %get3A_107 : i32 to index
        %get3A_109 = arith.index_cast %mul3A_102 : i32 to index
        %get3A_110 = tpu.vector_load %arg11[%get3A_108, %get3A_109] {strides = array<i32>} : memref<16x128xf32, #tpu.memory_space<vmem>>, vector<16xf32>,
        %broadcast_in_dim3A = arith.constant 0 : i32
        %broadcast_in_dim3A_111 = vector.broadcast %broadcast_in_dim3A : i32 to vector<16xi32>
        %mul3A_112 = arith.mulf %get3A_110, %gather3A : vector<16xf32>
        tpu.vector_store_idx %arg13[%add3A_106, %broadcast_in_dim3A_111], %mul3A_112 : memref<128x32xf32, #tpu.memory_space<vmem>>[vector<16xi32>, vector<16xi32>], vector<16xf32>,
        %get3A_113 = arith.constant 1 : i32
        %get3A_114 = arith.index_cast %get3A_113 : i32 to index
        %get3A_115 = arith.index_cast %mul3A_102 : i32 to index
        %get3A_116 = tpu.vector_load %arg11[%get3A_114, %get3A_115] {strides = array<i32>} : memref<16x128xf32, #tpu.memory_space<vmem>>, vector<16xf32>,
        %broadcast_in_dim3A_117 = arith.constant 1 : i32
        %broadcast_in_dim3A_118 = vector.broadcast %broadcast_in_dim3A_117 : i32 to vector<16xi32>
        %mul3A_119 = arith.mulf %get3A_116, %gather3A : vector<16xf32>
        tpu.vector_store_idx %arg13[%add3A_106, %broadcast_in_dim3A_118], %mul3A_119 : memref<128x32xf32, #tpu.memory_space<vmem>>[vector<16xi32>, vector<16xi32>], vector<16xf32>,
        %get3A_120 = arith.constant 2 : i32
        %get3A_121 = arith.index_cast %get3A_120 : i32 to index
        %get3A_122 = arith.index_cast %mul3A_102 : i32 to index
        %get3A_123 = tpu.vector_load %arg11[%get3A_121, %get3A_122] {strides = array<i32>} : memref<16x128xf32, #tpu.memory_space<vmem>>, vector<16xf32>,
        %broadcast_in_dim3A_124 = arith.constant 2 : i32
        %broadcast_in_dim3A_125 = vector.broadcast %broadcast_in_dim3A_124 : i32 to vector<16xi32>
        %mul3A_126 = arith.mulf %get3A_123, %gather3A : vector<16xf32>
        tpu.vector_store_idx %arg13[%add3A_106, %broadcast_in_dim3A_125], %mul3A_126 : memref<128x32xf32, #tpu.memory_space<vmem>>[vector<16xi32>, vector<16xi32>], vector<16xf32>,
        %get3A_127 = arith.constant 3 : i32
        %get3A_128 = arith.index_cast %get3A_127 : i32 to index
        %get3A_129 = arith.index_cast %mul3A_102 : i32 to index
        %get3A_130 = tpu.vector_load %arg11[%get3A_128, %get3A_129] {strides = array<i32>} : memref<16x128xf32, #tpu.memory_space<vmem>>, vector<16xf32>,
        %broadcast_in_dim3A_131 = arith.constant 3 : i32
        %broadcast_in_dim3A_132 = vector.broadcast %broadcast_in_dim3A_131 : i32 to vector<16xi32>
        %mul3A_133 = arith.mulf %get3A_130, %gather3A : vector<16xf32>
        tpu.vector_store_idx %arg13[%add3A_106, %broadcast_in_dim3A_132], %mul3A_133 : memref<128x32xf32, #tpu.memory_space<vmem>>[vector<16xi32>, vector<16xi32>], vector<16xf32>,
        %get3A_134 = arith.constant 4 : i32
        %get3A_135 = arith.index_cast %get3A_134 : i32 to index
        %get3A_136 = arith.index_cast %mul3A_102 : i32 to index
        %get3A_137 = tpu.vector_load %arg11[%get3A_135, %get3A_136] {strides = array<i32>} : memref<16x128xf32, #tpu.memory_space<vmem>>, vector<16xf32>,
        %broadcast_in_dim3A_138 = arith.constant 4 : i32
        %broadcast_in_dim3A_139 = vector.broadcast %broadcast_in_dim3A_138 : i32 to vector<16xi32>
        %mul3A_140 = arith.mulf %get3A_137, %gather3A : vector<16xf32>
        tpu.vector_store_idx %arg13[%add3A_106, %broadcast_in_dim3A_139], %mul3A_140 : memref<128x32xf32, #tpu.memory_space<vmem>>[vector<16xi32>, vector<16xi32>], vector<16xf32>,
        %get3A_141 = arith.constant 5 : i32
        %get3A_142 = arith.index_cast %get3A_141 : i32 to index
        %get3A_143 = arith.index_cast %mul3A_102 : i32 to index
        %get3A_144 = tpu.vector_load %arg11[%get3A_142, %get3A_143] {strides = array<i32>} : memref<16x128xf32, #tpu.memory_space<vmem>>, vector<16xf32>,
        %broadcast_in_dim3A_145 = arith.constant 5 : i32
        %broadcast_in_dim3A_146 = vector.broadcast %broadcast_in_dim3A_145 : i32 to vector<16xi32>
        %mul3A_147 = arith.mulf %get3A_144, %gather3A : vector<16xf32>
        tpu.vector_store_idx %arg13[%add3A_106, %broadcast_in_dim3A_146], %mul3A_147 : memref<128x32xf32, #tpu.memory_space<vmem>>[vector<16xi32>, vector<16xi32>], vector<16xf32>,
        %get3A_148 = arith.constant 6 : i32
        %get3A_149 = arith.index_cast %get3A_148 : i32 to index
        %get3A_150 = arith.index_cast %mul3A_102 : i32 to index
        %get3A_151 = tpu.vector_load %arg11[%get3A_149, %get3A_150] {strides = array<i32>} : memref<16x128xf32, #tpu.memory_space<vmem>>, vector<16xf32>,
        %broadcast_in_dim3A_152 = arith.constant 6 : i32
        %broadcast_in_dim3A_153 = vector.broadcast %broadcast_in_dim3A_152 : i32 to vector<16xi32>
        %mul3A_154 = arith.mulf %get3A_151, %gather3A : vector<16xf32>
        tpu.vector_store_idx %arg13[%add3A_106, %broadcast_in_dim3A_153], %mul3A_154 : memref<128x32xf32, #tpu.memory_space<vmem>>[vector<16xi32>, vector<16xi32>], vector<16xf32>,
        %get3A_155 = arith.constant 7 : i32
        %get3A_156 = arith.index_cast %get3A_155 : i32 to index
        %get3A_157 = arith.index_cast %mul3A_102 : i32 to index
        %get3A_158 = tpu.vector_load %arg11[%get3A_156, %get3A_157] {strides = array<i32>} : memref<16x128xf32, #tpu.memory_space<vmem>>, vector<16xf32>,
        %broadcast_in_dim3A_159 = arith.constant 7 : i32
        %broadcast_in_dim3A_160 = vector.broadcast %broadcast_in_dim3A_159 : i32 to vector<16xi32>
        %mul3A_161 = arith.mulf %get3A_158, %gather3A : vector<16xf32>
        tpu.vector_store_idx %arg13[%add3A_106, %broadcast_in_dim3A_160], %mul3A_161 : memref<128x32xf32, #tpu.memory_space<vmem>>[vector<16xi32>, vector<16xi32>], vector<16xf32>,
        %get3A_162 = arith.constant 8 : i32
        %get3A_163 = arith.index_cast %get3A_162 : i32 to index
        %get3A_164 = arith.index_cast %mul3A_102 : i32 to index
        %get3A_165 = tpu.vector_load %arg11[%get3A_163, %get3A_164] {strides = array<i32>} : memref<16x128xf32, #tpu.memory_space<vmem>>, vector<16xf32>,
        %broadcast_in_dim3A_166 = arith.constant 8 : i32
        %broadcast_in_dim3A_167 = vector.broadcast %broadcast_in_dim3A_166 : i32 to vector<16xi32>
        %mul3A_168 = arith.mulf %get3A_165, %gather3A : vector<16xf32>
        tpu.vector_store_idx %arg13[%add3A_106, %broadcast_in_dim3A_167], %mul3A_168 : memref<128x32xf32, #tpu.memory_space<vmem>>[vector<16xi32>, vector<16xi32>], vector<16xf32>,
        %get3A_169 = arith.constant 9 : i32
        %get3A_170 = arith.index_cast %get3A_169 : i32 to index
        %get3A_171 = arith.index_cast %mul3A_102 : i32 to index
        %get3A_172 = tpu.vector_load %arg11[%get3A_170, %get3A_171] {strides = array<i32>} : memref<16x128xf32, #tpu.memory_space<vmem>>, vector<16xf32>,
        %broadcast_in_dim3A_173 = arith.constant 9 : i32
        %broadcast_in_dim3A_174 = vector.broadcast %broadcast_in_dim3A_173 : i32 to vector<16xi32>
        %mul3A_175 = arith.mulf %get3A_172, %gather3A : vector<16xf32>
        tpu.vector_store_idx %arg13[%add3A_106, %broadcast_in_dim3A_174], %mul3A_175 : memref<128x32xf32, #tpu.memory_space<vmem>>[vector<16xi32>, vector<16xi32>], vector<16xf32>,
        %get3A_176 = arith.constant 10 : i32
        %get3A_177 = arith.index_cast %get3A_176 : i32 to index
        %get3A_178 = arith.index_cast %mul3A_102 : i32 to index
        %get3A_179 = tpu.vector_load %arg11[%get3A_177, %get3A_178] {strides = array<i32>} : memref<16x128xf32, #tpu.memory_space<vmem>>, vector<16xf32>,
        %broadcast_in_dim3A_180 = arith.constant 10 : i32
        %broadcast_in_dim3A_181 = vector.broadcast %broadcast_in_dim3A_180 : i32 to vector<16xi32>
        %mul3A_182 = arith.mulf %get3A_179, %gather3A : vector<16xf32>
        tpu.vector_store_idx %arg13[%add3A_106, %broadcast_in_dim3A_181], %mul3A_182 : memref<128x32xf32, #tpu.memory_space<vmem>>[vector<16xi32>, vector<16xi32>], vector<16xf32>,
        %get3A_183 = arith.constant 11 : i32
        %get3A_184 = arith.index_cast %get3A_183 : i32 to index
        %get3A_185 = arith.index_cast %mul3A_102 : i32 to index
        %get3A_186 = tpu.vector_load %arg11[%get3A_184, %get3A_185] {strides = array<i32>} : memref<16x128xf32, #tpu.memory_space<vmem>>, vector<16xf32>,
        %broadcast_in_dim3A_187 = arith.constant 11 : i32
        %broadcast_in_dim3A_188 = vector.broadcast %broadcast_in_dim3A_187 : i32 to vector<16xi32>
        %mul3A_189 = arith.mulf %get3A_186, %gather3A : vector<16xf32>
        tpu.vector_store_idx %arg13[%add3A_106, %broadcast_in_dim3A_188], %mul3A_189 : memref<128x32xf32, #tpu.memory_space<vmem>>[vector<16xi32>, vector<16xi32>], vector<16xf32>,
        %get3A_190 = arith.constant 12 : i32
        %get3A_191 = arith.index_cast %get3A_190 : i32 to index
        %get3A_192 = arith.index_cast %mul3A_102 : i32 to index
        %get3A_193 = tpu.vector_load %arg11[%get3A_191, %get3A_192] {strides = array<i32>} : memref<16x128xf32, #tpu.memory_space<vmem>>, vector<16xf32>,
        %broadcast_in_dim3A_194 = arith.constant 12 : i32
        %broadcast_in_dim3A_195 = vector.broadcast %broadcast_in_dim3A_194 : i32 to vector<16xi32>
        %mul3A_196 = arith.mulf %get3A_193, %gather3A : vector<16xf32>
        tpu.vector_store_idx %arg13[%add3A_106, %broadcast_in_dim3A_195], %mul3A_196 : memref<128x32xf32, #tpu.memory_space<vmem>>[vector<16xi32>, vector<16xi32>], vector<16xf32>,
        %get3A_197 = arith.constant 13 : i32
        %get3A_198 = arith.index_cast %get3A_197 : i32 to index
        %get3A_199 = arith.index_cast %mul3A_102 : i32 to index
        %get3A_200 = tpu.vector_load %arg11[%get3A_198, %get3A_199] {strides = array<i32>} : memref<16x128xf32, #tpu.memory_space<vmem>>, vector<16xf32>,
        %broadcast_in_dim3A_201 = arith.constant 13 : i32
        %broadcast_in_dim3A_202 = vector.broadcast %broadcast_in_dim3A_201 : i32 to vector<16xi32>
        %mul3A_203 = arith.mulf %get3A_200, %gather3A : vector<16xf32>
        tpu.vector_store_idx %arg13[%add3A_106, %broadcast_in_dim3A_202], %mul3A_203 : memref<128x32xf32, #tpu.memory_space<vmem>>[vector<16xi32>, vector<16xi32>], vector<16xf32>,
        %get3A_204 = arith.constant 14 : i32
        %get3A_205 = arith.index_cast %get3A_204 : i32 to index
        %get3A_206 = arith.index_cast %mul3A_102 : i32 to index
        %get3A_207 = tpu.vector_load %arg11[%get3A_205, %get3A_206] {strides = array<i32>} : memref<16x128xf32, #tpu.memory_space<vmem>>, vector<16xf32>,
        %broadcast_in_dim3A_208 = arith.constant 14 : i32
        %broadcast_in_dim3A_209 = vector.broadcast %broadcast_in_dim3A_208 : i32 to vector<16xi32>
        %mul3A_210 = arith.mulf %get3A_207, %gather3A : vector<16xf32>
        tpu.vector_store_idx %arg13[%add3A_106, %broadcast_in_dim3A_209], %mul3A_210 : memref<128x32xf32, #tpu.memory_space<vmem>>[vector<16xi32>, vector<16xi32>], vector<16xf32>,
        %get3A_211 = arith.constant 15 : i32
        %get3A_212 = arith.index_cast %get3A_211 : i32 to index
        %get3A_213 = arith.index_cast %mul3A_102 : i32 to index
        %get3A_214 = tpu.vector_load %arg11[%get3A_212, %get3A_213] {strides = array<i32>} : memref<16x128xf32, #tpu.memory_space<vmem>>, vector<16xf32>,
        %broadcast_in_dim3A_215 = arith.constant 15 : i32
        %broadcast_in_dim3A_216 = vector.broadcast %broadcast_in_dim3A_215 : i32 to vector<16xi32>
        %mul3A_217 = arith.mulf %get3A_214, %gather3A : vector<16xf32>
        tpu.vector_store_idx %arg13[%add3A_106, %broadcast_in_dim3A_216], %mul3A_217 : memref<128x32xf32, #tpu.memory_space<vmem>>[vector<16xi32>, vector<16xi32>], vector<16xf32>,
        %broadcast_in_dim3A_218 = arith.constant 16 : i32
        %broadcast_in_dim3A_219 = vector.broadcast %broadcast_in_dim3A_218 : i32 to vector<16xi32>
        tpu.vector_store_idx %arg13[%add3A_106, %broadcast_in_dim3A_219], %gather3A : memref<128x32xf32, #tpu.memory_space<vmem>>[vector<16xi32>, vector<16xi32>], vector<16xf32>,
      }
      %scan3A_93 = arith.constant 8 : i32
      %dma_start3A_94 = arith.constant 0 : i32
      %dma_start3A_95 = tpu.memref_slice %arg9[%add3A_87, %dma_start3A_94] : memref<40x128xi32, #tpu.memory_space<vmem>> -> memref<1x128xi32, #tpu.memory_space<vmem>>
      %dma_start3A_96 = tpu.memref_squeeze %dma_start3A_95 : memref<1x128xi32, #tpu.memory_space<vmem>> -> memref<128xi32, #tpu.memory_space<vmem>>
      %dma_start3A_97 = arith.constant 0 : i32
      %dma_start3A_98 = arith.constant 0 : i32
      %dma_start3A_99 = tpu.memref_slice %arg15[%dma_start3A_97, %dma_start3A_98] : memref<10112x32xf32, #tpu.memory_space<vmem_shared>> -> memref<10112x32xf32, #tpu.memory_space<vmem_shared>>
      tpu.enqueue_indirect_dma source(%arg13 : memref<128x32xf32, #tpu.memory_space<vmem>>) target(%dma_start3A_99 : memref<10112x32xf32, #tpu.memory_space<vmem_shared>>) offsets(%dma_start3A_96 : memref<128xi32, #tpu.memory_space<vmem>>) semaphore(%arg19 : memref<!tpu.dma_semaphore, #tpu.memory_space<semaphore_mem>>) {add = true}
    }
    %scan3A_18 = arith.constant 20 : i32
    %dma_wait3A = arith.constant 38 : i32
    %dma_wait3A_19 = arith.constant 0 : i32
    %dma_wait3A_20 = tpu.memref_slice %arg9[%dma_wait3A, %dma_wait3A_19] : memref<40x128xi32, #tpu.memory_space<vmem>> -> memref<1x128xi32, #tpu.memory_space<vmem>>
    %dma_wait3A_21 = tpu.memref_squeeze %dma_wait3A_20 : memref<1x128xi32, #tpu.memory_space<vmem>> -> memref<128xi32, #tpu.memory_space<vmem>>
    %dma_wait3A_22 = arith.constant 0 : i32
    %dma_wait3A_23 = arith.constant 0 : i32
    %dma_wait3A_24 = tpu.memref_slice %arg15[%dma_wait3A_22, %dma_wait3A_23] : memref<10112x32xf32, #tpu.memory_space<vmem_shared>> -> memref<10112x32xf32, #tpu.memory_space<vmem_shared>>
    tpu.wait_indirect_dma semaphore(%arg18 : memref<!tpu.dma_semaphore, #tpu.memory_space<semaphore_mem>>) src(%arg12 : memref<128x32xf32, #tpu.memory_space<vmem>>) dst(%dma_wait3A_24 : memref<10112x32xf32, #tpu.memory_space<vmem_shared>>)
    %dma_wait3A_25 = arith.constant 39 : i32
    %dma_wait3A_26 = arith.constant 0 : i32
    %dma_wait3A_27 = tpu.memref_slice %arg9[%dma_wait3A_25, %dma_wait3A_26] : memref<40x128xi32, #tpu.memory_space<vmem>> -> memref<1x128xi32, #tpu.memory_space<vmem>>
    %dma_wait3A_28 = tpu.memref_squeeze %dma_wait3A_27 : memref<1x128xi32, #tpu.memory_space<vmem>> -> memref<128xi32, #tpu.memory_space<vmem>>
    %dma_wait3A_29 = arith.constant 0 : i32
    %dma_wait3A_30 = arith.constant 0 : i32
    %dma_wait3A_31 = tpu.memref_slice %arg15[%dma_wait3A_29, %dma_wait3A_30] : memref<10112x32xf32, #tpu.memory_space<vmem_shared>> -> memref<10112x32xf32, #tpu.memory_space<vmem_shared>>
    tpu.wait_indirect_dma semaphore(%arg19 : memref<!tpu.dma_semaphore, #tpu.memory_space<semaphore_mem>>) src(%arg13 : memref<128x32xf32, #tpu.memory_space<vmem>>) dst(%dma_wait3A_31 : memref<10112x32xf32, #tpu.memory_space<vmem_shared>>)
    %barrier3A_32 = arith.constant 0 : index
    tpu.barrier barrier_id(%barrier3A_32)
    "tpu.region"() ({
      %run_scoped3A = tpu.sem_alloc : memref<!tpu.dma_semaphore, #tpu.memory_space<semaphore_mem>>
      %dma_start3A_33 = arith.constant 0 : i32
      %dma_start3A_34 = tpu.memref_slice %arg7[%arg0, %mul3A_0, %dma_start3A_33] : memref<2x10112x32xf32, #tpu.memory_space<hbm>> -> memref<1x632x32xf32, #tpu.memory_space<hbm>>
      %dma_start3A_35 = tpu.memref_squeeze %dma_start3A_34 : memref<1x632x32xf32, #tpu.memory_space<hbm>> -> memref<632x32xf32, #tpu.memory_space<hbm>>
      %dma_start3A_36 = arith.constant 0 : i32
      %dma_start3A_37 = tpu.memref_slice %arg15[%mul3A_0, %dma_start3A_36] : memref<10112x32xf32, #tpu.memory_space<vmem_shared>> -> memref<632x32xf32, #tpu.memory_space<vmem_shared>>
      tpu.enqueue_dma source(%dma_start3A_37 : memref<632x32xf32, #tpu.memory_space<vmem_shared>>) target(%dma_start3A_35 : memref<632x32xf32, #tpu.memory_space<hbm>>) target_semaphore(%run_scoped3A : memref<!tpu.dma_semaphore, #tpu.memory_space<semaphore_mem>>)
      %dma_wait3A_38 = arith.constant 0 : i32
      %dma_wait3A_39 = tpu.memref_slice %arg7[%arg0, %mul3A_0, %dma_wait3A_38] : memref<2x10112x32xf32, #tpu.memory_space<hbm>> -> memref<1x632x32xf32, #tpu.memory_space<hbm>>
      %dma_wait3A_40 = tpu.memref_squeeze %dma_wait3A_39 : memref<1x632x32xf32, #tpu.memory_space<hbm>> -> memref<632x32xf32, #tpu.memory_space<hbm>>
      %dma_wait3A_41 = arith.constant 0 : i32
      %dma_wait3A_42 = tpu.memref_slice %arg15[%mul3A_0, %dma_wait3A_41] : memref<10112x32xf32, #tpu.memory_space<vmem_shared>> -> memref<632x32xf32, #tpu.memory_space<vmem_shared>>
      tpu.wait_dma2 semaphore(%run_scoped3A : memref<!tpu.dma_semaphore, #tpu.memory_space<semaphore_mem>>) src(%dma_wait3A_42 : memref<632x32xf32, #tpu.memory_space<vmem_shared>>) dst(%dma_wait3A_40 : memref<632x32xf32, #tpu.memory_space<hbm>>)
      tpu.yield
    }) : () -> ()
    return
  }
}

#map = affine_map<(d0, d1) -> (0, 0)>
#map1 = affine_map<(d0, d1) -> (0, 0, 0)>
module attributes {stable_mosaic.version = 14 : i64} {
  func.func @_p3_body(%arg0: i32, %arg1: i32, %arg2: memref<10000x16xf32, #tpu.memory_space<hbm>>, %arg3: memref<1280x128xi32, #tpu.memory_space<hbm>>, %arg4: memref<1280x128xi32, #tpu.memory_space<hbm>>, %arg5: memref<632x16xf32, #tpu.memory_space<hbm>>, %arg6: memref<2x10112x16xf32, #tpu.memory_space<hbm>>, %arg7: memref<40x128xi32, #tpu.memory_space<vmem>>, %arg8: memref<40x128xi32, #tpu.memory_space<vmem>>, %arg9: memref<128x16xf32, #tpu.memory_space<vmem>>, %arg10: memref<128x16xf32, #tpu.memory_space<vmem>>, %arg11: memref<128x16xf32, #tpu.memory_space<vmem>>, %arg12: memref<128x16xf32, #tpu.memory_space<vmem>>, %arg13: memref<10112x16xf32, #tpu.memory_space<vmem_shared>>, %arg14: memref<!tpu.dma_semaphore, #tpu.memory_space<semaphore_mem>>, %arg15: memref<!tpu.dma_semaphore, #tpu.memory_space<semaphore_mem>>, %arg16: memref<!tpu.dma_semaphore, #tpu.memory_space<semaphore_mem>>, %arg17: memref<!tpu.dma_semaphore, #tpu.memory_space<semaphore_mem>>, %arg18: memref<!tpu.dma_semaphore, #tpu.memory_space<semaphore_mem>>, %arg19: memref<!tpu.dma_semaphore, #tpu.memory_space<semaphore_mem>>, %arg20: memref<!tpu.dma_semaphore, #tpu.memory_space<semaphore_mem>>, %arg21: memref<!tpu.dma_semaphore, #tpu.memory_space<semaphore_mem>>) attributes {dimension_semantics = [#tpu.dimension_semantics<core_parallel>, #tpu.dimension_semantics<subcore_parallel>], iteration_bounds = array<i64: 2, 16>, scalar_prefetch = 0 : i64, scratch_operands = 15 : i64, tpu.core_type = #tpu.core_type<sc_vector_subcore>, window_params = [{transform_indices = #map}, {transform_indices = #map}, {transform_indices = #map}, {transform_indices = #map}, {transform_indices = #map1}]} {
    %mul3A = arith.constant 632 : i32
    %mul3A_0 = arith.muli %arg1, %mul3A : i32
    %mul3A_1 = arith.constant 16 : i32
    %mul3A_2 = arith.muli %arg0, %mul3A_1 : i32
    %add3A = arith.addi %mul3A_2, %arg1 : i32
    "tpu.region"() ({
      %run_scoped3A = tpu.sem_alloc : memref<!tpu.dma_semaphore, #tpu.memory_space<semaphore_mem>>
      %dma_start3A_60 = arith.constant 0 : i32
      %dma_start3A_61 = tpu.memref_slice %arg13[%mul3A_0, %dma_start3A_60] : memref<10112x16xf32, #tpu.memory_space<vmem_shared>> -> memref<632x16xf32, #tpu.memory_space<vmem_shared>>
      tpu.enqueue_dma source(%arg5 : memref<632x16xf32, #tpu.memory_space<hbm>>) target(%dma_start3A_61 : memref<632x16xf32, #tpu.memory_space<vmem_shared>>) target_semaphore(%run_scoped3A : memref<!tpu.dma_semaphore, #tpu.memory_space<semaphore_mem>>)
      %dma_wait3A_62 = arith.constant 0 : i32
      %dma_wait3A_63 = tpu.memref_slice %arg13[%mul3A_0, %dma_wait3A_62] : memref<10112x16xf32, #tpu.memory_space<vmem_shared>> -> memref<632x16xf32, #tpu.memory_space<vmem_shared>>
      tpu.wait_dma2 semaphore(%run_scoped3A : memref<!tpu.dma_semaphore, #tpu.memory_space<semaphore_mem>>) src(%arg5 : memref<632x16xf32, #tpu.memory_space<hbm>>) dst(%dma_wait3A_63 : memref<632x16xf32, #tpu.memory_space<vmem_shared>>)
      tpu.yield
    }) : () -> ()
    %mul3A_3 = arith.constant 40 : i32
    %mul3A_4 = arith.muli %add3A, %mul3A_3 : i32
    "tpu.region"() ({
      %run_scoped3A = tpu.sem_alloc : memref<!tpu.dma_semaphore, #tpu.memory_space<semaphore_mem>>
      %dma_start3A_60 = arith.constant 0 : i32
      %dma_start3A_61 = tpu.memref_slice %arg3[%mul3A_4, %dma_start3A_60] : memref<1280x128xi32, #tpu.memory_space<hbm>> -> memref<40x128xi32, #tpu.memory_space<hbm>>
      %dma_start3A_62 = arith.constant 0 : i32
      %dma_start3A_63 = tpu.memref_slice %arg3[%mul3A_4, %dma_start3A_62] : memref<1280x128xi32, #tpu.memory_space<hbm>> -> memref<40x128xi32, #tpu.memory_space<hbm>>
      tpu.enqueue_dma source(%dma_start3A_63 : memref<40x128xi32, #tpu.memory_space<hbm>>) target(%arg7 : memref<40x128xi32, #tpu.memory_space<vmem>>) target_semaphore(%run_scoped3A : memref<!tpu.dma_semaphore, #tpu.memory_space<semaphore_mem>>)
      %dma_wait3A_64 = arith.constant 0 : i32
      %dma_wait3A_65 = tpu.memref_slice %arg3[%mul3A_4, %dma_wait3A_64] : memref<1280x128xi32, #tpu.memory_space<hbm>> -> memref<40x128xi32, #tpu.memory_space<hbm>>
      %dma_wait3A_66 = arith.constant 0 : i32
      %dma_wait3A_67 = tpu.memref_slice %arg3[%mul3A_4, %dma_wait3A_66] : memref<1280x128xi32, #tpu.memory_space<hbm>> -> memref<40x128xi32, #tpu.memory_space<hbm>>
      tpu.wait_dma2 semaphore(%run_scoped3A : memref<!tpu.dma_semaphore, #tpu.memory_space<semaphore_mem>>) src(%dma_wait3A_67 : memref<40x128xi32, #tpu.memory_space<hbm>>) dst(%arg7 : memref<40x128xi32, #tpu.memory_space<vmem>>)
      tpu.yield
    }) : () -> ()
    %mul3A_5 = arith.constant 40 : i32
    %mul3A_6 = arith.muli %add3A, %mul3A_5 : i32
    "tpu.region"() ({
      %run_scoped3A = tpu.sem_alloc : memref<!tpu.dma_semaphore, #tpu.memory_space<semaphore_mem>>
      %dma_start3A_60 = arith.constant 0 : i32
      %dma_start3A_61 = tpu.memref_slice %arg4[%mul3A_6, %dma_start3A_60] : memref<1280x128xi32, #tpu.memory_space<hbm>> -> memref<40x128xi32, #tpu.memory_space<hbm>>
      %dma_start3A_62 = arith.constant 0 : i32
      %dma_start3A_63 = tpu.memref_slice %arg4[%mul3A_6, %dma_start3A_62] : memref<1280x128xi32, #tpu.memory_space<hbm>> -> memref<40x128xi32, #tpu.memory_space<hbm>>
      tpu.enqueue_dma source(%dma_start3A_63 : memref<40x128xi32, #tpu.memory_space<hbm>>) target(%arg8 : memref<40x128xi32, #tpu.memory_space<vmem>>) target_semaphore(%run_scoped3A : memref<!tpu.dma_semaphore, #tpu.memory_space<semaphore_mem>>)
      %dma_wait3A_64 = arith.constant 0 : i32
      %dma_wait3A_65 = tpu.memref_slice %arg4[%mul3A_6, %dma_wait3A_64] : memref<1280x128xi32, #tpu.memory_space<hbm>> -> memref<40x128xi32, #tpu.memory_space<hbm>>
      %dma_wait3A_66 = arith.constant 0 : i32
      %dma_wait3A_67 = tpu.memref_slice %arg4[%mul3A_6, %dma_wait3A_66] : memref<1280x128xi32, #tpu.memory_space<hbm>> -> memref<40x128xi32, #tpu.memory_space<hbm>>
      tpu.wait_dma2 semaphore(%run_scoped3A : memref<!tpu.dma_semaphore, #tpu.memory_space<semaphore_mem>>) src(%dma_wait3A_67 : memref<40x128xi32, #tpu.memory_space<hbm>>) dst(%arg8 : memref<40x128xi32, #tpu.memory_space<vmem>>)
      tpu.yield
    }) : () -> ()
    %barrier3A = arith.constant 0 : index
    tpu.barrier barrier_id(%barrier3A)
    %dma_start3A = arith.constant 0 : i32
    %dma_start3A_7 = arith.constant 0 : i32
    %dma_start3A_8 = tpu.memref_slice %arg7[%dma_start3A, %dma_start3A_7] : memref<40x128xi32, #tpu.memory_space<vmem>> -> memref<1x128xi32, #tpu.memory_space<vmem>>
    %dma_start3A_9 = tpu.memref_squeeze %dma_start3A_8 : memref<1x128xi32, #tpu.memory_space<vmem>> -> memref<128xi32, #tpu.memory_space<vmem>>
    %dma_start3A_10 = arith.constant 0 : i32
    %dma_start3A_11 = arith.constant 0 : i32
    %dma_start3A_12 = tpu.memref_slice %arg2[%dma_start3A_10, %dma_start3A_11] : memref<10000x16xf32, #tpu.memory_space<hbm>> -> memref<10000x16xf32, #tpu.memory_space<hbm>>
    tpu.enqueue_indirect_dma source(%dma_start3A_12 : memref<10000x16xf32, #tpu.memory_space<hbm>>) target(%arg9 : memref<128x16xf32, #tpu.memory_space<vmem>>) offsets(%dma_start3A_9 : memref<128xi32, #tpu.memory_space<vmem>>) semaphore(%arg14 : memref<!tpu.dma_semaphore, #tpu.memory_space<semaphore_mem>>)
    %dma_start3A_13 = arith.constant 1 : i32
    %dma_start3A_14 = arith.constant 0 : i32
    %dma_start3A_15 = tpu.memref_slice %arg7[%dma_start3A_13, %dma_start3A_14] : memref<40x128xi32, #tpu.memory_space<vmem>> -> memref<1x128xi32, #tpu.memory_space<vmem>>
    %dma_start3A_16 = tpu.memref_squeeze %dma_start3A_15 : memref<1x128xi32, #tpu.memory_space<vmem>> -> memref<128xi32, #tpu.memory_space<vmem>>
    %dma_start3A_17 = arith.constant 0 : i32
    %dma_start3A_18 = arith.constant 0 : i32
    %dma_start3A_19 = tpu.memref_slice %arg2[%dma_start3A_17, %dma_start3A_18] : memref<10000x16xf32, #tpu.memory_space<hbm>> -> memref<10000x16xf32, #tpu.memory_space<hbm>>
    tpu.enqueue_indirect_dma source(%dma_start3A_19 : memref<10000x16xf32, #tpu.memory_space<hbm>>) target(%arg10 : memref<128x16xf32, #tpu.memory_space<vmem>>) offsets(%dma_start3A_16 : memref<128xi32, #tpu.memory_space<vmem>>) semaphore(%arg15 : memref<!tpu.dma_semaphore, #tpu.memory_space<semaphore_mem>>)
    %dma_start3A_20 = arith.constant 2 : i32
    %dma_start3A_21 = arith.constant 0 : i32
    %dma_start3A_22 = tpu.memref_slice %arg7[%dma_start3A_20, %dma_start3A_21] : memref<40x128xi32, #tpu.memory_space<vmem>> -> memref<1x128xi32, #tpu.memory_space<vmem>>
    %dma_start3A_23 = tpu.memref_squeeze %dma_start3A_22 : memref<1x128xi32, #tpu.memory_space<vmem>> -> memref<128xi32, #tpu.memory_space<vmem>>
    %dma_start3A_24 = arith.constant 0 : i32
    %dma_start3A_25 = arith.constant 0 : i32
    %dma_start3A_26 = tpu.memref_slice %arg2[%dma_start3A_24, %dma_start3A_25] : memref<10000x16xf32, #tpu.memory_space<hbm>> -> memref<10000x16xf32, #tpu.memory_space<hbm>>
    tpu.enqueue_indirect_dma source(%dma_start3A_26 : memref<10000x16xf32, #tpu.memory_space<hbm>>) target(%arg11 : memref<128x16xf32, #tpu.memory_space<vmem>>) offsets(%dma_start3A_23 : memref<128xi32, #tpu.memory_space<vmem>>) semaphore(%arg16 : memref<!tpu.dma_semaphore, #tpu.memory_space<semaphore_mem>>)
    %dma_start3A_27 = arith.constant 3 : i32
    %dma_start3A_28 = arith.constant 0 : i32
    %dma_start3A_29 = tpu.memref_slice %arg7[%dma_start3A_27, %dma_start3A_28] : memref<40x128xi32, #tpu.memory_space<vmem>> -> memref<1x128xi32, #tpu.memory_space<vmem>>
    %dma_start3A_30 = tpu.memref_squeeze %dma_start3A_29 : memref<1x128xi32, #tpu.memory_space<vmem>> -> memref<128xi32, #tpu.memory_space<vmem>>
    %dma_start3A_31 = arith.constant 0 : i32
    %dma_start3A_32 = arith.constant 0 : i32
    %dma_start3A_33 = tpu.memref_slice %arg2[%dma_start3A_31, %dma_start3A_32] : memref<10000x16xf32, #tpu.memory_space<hbm>> -> memref<10000x16xf32, #tpu.memory_space<hbm>>
    tpu.enqueue_indirect_dma source(%dma_start3A_33 : memref<10000x16xf32, #tpu.memory_space<hbm>>) target(%arg12 : memref<128x16xf32, #tpu.memory_space<vmem>>) offsets(%dma_start3A_30 : memref<128xi32, #tpu.memory_space<vmem>>) semaphore(%arg17 : memref<!tpu.dma_semaphore, #tpu.memory_space<semaphore_mem>>)
    %scan3A = arith.constant 0 : i32
    %scan3A_34 = arith.constant 0 : i32
    %scan3A_35 = arith.constant 10 : i32
    %scan3A_36 = arith.addi %scan3A_34, %scan3A_35 : i32
    %scan3A_37 = arith.constant 1 : i32
    scf.for %scan3A_60 = %scan3A_34 to %scan3A_36 step %scan3A_37  : i32 {
      %mul3A_61 = arith.constant 4 : i32
      %mul3A_62 = arith.muli %scan3A_60, %mul3A_61 : i32
      %add3A_63 = arith.constant 0 : i32
      %add3A_64 = arith.addi %mul3A_62, %add3A_63 : i32
      %ge3A = arith.constant 3 : i32
      %ge3A_65 = arith.cmpi sge, %add3A_64, %ge3A : i32
      %convert_element_type3A = arith.extui %ge3A_65 : i1 to i32
      %cond3A = arith.constant 0 : i32
      %cond3A_66 = arith.cmpi ne, %convert_element_type3A, %cond3A : i32
      scf.if %cond3A_66 {
        %sub3A = arith.constant 3 : i32
        %sub3A_142 = arith.subi %add3A_64, %sub3A : i32
        %dma_wait3A_143 = arith.constant 0 : i32
        %dma_wait3A_144 = tpu.memref_slice %arg8[%sub3A_142, %dma_wait3A_143] : memref<40x128xi32, #tpu.memory_space<vmem>> -> memref<1x128xi32, #tpu.memory_space<vmem>>
        %dma_wait3A_145 = tpu.memref_squeeze %dma_wait3A_144 : memref<1x128xi32, #tpu.memory_space<vmem>> -> memref<128xi32, #tpu.memory_space<vmem>>
        %dma_wait3A_146 = arith.constant 0 : i32
        %dma_wait3A_147 = arith.constant 0 : i32
        %dma_wait3A_148 = tpu.memref_slice %arg13[%dma_wait3A_146, %dma_wait3A_147] : memref<10112x16xf32, #tpu.memory_space<vmem_shared>> -> memref<10112x16xf32, #tpu.memory_space<vmem_shared>>
        tpu.wait_indirect_dma semaphore(%arg19 : memref<!tpu.dma_semaphore, #tpu.memory_space<semaphore_mem>>) src(%arg10 : memref<128x16xf32, #tpu.memory_space<vmem>>) dst(%dma_wait3A_148 : memref<10112x16xf32, #tpu.memory_space<vmem_shared>>)
        %add3A_149 = arith.constant 1 : i32
        %add3A_150 = arith.addi %add3A_64, %add3A_149 : i32
        %lt3A = arith.constant 40 : i32
        %lt3A_151 = arith.cmpi slt, %add3A_150, %lt3A : i32
        %convert_element_type3A_152 = arith.extui %lt3A_151 : i1 to i32
        %cond3A_153 = arith.constant 0 : i32
        %cond3A_154 = arith.cmpi ne, %convert_element_type3A_152, %cond3A_153 : i32
        scf.if %cond3A_154 {
          %add3A_155 = arith.constant 1 : i32
          %add3A_156 = arith.addi %add3A_64, %add3A_155 : i32
          %dma_start3A_157 = arith.constant 0 : i32
          %dma_start3A_158 = tpu.memref_slice %arg7[%add3A_156, %dma_start3A_157] : memref<40x128xi32, #tpu.memory_space<vmem>> -> memref<1x128xi32, #tpu.memory_space<vmem>>
          %dma_start3A_159 = tpu.memref_squeeze %dma_start3A_158 : memref<1x128xi32, #tpu.memory_space<vmem>> -> memref<128xi32, #tpu.memory_space<vmem>>
          %dma_start3A_160 = arith.constant 0 : i32
          %dma_start3A_161 = arith.constant 0 : i32
          %dma_start3A_162 = tpu.memref_slice %arg2[%dma_start3A_160, %dma_start3A_161] : memref<10000x16xf32, #tpu.memory_space<hbm>> -> memref<10000x16xf32, #tpu.memory_space<hbm>>
          tpu.enqueue_indirect_dma source(%dma_start3A_162 : memref<10000x16xf32, #tpu.memory_space<hbm>>) target(%arg10 : memref<128x16xf32, #tpu.memory_space<vmem>>) offsets(%dma_start3A_159 : memref<128xi32, #tpu.memory_space<vmem>>) semaphore(%arg15 : memref<!tpu.dma_semaphore, #tpu.memory_space<semaphore_mem>>)
        } else {
        }
      } else {
      }
      %dma_wait3A_67 = arith.constant 0 : i32
      %dma_wait3A_68 = tpu.memref_slice %arg7[%add3A_64, %dma_wait3A_67] : memref<40x128xi32, #tpu.memory_space<vmem>> -> memref<1x128xi32, #tpu.memory_space<vmem>>
      %dma_wait3A_69 = tpu.memref_squeeze %dma_wait3A_68 : memref<1x128xi32, #tpu.memory_space<vmem>> -> memref<128xi32, #tpu.memory_space<vmem>>
      %dma_wait3A_70 = arith.constant 0 : i32
      %dma_wait3A_71 = arith.constant 0 : i32
      %dma_wait3A_72 = tpu.memref_slice %arg2[%dma_wait3A_70, %dma_wait3A_71] : memref<10000x16xf32, #tpu.memory_space<hbm>> -> memref<10000x16xf32, #tpu.memory_space<hbm>>
      tpu.wait_indirect_dma semaphore(%arg14 : memref<!tpu.dma_semaphore, #tpu.memory_space<semaphore_mem>>) src(%dma_wait3A_72 : memref<10000x16xf32, #tpu.memory_space<hbm>>) dst(%arg9 : memref<128x16xf32, #tpu.memory_space<vmem>>)
      %dma_start3A_73 = arith.constant 0 : i32
      %dma_start3A_74 = tpu.memref_slice %arg8[%add3A_64, %dma_start3A_73] : memref<40x128xi32, #tpu.memory_space<vmem>> -> memref<1x128xi32, #tpu.memory_space<vmem>>
      %dma_start3A_75 = tpu.memref_squeeze %dma_start3A_74 : memref<1x128xi32, #tpu.memory_space<vmem>> -> memref<128xi32, #tpu.memory_space<vmem>>
      %dma_start3A_76 = arith.constant 0 : i32
      %dma_start3A_77 = arith.constant 0 : i32
      %dma_start3A_78 = tpu.memref_slice %arg13[%dma_start3A_76, %dma_start3A_77] : memref<10112x16xf32, #tpu.memory_space<vmem_shared>> -> memref<10112x16xf32, #tpu.memory_space<vmem_shared>>
      tpu.enqueue_indirect_dma source(%arg9 : memref<128x16xf32, #tpu.memory_space<vmem>>) target(%dma_start3A_78 : memref<10112x16xf32, #tpu.memory_space<vmem_shared>>) offsets(%dma_start3A_75 : memref<128xi32, #tpu.memory_space<vmem>>) semaphore(%arg18 : memref<!tpu.dma_semaphore, #tpu.memory_space<semaphore_mem>>) {add = true}
      %mul3A_79 = arith.constant 4 : i32
      %mul3A_80 = arith.muli %scan3A_60, %mul3A_79 : i32
      %add3A_81 = arith.constant 1 : i32
      %add3A_82 = arith.addi %mul3A_80, %add3A_81 : i32
      %ge3A_83 = arith.constant 3 : i32
      %ge3A_84 = arith.cmpi sge, %add3A_82, %ge3A_83 : i32
      %convert_element_type3A_85 = arith.extui %ge3A_84 : i1 to i32
      %cond3A_86 = arith.constant 0 : i32
      %cond3A_87 = arith.cmpi ne, %convert_element_type3A_85, %cond3A_86 : i32
      scf.if %cond3A_87 {
        %sub3A = arith.constant 3 : i32
        %sub3A_142 = arith.subi %add3A_82, %sub3A : i32
        %dma_wait3A_143 = arith.constant 0 : i32
        %dma_wait3A_144 = tpu.memref_slice %arg8[%sub3A_142, %dma_wait3A_143] : memref<40x128xi32, #tpu.memory_space<vmem>> -> memref<1x128xi32, #tpu.memory_space<vmem>>
        %dma_wait3A_145 = tpu.memref_squeeze %dma_wait3A_144 : memref<1x128xi32, #tpu.memory_space<vmem>> -> memref<128xi32, #tpu.memory_space<vmem>>
        %dma_wait3A_146 = arith.constant 0 : i32
        %dma_wait3A_147 = arith.constant 0 : i32
        %dma_wait3A_148 = tpu.memref_slice %arg13[%dma_wait3A_146, %dma_wait3A_147] : memref<10112x16xf32, #tpu.memory_space<vmem_shared>> -> memref<10112x16xf32, #tpu.memory_space<vmem_shared>>
        tpu.wait_indirect_dma semaphore(%arg20 : memref<!tpu.dma_semaphore, #tpu.memory_space<semaphore_mem>>) src(%arg11 : memref<128x16xf32, #tpu.memory_space<vmem>>) dst(%dma_wait3A_148 : memref<10112x16xf32, #tpu.memory_space<vmem_shared>>)
        %add3A_149 = arith.constant 1 : i32
        %add3A_150 = arith.addi %add3A_82, %add3A_149 : i32
        %lt3A = arith.constant 40 : i32
        %lt3A_151 = arith.cmpi slt, %add3A_150, %lt3A : i32
        %convert_element_type3A_152 = arith.extui %lt3A_151 : i1 to i32
        %cond3A_153 = arith.constant 0 : i32
        %cond3A_154 = arith.cmpi ne, %convert_element_type3A_152, %cond3A_153 : i32
        scf.if %cond3A_154 {
          %add3A_155 = arith.constant 1 : i32
          %add3A_156 = arith.addi %add3A_82, %add3A_155 : i32
          %dma_start3A_157 = arith.constant 0 : i32
          %dma_start3A_158 = tpu.memref_slice %arg7[%add3A_156, %dma_start3A_157] : memref<40x128xi32, #tpu.memory_space<vmem>> -> memref<1x128xi32, #tpu.memory_space<vmem>>
          %dma_start3A_159 = tpu.memref_squeeze %dma_start3A_158 : memref<1x128xi32, #tpu.memory_space<vmem>> -> memref<128xi32, #tpu.memory_space<vmem>>
          %dma_start3A_160 = arith.constant 0 : i32
          %dma_start3A_161 = arith.constant 0 : i32
          %dma_start3A_162 = tpu.memref_slice %arg2[%dma_start3A_160, %dma_start3A_161] : memref<10000x16xf32, #tpu.memory_space<hbm>> -> memref<10000x16xf32, #tpu.memory_space<hbm>>
          tpu.enqueue_indirect_dma source(%dma_start3A_162 : memref<10000x16xf32, #tpu.memory_space<hbm>>) target(%arg11 : memref<128x16xf32, #tpu.memory_space<vmem>>) offsets(%dma_start3A_159 : memref<128xi32, #tpu.memory_space<vmem>>) semaphore(%arg16 : memref<!tpu.dma_semaphore, #tpu.memory_space<semaphore_mem>>)
        } else {
        }
      } else {
      }
      %dma_wait3A_88 = arith.constant 0 : i32
      %dma_wait3A_89 = tpu.memref_slice %arg7[%add3A_82, %dma_wait3A_88] : memref<40x128xi32, #tpu.memory_space<vmem>> -> memref<1x128xi32, #tpu.memory_space<vmem>>
      %dma_wait3A_90 = tpu.memref_squeeze %dma_wait3A_89 : memref<1x128xi32, #tpu.memory_space<vmem>> -> memref<128xi32, #tpu.memory_space<vmem>>
      %dma_wait3A_91 = arith.constant 0 : i32
      %dma_wait3A_92 = arith.constant 0 : i32
      %dma_wait3A_93 = tpu.memref_slice %arg2[%dma_wait3A_91, %dma_wait3A_92] : memref<10000x16xf32, #tpu.memory_space<hbm>> -> memref<10000x16xf32, #tpu.memory_space<hbm>>
      tpu.wait_indirect_dma semaphore(%arg15 : memref<!tpu.dma_semaphore, #tpu.memory_space<semaphore_mem>>) src(%dma_wait3A_93 : memref<10000x16xf32, #tpu.memory_space<hbm>>) dst(%arg10 : memref<128x16xf32, #tpu.memory_space<vmem>>)
      %dma_start3A_94 = arith.constant 0 : i32
      %dma_start3A_95 = tpu.memref_slice %arg8[%add3A_82, %dma_start3A_94] : memref<40x128xi32, #tpu.memory_space<vmem>> -> memref<1x128xi32, #tpu.memory_space<vmem>>
      %dma_start3A_96 = tpu.memref_squeeze %dma_start3A_95 : memref<1x128xi32, #tpu.memory_space<vmem>> -> memref<128xi32, #tpu.memory_space<vmem>>
      %dma_start3A_97 = arith.constant 0 : i32
      %dma_start3A_98 = arith.constant 0 : i32
      %dma_start3A_99 = tpu.memref_slice %arg13[%dma_start3A_97, %dma_start3A_98] : memref<10112x16xf32, #tpu.memory_space<vmem_shared>> -> memref<10112x16xf32, #tpu.memory_space<vmem_shared>>
      tpu.enqueue_indirect_dma source(%arg10 : memref<128x16xf32, #tpu.memory_space<vmem>>) target(%dma_start3A_99 : memref<10112x16xf32, #tpu.memory_space<vmem_shared>>) offsets(%dma_start3A_96 : memref<128xi32, #tpu.memory_space<vmem>>) semaphore(%arg19 : memref<!tpu.dma_semaphore, #tpu.memory_space<semaphore_mem>>) {add = true}
      %mul3A_100 = arith.constant 4 : i32
      %mul3A_101 = arith.muli %scan3A_60, %mul3A_100 : i32
      %add3A_102 = arith.constant 2 : i32
      %add3A_103 = arith.addi %mul3A_101, %add3A_102 : i32
      %ge3A_104 = arith.constant 3 : i32
      %ge3A_105 = arith.cmpi sge, %add3A_103, %ge3A_104 : i32
      %convert_element_type3A_106 = arith.extui %ge3A_105 : i1 to i32
      %cond3A_107 = arith.constant 0 : i32
      %cond3A_108 = arith.cmpi ne, %convert_element_type3A_106, %cond3A_107 : i32
      scf.if %cond3A_108 {
        %sub3A = arith.constant 3 : i32
        %sub3A_142 = arith.subi %add3A_103, %sub3A : i32
        %dma_wait3A_143 = arith.constant 0 : i32
        %dma_wait3A_144 = tpu.memref_slice %arg8[%sub3A_142, %dma_wait3A_143] : memref<40x128xi32, #tpu.memory_space<vmem>> -> memref<1x128xi32, #tpu.memory_space<vmem>>
        %dma_wait3A_145 = tpu.memref_squeeze %dma_wait3A_144 : memref<1x128xi32, #tpu.memory_space<vmem>> -> memref<128xi32, #tpu.memory_space<vmem>>
        %dma_wait3A_146 = arith.constant 0 : i32
        %dma_wait3A_147 = arith.constant 0 : i32
        %dma_wait3A_148 = tpu.memref_slice %arg13[%dma_wait3A_146, %dma_wait3A_147] : memref<10112x16xf32, #tpu.memory_space<vmem_shared>> -> memref<10112x16xf32, #tpu.memory_space<vmem_shared>>
        tpu.wait_indirect_dma semaphore(%arg21 : memref<!tpu.dma_semaphore, #tpu.memory_space<semaphore_mem>>) src(%arg12 : memref<128x16xf32, #tpu.memory_space<vmem>>) dst(%dma_wait3A_148 : memref<10112x16xf32, #tpu.memory_space<vmem_shared>>)
        %add3A_149 = arith.constant 1 : i32
        %add3A_150 = arith.addi %add3A_103, %add3A_149 : i32
        %lt3A = arith.constant 40 : i32
        %lt3A_151 = arith.cmpi slt, %add3A_150, %lt3A : i32
        %convert_element_type3A_152 = arith.extui %lt3A_151 : i1 to i32
        %cond3A_153 = arith.constant 0 : i32
        %cond3A_154 = arith.cmpi ne, %convert_element_type3A_152, %cond3A_153 : i32
        scf.if %cond3A_154 {
          %add3A_155 = arith.constant 1 : i32
          %add3A_156 = arith.addi %add3A_103, %add3A_155 : i32
          %dma_start3A_157 = arith.constant 0 : i32
          %dma_start3A_158 = tpu.memref_slice %arg7[%add3A_156, %dma_start3A_157] : memref<40x128xi32, #tpu.memory_space<vmem>> -> memref<1x128xi32, #tpu.memory_space<vmem>>
          %dma_start3A_159 = tpu.memref_squeeze %dma_start3A_158 : memref<1x128xi32, #tpu.memory_space<vmem>> -> memref<128xi32, #tpu.memory_space<vmem>>
          %dma_start3A_160 = arith.constant 0 : i32
          %dma_start3A_161 = arith.constant 0 : i32
          %dma_start3A_162 = tpu.memref_slice %arg2[%dma_start3A_160, %dma_start3A_161] : memref<10000x16xf32, #tpu.memory_space<hbm>> -> memref<10000x16xf32, #tpu.memory_space<hbm>>
          tpu.enqueue_indirect_dma source(%dma_start3A_162 : memref<10000x16xf32, #tpu.memory_space<hbm>>) target(%arg12 : memref<128x16xf32, #tpu.memory_space<vmem>>) offsets(%dma_start3A_159 : memref<128xi32, #tpu.memory_space<vmem>>) semaphore(%arg17 : memref<!tpu.dma_semaphore, #tpu.memory_space<semaphore_mem>>)
        } else {
        }
      } else {
      }
      %dma_wait3A_109 = arith.constant 0 : i32
      %dma_wait3A_110 = tpu.memref_slice %arg7[%add3A_103, %dma_wait3A_109] : memref<40x128xi32, #tpu.memory_space<vmem>> -> memref<1x128xi32, #tpu.memory_space<vmem>>
      %dma_wait3A_111 = tpu.memref_squeeze %dma_wait3A_110 : memref<1x128xi32, #tpu.memory_space<vmem>> -> memref<128xi32, #tpu.memory_space<vmem>>
      %dma_wait3A_112 = arith.constant 0 : i32
      %dma_wait3A_113 = arith.constant 0 : i32
      %dma_wait3A_114 = tpu.memref_slice %arg2[%dma_wait3A_112, %dma_wait3A_113] : memref<10000x16xf32, #tpu.memory_space<hbm>> -> memref<10000x16xf32, #tpu.memory_space<hbm>>
      tpu.wait_indirect_dma semaphore(%arg16 : memref<!tpu.dma_semaphore, #tpu.memory_space<semaphore_mem>>) src(%dma_wait3A_114 : memref<10000x16xf32, #tpu.memory_space<hbm>>) dst(%arg11 : memref<128x16xf32, #tpu.memory_space<vmem>>)
      %dma_start3A_115 = arith.constant 0 : i32
      %dma_start3A_116 = tpu.memref_slice %arg8[%add3A_103, %dma_start3A_115] : memref<40x128xi32, #tpu.memory_space<vmem>> -> memref<1x128xi32, #tpu.memory_space<vmem>>
      %dma_start3A_117 = tpu.memref_squeeze %dma_start3A_116 : memref<1x128xi32, #tpu.memory_space<vmem>> -> memref<128xi32, #tpu.memory_space<vmem>>
      %dma_start3A_118 = arith.constant 0 : i32
      %dma_start3A_119 = arith.constant 0 : i32
      %dma_start3A_120 = tpu.memref_slice %arg13[%dma_start3A_118, %dma_start3A_119] : memref<10112x16xf32, #tpu.memory_space<vmem_shared>> -> memref<10112x16xf32, #tpu.memory_space<vmem_shared>>
      tpu.enqueue_indirect_dma source(%arg11 : memref<128x16xf32, #tpu.memory_space<vmem>>) target(%dma_start3A_120 : memref<10112x16xf32, #tpu.memory_space<vmem_shared>>) offsets(%dma_start3A_117 : memref<128xi32, #tpu.memory_space<vmem>>) semaphore(%arg20 : memref<!tpu.dma_semaphore, #tpu.memory_space<semaphore_mem>>) {add = true}
      %mul3A_121 = arith.constant 4 : i32
      %mul3A_122 = arith.muli %scan3A_60, %mul3A_121 : i32
      %add3A_123 = arith.constant 3 : i32
      %add3A_124 = arith.addi %mul3A_122, %add3A_123 : i32
      %ge3A_125 = arith.constant 3 : i32
      %ge3A_126 = arith.cmpi sge, %add3A_124, %ge3A_125 : i32
      %convert_element_type3A_127 = arith.extui %ge3A_126 : i1 to i32
      %cond3A_128 = arith.constant 0 : i32
      %cond3A_129 = arith.cmpi ne, %convert_element_type3A_127, %cond3A_128 : i32
      scf.if %cond3A_129 {
        %sub3A = arith.constant 3 : i32
        %sub3A_142 = arith.subi %add3A_124, %sub3A : i32
        %dma_wait3A_143 = arith.constant 0 : i32
        %dma_wait3A_144 = tpu.memref_slice %arg8[%sub3A_142, %dma_wait3A_143] : memref<40x128xi32, #tpu.memory_space<vmem>> -> memref<1x128xi32, #tpu.memory_space<vmem>>
        %dma_wait3A_145 = tpu.memref_squeeze %dma_wait3A_144 : memref<1x128xi32, #tpu.memory_space<vmem>> -> memref<128xi32, #tpu.memory_space<vmem>>
        %dma_wait3A_146 = arith.constant 0 : i32
        %dma_wait3A_147 = arith.constant 0 : i32
        %dma_wait3A_148 = tpu.memref_slice %arg13[%dma_wait3A_146, %dma_wait3A_147] : memref<10112x16xf32, #tpu.memory_space<vmem_shared>> -> memref<10112x16xf32, #tpu.memory_space<vmem_shared>>
        tpu.wait_indirect_dma semaphore(%arg18 : memref<!tpu.dma_semaphore, #tpu.memory_space<semaphore_mem>>) src(%arg9 : memref<128x16xf32, #tpu.memory_space<vmem>>) dst(%dma_wait3A_148 : memref<10112x16xf32, #tpu.memory_space<vmem_shared>>)
        %add3A_149 = arith.constant 1 : i32
        %add3A_150 = arith.addi %add3A_124, %add3A_149 : i32
        %lt3A = arith.constant 40 : i32
        %lt3A_151 = arith.cmpi slt, %add3A_150, %lt3A : i32
        %convert_element_type3A_152 = arith.extui %lt3A_151 : i1 to i32
        %cond3A_153 = arith.constant 0 : i32
        %cond3A_154 = arith.cmpi ne, %convert_element_type3A_152, %cond3A_153 : i32
        scf.if %cond3A_154 {
          %add3A_155 = arith.constant 1 : i32
          %add3A_156 = arith.addi %add3A_124, %add3A_155 : i32
          %dma_start3A_157 = arith.constant 0 : i32
          %dma_start3A_158 = tpu.memref_slice %arg7[%add3A_156, %dma_start3A_157] : memref<40x128xi32, #tpu.memory_space<vmem>> -> memref<1x128xi32, #tpu.memory_space<vmem>>
          %dma_start3A_159 = tpu.memref_squeeze %dma_start3A_158 : memref<1x128xi32, #tpu.memory_space<vmem>> -> memref<128xi32, #tpu.memory_space<vmem>>
          %dma_start3A_160 = arith.constant 0 : i32
          %dma_start3A_161 = arith.constant 0 : i32
          %dma_start3A_162 = tpu.memref_slice %arg2[%dma_start3A_160, %dma_start3A_161] : memref<10000x16xf32, #tpu.memory_space<hbm>> -> memref<10000x16xf32, #tpu.memory_space<hbm>>
          tpu.enqueue_indirect_dma source(%dma_start3A_162 : memref<10000x16xf32, #tpu.memory_space<hbm>>) target(%arg9 : memref<128x16xf32, #tpu.memory_space<vmem>>) offsets(%dma_start3A_159 : memref<128xi32, #tpu.memory_space<vmem>>) semaphore(%arg14 : memref<!tpu.dma_semaphore, #tpu.memory_space<semaphore_mem>>)
        } else {
        }
      } else {
      }
      %dma_wait3A_130 = arith.constant 0 : i32
      %dma_wait3A_131 = tpu.memref_slice %arg7[%add3A_124, %dma_wait3A_130] : memref<40x128xi32, #tpu.memory_space<vmem>> -> memref<1x128xi32, #tpu.memory_space<vmem>>
      %dma_wait3A_132 = tpu.memref_squeeze %dma_wait3A_131 : memref<1x128xi32, #tpu.memory_space<vmem>> -> memref<128xi32, #tpu.memory_space<vmem>>
      %dma_wait3A_133 = arith.constant 0 : i32
      %dma_wait3A_134 = arith.constant 0 : i32
      %dma_wait3A_135 = tpu.memref_slice %arg2[%dma_wait3A_133, %dma_wait3A_134] : memref<10000x16xf32, #tpu.memory_space<hbm>> -> memref<10000x16xf32, #tpu.memory_space<hbm>>
      tpu.wait_indirect_dma semaphore(%arg17 : memref<!tpu.dma_semaphore, #tpu.memory_space<semaphore_mem>>) src(%dma_wait3A_135 : memref<10000x16xf32, #tpu.memory_space<hbm>>) dst(%arg12 : memref<128x16xf32, #tpu.memory_space<vmem>>)
      %dma_start3A_136 = arith.constant 0 : i32
      %dma_start3A_137 = tpu.memref_slice %arg8[%add3A_124, %dma_start3A_136] : memref<40x128xi32, #tpu.memory_space<vmem>> -> memref<1x128xi32, #tpu.memory_space<vmem>>
      %dma_start3A_138 = tpu.memref_squeeze %dma_start3A_137 : memref<1x128xi32, #tpu.memory_space<vmem>> -> memref<128xi32, #tpu.memory_space<vmem>>
      %dma_start3A_139 = arith.constant 0 : i32
      %dma_start3A_140 = arith.constant 0 : i32
      %dma_start3A_141 = tpu.memref_slice %arg13[%dma_start3A_139, %dma_start3A_140] : memref<10112x16xf32, #tpu.memory_space<vmem_shared>> -> memref<10112x16xf32, #tpu.memory_space<vmem_shared>>
      tpu.enqueue_indirect_dma source(%arg12 : memref<128x16xf32, #tpu.memory_space<vmem>>) target(%dma_start3A_141 : memref<10112x16xf32, #tpu.memory_space<vmem_shared>>) offsets(%dma_start3A_138 : memref<128xi32, #tpu.memory_space<vmem>>) semaphore(%arg21 : memref<!tpu.dma_semaphore, #tpu.memory_space<semaphore_mem>>) {add = true}
    }
    %scan3A_38 = arith.constant 10 : i32
    %dma_wait3A = arith.constant 37 : i32
    %dma_wait3A_39 = arith.constant 0 : i32
    %dma_wait3A_40 = tpu.memref_slice %arg8[%dma_wait3A, %dma_wait3A_39] : memref<40x128xi32, #tpu.memory_space<vmem>> -> memref<1x128xi32, #tpu.memory_space<vmem>>
    %dma_wait3A_41 = tpu.memref_squeeze %dma_wait3A_40 : memref<1x128xi32, #tpu.memory_space<vmem>> -> memref<128xi32, #tpu.memory_space<vmem>>
    %dma_wait3A_42 = arith.constant 0 : i32
    %dma_wait3A_43 = arith.constant 0 : i32
    %dma_wait3A_44 = tpu.memref_slice %arg13[%dma_wait3A_42, %dma_wait3A_43] : memref<10112x16xf32, #tpu.memory_space<vmem_shared>> -> memref<10112x16xf32, #tpu.memory_space<vmem_shared>>
    tpu.wait_indirect_dma semaphore(%arg19 : memref<!tpu.dma_semaphore, #tpu.memory_space<semaphore_mem>>) src(%arg10 : memref<128x16xf32, #tpu.memory_space<vmem>>) dst(%dma_wait3A_44 : memref<10112x16xf32, #tpu.memory_space<vmem_shared>>)
    %dma_wait3A_45 = arith.constant 38 : i32
    %dma_wait3A_46 = arith.constant 0 : i32
    %dma_wait3A_47 = tpu.memref_slice %arg8[%dma_wait3A_45, %dma_wait3A_46] : memref<40x128xi32, #tpu.memory_space<vmem>> -> memref<1x128xi32, #tpu.memory_space<vmem>>
    %dma_wait3A_48 = tpu.memref_squeeze %dma_wait3A_47 : memref<1x128xi32, #tpu.memory_space<vmem>> -> memref<128xi32, #tpu.memory_space<vmem>>
    %dma_wait3A_49 = arith.constant 0 : i32
    %dma_wait3A_50 = arith.constant 0 : i32
    %dma_wait3A_51 = tpu.memref_slice %arg13[%dma_wait3A_49, %dma_wait3A_50] : memref<10112x16xf32, #tpu.memory_space<vmem_shared>> -> memref<10112x16xf32, #tpu.memory_space<vmem_shared>>
    tpu.wait_indirect_dma semaphore(%arg20 : memref<!tpu.dma_semaphore, #tpu.memory_space<semaphore_mem>>) src(%arg11 : memref<128x16xf32, #tpu.memory_space<vmem>>) dst(%dma_wait3A_51 : memref<10112x16xf32, #tpu.memory_space<vmem_shared>>)
    %dma_wait3A_52 = arith.constant 39 : i32
    %dma_wait3A_53 = arith.constant 0 : i32
    %dma_wait3A_54 = tpu.memref_slice %arg8[%dma_wait3A_52, %dma_wait3A_53] : memref<40x128xi32, #tpu.memory_space<vmem>> -> memref<1x128xi32, #tpu.memory_space<vmem>>
    %dma_wait3A_55 = tpu.memref_squeeze %dma_wait3A_54 : memref<1x128xi32, #tpu.memory_space<vmem>> -> memref<128xi32, #tpu.memory_space<vmem>>
    %dma_wait3A_56 = arith.constant 0 : i32
    %dma_wait3A_57 = arith.constant 0 : i32
    %dma_wait3A_58 = tpu.memref_slice %arg13[%dma_wait3A_56, %dma_wait3A_57] : memref<10112x16xf32, #tpu.memory_space<vmem_shared>> -> memref<10112x16xf32, #tpu.memory_space<vmem_shared>>
    tpu.wait_indirect_dma semaphore(%arg21 : memref<!tpu.dma_semaphore, #tpu.memory_space<semaphore_mem>>) src(%arg12 : memref<128x16xf32, #tpu.memory_space<vmem>>) dst(%dma_wait3A_58 : memref<10112x16xf32, #tpu.memory_space<vmem_shared>>)
    %barrier3A_59 = arith.constant 0 : index
    tpu.barrier barrier_id(%barrier3A_59)
    "tpu.region"() ({
      %run_scoped3A = tpu.sem_alloc : memref<!tpu.dma_semaphore, #tpu.memory_space<semaphore_mem>>
      %dma_start3A_60 = arith.constant 0 : i32
      %dma_start3A_61 = tpu.memref_slice %arg6[%arg0, %mul3A_0, %dma_start3A_60] : memref<2x10112x16xf32, #tpu.memory_space<hbm>> -> memref<1x632x16xf32, #tpu.memory_space<hbm>>
      %dma_start3A_62 = tpu.memref_squeeze %dma_start3A_61 : memref<1x632x16xf32, #tpu.memory_space<hbm>> -> memref<632x16xf32, #tpu.memory_space<hbm>>
      %dma_start3A_63 = arith.constant 0 : i32
      %dma_start3A_64 = tpu.memref_slice %arg13[%mul3A_0, %dma_start3A_63] : memref<10112x16xf32, #tpu.memory_space<vmem_shared>> -> memref<632x16xf32, #tpu.memory_space<vmem_shared>>
      tpu.enqueue_dma source(%dma_start3A_64 : memref<632x16xf32, #tpu.memory_space<vmem_shared>>) target(%dma_start3A_62 : memref<632x16xf32, #tpu.memory_space<hbm>>) target_semaphore(%run_scoped3A : memref<!tpu.dma_semaphore, #tpu.memory_space<semaphore_mem>>)
      %dma_wait3A_65 = arith.constant 0 : i32
      %dma_wait3A_66 = tpu.memref_slice %arg6[%arg0, %mul3A_0, %dma_wait3A_65] : memref<2x10112x16xf32, #tpu.memory_space<hbm>> -> memref<1x632x16xf32, #tpu.memory_space<hbm>>
      %dma_wait3A_67 = tpu.memref_squeeze %dma_wait3A_66 : memref<1x632x16xf32, #tpu.memory_space<hbm>> -> memref<632x16xf32, #tpu.memory_space<hbm>>
      %dma_wait3A_68 = arith.constant 0 : i32
      %dma_wait3A_69 = tpu.memref_slice %arg13[%mul3A_0, %dma_wait3A_68] : memref<10112x16xf32, #tpu.memory_space<vmem_shared>> -> memref<632x16xf32, #tpu.memory_space<vmem_shared>>
      tpu.wait_dma2 semaphore(%run_scoped3A : memref<!tpu.dma_semaphore, #tpu.memory_space<semaphore_mem>>) src(%dma_wait3A_69 : memref<632x16xf32, #tpu.memory_space<vmem_shared>>) dst(%dma_wait3A_67 : memref<632x16xf32, #tpu.memory_space<hbm>>)
      tpu.yield
    }) : () -> ()
    return
  }
}

module attributes {stable_mosaic.version = 14 : i64} {
  func.func @_tc2_body(%arg0: i32, %arg1: memref<1000x256xf32, #tpu.memory_space<vmem>>, %arg2: memref<2x1000x128xf32, #tpu.memory_space<vmem>>, %arg3: memref<1x1000x8xf32, #tpu.memory_space<vmem>>, %arg4: memref<256x256xf32, #tpu.memory_space<vmem>>, %arg5: memref<256x2xf32, #tpu.memory_space<vmem>>, %arg6: memref<256x256xf32, #tpu.memory_space<vmem>>, %arg7: memref<256x2xf32, #tpu.memory_space<vmem>>, %arg8: memref<256x1xf32, #tpu.memory_space<vmem>>, %arg9: memref<256x256xf32, #tpu.memory_space<vmem>>, %arg10: memref<1000x16xf32, #tpu.memory_space<vmem>>, %arg11: memref<1000x256xf32, #tpu.memory_space<vmem>>) attributes {dimension_semantics = [#tpu.dimension_semantics<arbitrary>], iteration_bounds = array<i64: 10>, scalar_prefetch = 0 : i64, scratch_operands = 0 : i64, tpu.core_type = #tpu.core_type<tc>, window_params = [{transform_indices = @transform_0, window_bounds = array<i64: 1000, 256>}, {transform_indices = @transform_1, window_bounds = array<i64: 2, 1000, 128>}, {transform_indices = @transform_2, window_bounds = array<i64: 1, 1000, 8>}, {pipeline_mode = #tpu.pipeline_mode<synchronous>, transform_indices = @transform_3, window_bounds = array<i64: 256, 256>}, {pipeline_mode = #tpu.pipeline_mode<synchronous>, transform_indices = @transform_4, window_bounds = array<i64: 256, 2>}, {pipeline_mode = #tpu.pipeline_mode<synchronous>, transform_indices = @transform_5, window_bounds = array<i64: 256, 256>}, {pipeline_mode = #tpu.pipeline_mode<synchronous>, transform_indices = @transform_6, window_bounds = array<i64: 256, 2>}, {pipeline_mode = #tpu.pipeline_mode<synchronous>, transform_indices = @transform_7, window_bounds = array<i64: 256, 1>}, {pipeline_mode = #tpu.pipeline_mode<synchronous>, transform_indices = @transform_8, window_bounds = array<i64: 256, 256>}, {transform_indices = @transform_9, window_bounds = array<i64: 1000, 16>}, {transform_indices = @transform_10, window_bounds = array<i64: 1000, 256>}]} {
    %get3A = arith.constant 0 : index
    %get3A_0 = arith.constant 0 : index
    %get3A_1 = vector.load %arg1[%get3A, %get3A_0] : memref<1000x256xf32, #tpu.memory_space<vmem>>, vector<1000x256xf32>
    %get3A_2 = arith.constant 0 : index
    %get3A_3 = arith.constant 0 : index
    %get3A_4 = arith.constant 0 : index
    %get3A_5 = vector.load %arg2[%get3A_2, %get3A_3, %get3A_4] : memref<2x1000x128xf32, #tpu.memory_space<vmem>>, vector<2x1000x128xf32>
    %slice3A = vector.extract_strided_slice %get3A_5 {offsets = [0, 0, 0], sizes = [1, 1000, 128], strides = [1, 1, 1]} : vector<2x1000x128xf32> to vector<1x1000x128xf32>
    %squeeze3A = vector.shape_cast %slice3A : vector<1x1000x128xf32> to vector<1000x128xf32>
    %slice3A_6 = vector.extract_strided_slice %get3A_5 {offsets = [1, 0, 0], sizes = [1, 1000, 128], strides = [1, 1, 1]} : vector<2x1000x128xf32> to vector<1x1000x128xf32>
    %squeeze3A_7 = vector.shape_cast %slice3A_6 : vector<1x1000x128xf32> to vector<1000x128xf32>
    %concatenate3A = tpu.concatenate %squeeze3A, %squeeze3A_7 in 1 : vector<1000x128xf32>, vector<1000x128xf32> -> vector<1000x256xf32>
    %add3A = arith.addf %concatenate3A, %get3A_1 : vector<1000x256xf32>
    %get3A_8 = arith.constant 0 : index
    %get3A_9 = arith.constant 0 : index
    %get3A_10 = arith.constant 0 : index
    %get3A_11 = vector.load %arg3[%get3A_8, %get3A_9, %get3A_10] : memref<1x1000x8xf32, #tpu.memory_space<vmem>>, vector<1x1000x8xf32>
    %squeeze3A_12 = vector.shape_cast %get3A_11 : vector<1x1000x8xf32> to vector<1000x8xf32>
    %slice3A_13 = vector.extract_strided_slice %squeeze3A_12 {offsets = [0, 0], sizes = [1000, 1], strides = [1, 1]} : vector<1000x8xf32> to vector<1000x1xf32>
    %add3A_14 = arith.constant 1.000000e+00 : f32
    %add3A_15 = vector.broadcast %add3A_14 : f32 to vector<1000x1xf32>
    %add3A_16 = arith.addf %slice3A_13, %add3A_15 : vector<1000x1xf32>
    %div3A = vector.broadcast %add3A_16 : vector<1000x1xf32> to vector<1000x256xf32>
    %div3A_17 = arith.divf %add3A, %div3A : vector<1000x256xf32>
    %get3A_18 = arith.constant 0 : index
    %get3A_19 = arith.constant 0 : index
    %get3A_20 = vector.load %arg4[%get3A_18, %get3A_19] : memref<256x256xf32, #tpu.memory_space<vmem>>, vector<256x256xf32>
    %dot_general3A = arith.constant dense<0.000000e+00> : vector<1000x256xf32>
    %dot_general3A_21 = tpu.matmul %div3A_17, %get3A_20, %dot_general3A {dimension_numbers = #tpu.dot_dimension_numbers<[1], [0], [0], [1], [0, 0, 1, 1], [], []>, precision = #tpu.contract_precision<fp32>, transpose_lhs_hint = false} : vector<1000x256xf32>, vector<256x256xf32>, vector<1000x256xf32> -> vector<1000x256xf32>
    %max3A = arith.constant 0.000000e+00 : f32
    %max3A_22 = vector.broadcast %max3A : f32 to vector<1000x256xf32>
    %max3A_23 = arith.maximumf %dot_general3A_21, %max3A_22 : vector<1000x256xf32>
    %get3A_24 = arith.constant 0 : index
    %get3A_25 = arith.constant 0 : index
    %get3A_26 = vector.load %arg6[%get3A_24, %get3A_25] : memref<256x256xf32, #tpu.memory_space<vmem>>, vector<256x256xf32>
    %dot_general3A_27 = arith.constant dense<0.000000e+00> : vector<1000x256xf32>
    %dot_general3A_28 = tpu.matmul %div3A_17, %get3A_26, %dot_general3A_27 {dimension_numbers = #tpu.dot_dimension_numbers<[1], [0], [0], [1], [0, 0, 1, 1], [], []>, precision = #tpu.contract_precision<fp32>, transpose_lhs_hint = false} : vector<1000x256xf32>, vector<256x256xf32>, vector<1000x256xf32> -> vector<1000x256xf32>
    %max3A_29 = arith.constant 0.000000e+00 : f32
    %max3A_30 = vector.broadcast %max3A_29 : f32 to vector<1000x256xf32>
    %max3A_31 = arith.maximumf %dot_general3A_28, %max3A_30 : vector<1000x256xf32>
    %get3A_32 = arith.constant 0 : index
    %get3A_33 = arith.constant 0 : index
    %get3A_34 = vector.load %arg5[%get3A_32, %get3A_33] : memref<256x2xf32, #tpu.memory_space<vmem>>, vector<256x2xf32>
    %dot_general3A_35 = arith.constant dense<0.000000e+00> : vector<1000x2xf32>
    %dot_general3A_36 = tpu.matmul %max3A_23, %get3A_34, %dot_general3A_35 {dimension_numbers = #tpu.dot_dimension_numbers<[1], [0], [0], [1], [0, 0, 1, 1], [], []>, precision = #tpu.contract_precision<fp32>, transpose_lhs_hint = false} : vector<1000x256xf32>, vector<256x2xf32>, vector<1000x2xf32> -> vector<1000x2xf32>
    %get3A_37 = arith.constant 0 : index
    %get3A_38 = arith.constant 0 : index
    %get3A_39 = vector.load %arg7[%get3A_37, %get3A_38] : memref<256x2xf32, #tpu.memory_space<vmem>>, vector<256x2xf32>
    %dot_general3A_40 = arith.constant dense<0.000000e+00> : vector<1000x2xf32>
    %dot_general3A_41 = tpu.matmul %max3A_31, %get3A_39, %dot_general3A_40 {dimension_numbers = #tpu.dot_dimension_numbers<[1], [0], [0], [1], [0, 0, 1, 1], [], []>, precision = #tpu.contract_precision<fp32>, transpose_lhs_hint = false} : vector<1000x256xf32>, vector<256x2xf32>, vector<1000x2xf32> -> vector<1000x2xf32>
    %get3A_42 = arith.constant 0 : index
    %get3A_43 = arith.constant 0 : index
    %get3A_44 = vector.load %arg8[%get3A_42, %get3A_43] : memref<256x1xf32, #tpu.memory_space<vmem>>, vector<256x1xf32>
    %dot_general3A_45 = arith.constant dense<0.000000e+00> : vector<1000x1xf32>
    %dot_general3A_46 = tpu.matmul %div3A_17, %get3A_44, %dot_general3A_45 {dimension_numbers = #tpu.dot_dimension_numbers<[1], [0], [0], [1], [0, 0, 1, 1], [], []>, precision = #tpu.contract_precision<fp32>, transpose_lhs_hint = false} : vector<1000x256xf32>, vector<256x1xf32>, vector<1000x1xf32> -> vector<1000x1xf32>
    %max3A_47 = arith.constant 0.000000e+00 : f32
    %max3A_48 = vector.broadcast %max3A_47 : f32 to vector<1000x1xf32>
    %max3A_49 = arith.maximumf %dot_general3A_46, %max3A_48 : vector<1000x1xf32>
    %abs3A = math.absf %dot_general3A_46 : vector<1000x1xf32>
    %neg3A = arith.constant 0.000000e+00 : f32
    %neg3A_50 = vector.broadcast %neg3A : f32 to vector<1000x1xf32>
    %neg3A_51 = arith.subf %neg3A_50, %abs3A : vector<1000x1xf32>
    %exp3A = math.exp %neg3A_51 : vector<1000x1xf32>
    %add3A_52 = arith.constant 1.000000e+00 : f32
    %add3A_53 = vector.broadcast %add3A_52 : f32 to vector<1000x1xf32>
    %add3A_54 = arith.addf %add3A_53, %exp3A : vector<1000x1xf32>
    %log3A = math.log %add3A_54 : vector<1000x1xf32>
    %add3A_55 = arith.addf %max3A_49, %log3A : vector<1000x1xf32>
    %add3A_56 = arith.constant 1.000000e-01 : f32
    %add3A_57 = vector.broadcast %add3A_56 : f32 to vector<1000x1xf32>
    %add3A_58 = arith.addf %add3A_55, %add3A_57 : vector<1000x1xf32>
    %broadcast_in_dim3A = arith.constant 0.000000e+00 : f32
    %broadcast_in_dim3A_59 = vector.broadcast %broadcast_in_dim3A : f32 to vector<1000x11xf32>
    %concatenate3A_60 = tpu.concatenate %dot_general3A_36, %dot_general3A_41, %add3A_58, %broadcast_in_dim3A_59 in 1 : vector<1000x2xf32>, vector<1000x2xf32>, vector<1000x1xf32>, vector<1000x11xf32> -> vector<1000x16xf32>
    %swap3A = arith.constant 0 : index
    %swap3A_61 = arith.constant 0 : index
    %swap3A_62 = vector.load %arg10[%swap3A, %swap3A_61] : memref<1000x16xf32, #tpu.memory_space<vmem>>, vector<1000x16xf32>
    tpu.vector_store %arg10[%swap3A, %swap3A_61], %concatenate3A_60 {strides = array<i32>} : memref<1000x16xf32, #tpu.memory_space<vmem>>, vector<1000x16xf32>,
    %get3A_63 = arith.constant 0 : index
    %get3A_64 = arith.constant 0 : index
    %get3A_65 = vector.load %arg9[%get3A_63, %get3A_64] : memref<256x256xf32, #tpu.memory_space<vmem>>, vector<256x256xf32>
    %dot_general3A_66 = arith.constant dense<0.000000e+00> : vector<1000x256xf32>
    %dot_general3A_67 = tpu.matmul %get3A_1, %get3A_65, %dot_general3A_66 {dimension_numbers = #tpu.dot_dimension_numbers<[1], [0], [0], [1], [0, 0, 1, 1], [], []>, transpose_lhs_hint = false} : vector<1000x256xf32>, vector<256x256xf32>, vector<1000x256xf32> -> vector<1000x256xf32>
    %swap3A_68 = arith.constant 0 : index
    %swap3A_69 = arith.constant 0 : index
    %swap3A_70 = vector.load %arg11[%swap3A_68, %swap3A_69] : memref<1000x256xf32, #tpu.memory_space<vmem>>, vector<1000x256xf32>
    tpu.vector_store %arg11[%swap3A_68, %swap3A_69], %dot_general3A_67 {strides = array<i32>} : memref<1000x256xf32, #tpu.memory_space<vmem>>, vector<1000x256xf32>,
    return
  }
  func.func @transform_0(%arg0: i32) -> (i32, i32) {
    %c0_i32 = arith.constant 0 : i32
    %c0_i32_0 = arith.constant 0 : i32
    return %arg0, %c0_i32 : i32, i32
  }
  func.func @transform_1(%arg0: i32) -> (i32, i32, i32) {
    %c0_i32 = arith.constant 0 : i32
    %c0_i32_0 = arith.constant 0 : i32
    %c0_i32_1 = arith.constant 0 : i32
    return %c0_i32, %arg0, %c0_i32_0 : i32, i32, i32
  }
  func.func @transform_2(%arg0: i32) -> (i32, i32, i32) {
    %c0_i32 = arith.constant 0 : i32
    %c0_i32_0 = arith.constant 0 : i32
    %c0_i32_1 = arith.constant 0 : i32
    return %c0_i32, %arg0, %c0_i32_0 : i32, i32, i32
  }
  func.func @transform_3(%arg0: i32) -> (i32, i32) {
    %c0_i32 = arith.constant 0 : i32
    %c0_i32_0 = arith.constant 0 : i32
    %c0_i32_1 = arith.constant 0 : i32
    return %c0_i32, %c0_i32_0 : i32, i32
  }
  func.func @transform_4(%arg0: i32) -> (i32, i32) {
    %c0_i32 = arith.constant 0 : i32
    %c0_i32_0 = arith.constant 0 : i32
    %c0_i32_1 = arith.constant 0 : i32
    return %c0_i32, %c0_i32_0 : i32, i32
  }
  func.func @transform_5(%arg0: i32) -> (i32, i32) {
    %c0_i32 = arith.constant 0 : i32
    %c0_i32_0 = arith.constant 0 : i32
    %c0_i32_1 = arith.constant 0 : i32
    return %c0_i32, %c0_i32_0 : i32, i32
  }
  func.func @transform_6(%arg0: i32) -> (i32, i32) {
    %c0_i32 = arith.constant 0 : i32
    %c0_i32_0 = arith.constant 0 : i32
    %c0_i32_1 = arith.constant 0 : i32
    return %c0_i32, %c0_i32_0 : i32, i32
  }
  func.func @transform_7(%arg0: i32) -> (i32, i32) {
    %c0_i32 = arith.constant 0 : i32
    %c0_i32_0 = arith.constant 0 : i32
    %c0_i32_1 = arith.constant 0 : i32
    return %c0_i32, %c0_i32_0 : i32, i32
  }
  func.func @transform_8(%arg0: i32) -> (i32, i32) {
    %c0_i32 = arith.constant 0 : i32
    %c0_i32_0 = arith.constant 0 : i32
    %c0_i32_1 = arith.constant 0 : i32
    return %c0_i32, %c0_i32_0 : i32, i32
  }
  func.func @transform_9(%arg0: i32) -> (i32, i32) {
    %c0_i32 = arith.constant 0 : i32
    %c0_i32_0 = arith.constant 0 : i32
    return %arg0, %c0_i32 : i32, i32
  }
  func.func @transform_10(%arg0: i32) -> (i32, i32) {
    %c0_i32 = arith.constant 0 : i32
    %c0_i32_0 = arith.constant 0 : i32
    return %arg0, %c0_i32 : i32, i32
  }
}

module attributes {stable_mosaic.version = 14 : i64} {
  func.func @_tc4_body(%arg0: i32, %arg1: memref<1000x16xf32, #tpu.memory_space<vmem>>, %arg2: memref<2x1000x16xf32, #tpu.memory_space<vmem>>, %arg3: memref<1x1000x8xf32, #tpu.memory_space<vmem>>, %arg4: memref<1000x8xf32, #tpu.memory_space<vmem>>, %arg5: memref<1000x256xf32, #tpu.memory_space<vmem>>, %arg6: memref<2x1000x128xbf16, #tpu.memory_space<vmem>>, %arg7: memref<1000x8xf32, #tpu.memory_space<vmem>>) attributes {dimension_semantics = [#tpu.dimension_semantics<arbitrary>], iteration_bounds = array<i64: 10>, scalar_prefetch = 0 : i64, scratch_operands = 0 : i64, tpu.core_type = #tpu.core_type<tc>, window_params = [{transform_indices = @transform_0, window_bounds = array<i64: 1000, 16>}, {transform_indices = @transform_1, window_bounds = array<i64: 2, 1000, 16>}, {transform_indices = @transform_2, window_bounds = array<i64: 1, 1000, 8>}, {transform_indices = @transform_3, window_bounds = array<i64: 1000, 8>}, {transform_indices = @transform_4, window_bounds = array<i64: 1000, 256>}, {transform_indices = @transform_5, window_bounds = array<i64: 2, 1000, 128>}, {transform_indices = @transform_6, window_bounds = array<i64: 1000, 8>}]} {
    %get3A = arith.constant 0 : index
    %get3A_0 = arith.constant 0 : index
    %get3A_1 = vector.load %arg1[%get3A, %get3A_0] : memref<1000x16xf32, #tpu.memory_space<vmem>>, vector<1000x16xf32>
    %get3A_2 = arith.constant 0 : index
    %get3A_3 = arith.constant 0 : index
    %get3A_4 = arith.constant 0 : index
    %get3A_5 = vector.load %arg2[%get3A_2, %get3A_3, %get3A_4] : memref<2x1000x16xf32, #tpu.memory_space<vmem>>, vector<2x1000x16xf32>
    %slice3A = vector.extract_strided_slice %get3A_5 {offsets = [0, 0, 0], sizes = [1, 1000, 16], strides = [1, 1, 1]} : vector<2x1000x16xf32> to vector<1x1000x16xf32>
    %squeeze3A = vector.shape_cast %slice3A : vector<1x1000x16xf32> to vector<1000x16xf32>
    %slice3A_6 = vector.extract_strided_slice %get3A_5 {offsets = [1, 0, 0], sizes = [1, 1000, 16], strides = [1, 1, 1]} : vector<2x1000x16xf32> to vector<1x1000x16xf32>
    %squeeze3A_7 = vector.shape_cast %slice3A_6 : vector<1x1000x16xf32> to vector<1000x16xf32>
    %add3A = arith.addf %squeeze3A, %squeeze3A_7 : vector<1000x16xf32>
    %get3A_8 = arith.constant 0 : index
    %get3A_9 = arith.constant 0 : index
    %get3A_10 = arith.constant 0 : index
    %get3A_11 = vector.load %arg3[%get3A_8, %get3A_9, %get3A_10] : memref<1x1000x8xf32, #tpu.memory_space<vmem>>, vector<1x1000x8xf32>
    %squeeze3A_12 = vector.shape_cast %get3A_11 : vector<1x1000x8xf32> to vector<1000x8xf32>
    %slice3A_13 = vector.extract_strided_slice %squeeze3A_12 {offsets = [0, 0], sizes = [1000, 1], strides = [1, 1]} : vector<1000x8xf32> to vector<1000x1xf32>
    %add3A_14 = arith.constant 1.000000e+00 : f32
    %add3A_15 = vector.broadcast %add3A_14 : f32 to vector<1000x1xf32>
    %add3A_16 = arith.addf %slice3A_13, %add3A_15 : vector<1000x1xf32>
    %get3A_17 = arith.constant 0 : index
    %get3A_18 = arith.constant 0 : index
    %get3A_19 = vector.load %arg4[%get3A_17, %get3A_18] : memref<1000x8xf32, #tpu.memory_space<vmem>>, vector<1000x8xf32>
    %slice3A_20 = vector.extract_strided_slice %get3A_1 {offsets = [0, 4], sizes = [1000, 1], strides = [1, 1]} : vector<1000x16xf32> to vector<1000x1xf32>
    %slice3A_21 = vector.extract_strided_slice %add3A {offsets = [0, 0], sizes = [1000, 1], strides = [1, 1]} : vector<1000x16xf32> to vector<1000x1xf32>
    %slice3A_22 = vector.extract_strided_slice %get3A_1 {offsets = [0, 0], sizes = [1000, 1], strides = [1, 1]} : vector<1000x16xf32> to vector<1000x1xf32>
    %add3A_23 = arith.addf %slice3A_21, %slice3A_22 : vector<1000x1xf32>
    %slice3A_24 = vector.extract_strided_slice %add3A {offsets = [0, 1], sizes = [1000, 1], strides = [1, 1]} : vector<1000x16xf32> to vector<1000x1xf32>
    %sub3A = arith.subf %add3A_23, %slice3A_24 : vector<1000x1xf32>
    %slice3A_25 = vector.extract_strided_slice %get3A_1 {offsets = [0, 1], sizes = [1000, 1], strides = [1, 1]} : vector<1000x16xf32> to vector<1000x1xf32>
    %sub3A_26 = arith.subf %sub3A, %slice3A_25 : vector<1000x1xf32>
    %div3A = arith.divf %sub3A_26, %add3A_16 : vector<1000x1xf32>
    %slice3A_27 = vector.extract_strided_slice %get3A_19 {offsets = [0, 0], sizes = [1000, 1], strides = [1, 1]} : vector<1000x8xf32> to vector<1000x1xf32>
    %add3A_28 = arith.addf %div3A, %slice3A_27 : vector<1000x1xf32>
    %div3A_29 = arith.divf %add3A_28, %slice3A_20 : vector<1000x1xf32>
    %slice3A_30 = vector.extract_strided_slice %add3A {offsets = [0, 2], sizes = [1000, 1], strides = [1, 1]} : vector<1000x16xf32> to vector<1000x1xf32>
    %slice3A_31 = vector.extract_strided_slice %get3A_1 {offsets = [0, 2], sizes = [1000, 1], strides = [1, 1]} : vector<1000x16xf32> to vector<1000x1xf32>
    %add3A_32 = arith.addf %slice3A_30, %slice3A_31 : vector<1000x1xf32>
    %slice3A_33 = vector.extract_strided_slice %add3A {offsets = [0, 3], sizes = [1000, 1], strides = [1, 1]} : vector<1000x16xf32> to vector<1000x1xf32>
    %sub3A_34 = arith.subf %add3A_32, %slice3A_33 : vector<1000x1xf32>
    %slice3A_35 = vector.extract_strided_slice %get3A_1 {offsets = [0, 3], sizes = [1000, 1], strides = [1, 1]} : vector<1000x16xf32> to vector<1000x1xf32>
    %sub3A_36 = arith.subf %sub3A_34, %slice3A_35 : vector<1000x1xf32>
    %div3A_37 = arith.divf %sub3A_36, %add3A_16 : vector<1000x1xf32>
    %slice3A_38 = vector.extract_strided_slice %get3A_19 {offsets = [0, 1], sizes = [1000, 1], strides = [1, 1]} : vector<1000x8xf32> to vector<1000x1xf32>
    %add3A_39 = arith.addf %div3A_37, %slice3A_38 : vector<1000x1xf32>
    %div3A_40 = arith.divf %add3A_39, %slice3A_20 : vector<1000x1xf32>
    %neg3A = arith.constant 0.000000e+00 : f32
    %neg3A_41 = vector.broadcast %neg3A : f32 to vector<1000x1xf32>
    %neg3A_42 = arith.subf %neg3A_41, %div3A_29 : vector<1000x1xf32>
    %exp3A = math.exp %neg3A_42 : vector<1000x1xf32>
    %add3A_43 = arith.constant 1.000000e+00 : f32
    %add3A_44 = vector.broadcast %add3A_43 : f32 to vector<1000x1xf32>
    %add3A_45 = arith.addf %add3A_44, %exp3A : vector<1000x1xf32>
    %div3A_46 = arith.constant 1.000000e+00 : f32
    %div3A_47 = vector.broadcast %div3A_46 : f32 to vector<1000x1xf32>
    %div3A_48 = arith.divf %div3A_47, %add3A_45 : vector<1000x1xf32>
    %neg3A_49 = arith.constant 0.000000e+00 : f32
    %neg3A_50 = vector.broadcast %neg3A_49 : f32 to vector<1000x1xf32>
    %neg3A_51 = arith.subf %neg3A_50, %div3A_40 : vector<1000x1xf32>
    %exp3A_52 = math.exp %neg3A_51 : vector<1000x1xf32>
    %add3A_53 = arith.constant 1.000000e+00 : f32
    %add3A_54 = vector.broadcast %add3A_53 : f32 to vector<1000x1xf32>
    %add3A_55 = arith.addf %add3A_54, %exp3A_52 : vector<1000x1xf32>
    %div3A_56 = arith.constant 1.000000e+00 : f32
    %div3A_57 = vector.broadcast %div3A_56 : f32 to vector<1000x1xf32>
    %div3A_58 = arith.divf %div3A_57, %add3A_55 : vector<1000x1xf32>
    %get3A_59 = arith.constant 0 : index
    %get3A_60 = arith.constant 0 : index
    %get3A_61 = vector.load %arg5[%get3A_59, %get3A_60] : memref<1000x256xf32, #tpu.memory_space<vmem>>, vector<1000x256xf32>
    %mul3A = vector.broadcast %div3A_58 : vector<1000x1xf32> to vector<1000x256xf32>
    %mul3A_62 = arith.mulf %mul3A, %get3A_61 : vector<1000x256xf32>
    %slice3A_63 = vector.extract_strided_slice %mul3A_62 {offsets = [0, 0], sizes = [1000, 128], strides = [1, 1]} : vector<1000x256xf32> to vector<1000x128xf32>
    %slice3A_64 = vector.extract_strided_slice %mul3A_62 {offsets = [0, 128], sizes = [1000, 128], strides = [1, 1]} : vector<1000x256xf32> to vector<1000x128xf32>
    %stack3A = vector.shape_cast %slice3A_63 : vector<1000x128xf32> to vector<1x1000x128xf32>
    %stack3A_65 = vector.shape_cast %slice3A_64 : vector<1000x128xf32> to vector<1x1000x128xf32>
    %stack3A_66 = tpu.concatenate %stack3A, %stack3A_65 in 0 : vector<1x1000x128xf32>, vector<1x1000x128xf32> -> vector<2x1000x128xf32>
    %convert_element_type3A = arith.truncf %stack3A_66 : vector<2x1000x128xf32> to vector<2x1000x128xbf16>
    %swap3A = arith.constant 0 : index
    %swap3A_67 = arith.constant 0 : index
    %swap3A_68 = arith.constant 0 : index
    %swap3A_69 = vector.load %arg6[%swap3A, %swap3A_67, %swap3A_68] : memref<2x1000x128xbf16, #tpu.memory_space<vmem>>, vector<2x1000x128xbf16>
    tpu.vector_store %arg6[%swap3A, %swap3A_67, %swap3A_68], %convert_element_type3A {strides = array<i32>} : memref<2x1000x128xbf16, #tpu.memory_space<vmem>>, vector<2x1000x128xbf16>,
    %broadcast_in_dim3A = arith.constant 0.000000e+00 : f32
    %broadcast_in_dim3A_70 = vector.broadcast %broadcast_in_dim3A : f32 to vector<1000x6xf32>
    %concatenate3A = tpu.concatenate %div3A_58, %div3A_48, %broadcast_in_dim3A_70 in 1 : vector<1000x1xf32>, vector<1000x1xf32>, vector<1000x6xf32> -> vector<1000x8xf32>
    %swap3A_71 = arith.constant 0 : index
    %swap3A_72 = arith.constant 0 : index
    %swap3A_73 = vector.load %arg7[%swap3A_71, %swap3A_72] : memref<1000x8xf32, #tpu.memory_space<vmem>>, vector<1000x8xf32>
    tpu.vector_store %arg7[%swap3A_71, %swap3A_72], %concatenate3A {strides = array<i32>} : memref<1000x8xf32, #tpu.memory_space<vmem>>, vector<1000x8xf32>,
    return
  }
  func.func @transform_0(%arg0: i32) -> (i32, i32) {
    %c0_i32 = arith.constant 0 : i32
    %c0_i32_0 = arith.constant 0 : i32
    return %arg0, %c0_i32 : i32, i32
  }
  func.func @transform_1(%arg0: i32) -> (i32, i32, i32) {
    %c0_i32 = arith.constant 0 : i32
    %c0_i32_0 = arith.constant 0 : i32
    %c0_i32_1 = arith.constant 0 : i32
    return %c0_i32, %arg0, %c0_i32_0 : i32, i32, i32
  }
  func.func @transform_2(%arg0: i32) -> (i32, i32, i32) {
    %c0_i32 = arith.constant 0 : i32
    %c0_i32_0 = arith.constant 0 : i32
    %c0_i32_1 = arith.constant 0 : i32
    return %c0_i32, %arg0, %c0_i32_0 : i32, i32, i32
  }
  func.func @transform_3(%arg0: i32) -> (i32, i32) {
    %c0_i32 = arith.constant 0 : i32
    %c0_i32_0 = arith.constant 0 : i32
    return %arg0, %c0_i32 : i32, i32
  }
  func.func @transform_4(%arg0: i32) -> (i32, i32) {
    %c0_i32 = arith.constant 0 : i32
    %c0_i32_0 = arith.constant 0 : i32
    return %arg0, %c0_i32 : i32, i32
  }
  func.func @transform_5(%arg0: i32) -> (i32, i32, i32) {
    %c0_i32 = arith.constant 0 : i32
    %c0_i32_0 = arith.constant 0 : i32
    %c0_i32_1 = arith.constant 0 : i32
    return %c0_i32, %arg0, %c0_i32_0 : i32, i32, i32
  }
  func.func @transform_6(%arg0: i32) -> (i32, i32) {
    %c0_i32 = arith.constant 0 : i32
    %c0_i32_0 = arith.constant 0 : i32
    return %arg0, %c0_i32 : i32, i32
  }
}

module attributes {stable_mosaic.version = 14 : i64} {
  func.func @_tc6_body(%arg0: i32, %arg1: memref<2x1000x128xbf16, #tpu.memory_space<vmem>>, %arg2: memref<2x1000x32xf32, #tpu.memory_space<vmem>>, %arg3: memref<1000x8xf32, #tpu.memory_space<vmem>>, %arg4: memref<1000x256xf32, #tpu.memory_space<vmem>>, %arg5: memref<16x256xf32, #tpu.memory_space<vmem>>, %arg6: memref<256x256xf32, #tpu.memory_space<vmem>>, %arg7: memref<1x256xf32, #tpu.memory_space<vmem>>, %arg8: memref<1x256xf32, #tpu.memory_space<vmem>>, %arg9: memref<1x256xf32, #tpu.memory_space<vmem>>, %arg10: memref<1000x256xf32, #tpu.memory_space<vmem>>) attributes {dimension_semantics = [#tpu.dimension_semantics<arbitrary>], iteration_bounds = array<i64: 10>, scalar_prefetch = 0 : i64, scratch_operands = 0 : i64, tpu.core_type = #tpu.core_type<tc>, window_params = [{transform_indices = @transform_0, window_bounds = array<i64: 2, 1000, 128>}, {transform_indices = @transform_1, window_bounds = array<i64: 2, 1000, 32>}, {transform_indices = @transform_2, window_bounds = array<i64: 1000, 8>}, {transform_indices = @transform_3, window_bounds = array<i64: 1000, 256>}, {pipeline_mode = #tpu.pipeline_mode<synchronous>, transform_indices = @transform_4, window_bounds = array<i64: 16, 256>}, {pipeline_mode = #tpu.pipeline_mode<synchronous>, transform_indices = @transform_5, window_bounds = array<i64: 256, 256>}, {pipeline_mode = #tpu.pipeline_mode<synchronous>, transform_indices = @transform_6, window_bounds = array<i64: 1, 256>}, {pipeline_mode = #tpu.pipeline_mode<synchronous>, transform_indices = @transform_7, window_bounds = array<i64: 1, 256>}, {pipeline_mode = #tpu.pipeline_mode<synchronous>, transform_indices = @transform_8, window_bounds = array<i64: 1, 256>}, {transform_indices = @transform_9, window_bounds = array<i64: 1000, 256>}]} {
    %get3A = arith.constant 0 : index
    %get3A_0 = arith.constant 0 : index
    %get3A_1 = arith.constant 0 : index
    %get3A_2 = vector.load %arg1[%get3A, %get3A_0, %get3A_1] : memref<2x1000x128xbf16, #tpu.memory_space<vmem>>, vector<2x1000x128xbf16>
    %convert_element_type3A = arith.extf %get3A_2 : vector<2x1000x128xbf16> to vector<2x1000x128xf32>
    %slice3A = vector.extract_strided_slice %convert_element_type3A {offsets = [0, 0, 0], sizes = [1, 1000, 128], strides = [1, 1, 1]} : vector<2x1000x128xf32> to vector<1x1000x128xf32>
    %squeeze3A = vector.shape_cast %slice3A : vector<1x1000x128xf32> to vector<1000x128xf32>
    %slice3A_3 = vector.extract_strided_slice %convert_element_type3A {offsets = [1, 0, 0], sizes = [1, 1000, 128], strides = [1, 1, 1]} : vector<2x1000x128xf32> to vector<1x1000x128xf32>
    %squeeze3A_4 = vector.shape_cast %slice3A_3 : vector<1x1000x128xf32> to vector<1000x128xf32>
    %concatenate3A = tpu.concatenate %squeeze3A, %squeeze3A_4 in 1 : vector<1000x128xf32>, vector<1000x128xf32> -> vector<1000x256xf32>
    %get3A_5 = arith.constant 0 : index
    %get3A_6 = arith.constant 0 : index
    %get3A_7 = arith.constant 0 : index
    %get3A_8 = vector.load %arg2[%get3A_5, %get3A_6, %get3A_7] : memref<2x1000x32xf32, #tpu.memory_space<vmem>>, vector<2x1000x32xf32>
    %slice3A_9 = vector.extract_strided_slice %get3A_8 {offsets = [0, 0, 0], sizes = [1, 1000, 32], strides = [1, 1, 1]} : vector<2x1000x32xf32> to vector<1x1000x32xf32>
    %squeeze3A_10 = vector.shape_cast %slice3A_9 : vector<1x1000x32xf32> to vector<1000x32xf32>
    %slice3A_11 = vector.extract_strided_slice %get3A_8 {offsets = [1, 0, 0], sizes = [1, 1000, 32], strides = [1, 1, 1]} : vector<2x1000x32xf32> to vector<1x1000x32xf32>
    %squeeze3A_12 = vector.shape_cast %slice3A_11 : vector<1x1000x32xf32> to vector<1000x32xf32>
    %add3A = arith.addf %squeeze3A_10, %squeeze3A_12 : vector<1000x32xf32>
    %slice3A_13 = vector.extract_strided_slice %add3A {offsets = [0, 0], sizes = [1000, 16], strides = [1, 1]} : vector<1000x32xf32> to vector<1000x16xf32>
    %slice3A_14 = vector.extract_strided_slice %add3A {offsets = [0, 16], sizes = [1000, 1], strides = [1, 1]} : vector<1000x32xf32> to vector<1000x1xf32>
    %get3A_15 = arith.constant 0 : index
    %get3A_16 = arith.constant 0 : index
    %get3A_17 = vector.load %arg3[%get3A_15, %get3A_16] : memref<1000x8xf32, #tpu.memory_space<vmem>>, vector<1000x8xf32>
    %slice3A_18 = vector.extract_strided_slice %get3A_17 {offsets = [0, 1], sizes = [1000, 1], strides = [1, 1]} : vector<1000x8xf32> to vector<1000x1xf32>
    %get3A_19 = arith.constant 0 : index
    %get3A_20 = arith.constant 0 : index
    %get3A_21 = vector.load %arg5[%get3A_19, %get3A_20] : memref<16x256xf32, #tpu.memory_space<vmem>>, vector<16x256xf32>
    %get3A_22 = arith.constant 0 : index
    %get3A_23 = arith.constant 0 : index
    %get3A_24 = vector.load %arg6[%get3A_22, %get3A_23] : memref<256x256xf32, #tpu.memory_space<vmem>>, vector<256x256xf32>
    %dot_general3A = arith.constant dense<0.000000e+00> : vector<16x256xf32>
    %dot_general3A_25 = tpu.matmul %get3A_21, %get3A_24, %dot_general3A {dimension_numbers = #tpu.dot_dimension_numbers<[1], [0], [0], [1], [0, 0, 1, 1], [], []>, transpose_lhs_hint = false} : vector<16x256xf32>, vector<256x256xf32>, vector<16x256xf32> -> vector<16x256xf32>
    %dot_general3A_26 = arith.constant dense<0.000000e+00> : vector<1000x256xf32>
    %dot_general3A_27 = tpu.matmul %slice3A_13, %dot_general3A_25, %dot_general3A_26 {dimension_numbers = #tpu.dot_dimension_numbers<[1], [0], [0], [1], [0, 0, 1, 1], [], []>, transpose_lhs_hint = false} : vector<1000x16xf32>, vector<16x256xf32>, vector<1000x256xf32> -> vector<1000x256xf32>
    %add3A_28 = arith.addf %concatenate3A, %dot_general3A_27 : vector<1000x256xf32>
    %mul3A = vector.broadcast %slice3A_18 : vector<1000x1xf32> to vector<1000x256xf32>
    %mul3A_29 = arith.mulf %mul3A, %add3A_28 : vector<1000x256xf32>
    %get3A_30 = arith.constant 0 : index
    %get3A_31 = arith.constant 0 : index
    %get3A_32 = vector.load %arg4[%get3A_30, %get3A_31] : memref<1000x256xf32, #tpu.memory_space<vmem>>, vector<1000x256xf32>
    %add3A_33 = arith.addf %mul3A_29, %get3A_32 : vector<1000x256xf32>
    %mul3A_34 = arith.mulf %slice3A_18, %slice3A_14 : vector<1000x1xf32>
    %add3A_35 = arith.constant 1.000000e+00 : f32
    %add3A_36 = vector.broadcast %add3A_35 : f32 to vector<1000x1xf32>
    %add3A_37 = arith.addf %mul3A_34, %add3A_36 : vector<1000x1xf32>
    %div3A = vector.broadcast %add3A_37 : vector<1000x1xf32> to vector<1000x256xf32>
    %div3A_38 = arith.divf %add3A_33, %div3A : vector<1000x256xf32>
    %get3A_39 = arith.constant 0 : index
    %get3A_40 = arith.constant 0 : index
    %get3A_41 = vector.load %arg7[%get3A_39, %get3A_40] : memref<1x256xf32, #tpu.memory_space<vmem>>, vector<1x256xf32>
    %add3A_42 = vector.broadcast %get3A_41 : vector<1x256xf32> to vector<1000x256xf32>
    %add3A_43 = arith.addf %div3A_38, %add3A_42 : vector<1000x256xf32>
    %reduce_sum3A = arith.constant dense<0.000000e+00> : vector<1000xf32>
    %reduce_sum3A_44 = vector.multi_reduction <add>, %add3A_43, %reduce_sum3A [1] : vector<1000x256xf32> to vector<1000xf32>
    %broadcast_in_dim3A = vector.shape_cast %reduce_sum3A_44 : vector<1000xf32> to vector<1000x1xf32>
    %div3A_45 = arith.constant 2.560000e+02 : f32
    %div3A_46 = vector.broadcast %div3A_45 : f32 to vector<1000x1xf32>
    %div3A_47 = arith.divf %broadcast_in_dim3A, %div3A_46 : vector<1000x1xf32>
    %sub3A = vector.broadcast %div3A_47 : vector<1000x1xf32> to vector<1000x256xf32>
    %sub3A_48 = arith.subf %add3A_43, %sub3A : vector<1000x256xf32>
    %integer_pow3A = arith.mulf %sub3A_48, %sub3A_48 : vector<1000x256xf32>
    %reduce_sum3A_49 = arith.constant dense<0.000000e+00> : vector<1000xf32>
    %reduce_sum3A_50 = vector.multi_reduction <add>, %integer_pow3A, %reduce_sum3A_49 [1] : vector<1000x256xf32> to vector<1000xf32>
    %broadcast_in_dim3A_51 = vector.shape_cast %reduce_sum3A_50 : vector<1000xf32> to vector<1000x1xf32>
    %div3A_52 = arith.constant 2.560000e+02 : f32
    %div3A_53 = vector.broadcast %div3A_52 : f32 to vector<1000x1xf32>
    %div3A_54 = arith.divf %broadcast_in_dim3A_51, %div3A_53 : vector<1000x1xf32>
    %sub3A_55 = vector.broadcast %div3A_47 : vector<1000x1xf32> to vector<1000x256xf32>
    %sub3A_56 = arith.subf %add3A_43, %sub3A_55 : vector<1000x256xf32>
    %add3A_57 = arith.constant 9.99999974E-6 : f32
    %add3A_58 = vector.broadcast %add3A_57 : f32 to vector<1000x1xf32>
    %add3A_59 = arith.addf %div3A_54, %add3A_58 : vector<1000x1xf32>
    %sqrt3A = math.sqrt %add3A_59 : vector<1000x1xf32>
    %div3A_60 = vector.broadcast %sqrt3A : vector<1000x1xf32> to vector<1000x256xf32>
    %div3A_61 = arith.divf %sub3A_56, %div3A_60 : vector<1000x256xf32>
    %get3A_62 = arith.constant 0 : index
    %get3A_63 = arith.constant 0 : index
    %get3A_64 = vector.load %arg8[%get3A_62, %get3A_63] : memref<1x256xf32, #tpu.memory_space<vmem>>, vector<1x256xf32>
    %mul3A_65 = vector.broadcast %get3A_64 : vector<1x256xf32> to vector<1000x256xf32>
    %mul3A_66 = arith.mulf %div3A_61, %mul3A_65 : vector<1000x256xf32>
    %get3A_67 = arith.constant 0 : index
    %get3A_68 = arith.constant 0 : index
    %get3A_69 = vector.load %arg9[%get3A_67, %get3A_68] : memref<1x256xf32, #tpu.memory_space<vmem>>, vector<1x256xf32>
    %add3A_70 = vector.broadcast %get3A_69 : vector<1x256xf32> to vector<1000x256xf32>
    %add3A_71 = arith.addf %mul3A_66, %add3A_70 : vector<1000x256xf32>
    %swap3A = arith.constant 0 : index
    %swap3A_72 = arith.constant 0 : index
    %swap3A_73 = vector.load %arg10[%swap3A, %swap3A_72] : memref<1000x256xf32, #tpu.memory_space<vmem>>, vector<1000x256xf32>
    tpu.vector_store %arg10[%swap3A, %swap3A_72], %add3A_71 {strides = array<i32>} : memref<1000x256xf32, #tpu.memory_space<vmem>>, vector<1000x256xf32>,
    return
  }
  func.func @transform_0(%arg0: i32) -> (i32, i32, i32) {
    %c0_i32 = arith.constant 0 : i32
    %c0_i32_0 = arith.constant 0 : i32
    %c0_i32_1 = arith.constant 0 : i32
    return %c0_i32, %arg0, %c0_i32_0 : i32, i32, i32
  }
  func.func @transform_1(%arg0: i32) -> (i32, i32, i32) {
    %c0_i32 = arith.constant 0 : i32
    %c0_i32_0 = arith.constant 0 : i32
    %c0_i32_1 = arith.constant 0 : i32
    return %c0_i32, %arg0, %c0_i32_0 : i32, i32, i32
  }
  func.func @transform_2(%arg0: i32) -> (i32, i32) {
    %c0_i32 = arith.constant 0 : i32
    %c0_i32_0 = arith.constant 0 : i32
    return %arg0, %c0_i32 : i32, i32
  }
  func.func @transform_3(%arg0: i32) -> (i32, i32) {
    %c0_i32 = arith.constant 0 : i32
    %c0_i32_0 = arith.constant 0 : i32
    return %arg0, %c0_i32 : i32, i32
  }
  func.func @transform_4(%arg0: i32) -> (i32, i32) {
    %c0_i32 = arith.constant 0 : i32
    %c0_i32_0 = arith.constant 0 : i32
    %c0_i32_1 = arith.constant 0 : i32
    return %c0_i32, %c0_i32_0 : i32, i32
  }
  func.func @transform_5(%arg0: i32) -> (i32, i32) {
    %c0_i32 = arith.constant 0 : i32
    %c0_i32_0 = arith.constant 0 : i32
    %c0_i32_1 = arith.constant 0 : i32
    return %c0_i32, %c0_i32_0 : i32, i32
  }
  func.func @transform_6(%arg0: i32) -> (i32, i32) {
    %c0_i32 = arith.constant 0 : i32
    %c0_i32_0 = arith.constant 0 : i32
    %c0_i32_1 = arith.constant 0 : i32
    return %c0_i32, %c0_i32_0 : i32, i32
  }
  func.func @transform_7(%arg0: i32) -> (i32, i32) {
    %c0_i32 = arith.constant 0 : i32
    %c0_i32_0 = arith.constant 0 : i32
    %c0_i32_1 = arith.constant 0 : i32
    return %c0_i32, %c0_i32_0 : i32, i32
  }
  func.func @transform_8(%arg0: i32) -> (i32, i32) {
    %c0_i32 = arith.constant 0 : i32
    %c0_i32_0 = arith.constant 0 : i32
    %c0_i32_1 = arith.constant 0 : i32
    return %c0_i32, %c0_i32_0 : i32, i32
  }
  func.func @transform_9(%arg0: i32) -> (i32, i32) {
    %c0_i32 = arith.constant 0 : i32
    %c0_i32_0 = arith.constant 0 : i32
    return %arg0, %c0_i32 : i32, i32
  }
}

</mosaic_0001>

<sc_bundles>
// kernel: kernel.12.cloned.1.call-start
scs
__scs_entry_jumppad:
0x0: {  	(pc) =	sbr.rel $0x88, $3  }
0x1: {  	(tag) =	ssettag $0x0;
	lr =	simm.s32 $0x1  }
0x2: {  	[smem:$0x3F94] =	sst lr;
	_ =	strace $0xD0000000  }
0x3: {  	_ = 	snop  }
0x4: {  	_ = 	snop  }
0x5: {  	_ = 	snop  }
0x6: {  	_ = 	snop  }
0x7: {  	_ = 	snop  }
__scs_overlays_trampoline_lowered:
0x8: {  	[smem:$0x3FA3] =	sst s0  }
0x9: {  	[smem:$0x3FA4] =	sst s1  }
0xa: {  	[smem:$0x3FA5] =	sst s2  }
0xb: {  	[smem:$0x3FA6] =	sst s3  }
0xc: {  	[smem:$0x3FA7] =	sst s4  }
0xd: {  	[smem:$0x3FA8] =	sst s5  }
0xe: {  	[smem:$0x3FA9] =	sst s6  }
0xf: {  	[smem:$0x3FAA] =	sst s7  }
0x10: {  	[smem:$0x3FAB] =	sst s8  }
0x11: {  	[smem:$0x3FAC] =	sst s9;
	s0 =	simm.s32 @!p0 $0x0  }
0x12: {  	s1 =	sld [smem:$0x3F92];
	s0 =	simm.s32 @p0 $0x1  }
0x13: {  	[smem:$0x3FAD] =	sst s0;
	s0 =	simm.s32 @!p1 $0x0  }
0x14: {  	s2 =	sld [smem:$0x3F91];
	s0 =	simm.s32 @p1 $0x1  }
0x15: {  	[smem:$0x3FAE] =	sst s0;
	s0 =	simm.s32 @!p2 $0x0  }
0x16: {  	s3 =	sld [smem:$0x3FDB];
	s0 =	simm.s32 @p2 $0x1  }
0x17: {  	s4 =	simm.s32 $0x1BF5;
	[smem:$0x3FB0] =	sst s0  }
0x18: {  	s0 =	sld [smem:$0x3F93];
	_ =	swait.ge [sflag:s4], $0x0  }
0x19: {  	s7 =	sld [smem:$0x3F94]  }
0x1a: {  	s8 =	sadd.s32 $0xFFFFE003, lr  }
0x1b: {  	s9 =	sadd.s32 $0xFFFFFEF7, lr;
	s5 =	simm.s32 $0xFFFFFFFF;
	p2 =	slt.u32 s8, $0xFFFFF086  }
0x1c: {  	p1 =	slt.u32 s9, $0xF7A;
	s5 =	simm.s32 @!p2 $0x0  }
0x1d: {  	s5 =	simm.s32 @p1 $0x1;
	p0 =	seq.s32 s7, s2  }
0x1e: {  	s7 =	smul.u32 @!p0 $0xF7A, s2;
	p2 =	seq.s32 @!p0 s5, $0x0  }
0x1f: {  	s9 =	smul.u32 $0xF7A, s1;
	s8 =	simm.s32 @!p0 $0x1BF5;
	p2 =	por !p2, p0  }
0x20: {  	[sflag:s8] =	ssyncset.s32 @!p0 $0xFFFFF086;
	s6 =	sadd.s32 @!p0 s3, s7;
	s7 =	simm.s32 @!p0 $0x108  }
0x21: {  	s3 =	sadd.s32 s3, s9;
	s6 =	sadd.s32 @!p0 $0x88, s6;
	s7 =	simm.s32 @p2 $0x1082  }
0x22: {  	[simem:s7], [sflag:s8] =	dma.local @!p0 [hbm:s6], $0xF7A  }
0x23: {  	s9 =	sor.u32 $0xD0000000, s2;
	s6 =	simm.s32 $0x108;
	_ =	swait.ge @!p0 [sflag:s8], $0x0  }
0x24: {  	s3 =	sadd.s32 $0x88, s3;
	s6 =	simm.s32 @!p1 $0x1082;
	[sflag:s4] =	ssyncset.s32 $0xFFFFF086  }
0x25: {  	[simem:s6], [sflag:s4] =	dma.local [hbm:s3], $0xF7A  }
0x26: {  	[smem:$0x3F94] =	sst s1;
	(tag) =	ssettag s2;
	_ =	strace s9  }
0x27: {  	s1 =	sld [smem:$0x3FA4]  }
0x28: {  	s2 =	sld [smem:$0x3FA5]  }
0x29: {  	s4 =	sld [smem:$0x3FA7]  }
0x2a: {  	p0 =	seq.s32 s5, $0x0;
	s5 =	sld [smem:$0x3FA8]  }
0x2b: {  	s6 =	sld [smem:$0x3FA9]  }
0x2c: {  	s7 =	sld [smem:$0x3FAA]  }
0x2d: {  	s3 =	simm.s32 $0x108;
	s8 =	sld [smem:$0x3FAB]  }
0x2e: {  	s3 =	simm.s32 @!p0 $0x1082;
	s9 =	sld [smem:$0x3FAC]  }
0x2f: {  	lr =	sadd.s32 s0, s3;
	s0 =	sld [smem:$0x3FA3]  }
0x30: {  	s3 =	sld [smem:$0x3FA6]  }
0x31: {  	[smem:$0x3FAF] =	sst s10  }
0x32: {  	s10 =	sld [smem:$0x3FAD];
	_ =	sdelay $0x3  }
0x33: {  	p0 =	seq.s32 s10, $0x1;
	s10 =	sld [smem:$0x3FAF];
	_ =	sdelay $0x3  }
0x34: {  	[smem:$0x3FAF] =	sst s10  }
0x35: {  	s10 =	sld [smem:$0x3FAE];
	_ =	sdelay $0x3  }
0x36: {  	p1 =	seq.s32 s10, $0x1;
	s10 =	sld [smem:$0x3FAF];
	_ =	sdelay $0x3  }
0x37: {  	[smem:$0x3FAF] =	sst s10  }
0x38: {  	s10 =	sld [smem:$0x3FB0]  }
0x39: {  	_ = 	snop;
	(pc) =	sbr.ind lr, $3  }
0x3a: {  	_ = 	snop  }
0x3b: {  	_ = 	snop  }
0x3c: {  	p2 =	seq.s32 s10, $0x1;
	s10 =	sld [smem:$0x3FAF]  }
0x3d: {  	_ =	shalt  }
0x3e: {  	_ =	shalt  }
0x3f: {  	_ =	shalt  }
0x40: {  	_ =	shalt  }
0x41: {  	_ =	shalt  }
0x42: {  	_ =	shalt  }
0x43: {  	_ =	shalt  }
0x44: {  	_ =	shalt  }
0x45: {  	_ =	shalt  }
0x46: {  	_ =	shalt  }
0x47: {  	_ =	shalt  }
0x48: {  	_ =	shalt  }
0x49: {  	_ =	shalt  }
0x4a: {  	_ =	shalt  }
0x4b: {  	_ =	shalt  }
0x4c: {  	_ =	shalt  }
0x4d: {  	_ =	shalt  }
0x4e: {  	_ =	shalt  }
0x4f: {  	_ =	shalt  }
0x50: {  	_ =	shalt  }
0x51: {  	_ =	shalt  }
0x52: {  	_ =	shalt  }
0x53: {  	_ =	shalt  }
0x54: {  	_ =	shalt  }
0x55: {  	_ =	shalt  }
0x56: {  	_ =	shalt  }
0x57: {  	_ =	shalt  }
0x58: {  	_ =	shalt  }
0x59: {  	_ =	shalt  }
0x5a: {  	_ =	shalt  }
0x5b: {  	_ =	shalt  }
0x5c: {  	_ =	shalt  }
0x5d: {  	_ =	shalt  }
0x5e: {  	_ =	shalt  }
0x5f: {  	_ =	shalt  }
0x60: {  	_ =	shalt  }
0x61: {  	_ =	shalt  }
0x62: {  	_ =	shalt  }
0x63: {  	_ =	shalt  }
0x64: {  	_ =	shalt  }
0x65: {  	_ =	shalt  }
0x66: {  	_ =	shalt  }
0x67: {  	_ =	shalt  }
0x68: {  	_ =	shalt  }
0x69: {  	_ =	shalt  }
0x6a: {  	_ =	shalt  }
0x6b: {  	_ =	shalt  }
0x6c: {  	_ =	shalt  }
0x6d: {  	_ =	shalt  }
0x6e: {  	_ =	shalt  }
0x6f: {  	_ =	shalt  }
0x70: {  	_ =	shalt  }
0x71: {  	_ =	shalt  }
0x72: {  	_ =	shalt  }
0x73: {  	_ =	shalt  }
0x74: {  	_ =	shalt  }
0x75: {  	_ =	shalt  }
0x76: {  	_ =	shalt  }
0x77: {  	_ =	shalt  }
0x78: {  	_ =	shalt  }
0x79: {  	_ =	shalt  }
0x7a: {  	_ =	shalt  }
0x7b: {  	_ =	shalt  }
0x7c: {  	_ =	shalt  }
0x7d: {  	_ =	shalt  }
0x7e: {  	_ =	shalt  }
0x7f: {  	_ =	shalt  }
0x80: {  	_ =	shalt  }
0x81: {  	_ =	shalt  }
0x82: {  	_ =	shalt  }
0x83: {  	_ =	shalt  }
0x84: {  	_ =	shalt  }
0x85: {  	_ =	shalt  }
0x86: {  	_ =	shalt  }
0x87: {  	_ =	shalt  }
.Lfunc_end0:
.L_simem_size_0:
called_computation.1_lowered:
.L_overlay_start_0:
0x88: {  	s2 =	sld [smem:$0x3FD9]  }
0x89: {  	s3 =	sld [smem:$0x3FFE];
	_ =	sdelay $0x1  }
0x8a: {  	s1 =	srdreg.scid  }
0x8b: {  	s0 =	sand.u32 $0x1, s1  }
0x8c: {  	s16 =	sshll.u32 s0, $0xA;
	s2 =	sadd.s32 s3, s2  }
0x8d: {  	s2 =	sadd.s32 s2, s16  }
0x8e: {  	[smem:$0x3FBB] =	sst s2  }
0x8f: {  	_ = 	snop  }
0x90: {  	(tm) =	ssettm $0x1  }
0x91: {  	s17 =	sld [smem:$0x3FFB];
	_ =	sdelay $0x3  }
0x92: {  	_ =	strace s17  }
0x93: {  	s2 =	sld [smem:$0x3FFC];
	_ =	sdelay $0x3  }
0x94: {  	_ =	strace s2  }
0x95: {  	s2 =	sld [smem:$0x3FFD];
	_ =	sdelay $0x3  }
0x96: {  	_ =	strace s2  }
0x97: {  	_ =	strace $0x8FFFFFFF  }
0x98: {  	s18 =	sld [smem:$0x3FDB];
	_ =	sdelay $0x1  }
0x99: {  	s19 =	simm.s32 $_scs_section_size  }
0x9a: {  	s4 =	simm.s32 $_size__tile_overlayer_lowered;
	s5 =	simm.s32 $_tile_overlayer_lowered  }
0x9b: {  	s22 =	simm.s32 $0x1BFF;
	s21 =	sshll.u32 s5, $0x1;
	s2 =	sadd.s32 s19, s18  }
0x9c: {  	s6 =	simm.s32 $0x0;
	s20 =	sshll.u32 s4, $0x1;
	s4 =	sadd.s32 s21, s2  }
0x9d: {  	[timem:s6], [sflag:s22] =	dma.local [hbm:s4], s20  }
0x9e: {  	_ =	swait.ge [sflag:s22], s20  }
0x9f: {  	s3 =	ssub.s32 $0x0, s20;
	[sflag:s22] =	ssyncset.done $0x0  }
0xa0: {  	[sflag:s22] =	ssyncadd.s32 s3;
	_ =	sdelay $0x1  }
0xa1: {  	s23 =	simm.s32 $0x1B8B  }
0xa2: {  	_ =	swait.ge [sflag:s23], $0x1  }
0xa3: {  	[sflag:s23] =	ssyncset.done $0x0  }
0xa4: {  	s25 =	simm.s32 $0x1B8E;
	s24 =	sld [smem:$0x3FFE];
	[sflag:s23] =	ssyncadd.s32 $0xFFFFFFFF  }
0xa5: {  	s26 =	simm.s32 $execute0_lowered;
	[smem:$0x3FD2] =	sst s25  }
0xa6: {  	s4 =	sshll.u32 s26, $0x1;
	_ =	strace $0x80000049;
	[dreg:$0x1] =	wrdreg $0xFFFFFFFF  }
0xa7: {  	s28 =	simm.s32 $_size_execute0_lowered;
	s2 =	sadd.s32 s2, s4;
	[dreg:$0x0] =	wrdreg $0x0  }
0xa8: {  	s4 =	sshll.u32 s28, $0x1;
	[dreg:$0x2] =	wrdreg s2  }
0xa9: {  	[dreg:$0x3] =	wrdreg s4  }
0xaa: {  	[dreg:$0x4] =	wrdreg $0xC0  }
0xab: {  	_ =	task [dreg:s6], $0x5FFFF  }
0xac: {  	[dreg:$0x1] =	wrdreg $0xFFFFFFFF  }
0xad: {  	[dreg:$0x0] =	wrdreg $0x60  }
0xae: {  	[dreg:$0x2] =	wrdreg s24  }
0xaf: {  	[dreg:$0x3] =	wrdreg $0x48000  }
0xb0: {  	[dreg:$0x4] =	wrdreg $0x9  }
0xb1: {  	_ =	task.clear_ibuf [dreg:s6], $0x5FFFF;
	_ =	strace $0x90000049  }
0xb2: {  	s29 =	simm.s32 $0x9;
	_ =	strace $0x8000004B  }
0xb3: {  	_ =	swait.ge [sflag:s29], $0x1  }
0xb4: {  	[sflag:s29] =	ssyncadd.s32 $0xFFFFFFFF  }
0xb5: {  	_ =	strace $0x9000004B  }
0xb6: {  	_ =	sfence  }
0xb7: {  	s30 =	sld [smem:$0x0];
	_ =	sdelay $0x2  }
0xb8: {  	s31 =	sshll.u32 s1, $0xD;
	s1 =	sshrl.u32 s1, $0x2  }
0xb9: {  	s3 =	sand.u32 $0x4000, s31;
	s1 =	sadd.s32 s1, s30  }
0xba: {  	s0 =	sor.u32 s3, s0;
	s1 =	sshll.u32 s1, $0x11  }
0xbb: {  	s0 =	sor.u32 s1, s0  }
0xbc: {  	s0 =	sadd.s32 $0x8F2B, s0  }
0xbd: {  	[sflag:s0] =	ssyncadd.remote.s32 $0x1  }
0xbe: {  	_ =	sfence.sel $0xFFFF  }
0xbf: {  	[dreg:$0x0] =	wrdreg $0xFFFFFFFF;
	(pc) =	sbr.abs _section_cstart, $3  }
0xc0: {  	[dreg:$0x1] =	wrdreg $0xFFFFFFFF  }
0xc1: {  	_ =	task.clear_ibuf [dreg:s6], $0x2FFFF;
	_ =	strace $0x9FFFFFFF  }
0xc2: {  	(tm) =	ssettm $0x7FFFFFFF  }
0xc3: {  	_ =	shalt  }
tec
execute0_lowered:
.L_overlay_start_1:
0x0: {  	(tag) =	ssettag $0x1  }
0x1: {  	s0 =	srdreg.scid  }
0x2: {  	s11 =	stileid.u32;
	s6 =	rddreg [dreg:$0x0]  }
0x3: {  	s2 =	rddreg [dreg:$0x1];
	s3 =	simm.s32 $0x0;
	s12 =	simm.s32 $0x9  }
0x4: {  	s13 =	simm.s32 $0x1400;
	s14 =	simm.s32 $0x80;
	s15 =	simm.s32 $0x2800  }
0x5: {  	s16 =	simm.s32 $0x3000;
	s18 =	simm.s32 $0x3800;
	s20 =	simm.s32 $0x4000  }
0x6: {  	s21 =	simm.s32 $0x1;
	s22 =	simm.s32 $0x2;
	s24 =	simm.s32 $0x3  }
0x7: {  	s29 =	simm.s32 $0x4;
	s31 =	simm.s32 $0x6;
	s30 =	simm.s32 $0x2700  }
0x8: {  	s17 =	simm.s32 $0x2780;
	s19 =	simm.s32 $0x0;
	s0 =	sand.u32 $0x1, s0  }
0x9: {  	s7 =	smul.u32 $0x2780, s11;
	[smem:$0x7FF] =	sst s3;
	s4 =	sadd.s32 $0x4A00, s6  }
0xa: {  	s26 =	sshll.u32 s11, $0x6;
	s1 =	sshll.u32 s0, $0x4;
	s5 =	smul.u32 $0x27800, s0  }
0xb: {  	_ =	strace $0x8000004A;
	s0 =	ssub.s32 $0x2, s0;
	s1 =	sor.u32 s11, s1  }
0xc: {  	s9 =	sshrl.u32 s0, $0x1;
	s28 =	sadd.s32 s7, s2;
	s1 =	smul.u32 $0x280, s1  }
0xd: {  	s8 =	sadd.s32 s7, s5;
	s5 =	sadd.s32 $0x9A00, s6;
	s0 =	ssub.s32 s0, s9  }
0xe: {  	s11 =	sshrl.u32 s28, $0x3;
	s8 =	sshrl.u32 s8, $0x3;
	s1 =	sadd.s32 s1, s6  }
0xf: {  	s10 =	sadd.s32 s8, s6;
	s6 =	sor.u32 $0x1C09, s26;
	s26 =	simm.s32 $0x5  }
0x10: {  	s7 =	sadd.s32 $0x30E00, s1;
	s8 =	sadd.s32 $0x2BE00, s1;
	s9 =	sadd.s32 $0xA000, s10  }
0x11: {  	s10 =	smax.u32 s0, $0x1;
	s1 =	simm.s32 $0x7;
	s0 =	simm.s32 $0x8  }
.LBB2_1:
0x12: {  	[spmem:s11], [sflag:s6] =	dma.local [hbm:s5], $0x4F0  }
0x13: {  	_ =	swait.ge [sflag:s12], $0x4F0  }
0x14: {  	[sflag:s12] =	ssyncset.done $0x0  }
0x15: {  	[sflag:s12] =	ssyncadd.s32 $0xFFFFFB10  }
0x16: {  	[tilespmem:s3], [sflag:$0x9] =	stream.linear.gather [hbm4b:s7+s3], $0x1400, $0x38;
	[tilespmem:$0x6F80] =	vst v63  }
0x17: {  	_ =	swait.ge [sflag:s12], $0x1400  }
0x18: {  	[sflag:s12] =	ssyncset.done $0x0  }
0x19: {  	[sflag:s12] =	ssyncadd.s32 $0xFFFFEC00  }
0x1a: {  	[tilespmem:s13], [sflag:$0x9] =	stream.linear.gather [hbm4b:s8+s3], $0x1400, $0x38;
	[tilespmem:$0x6F80] =	vst v63  }
0x1b: {  	_ =	swait.ge [sflag:s12], $0x1400  }
0x1c: {  	[sflag:s12] =	ssyncset.done $0x0  }
0x1d: {  	[sflag:s12] =	ssyncadd.s32 $0xFFFFEC00  }
0x1e: {  	[bflag:$0x0] =	sbarrier.arrive $0xFFFF  }
0x1f: {  	[tilespmem:s15], [sflag:$0x1] =	stream.indirect.gather [hbm4b:s4+s14], $0x10, s3, s14, $0xb8;
	[tilespmem:$0x6F80] =	vst v63  }
0x20: {  	_ = 	snop  }
0x21: {  	[tilespmem:s16], [sflag:$0x2] =	stream.indirect.gather [hbm4b:s4+s14], $0x10, s14, s14, $0xb8;
	[tilespmem:$0x6F80] =	vst v63  }
0x22: {  	s23 =	simm.s32 $0x100  }
0x23: {  	[tilespmem:s18], [sflag:$0x3] =	stream.indirect.gather [hbm4b:s4+s14], $0x10, s23, s14, $0xb8;
	[tilespmem:$0x6F80] =	vst v63  }
0x24: {  	s25 =	simm.s32 $0x180  }
0x25: {  	[tilespmem:s20], [sflag:$0x4] =	stream.indirect.gather [hbm4b:s4+s14], $0x10, s25, s14, $0xb8;
	[tilespmem:$0x6F80] =	vst v63  }
0x26: {  	_ =	swait.ge [sflag:s21], $0x800  }
0x27: {  	[sflag:s21] =	ssyncset.done $0x0  }
0x28: {  	[sflag:s21] =	ssyncadd.s32 $0xFFFFF800  }
0x29: {  	[spmem:s2] =	stream.indirect.scatter.add.f32 [tilespmem:s15], [sflag:$0x5], $0x10, s13, s14, $0xb8;
	[tilespmem:$0x6F80] =	vst v63  }
0x2a: {  	_ =	swait.ge [sflag:s22], $0x800  }
0x2b: {  	[sflag:s22] =	ssyncset.done $0x0  }
0x2c: {  	s28 =	simm.s32 $0x1480;
	[sflag:s22] =	ssyncadd.s32 $0xFFFFF800  }
0x2d: {  	[spmem:s2] =	stream.indirect.scatter.add.f32 [tilespmem:s16], [sflag:$0x6], $0x10, s28, s14, $0xb8;
	[tilespmem:$0x6F80] =	vst v63  }
0x2e: {  	_ =	swait.ge [sflag:s24], $0x800  }
0x2f: {  	[sflag:s24] =	ssyncset.done $0x0  }
0x30: {  	s25 =	simm.s32 $0x1500;
	[sflag:s24] =	ssyncadd.s32 $0xFFFFF800  }
0x31: {  	[spmem:s2] =	stream.indirect.scatter.add.f32 [tilespmem:s18], [sflag:$0x7], $0x10, s25, s14, $0xb8;
	[tilespmem:$0x6F80] =	vst v63  }
0x32: {  	_ =	swait.ge [sflag:s26], $0x800  }
0x33: {  	[sflag:s26] =	ssyncset.done $0x0  }
0x34: {  	s28 =	simm.s32 $0x200;
	[sflag:s26] =	ssyncadd.s32 $0xFFFFF800  }
0x35: {  	[tilespmem:s15], [sflag:$0x1] =	stream.indirect.gather [hbm4b:s4+s14], $0x10, s28, s14, $0xb8;
	[tilespmem:$0x6F80] =	vst v63  }
0x36: {  	_ =	swait.ge [sflag:s29], $0x800  }
0x37: {  	[sflag:s29] =	ssyncset.done $0x0  }
0x38: {  	s25 =	simm.s32 $0x1580;
	[sflag:s29] =	ssyncadd.s32 $0xFFFFF800  }
0x39: {  	[spmem:s2] =	stream.indirect.scatter.add.f32 [tilespmem:s20], [sflag:$0x8], $0x10, s25, s14, $0xb8;
	[tilespmem:$0x6F80] =	vst v63  }
0x3a: {  	_ =	swait.ge [sflag:s31], $0x800  }
0x3b: {  	[sflag:s31] =	ssyncset.done $0x0  }
0x3c: {  	s28 =	simm.s32 $0x280;
	[sflag:s31] =	ssyncadd.s32 $0xFFFFF800  }
0x3d: {  	[tilespmem:s16], [sflag:$0x2] =	stream.indirect.gather [hbm4b:s4+s14], $0x10, s28, s14, $0xb8;
	[tilespmem:$0x6F80] =	vst v63  }
0x3e: {  	_ =	swait.ge [sflag:s21], $0x800  }
0x3f: {  	[sflag:s21] =	ssyncset.done $0x0  }
0x40: {  	s25 =	simm.s32 $0x1600;
	[sflag:s21] =	ssyncadd.s32 $0xFFFFF800  }
0x41: {  	[spmem:s2] =	stream.indirect.scatter.add.f32 [tilespmem:s15], [sflag:$0x5], $0x10, s25, s14, $0xb8;
	[tilespmem:$0x6F80] =	vst v63  }
0x42: {  	_ =	swait.ge [sflag:s1], $0x800  }
0x43: {  	[sflag:s1] =	ssyncset.done $0x0  }
0x44: {  	s28 =	simm.s32 $0x300;
	[sflag:s1] =	ssyncadd.s32 $0xFFFFF800  }
0x45: {  	[tilespmem:s18], [sflag:$0x3] =	stream.indirect.gather [hbm4b:s4+s14], $0x10, s28, s14, $0xb8;
	[tilespmem:$0x6F80] =	vst v63  }
0x46: {  	_ =	swait.ge [sflag:s22], $0x800  }
0x47: {  	[sflag:s22] =	ssyncset.done $0x0  }
0x48: {  	s25 =	simm.s32 $0x1680;
	[sflag:s22] =	ssyncadd.s32 $0xFFFFF800  }
0x49: {  	[spmem:s2] =	stream.indirect.scatter.add.f32 [tilespmem:s16], [sflag:$0x6], $0x10, s25, s14, $0xb8;
	[tilespmem:$0x6F80] =	vst v63  }
0x4a: {  	_ =	swait.ge [sflag:s0], $0x800  }
0x4b: {  	[sflag:s0] =	ssyncset.done $0x0  }
0x4c: {  	s28 =	simm.s32 $0x380;
	[sflag:s0] =	ssyncadd.s32 $0xFFFFF800  }
0x4d: {  	[tilespmem:s20], [sflag:$0x4] =	stream.indirect.gather [hbm4b:s4+s14], $0x10, s28, s14, $0xb8;
	[tilespmem:$0x6F80] =	vst v63  }
0x4e: {  	_ =	swait.ge [sflag:s24], $0x800  }
0x4f: {  	[sflag:s24] =	ssyncset.done $0x0  }
0x50: {  	s25 =	simm.s32 $0x1700;
	[sflag:s24] =	ssyncadd.s32 $0xFFFFF800  }
0x51: {  	[spmem:s2] =	stream.indirect.scatter.add.f32 [tilespmem:s18], [sflag:$0x7], $0x10, s25, s14, $0xb8;
	[tilespmem:$0x6F80] =	vst v63  }
0x52: {  	_ =	swait.ge [sflag:s26], $0x800  }
0x53: {  	[sflag:s26] =	ssyncset.done $0x0  }
0x54: {  	s28 =	simm.s32 $0x400;
	[sflag:s26] =	ssyncadd.s32 $0xFFFFF800  }
0x55: {  	[tilespmem:s15], [sflag:$0x1] =	stream.indirect.gather [hbm4b:s4+s14], $0x10, s28, s14, $0xb8;
	[tilespmem:$0x6F80] =	vst v63  }
0x56: {  	_ =	swait.ge [sflag:s29], $0x800  }
0x57: {  	[sflag:s29] =	ssyncset.done $0x0  }
0x58: {  	s23 =	simm.s32 $0x800;
	s25 =	simm.s32 $0x1780;
	[sflag:s29] =	ssyncadd.s32 $0xFFFFF800  }
.LBB2_2:
0x59: {  	[spmem:s2] =	stream.indirect.scatter.add.f32 [tilespmem:s20], [sflag:$0x8], $0x10, s25, s14, $0xb8;
	[tilespmem:$0x6F80] =	vst v63  }
0x5a: {  	s25 =	smov.u32 s23  }
0x5b: {  	p0 =	sne.s32 s23, $0x3800;
	s23 =	sadd.s32 $0x800, s23;
	_ =	swait.ge [sflag:s31], $0x800  }
0x5c: {  	s25 =	sshra.s32 s25, $0x2;
	[sflag:s31] =	ssyncset.done $0x0  }
0x5d: {  	s28 =	sadd.s32 $0x280, s25;
	[sflag:s31] =	ssyncadd.s32 $0xFFFFF800  }
0x5e: {  	[tilespmem:s16], [sflag:$0x2] =	stream.indirect.gather [hbm4b:s4+s14], $0x10, s28, s14, $0xb8;
	[tilespmem:$0x6F80] =	vst v63  }
0x5f: {  	_ =	swait.ge [sflag:s21], $0x800  }
0x60: {  	[sflag:s21] =	ssyncset.done $0x0  }
0x61: {  	s28 =	sadd.s32 $0x1600, s25;
	[sflag:s21] =	ssyncadd.s32 $0xFFFFF800  }
0x62: {  	[spmem:s2] =	stream.indirect.scatter.add.f32 [tilespmem:s15], [sflag:$0x5], $0x10, s28, s14, $0xb8;
	[tilespmem:$0x6F80] =	vst v63  }
0x63: {  	_ =	swait.ge [sflag:s1], $0x800  }
0x64: {  	[sflag:s1] =	ssyncset.done $0x0  }
0x65: {  	s28 =	sadd.s32 $0x300, s25;
	[sflag:s1] =	ssyncadd.s32 $0xFFFFF800  }
0x66: {  	[tilespmem:s18], [sflag:$0x3] =	stream.indirect.gather [hbm4b:s4+s14], $0x10, s28, s14, $0xb8;
	[tilespmem:$0x6F80] =	vst v63  }
0x67: {  	_ =	swait.ge [sflag:s22], $0x800  }
0x68: {  	[sflag:s22] =	ssyncset.done $0x0  }
0x69: {  	s28 =	sadd.s32 $0x1680, s25;
	[sflag:s22] =	ssyncadd.s32 $0xFFFFF800  }
0x6a: {  	[spmem:s2] =	stream.indirect.scatter.add.f32 [tilespmem:s16], [sflag:$0x6], $0x10, s28, s14, $0xb8;
	[tilespmem:$0x6F80] =	vst v63  }
0x6b: {  	_ =	swait.ge [sflag:s0], $0x800  }
0x6c: {  	[sflag:s0] =	ssyncset.done $0x0  }
0x6d: {  	s28 =	sadd.s32 $0x380, s25;
	[sflag:s0] =	ssyncadd.s32 $0xFFFFF800  }
0x6e: {  	[tilespmem:s20], [sflag:$0x4] =	stream.indirect.gather [hbm4b:s4+s14], $0x10, s28, s14, $0xb8;
	[tilespmem:$0x6F80] =	vst v63  }
0x6f: {  	_ =	swait.ge [sflag:s24], $0x800  }
0x70: {  	[sflag:s24] =	ssyncset.done $0x0  }
0x71: {  	s28 =	sadd.s32 $0x1700, s25;
	[sflag:s24] =	ssyncadd.s32 $0xFFFFF800  }
0x72: {  	[spmem:s2] =	stream.indirect.scatter.add.f32 [tilespmem:s18], [sflag:$0x7], $0x10, s28, s14, $0xb8;
	[tilespmem:$0x6F80] =	vst v63  }
0x73: {  	_ =	swait.ge [sflag:s26], $0x800  }
0x74: {  	[sflag:s26] =	ssyncset.done $0x0  }
.Ltmp0:
0x75: {  	s28 =	sadd.s32 $0x400, s25;
	[sflag:s26] =	ssyncadd.s32 $0xFFFFF800;
	(pc) =	sbr.rel @p0 .LBB2_2-.Ltmp0, $4  }
0x76: {  	[tilespmem:s15], [sflag:$0x1] =	stream.indirect.gather [hbm4b:s4+s14], $0x10, s28, s14, $0xb8;
	[tilespmem:$0x6F80] =	vst v63  }
0x77: {  	_ =	swait.ge [sflag:s29], $0x800  }
0x78: {  	[sflag:s29] =	ssyncset.done $0x0  }
0x79: {  	s25 =	sadd.s32 $0x1780, s25;
	[sflag:s29] =	ssyncadd.s32 $0xFFFFF800  }
0x7a: {  	[spmem:s2] =	stream.indirect.scatter.add.f32 [tilespmem:s20], [sflag:$0x8], $0x10, s25, s14, $0xb8;
	[tilespmem:$0x6F80] =	vst v63  }
0x7b: {  	_ =	swait.ge [sflag:s31], $0x800  }
0x7c: {  	[sflag:s31] =	ssyncset.done $0x0  }
0x7d: {  	s23 =	simm.s32 $0x1280;
	[sflag:s31] =	ssyncadd.s32 $0xFFFFF800  }
0x7e: {  	[tilespmem:s16], [sflag:$0x2] =	stream.indirect.gather [hbm4b:s4+s14], $0x10, s23, s14, $0xb8;
	[tilespmem:$0x6F80] =	vst v63  }
0x7f: {  	_ =	swait.ge [sflag:s21], $0x800  }
0x80: {  	[sflag:s21] =	ssyncset.done $0x0  }
0x81: {  	s25 =	simm.s32 $0x2600;
	[sflag:s21] =	ssyncadd.s32 $0xFFFFF800  }
0x82: {  	[spmem:s2] =	stream.indirect.scatter.add.f32 [tilespmem:s15], [sflag:$0x5], $0x10, s25, s14, $0xb8;
	[tilespmem:$0x6F80] =	vst v63  }
0x83: {  	_ =	swait.ge [sflag:s1], $0x800  }
0x84: {  	[sflag:s1] =	ssyncset.done $0x0  }
0x85: {  	s28 =	simm.s32 $0x1300;
	[sflag:s1] =	ssyncadd.s32 $0xFFFFF800  }
0x86: {  	[tilespmem:s18], [sflag:$0x3] =	stream.indirect.gather [hbm4b:s4+s14], $0x10, s28, s14, $0xb8;
	[tilespmem:$0x6F80] =	vst v63  }
0x87: {  	_ =	swait.ge [sflag:s22], $0x800  }
0x88: {  	[sflag:s22] =	ssyncset.done $0x0  }
0x89: {  	s25 =	simm.s32 $0x2680;
	[sflag:s22] =	ssyncadd.s32 $0xFFFFF800  }
0x8a: {  	[spmem:s2] =	stream.indirect.scatter.add.f32 [tilespmem:s16], [sflag:$0x6], $0x10, s25, s14, $0xb8;
	[tilespmem:$0x6F80] =	vst v63  }
0x8b: {  	_ =	swait.ge [sflag:s0], $0x800  }
0x8c: {  	[sflag:s0] =	ssyncset.done $0x0  }
0x8d: {  	s28 =	simm.s32 $0x1380;
	[sflag:s0] =	ssyncadd.s32 $0xFFFFF800  }
0x8e: {  	[tilespmem:s20], [sflag:$0x4] =	stream.indirect.gather [hbm4b:s4+s14], $0x10, s28, s14, $0xb8;
	[tilespmem:$0x6F80] =	vst v63  }
0x8f: {  	_ =	swait.ge [sflag:s24], $0x800  }
0x90: {  	[sflag:s24] =	ssyncset.done $0x0  }
0x91: {  	[sflag:s24] =	ssyncadd.s32 $0xFFFFF800  }
0x92: {  	[spmem:s2] =	stream.indirect.scatter.add.f32 [tilespmem:s18], [sflag:$0x7], $0x10, s30, s14, $0xb8;
	[tilespmem:$0x6F80] =	vst v63  }
0x93: {  	_ =	swait.ge [sflag:s26], $0x800  }
0x94: {  	[sflag:s26] =	ssyncset.done $0x0  }
0x95: {  	[sflag:s26] =	ssyncadd.s32 $0xFFFFF800  }
0x96: {  	_ =	swait.ge [sflag:s29], $0x800  }
0x97: {  	[sflag:s29] =	ssyncset.done $0x0  }
0x98: {  	[sflag:s29] =	ssyncadd.s32 $0xFFFFF800  }
0x99: {  	[spmem:s2] =	stream.indirect.scatter.add.f32 [tilespmem:s20], [sflag:$0x8], $0x10, s17, s14, $0xb8;
	[tilespmem:$0x6F80] =	vst v63  }
0x9a: {  	_ =	swait.ge [sflag:s31], $0x800  }
0x9b: {  	[sflag:s31] =	ssyncset.done $0x0  }
0x9c: {  	[sflag:s31] =	ssyncadd.s32 $0xFFFFF800  }
0x9d: {  	_ =	swait.ge [sflag:s1], $0x800  }
0x9e: {  	[sflag:s1] =	ssyncset.done $0x0  }
0x9f: {  	[sflag:s1] =	ssyncadd.s32 $0xFFFFF800  }
0xa0: {  	_ =	swait.ge [sflag:s0], $0x800  }
0xa1: {  	s19 =	sadd.s32 $0x1, s19;
	[sflag:s0] =	ssyncset.done $0x0  }
0xa2: {  	p0 =	sne.s32 s19, s10;
	[sflag:s0] =	ssyncadd.s32 $0xFFFFF800  }
.Ltmp1:
0xa3: {  	[bflag:$0x0] =	sbarrier.arrive $0xFFFF;
	(pc) =	sbr.rel @p0 .LBB2_1-.Ltmp1, $4  }
0xa4: {  	[hbm:s9], [sflag:s6] =	dma.local [spmem:s11], $0x4F0  }
0xa5: {  	_ =	swait.ge [sflag:s12], $0x4F0  }
0xa6: {  	[sflag:s12] =	ssyncset.done $0x0  }
0xa7: {  	[sflag:s12] =	ssyncadd.s32 $0xFFFFFB10  }
0xa8: {  	_ =	sfence.sel $0x180000  }
0xa9: {  	[bflag:$0x0] =	sbarrier.arrive $0xFFFF  }
0xaa: {  	_ =	strace $0x9000004A  }
0xab: {  	s0 =	stileid.u32;
	[bflag:$0x2] =	sbarrier.arrive $0xFFFF  }
0xac: {  	p0 =	sne.s32 s0, $0x0;
	s0 =	rddreg [dreg:$0x2]  }
0xad: {  	s0 =	sadd.s32 @!p0 $0x100000, s0  }
0xae: {  	[sflag:s0] =	ssyncadd.tile.s32 @!p0 $0x1;
	_ =	shalt  }
.Lfunc_end2:
_tile_overlayer_lowered:
.L_overlay_start_2:
0xaf: {  	(tag) =	ssettag $0x2  }
0xb0: {  	s0 =	rddreg [dreg:$0x0];
	s2 =	stileid.u32  }
0xb1: {  	s1 =	rddreg [dreg:$0x1];
	p0 =	sne.s32 s2, $0x0  }
0xb2: {  	s3 =	rddreg [dreg:$0x2];
	[bflag:$0x3] =	sbarrier.arrive $0xFFFF;
	s2 =	simm.s32 @!p0 $0x1C09  }
0xb3: {  	[timem:s3], [sflag:s2] =	dma.local @!p0 [hbm:s0], s1  }
0xb4: {  	s0 =	simm.s32 @!p0 $0x9  }
0xb5: {  	_ =	swait.ge @!p0 [sflag:s0], s1  }
0xb6: {  	s1 =	ssub.s32 @!p0 $0x0, s1;
	[sflag:s0] =	ssyncset.done @!p0 $0x0  }
0xb7: {  	[sflag:s0] =	ssyncadd.s32 @!p0 s1  }
0xb8: {  	[bflag:$0x3] =	sbarrier.arrive $0xFFFF  }
0xb9: {  	_ =	shalt  }

// kernel: kernel.15.cloned.1.call-start
scs
__scs_entry_jumppad:
0x0: {  	(pc) =	sbr.rel $0x88, $3  }
0x1: {  	(tag) =	ssettag $0x0;
	lr =	simm.s32 $0x1  }
0x2: {  	[smem:$0x3F94] =	sst lr;
	_ =	strace $0xD0000000  }
0x3: {  	_ = 	snop  }
0x4: {  	_ = 	snop  }
0x5: {  	_ = 	snop  }
0x6: {  	_ = 	snop  }
0x7: {  	_ = 	snop  }
__scs_overlays_trampoline_lowered:
0x8: {  	[smem:$0x3FA3] =	sst s0  }
0x9: {  	[smem:$0x3FA4] =	sst s1  }
0xa: {  	[smem:$0x3FA5] =	sst s2  }
0xb: {  	[smem:$0x3FA6] =	sst s3  }
0xc: {  	[smem:$0x3FA7] =	sst s4  }
0xd: {  	[smem:$0x3FA8] =	sst s5  }
0xe: {  	[smem:$0x3FA9] =	sst s6  }
0xf: {  	[smem:$0x3FAA] =	sst s7  }
0x10: {  	[smem:$0x3FAB] =	sst s8  }
0x11: {  	[smem:$0x3FAC] =	sst s9;
	s0 =	simm.s32 @!p0 $0x0  }
0x12: {  	s1 =	sld [smem:$0x3F92];
	s0 =	simm.s32 @p0 $0x1  }
0x13: {  	[smem:$0x3FAD] =	sst s0;
	s0 =	simm.s32 @!p1 $0x0  }
0x14: {  	s2 =	sld [smem:$0x3F91];
	s0 =	simm.s32 @p1 $0x1  }
0x15: {  	[smem:$0x3FAE] =	sst s0;
	s0 =	simm.s32 @!p2 $0x0  }
0x16: {  	s3 =	sld [smem:$0x3FDB];
	s0 =	simm.s32 @p2 $0x1  }
0x17: {  	s4 =	simm.s32 $0x1BF5;
	[smem:$0x3FB0] =	sst s0  }
0x18: {  	s0 =	sld [smem:$0x3F93];
	_ =	swait.ge [sflag:s4], $0x0  }
0x19: {  	s7 =	sld [smem:$0x3F94]  }
0x1a: {  	s8 =	sadd.s32 $0xFFFFE003, lr  }
0x1b: {  	s9 =	sadd.s32 $0xFFFFFEF7, lr;
	s5 =	simm.s32 $0xFFFFFFFF;
	p2 =	slt.u32 s8, $0xFFFFF086  }
0x1c: {  	p1 =	slt.u32 s9, $0xF7A;
	s5 =	simm.s32 @!p2 $0x0  }
0x1d: {  	s5 =	simm.s32 @p1 $0x1;
	p0 =	seq.s32 s7, s2  }
0x1e: {  	s7 =	smul.u32 @!p0 $0xF7A, s2;
	p2 =	seq.s32 @!p0 s5, $0x0  }
0x1f: {  	s9 =	smul.u32 $0xF7A, s1;
	s8 =	simm.s32 @!p0 $0x1BF5;
	p2 =	por !p2, p0  }
0x20: {  	[sflag:s8] =	ssyncset.s32 @!p0 $0xFFFFF086;
	s6 =	sadd.s32 @!p0 s3, s7;
	s7 =	simm.s32 @!p0 $0x108  }
0x21: {  	s3 =	sadd.s32 s3, s9;
	s6 =	sadd.s32 @!p0 $0x88, s6;
	s7 =	simm.s32 @p2 $0x1082  }
0x22: {  	[simem:s7], [sflag:s8] =	dma.local @!p0 [hbm:s6], $0xF7A  }
0x23: {  	s9 =	sor.u32 $0xD0000000, s2;
	s6 =	simm.s32 $0x108;
	_ =	swait.ge @!p0 [sflag:s8], $0x0  }
0x24: {  	s3 =	sadd.s32 $0x88, s3;
	s6 =	simm.s32 @!p1 $0x1082;
	[sflag:s4] =	ssyncset.s32 $0xFFFFF086  }
0x25: {  	[simem:s6], [sflag:s4] =	dma.local [hbm:s3], $0xF7A  }
0x26: {  	[smem:$0x3F94] =	sst s1;
	(tag) =	ssettag s2;
	_ =	strace s9  }
0x27: {  	s1 =	sld [smem:$0x3FA4]  }
0x28: {  	s2 =	sld [smem:$0x3FA5]  }
0x29: {  	s4 =	sld [smem:$0x3FA7]  }
0x2a: {  	p0 =	seq.s32 s5, $0x0;
	s5 =	sld [smem:$0x3FA8]  }
0x2b: {  	s6 =	sld [smem:$0x3FA9]  }
0x2c: {  	s7 =	sld [smem:$0x3FAA]  }
0x2d: {  	s3 =	simm.s32 $0x108;
	s8 =	sld [smem:$0x3FAB]  }
0x2e: {  	s3 =	simm.s32 @!p0 $0x1082;
	s9 =	sld [smem:$0x3FAC]  }
0x2f: {  	lr =	sadd.s32 s0, s3;
	s0 =	sld [smem:$0x3FA3]  }
0x30: {  	s3 =	sld [smem:$0x3FA6]  }
0x31: {  	[smem:$0x3FAF] =	sst s10  }
0x32: {  	s10 =	sld [smem:$0x3FAD];
	_ =	sdelay $0x3  }
0x33: {  	p0 =	seq.s32 s10, $0x1;
	s10 =	sld [smem:$0x3FAF];
	_ =	sdelay $0x3  }
0x34: {  	[smem:$0x3FAF] =	sst s10  }
0x35: {  	s10 =	sld [smem:$0x3FAE];
	_ =	sdelay $0x3  }
0x36: {  	p1 =	seq.s32 s10, $0x1;
	s10 =	sld [smem:$0x3FAF];
	_ =	sdelay $0x3  }
0x37: {  	[smem:$0x3FAF] =	sst s10  }
0x38: {  	s10 =	sld [smem:$0x3FB0]  }
0x39: {  	_ = 	snop;
	(pc) =	sbr.ind lr, $3  }
0x3a: {  	_ = 	snop  }
0x3b: {  	_ = 	snop  }
0x3c: {  	p2 =	seq.s32 s10, $0x1;
	s10 =	sld [smem:$0x3FAF]  }
0x3d: {  	_ =	shalt  }
0x3e: {  	_ =	shalt  }
0x3f: {  	_ =	shalt  }
0x40: {  	_ =	shalt  }
0x41: {  	_ =	shalt  }
0x42: {  	_ =	shalt  }
0x43: {  	_ =	shalt  }
0x44: {  	_ =	shalt  }
0x45: {  	_ =	shalt  }
0x46: {  	_ =	shalt  }
0x47: {  	_ =	shalt  }
0x48: {  	_ =	shalt  }
0x49: {  	_ =	shalt  }
0x4a: {  	_ =	shalt  }
0x4b: {  	_ =	shalt  }
0x4c: {  	_ =	shalt  }
0x4d: {  	_ =	shalt  }
0x4e: {  	_ =	shalt  }
0x4f: {  	_ =	shalt  }
0x50: {  	_ =	shalt  }
0x51: {  	_ =	shalt  }
0x52: {  	_ =	shalt  }
0x53: {  	_ =	shalt  }
0x54: {  	_ =	shalt  }
0x55: {  	_ =	shalt  }
0x56: {  	_ =	shalt  }
0x57: {  	_ =	shalt  }
0x58: {  	_ =	shalt  }
0x59: {  	_ =	shalt  }
0x5a: {  	_ =	shalt  }
0x5b: {  	_ =	shalt  }
0x5c: {  	_ =	shalt  }
0x5d: {  	_ =	shalt  }
0x5e: {  	_ =	shalt  }
0x5f: {  	_ =	shalt  }
0x60: {  	_ =	shalt  }
0x61: {  	_ =	shalt  }
0x62: {  	_ =	shalt  }
0x63: {  	_ =	shalt  }
0x64: {  	_ =	shalt  }
0x65: {  	_ =	shalt  }
0x66: {  	_ =	shalt  }
0x67: {  	_ =	shalt  }
0x68: {  	_ =	shalt  }
0x69: {  	_ =	shalt  }
0x6a: {  	_ =	shalt  }
0x6b: {  	_ =	shalt  }
0x6c: {  	_ =	shalt  }
0x6d: {  	_ =	shalt  }
0x6e: {  	_ =	shalt  }
0x6f: {  	_ =	shalt  }
0x70: {  	_ =	shalt  }
0x71: {  	_ =	shalt  }
0x72: {  	_ =	shalt  }
0x73: {  	_ =	shalt  }
0x74: {  	_ =	shalt  }
0x75: {  	_ =	shalt  }
0x76: {  	_ =	shalt  }
0x77: {  	_ =	shalt  }
0x78: {  	_ =	shalt  }
0x79: {  	_ =	shalt  }
0x7a: {  	_ =	shalt  }
0x7b: {  	_ =	shalt  }
0x7c: {  	_ =	shalt  }
0x7d: {  	_ =	shalt  }
0x7e: {  	_ =	shalt  }
0x7f: {  	_ =	shalt  }
0x80: {  	_ =	shalt  }
0x81: {  	_ =	shalt  }
0x82: {  	_ =	shalt  }
0x83: {  	_ =	shalt  }
0x84: {  	_ =	shalt  }
0x85: {  	_ =	shalt  }
0x86: {  	_ =	shalt  }
0x87: {  	_ =	shalt  }
.Lfunc_end0:
.L_simem_size_0:
called_computation.2_lowered:
.L_overlay_start_0:
0x88: {  	s2 =	sld [smem:$0x3FD9]  }
0x89: {  	s3 =	sld [smem:$0x3FFE];
	_ =	sdelay $0x1  }
0x8a: {  	s1 =	srdreg.scid  }
0x8b: {  	s0 =	sand.u32 $0x1, s1  }
0x8c: {  	s16 =	sshll.u32 s0, $0xA;
	s2 =	sadd.s32 s3, s2  }
0x8d: {  	s2 =	sadd.s32 s2, s16  }
0x8e: {  	[smem:$0x3FBB] =	sst s2  }
0x8f: {  	_ = 	snop  }
0x90: {  	(tm) =	ssettm $0x1  }
0x91: {  	s17 =	sld [smem:$0x3FFB];
	_ =	sdelay $0x3  }
0x92: {  	_ =	strace s17  }
0x93: {  	s2 =	sld [smem:$0x3FFC];
	_ =	sdelay $0x3  }
0x94: {  	_ =	strace s2  }
0x95: {  	s2 =	sld [smem:$0x3FFD];
	_ =	sdelay $0x3  }
0x96: {  	_ =	strace s2  }
0x97: {  	_ =	strace $0x8FFFFFFF  }
0x98: {  	s18 =	sld [smem:$0x3FDB];
	_ =	sdelay $0x1  }
0x99: {  	s19 =	simm.s32 $_scs_section_size  }
0x9a: {  	s4 =	simm.s32 $_size__tile_overlayer_lowered;
	s5 =	simm.s32 $_tile_overlayer_lowered  }
0x9b: {  	s22 =	simm.s32 $0x1BFF;
	s21 =	sshll.u32 s5, $0x1;
	s2 =	sadd.s32 s19, s18  }
0x9c: {  	s6 =	simm.s32 $0x0;
	s20 =	sshll.u32 s4, $0x1;
	s4 =	sadd.s32 s21, s2  }
0x9d: {  	[timem:s6], [sflag:s22] =	dma.local [hbm:s4], s20  }
0x9e: {  	_ =	swait.ge [sflag:s22], s20  }
0x9f: {  	s3 =	ssub.s32 $0x0, s20;
	[sflag:s22] =	ssyncset.done $0x0  }
0xa0: {  	[sflag:s22] =	ssyncadd.s32 s3;
	_ =	sdelay $0x1  }
0xa1: {  	s23 =	simm.s32 $0x1B8B  }
0xa2: {  	_ =	swait.ge [sflag:s23], $0x1  }
0xa3: {  	[sflag:s23] =	ssyncset.done $0x0  }
0xa4: {  	s25 =	simm.s32 $0x1B8E;
	s24 =	sld [smem:$0x3FFE];
	[sflag:s23] =	ssyncadd.s32 $0xFFFFFFFF  }
0xa5: {  	s26 =	simm.s32 $execute0_lowered;
	[smem:$0x3FD2] =	sst s25  }
0xa6: {  	s4 =	sshll.u32 s26, $0x1;
	_ =	strace $0x8000004C;
	[dreg:$0x1] =	wrdreg $0xFFFFFFFF  }
0xa7: {  	s28 =	simm.s32 $_size_execute0_lowered;
	s2 =	sadd.s32 s2, s4;
	[dreg:$0x0] =	wrdreg $0x0  }
0xa8: {  	s4 =	sshll.u32 s28, $0x1;
	[dreg:$0x2] =	wrdreg s2  }
0xa9: {  	[dreg:$0x3] =	wrdreg s4  }
0xaa: {  	[dreg:$0x4] =	wrdreg $0xC0  }
0xab: {  	_ =	task [dreg:s6], $0x5FFFF  }
0xac: {  	[dreg:$0x1] =	wrdreg $0xFFFFFFFF  }
0xad: {  	[dreg:$0x0] =	wrdreg $0x60  }
0xae: {  	[dreg:$0x2] =	wrdreg s24  }
0xaf: {  	[dreg:$0x3] =	wrdreg $0x78000  }
0xb0: {  	[dreg:$0x4] =	wrdreg $0x9  }
0xb1: {  	_ =	task.clear_ibuf [dreg:s6], $0x5FFFF;
	_ =	strace $0x9000004C  }
0xb2: {  	s29 =	simm.s32 $0x9;
	_ =	strace $0x8000004E  }
0xb3: {  	_ =	swait.ge [sflag:s29], $0x1  }
0xb4: {  	[sflag:s29] =	ssyncadd.s32 $0xFFFFFFFF  }
0xb5: {  	_ =	strace $0x9000004E  }
0xb6: {  	_ =	sfence  }
0xb7: {  	s30 =	sld [smem:$0x0];
	_ =	sdelay $0x2  }
0xb8: {  	s31 =	sshll.u32 s1, $0xD;
	s1 =	sshrl.u32 s1, $0x2  }
0xb9: {  	s3 =	sand.u32 $0x4000, s31;
	s1 =	sadd.s32 s1, s30  }
0xba: {  	s0 =	sor.u32 s3, s0;
	s1 =	sshll.u32 s1, $0x11  }
0xbb: {  	s0 =	sor.u32 s1, s0  }
0xbc: {  	s0 =	sadd.s32 $0x8F2B, s0  }
0xbd: {  	[sflag:s0] =	ssyncadd.remote.s32 $0x1  }
0xbe: {  	_ =	sfence.sel $0xFFFF  }
0xbf: {  	[dreg:$0x0] =	wrdreg $0xFFFFFFFF;
	(pc) =	sbr.abs _section_cstart, $3  }
0xc0: {  	[dreg:$0x1] =	wrdreg $0xFFFFFFFF  }
0xc1: {  	_ =	task.clear_ibuf [dreg:s6], $0x2FFFF;
	_ =	strace $0x9FFFFFFF  }
0xc2: {  	(tm) =	ssettm $0x7FFFFFFF  }
0xc3: {  	_ =	shalt  }
tec
execute0_lowered:
.L_overlay_start_1:
0x0: {  	(tag) =	ssettag $0x1  }
0x1: {  	s0 =	rddreg [dreg:$0x0]  }
0x2: {  	s2 =	rddreg [dreg:$0x1]  }
0x3: {  	s11 =	stileid.u32;
	s1 =	srdreg.scid  }
0x4: {  	s3 =	simm.s32 $0x0;
	s14 =	simm.s32 $0x9;
	s15 =	simm.s32 $0x2800  }
0x5: {  	s16 =	simm.s32 $0x28;
	s17 =	simm.s32 $0x5000;
	s18 =	simm.s32 $0x5A00  }
0x6: {  	s20 =	simm.s32 $0x6400;
	s22 =	simm.s32 $0x6E00;
	s23 =	simm.s32 $0x1  }
0x7: {  	s24 =	simm.s32 $0x2;
	s29 =	simm.s32 $0x5;
	s30 =	simm.s32 $0x4  }
0x8: {  	s19 =	simm.s32 $0x8;
	s21 =	simm.s32 $0x0;
	s7 =	smul.u32 $0x13C00, s11  }
0x9: {  	s1 =	sand.u32 $0x1, s1;
	[smem:$0x7FF] =	sst s3;
	s8 =	smul.u32 $0x500, s11  }
0xa: {  	s4 =	sadd.s32 $0x35E00, s0;
	s5 =	sadd.s32 $0x15200, s0;
	s31 =	sshll.u32 s11, $0x6  }
0xb: {  	s6 =	smul.u32 $0x13C000, s1;
	_ =	strace $0x8000004D;
	s10 =	ssub.s32 $0x2, s1  }
0xc: {  	p0 =	seq.s32 s1, $0x0;
	s11 =	smov.u32 s5;
	s1 =	simm.s32 $0x7  }
0xd: {  	s9 =	sadd.s32 s8, s0;
	s28 =	sshrl.u32 s10, $0x1;
	s11 =	smov.u32 @p0 s4  }
0xe: {  	s6 =	sadd.s32 s7, s6;
	s12 =	ssub.s32 s10, s28;
	s7 =	sshrl.u32 s7, $0x1  }
0xf: {  	s8 =	sadd.s32 $0x30E00, s9;
	s9 =	sadd.s32 $0x2BE00, s9;
	s26 =	sshrl.u32 s6, $0x4  }
0x10: {  	s6 =	sadd.s32 $0x13E00, s0;
	s13 =	sadd.s32 s7, s2;
	s7 =	sor.u32 $0x1C09, s31  }
0x11: {  	s12 =	smax.u32 s12, $0x1;
	s0 =	sadd.s32 s26, s0;
	s13 =	sshrl.u32 s13, $0x3  }
0x12: {  	s26 =	simm.s32 $0x3;
	s10 =	sadd.s32 $0x49800, s0;
	s0 =	simm.s32 $0x6  }
.LBB2_1:
0x13: {  	[spmem:s13], [sflag:s7] =	dma.local [hbm:s6], $0x13C0  }
0x14: {  	_ =	swait.ge [sflag:s14], $0x13C0  }
0x15: {  	[sflag:s14] =	ssyncset.done $0x0  }
0x16: {  	[sflag:s14] =	ssyncadd.s32 $0xFFFFEC40  }
0x17: {  	[tilespmem:s3], [sflag:$0x9] =	stream.linear.gather [hbm4b:s8+s3], $0x2800, $0x38;
	[tilespmem:$0x11600] =	vst v63  }
0x18: {  	_ =	swait.ge [sflag:s14], $0x2800  }
0x19: {  	[sflag:s14] =	ssyncset.done $0x0  }
0x1a: {  	[sflag:s14] =	ssyncadd.s32 $0xFFFFD800  }
0x1b: {  	[tilespmem:s15], [sflag:$0x9] =	stream.linear.gather [hbm4b:s9+s3], $0x2800, $0x38;
	[tilespmem:$0x11600] =	vst v63  }
0x1c: {  	_ =	swait.ge [sflag:s14], $0x2800  }
0x1d: {  	[sflag:s14] =	ssyncset.done $0x0  }
0x1e: {  	[sflag:s14] =	ssyncadd.s32 $0xFFFFD800  }
0x1f: {  	[bflag:$0x0] =	sbarrier.arrive $0xFFFF  }
0x20: {  	[tilespmem:s17], [sflag:$0x1] =	stream.indirect.gather [hbm4b:s11+s16], $0x40, s3, s16, $0xb8;
	[tilespmem:$0x11600] =	vst v63  }
0x21: {  	_ = 	snop  }
0x22: {  	[tilespmem:s18], [sflag:$0x2] =	stream.indirect.gather [hbm4b:s11+s16], $0x40, s16, s16, $0xb8;
	[tilespmem:$0x11600] =	vst v63  }
0x23: {  	s25 =	simm.s32 $0x50  }
0x24: {  	[tilespmem:s20], [sflag:$0x3] =	stream.indirect.gather [hbm4b:s11+s16], $0x40, s25, s16, $0xb8;
	[tilespmem:$0x11600] =	vst v63  }
0x25: {  	s31 =	simm.s32 $0x78  }
0x26: {  	[tilespmem:s22], [sflag:$0x4] =	stream.indirect.gather [hbm4b:s11+s16], $0x40, s31, s16, $0xb8;
	[tilespmem:$0x11600] =	vst v63  }
0x27: {  	_ =	swait.ge [sflag:s23], $0xA00  }
0x28: {  	[sflag:s23] =	ssyncset.done $0x0  }
0x29: {  	[sflag:s23] =	ssyncadd.s32 $0xFFFFF600  }
0x2a: {  	[spmem:s2] =	stream.indirect.scatter.add.bf16 [tilespmem:s17], [sflag:$0x5], $0x40, s15, s16, $0xb8;
	[tilespmem:$0x11600] =	vst v63  }
0x2b: {  	_ =	swait.ge [sflag:s24], $0xA00  }
0x2c: {  	[sflag:s24] =	ssyncset.done $0x0  }
0x2d: {  	s31 =	simm.s32 $0x2828;
	[sflag:s24] =	ssyncadd.s32 $0xFFFFF600  }
0x2e: {  	[spmem:s2] =	stream.indirect.scatter.add.bf16 [tilespmem:s18], [sflag:$0x6], $0x40, s31, s16, $0xb8;
	[tilespmem:$0x11600] =	vst v63  }
0x2f: {  	_ =	swait.ge [sflag:s26], $0xA00  }
0x30: {  	[sflag:s26] =	ssyncset.done $0x0  }
0x31: {  	s31 =	simm.s32 $0x2850;
	[sflag:s26] =	ssyncadd.s32 $0xFFFFF600  }
0x32: {  	[spmem:s2] =	stream.indirect.scatter.add.bf16 [tilespmem:s20], [sflag:$0x7], $0x40, s31, s16, $0xb8;
	[tilespmem:$0x11600] =	vst v63  }
0x33: {  	_ =	swait.ge [sflag:s29], $0xA00  }
0x34: {  	s28 =	simm.s32 @p0 $0xA0;
	[sflag:s29] =	ssyncset.done $0x0  }
0x35: {  	s25 =	simm.s32 @p0 $0x28;
	s31 =	simm.s32 @p0 $0x5000;
	[sflag:s29] =	ssyncadd.s32 $0xFFFFF600  }
0x36: {  	[tilespmem:s31], [sflag:$0x1] =	stream.indirect.gather @p0 [hbm4b:s4+s25], $0x40, s28, s25, $0xb8;
	[tilespmem:$0x11600] =	vst v63  }
0x37: {  	s25 =	simm.s32 @!p0 $0x28;
	s28 =	simm.s32 @!p0 $0xA0;
	s31 =	simm.s32 @!p0 $0x5000  }
0x38: {  	[tilespmem:s31], [sflag:$0x1] =	stream.indirect.gather @!p0 [hbm4b:s5+s25], $0x40, s28, s25, $0xb8;
	[tilespmem:$0x11600] =	vst v63  }
0x39: {  	_ =	swait.ge [sflag:s30], $0xA00  }
0x3a: {  	[sflag:s30] =	ssyncset.done $0x0  }
0x3b: {  	s31 =	simm.s32 $0x2878;
	[sflag:s30] =	ssyncadd.s32 $0xFFFFF600  }
0x3c: {  	[spmem:s2] =	stream.indirect.scatter.add.bf16 [tilespmem:s22], [sflag:$0x8], $0x40, s31, s16, $0xb8;
	[tilespmem:$0x11600] =	vst v63  }
0x3d: {  	_ =	swait.ge [sflag:s0], $0xA00  }
0x3e: {  	[sflag:s0] =	ssyncset.done $0x0  }
0x3f: {  	s31 =	simm.s32 $0xC8;
	[sflag:s0] =	ssyncadd.s32 $0xFFFFF600  }
0x40: {  	[tilespmem:s18], [sflag:$0x2] =	stream.indirect.gather [hbm4b:s11+s16], $0x40, s31, s16, $0xb8;
	[tilespmem:$0x11600] =	vst v63  }
0x41: {  	_ =	swait.ge [sflag:s23], $0xA00  }
0x42: {  	[sflag:s23] =	ssyncset.done $0x0  }
0x43: {  	s31 =	simm.s32 $0x28A0;
	[sflag:s23] =	ssyncadd.s32 $0xFFFFF600  }
0x44: {  	[spmem:s2] =	stream.indirect.scatter.add.bf16 [tilespmem:s17], [sflag:$0x5], $0x40, s31, s16, $0xb8;
	[tilespmem:$0x11600] =	vst v63  }
0x45: {  	_ =	swait.ge [sflag:s1], $0xA00  }
0x46: {  	[sflag:s1] =	ssyncset.done $0x0  }
0x47: {  	s31 =	simm.s32 $0xF0;
	[sflag:s1] =	ssyncadd.s32 $0xFFFFF600  }
0x48: {  	[tilespmem:s20], [sflag:$0x3] =	stream.indirect.gather [hbm4b:s11+s16], $0x40, s31, s16, $0xb8;
	[tilespmem:$0x11600] =	vst v63  }
0x49: {  	_ =	swait.ge [sflag:s24], $0xA00  }
0x4a: {  	[sflag:s24] =	ssyncset.done $0x0  }
0x4b: {  	s31 =	simm.s32 $0x28C8;
	[sflag:s24] =	ssyncadd.s32 $0xFFFFF600  }
0x4c: {  	[spmem:s2] =	stream.indirect.scatter.add.bf16 [tilespmem:s18], [sflag:$0x6], $0x40, s31, s16, $0xb8;
	[tilespmem:$0x11600] =	vst v63  }
0x4d: {  	_ =	swait.ge [sflag:s19], $0xA00  }
0x4e: {  	[sflag:s19] =	ssyncset.done $0x0  }
0x4f: {  	s31 =	simm.s32 $0x118;
	[sflag:s19] =	ssyncadd.s32 $0xFFFFF600  }
0x50: {  	[tilespmem:s22], [sflag:$0x4] =	stream.indirect.gather [hbm4b:s11+s16], $0x40, s31, s16, $0xb8;
	[tilespmem:$0x11600] =	vst v63  }
0x51: {  	_ =	swait.ge [sflag:s26], $0xA00  }
0x52: {  	[sflag:s26] =	ssyncset.done $0x0  }
0x53: {  	s31 =	simm.s32 $0x28F0;
	[sflag:s26] =	ssyncadd.s32 $0xFFFFF600  }
0x54: {  	[spmem:s2] =	stream.indirect.scatter.add.bf16 [tilespmem:s20], [sflag:$0x7], $0x40, s31, s16, $0xb8;
	[tilespmem:$0x11600] =	vst v63  }
0x55: {  	_ =	swait.ge [sflag:s29], $0xA00  }
0x56: {  	[sflag:s29] =	ssyncset.done $0x0  }
0x57: {  	s31 =	simm.s32 $0x140;
	[sflag:s29] =	ssyncadd.s32 $0xFFFFF600  }
0x58: {  	[tilespmem:s17], [sflag:$0x1] =	stream.indirect.gather [hbm4b:s11+s16], $0x40, s31, s16, $0xb8;
	[tilespmem:$0x11600] =	vst v63  }
0x59: {  	_ =	swait.ge [sflag:s30], $0xA00  }
0x5a: {  	[sflag:s30] =	ssyncset.done $0x0  }
0x5b: {  	s25 =	simm.s32 $0x280;
	s28 =	simm.s32 $0x2918;
	[sflag:s30] =	ssyncadd.s32 $0xFFFFF600  }
.LBB2_2:
0x5c: {  	[spmem:s2] =	stream.indirect.scatter.add.bf16 [tilespmem:s22], [sflag:$0x8], $0x40, s28, s16, $0xb8;
	[tilespmem:$0x11600] =	vst v63  }
0x5d: {  	s28 =	smov.u32 s25;
	s25 =	sadd.s32 $0x280, s25;
	_ =	swait.ge [sflag:s0], $0xA00  }
0x5e: {  	s28 =	sshra.s32 s28, $0x2;
	p1 =	sne.s32 s25, $0x9B00;
	[sflag:s0] =	ssyncset.done $0x0  }
0x5f: {  	s31 =	sadd.s32 $0xC8, s28;
	[sflag:s0] =	ssyncadd.s32 $0xFFFFF600  }
0x60: {  	[tilespmem:s18], [sflag:$0x2] =	stream.indirect.gather [hbm4b:s11+s16], $0x40, s31, s16, $0xb8;
	[tilespmem:$0x11600] =	vst v63  }
0x61: {  	_ =	swait.ge [sflag:s23], $0xA00  }
0x62: {  	[sflag:s23] =	ssyncset.done $0x0  }
0x63: {  	s31 =	sadd.s32 $0x28A0, s28;
	[sflag:s23] =	ssyncadd.s32 $0xFFFFF600  }
0x64: {  	[spmem:s2] =	stream.indirect.scatter.add.bf16 [tilespmem:s17], [sflag:$0x5], $0x40, s31, s16, $0xb8;
	[tilespmem:$0x11600] =	vst v63  }
0x65: {  	_ =	swait.ge [sflag:s1], $0xA00  }
0x66: {  	[sflag:s1] =	ssyncset.done $0x0  }
0x67: {  	s31 =	sadd.s32 $0xF0, s28;
	[sflag:s1] =	ssyncadd.s32 $0xFFFFF600  }
0x68: {  	[tilespmem:s20], [sflag:$0x3] =	stream.indirect.gather [hbm4b:s11+s16], $0x40, s31, s16, $0xb8;
	[tilespmem:$0x11600] =	vst v63  }
0x69: {  	_ =	swait.ge [sflag:s24], $0xA00  }
0x6a: {  	[sflag:s24] =	ssyncset.done $0x0  }
0x6b: {  	s31 =	sadd.s32 $0x28C8, s28;
	[sflag:s24] =	ssyncadd.s32 $0xFFFFF600  }
0x6c: {  	[spmem:s2] =	stream.indirect.scatter.add.bf16 [tilespmem:s18], [sflag:$0x6], $0x40, s31, s16, $0xb8;
	[tilespmem:$0x11600] =	vst v63  }
0x6d: {  	_ =	swait.ge [sflag:s19], $0xA00  }
0x6e: {  	[sflag:s19] =	ssyncset.done $0x0  }
0x6f: {  	s31 =	sadd.s32 $0x118, s28;
	[sflag:s19] =	ssyncadd.s32 $0xFFFFF600  }
0x70: {  	[tilespmem:s22], [sflag:$0x4] =	stream.indirect.gather [hbm4b:s11+s16], $0x40, s31, s16, $0xb8;
	[tilespmem:$0x11600] =	vst v63  }
0x71: {  	_ =	swait.ge [sflag:s26], $0xA00  }
0x72: {  	[sflag:s26] =	ssyncset.done $0x0  }
0x73: {  	s31 =	sadd.s32 $0x28F0, s28;
	[sflag:s26] =	ssyncadd.s32 $0xFFFFF600  }
0x74: {  	[spmem:s2] =	stream.indirect.scatter.add.bf16 [tilespmem:s20], [sflag:$0x7], $0x40, s31, s16, $0xb8;
	[tilespmem:$0x11600] =	vst v63  }
0x75: {  	_ =	swait.ge [sflag:s29], $0xA00  }
0x76: {  	[sflag:s29] =	ssyncset.done $0x0  }
.Ltmp0:
0x77: {  	s31 =	sadd.s32 $0x140, s28;
	[sflag:s29] =	ssyncadd.s32 $0xFFFFF600;
	(pc) =	sbr.rel @p1 .LBB2_2-.Ltmp0, $4  }
0x78: {  	[tilespmem:s17], [sflag:$0x1] =	stream.indirect.gather [hbm4b:s11+s16], $0x40, s31, s16, $0xb8;
	[tilespmem:$0x11600] =	vst v63  }
0x79: {  	_ =	swait.ge [sflag:s30], $0xA00  }
0x7a: {  	[sflag:s30] =	ssyncset.done $0x0  }
0x7b: {  	s28 =	sadd.s32 $0x2918, s28;
	[sflag:s30] =	ssyncadd.s32 $0xFFFFF600  }
0x7c: {  	[spmem:s2] =	stream.indirect.scatter.add.bf16 [tilespmem:s22], [sflag:$0x8], $0x40, s28, s16, $0xb8;
	[tilespmem:$0x11600] =	vst v63  }
0x7d: {  	_ =	swait.ge [sflag:s0], $0xA00  }
0x7e: {  	s25 =	sshra.s32 s25, $0x2;
	[sflag:s0] =	ssyncset.done $0x0  }
0x7f: {  	s31 =	sadd.s32 $0xC8, s25;
	[sflag:s0] =	ssyncadd.s32 $0xFFFFF600  }
0x80: {  	[tilespmem:s18], [sflag:$0x2] =	stream.indirect.gather [hbm4b:s11+s16], $0x40, s31, s16, $0xb8;
	[tilespmem:$0x11600] =	vst v63  }
0x81: {  	_ =	swait.ge [sflag:s23], $0xA00  }
0x82: {  	[sflag:s23] =	ssyncset.done $0x0  }
0x83: {  	s31 =	sadd.s32 $0x28A0, s25;
	[sflag:s23] =	ssyncadd.s32 $0xFFFFF600  }
0x84: {  	[spmem:s2] =	stream.indirect.scatter.add.bf16 [tilespmem:s17], [sflag:$0x5], $0x40, s31, s16, $0xb8;
	[tilespmem:$0x11600] =	vst v63  }
0x85: {  	_ =	swait.ge [sflag:s1], $0xA00  }
0x86: {  	[sflag:s1] =	ssyncset.done $0x0  }
0x87: {  	s31 =	sadd.s32 $0xF0, s25;
	[sflag:s1] =	ssyncadd.s32 $0xFFFFF600  }
0x88: {  	[tilespmem:s20], [sflag:$0x3] =	stream.indirect.gather [hbm4b:s11+s16], $0x40, s31, s16, $0xb8;
	[tilespmem:$0x11600] =	vst v63  }
0x89: {  	_ =	swait.ge [sflag:s24], $0xA00  }
0x8a: {  	[sflag:s24] =	ssyncset.done $0x0  }
0x8b: {  	s31 =	sadd.s32 $0x28C8, s25;
	[sflag:s24] =	ssyncadd.s32 $0xFFFFF600  }
0x8c: {  	[spmem:s2] =	stream.indirect.scatter.add.bf16 [tilespmem:s18], [sflag:$0x6], $0x40, s31, s16, $0xb8;
	[tilespmem:$0x11600] =	vst v63  }
0x8d: {  	_ =	swait.ge [sflag:s19], $0xA00  }
0x8e: {  	[sflag:s19] =	ssyncset.done $0x0  }
0x8f: {  	s31 =	sadd.s32 $0x118, s25;
	[sflag:s19] =	ssyncadd.s32 $0xFFFFF600  }
0x90: {  	[tilespmem:s22], [sflag:$0x4] =	stream.indirect.gather [hbm4b:s11+s16], $0x40, s31, s16, $0xb8;
	[tilespmem:$0x11600] =	vst v63  }
0x91: {  	_ =	swait.ge [sflag:s26], $0xA00  }
0x92: {  	[sflag:s26] =	ssyncset.done $0x0  }
0x93: {  	s31 =	sadd.s32 $0x28F0, s25;
	[sflag:s26] =	ssyncadd.s32 $0xFFFFF600  }
0x94: {  	[spmem:s2] =	stream.indirect.scatter.add.bf16 [tilespmem:s20], [sflag:$0x7], $0x40, s31, s16, $0xb8;
	[tilespmem:$0x11600] =	vst v63  }
0x95: {  	_ =	swait.ge [sflag:s29], $0xA00  }
0x96: {  	[sflag:s29] =	ssyncset.done $0x0  }
0x97: {  	[sflag:s29] =	ssyncadd.s32 $0xFFFFF600  }
0x98: {  	_ =	swait.ge [sflag:s30], $0xA00  }
0x99: {  	[sflag:s30] =	ssyncset.done $0x0  }
0x9a: {  	s25 =	sadd.s32 $0x2918, s25;
	[sflag:s30] =	ssyncadd.s32 $0xFFFFF600  }
0x9b: {  	[spmem:s2] =	stream.indirect.scatter.add.bf16 [tilespmem:s22], [sflag:$0x8], $0x40, s25, s16, $0xb8;
	[tilespmem:$0x11600] =	vst v63  }
0x9c: {  	_ =	swait.ge [sflag:s0], $0xA00  }
0x9d: {  	[sflag:s0] =	ssyncset.done $0x0  }
0x9e: {  	[sflag:s0] =	ssyncadd.s32 $0xFFFFF600  }
0x9f: {  	_ =	swait.ge [sflag:s1], $0xA00  }
0xa0: {  	[sflag:s1] =	ssyncset.done $0x0  }
0xa1: {  	[sflag:s1] =	ssyncadd.s32 $0xFFFFF600  }
0xa2: {  	_ =	swait.ge [sflag:s19], $0xA00  }
0xa3: {  	s21 =	sadd.s32 $0x1, s21;
	[sflag:s19] =	ssyncset.done $0x0  }
0xa4: {  	p1 =	sne.s32 s21, s12;
	[sflag:s19] =	ssyncadd.s32 $0xFFFFF600  }
.Ltmp1:
0xa5: {  	[bflag:$0x0] =	sbarrier.arrive $0xFFFF;
	(pc) =	sbr.rel @p1 .LBB2_1-.Ltmp1, $4  }
0xa6: {  	[hbm:s10], [sflag:s7] =	dma.local [spmem:s13], $0x13C0  }
0xa7: {  	_ =	swait.ge [sflag:s14], $0x13C0  }
0xa8: {  	[sflag:s14] =	ssyncset.done $0x0  }
0xa9: {  	[sflag:s14] =	ssyncadd.s32 $0xFFFFEC40  }
0xaa: {  	_ =	sfence.sel $0x180000  }
0xab: {  	[bflag:$0x0] =	sbarrier.arrive $0xFFFF  }
0xac: {  	_ =	strace $0x9000004D  }
0xad: {  	s0 =	stileid.u32;
	[bflag:$0x2] =	sbarrier.arrive $0xFFFF  }
0xae: {  	p0 =	sne.s32 s0, $0x0;
	s0 =	rddreg [dreg:$0x2]  }
0xaf: {  	s0 =	sadd.s32 @!p0 $0x100000, s0  }
0xb0: {  	[sflag:s0] =	ssyncadd.tile.s32 @!p0 $0x1;
	_ =	shalt  }
.Lfunc_end2:
_tile_overlayer_lowered:
.L_overlay_start_2:
0xb1: {  	(tag) =	ssettag $0x2  }
0xb2: {  	s0 =	rddreg [dreg:$0x0];
	s2 =	stileid.u32  }
0xb3: {  	s1 =	rddreg [dreg:$0x1];
	p0 =	sne.s32 s2, $0x0  }
0xb4: {  	s3 =	rddreg [dreg:$0x2];
	[bflag:$0x3] =	sbarrier.arrive $0xFFFF;
	s2 =	simm.s32 @!p0 $0x1C09  }
0xb5: {  	[timem:s3], [sflag:s2] =	dma.local @!p0 [hbm:s0], s1  }
0xb6: {  	s0 =	simm.s32 @!p0 $0x9  }
0xb7: {  	_ =	swait.ge @!p0 [sflag:s0], s1  }
0xb8: {  	s1 =	ssub.s32 @!p0 $0x0, s1;
	[sflag:s0] =	ssyncset.done @!p0 $0x0  }
0xb9: {  	[sflag:s0] =	ssyncadd.s32 @!p0 s1  }
0xba: {  	[bflag:$0x3] =	sbarrier.arrive $0xFFFF  }
0xbb: {  	_ =	shalt  }

// kernel: kernel.18.cloned.1.call-start
scs
__scs_entry_jumppad:
0x0: {  	(pc) =	sbr.rel $0x88, $3  }
0x1: {  	(tag) =	ssettag $0x0;
	lr =	simm.s32 $0x1  }
0x2: {  	[smem:$0x3F94] =	sst lr;
	_ =	strace $0xD0000000  }
0x3: {  	_ = 	snop  }
0x4: {  	_ = 	snop  }
0x5: {  	_ = 	snop  }
0x6: {  	_ = 	snop  }
0x7: {  	_ = 	snop  }
__scs_overlays_trampoline_lowered:
0x8: {  	[smem:$0x3FA3] =	sst s0  }
0x9: {  	[smem:$0x3FA4] =	sst s1  }
0xa: {  	[smem:$0x3FA5] =	sst s2  }
0xb: {  	[smem:$0x3FA6] =	sst s3  }
0xc: {  	[smem:$0x3FA7] =	sst s4  }
0xd: {  	[smem:$0x3FA8] =	sst s5  }
0xe: {  	[smem:$0x3FA9] =	sst s6  }
0xf: {  	[smem:$0x3FAA] =	sst s7  }
0x10: {  	[smem:$0x3FAB] =	sst s8  }
0x11: {  	[smem:$0x3FAC] =	sst s9;
	s0 =	simm.s32 @!p0 $0x0  }
0x12: {  	s1 =	sld [smem:$0x3F92];
	s0 =	simm.s32 @p0 $0x1  }
0x13: {  	[smem:$0x3FAD] =	sst s0;
	s0 =	simm.s32 @!p1 $0x0  }
0x14: {  	s2 =	sld [smem:$0x3F91];
	s0 =	simm.s32 @p1 $0x1  }
0x15: {  	[smem:$0x3FAE] =	sst s0;
	s0 =	simm.s32 @!p2 $0x0  }
0x16: {  	s3 =	sld [smem:$0x3FDB];
	s0 =	simm.s32 @p2 $0x1  }
0x17: {  	s4 =	simm.s32 $0x1BF5;
	[smem:$0x3FB0] =	sst s0  }
0x18: {  	s0 =	sld [smem:$0x3F93];
	_ =	swait.ge [sflag:s4], $0x0  }
0x19: {  	s7 =	sld [smem:$0x3F94]  }
0x1a: {  	s8 =	sadd.s32 $0xFFFFE003, lr  }
0x1b: {  	s9 =	sadd.s32 $0xFFFFFEF7, lr;
	s5 =	simm.s32 $0xFFFFFFFF;
	p2 =	slt.u32 s8, $0xFFFFF086  }
0x1c: {  	p1 =	slt.u32 s9, $0xF7A;
	s5 =	simm.s32 @!p2 $0x0  }
0x1d: {  	s5 =	simm.s32 @p1 $0x1;
	p0 =	seq.s32 s7, s2  }
0x1e: {  	s7 =	smul.u32 @!p0 $0xF7A, s2;
	p2 =	seq.s32 @!p0 s5, $0x0  }
0x1f: {  	s9 =	smul.u32 $0xF7A, s1;
	s8 =	simm.s32 @!p0 $0x1BF5;
	p2 =	por !p2, p0  }
0x20: {  	[sflag:s8] =	ssyncset.s32 @!p0 $0xFFFFF086;
	s6 =	sadd.s32 @!p0 s3, s7;
	s7 =	simm.s32 @!p0 $0x108  }
0x21: {  	s3 =	sadd.s32 s3, s9;
	s6 =	sadd.s32 @!p0 $0x88, s6;
	s7 =	simm.s32 @p2 $0x1082  }
0x22: {  	[simem:s7], [sflag:s8] =	dma.local @!p0 [hbm:s6], $0xF7A  }
0x23: {  	s9 =	sor.u32 $0xD0000000, s2;
	s6 =	simm.s32 $0x108;
	_ =	swait.ge @!p0 [sflag:s8], $0x0  }
0x24: {  	s3 =	sadd.s32 $0x88, s3;
	s6 =	simm.s32 @!p1 $0x1082;
	[sflag:s4] =	ssyncset.s32 $0xFFFFF086  }
0x25: {  	[simem:s6], [sflag:s4] =	dma.local [hbm:s3], $0xF7A  }
0x26: {  	[smem:$0x3F94] =	sst s1;
	(tag) =	ssettag s2;
	_ =	strace s9  }
0x27: {  	s1 =	sld [smem:$0x3FA4]  }
0x28: {  	s2 =	sld [smem:$0x3FA5]  }
0x29: {  	s4 =	sld [smem:$0x3FA7]  }
0x2a: {  	p0 =	seq.s32 s5, $0x0;
	s5 =	sld [smem:$0x3FA8]  }
0x2b: {  	s6 =	sld [smem:$0x3FA9]  }
0x2c: {  	s7 =	sld [smem:$0x3FAA]  }
0x2d: {  	s3 =	simm.s32 $0x108;
	s8 =	sld [smem:$0x3FAB]  }
0x2e: {  	s3 =	simm.s32 @!p0 $0x1082;
	s9 =	sld [smem:$0x3FAC]  }
0x2f: {  	lr =	sadd.s32 s0, s3;
	s0 =	sld [smem:$0x3FA3]  }
0x30: {  	s3 =	sld [smem:$0x3FA6]  }
0x31: {  	[smem:$0x3FAF] =	sst s10  }
0x32: {  	s10 =	sld [smem:$0x3FAD];
	_ =	sdelay $0x3  }
0x33: {  	p0 =	seq.s32 s10, $0x1;
	s10 =	sld [smem:$0x3FAF];
	_ =	sdelay $0x3  }
0x34: {  	[smem:$0x3FAF] =	sst s10  }
0x35: {  	s10 =	sld [smem:$0x3FAE];
	_ =	sdelay $0x3  }
0x36: {  	p1 =	seq.s32 s10, $0x1;
	s10 =	sld [smem:$0x3FAF];
	_ =	sdelay $0x3  }
0x37: {  	[smem:$0x3FAF] =	sst s10  }
0x38: {  	s10 =	sld [smem:$0x3FB0]  }
0x39: {  	_ = 	snop;
	(pc) =	sbr.ind lr, $3  }
0x3a: {  	_ = 	snop  }
0x3b: {  	_ = 	snop  }
0x3c: {  	p2 =	seq.s32 s10, $0x1;
	s10 =	sld [smem:$0x3FAF]  }
0x3d: {  	_ =	shalt  }
0x3e: {  	_ =	shalt  }
0x3f: {  	_ =	shalt  }
0x40: {  	_ =	shalt  }
0x41: {  	_ =	shalt  }
0x42: {  	_ =	shalt  }
0x43: {  	_ =	shalt  }
0x44: {  	_ =	shalt  }
0x45: {  	_ =	shalt  }
0x46: {  	_ =	shalt  }
0x47: {  	_ =	shalt  }
0x48: {  	_ =	shalt  }
0x49: {  	_ =	shalt  }
0x4a: {  	_ =	shalt  }
0x4b: {  	_ =	shalt  }
0x4c: {  	_ =	shalt  }
0x4d: {  	_ =	shalt  }
0x4e: {  	_ =	shalt  }
0x4f: {  	_ =	shalt  }
0x50: {  	_ =	shalt  }
0x51: {  	_ =	shalt  }
0x52: {  	_ =	shalt  }
0x53: {  	_ =	shalt  }
0x54: {  	_ =	shalt  }
0x55: {  	_ =	shalt  }
0x56: {  	_ =	shalt  }
0x57: {  	_ =	shalt  }
0x58: {  	_ =	shalt  }
0x59: {  	_ =	shalt  }
0x5a: {  	_ =	shalt  }
0x5b: {  	_ =	shalt  }
0x5c: {  	_ =	shalt  }
0x5d: {  	_ =	shalt  }
0x5e: {  	_ =	shalt  }
0x5f: {  	_ =	shalt  }
0x60: {  	_ =	shalt  }
0x61: {  	_ =	shalt  }
0x62: {  	_ =	shalt  }
0x63: {  	_ =	shalt  }
0x64: {  	_ =	shalt  }
0x65: {  	_ =	shalt  }
0x66: {  	_ =	shalt  }
0x67: {  	_ =	shalt  }
0x68: {  	_ =	shalt  }
0x69: {  	_ =	shalt  }
0x6a: {  	_ =	shalt  }
0x6b: {  	_ =	shalt  }
0x6c: {  	_ =	shalt  }
0x6d: {  	_ =	shalt  }
0x6e: {  	_ =	shalt  }
0x6f: {  	_ =	shalt  }
0x70: {  	_ =	shalt  }
0x71: {  	_ =	shalt  }
0x72: {  	_ =	shalt  }
0x73: {  	_ =	shalt  }
0x74: {  	_ =	shalt  }
0x75: {  	_ =	shalt  }
0x76: {  	_ =	shalt  }
0x77: {  	_ =	shalt  }
0x78: {  	_ =	shalt  }
0x79: {  	_ =	shalt  }
0x7a: {  	_ =	shalt  }
0x7b: {  	_ =	shalt  }
0x7c: {  	_ =	shalt  }
0x7d: {  	_ =	shalt  }
0x7e: {  	_ =	shalt  }
0x7f: {  	_ =	shalt  }
0x80: {  	_ =	shalt  }
0x81: {  	_ =	shalt  }
0x82: {  	_ =	shalt  }
0x83: {  	_ =	shalt  }
0x84: {  	_ =	shalt  }
0x85: {  	_ =	shalt  }
0x86: {  	_ =	shalt  }
0x87: {  	_ =	shalt  }
.Lfunc_end0:
.L_simem_size_0:
called_computation.3_lowered:
.L_overlay_start_0:
0x88: {  	s2 =	sld [smem:$0x3FD9]  }
0x89: {  	s3 =	sld [smem:$0x3FFE];
	_ =	sdelay $0x1  }
0x8a: {  	s1 =	srdreg.scid  }
0x8b: {  	s0 =	sand.u32 $0x1, s1  }
0x8c: {  	s17 =	sshll.u32 s0, $0xA;
	s2 =	sadd.s32 s3, s2  }
0x8d: {  	s2 =	sadd.s32 s2, s17  }
0x8e: {  	[smem:$0x3FBB] =	sst s2  }
0x8f: {  	_ = 	snop  }
0x90: {  	(tm) =	ssettm $0x1  }
0x91: {  	s18 =	sld [smem:$0x3FFB];
	_ =	sdelay $0x3  }
0x92: {  	_ =	strace s18  }
0x93: {  	s2 =	sld [smem:$0x3FFC];
	_ =	sdelay $0x3  }
0x94: {  	_ =	strace s2  }
0x95: {  	s2 =	sld [smem:$0x3FFD];
	_ =	sdelay $0x3  }
0x96: {  	_ =	strace s2  }
0x97: {  	_ =	strace $0x8FFFFFFF  }
0x98: {  	s19 =	sld [smem:$0x3FDB];
	_ =	sdelay $0x1  }
0x99: {  	s20 =	simm.s32 $_scs_section_size  }
0x9a: {  	s4 =	simm.s32 $_size__tile_overlayer_lowered;
	s5 =	simm.s32 $_tile_overlayer_lowered  }
0x9b: {  	s6 =	simm.s32 $0x1BFF;
	s21 =	sshll.u32 s5, $0x1;
	s3 =	sadd.s32 s20, s19  }
0x9c: {  	s22 =	simm.s32 $0x0;
	s4 =	sshll.u32 s4, $0x1;
	s5 =	sadd.s32 s21, s3  }
0x9d: {  	[timem:s22], [sflag:s6] =	dma.local [hbm:s5], s4  }
0x9e: {  	_ =	swait.ge [sflag:s6], s4  }
0x9f: {  	s4 =	ssub.s32 $0x0, s4;
	[sflag:s6] =	ssyncset.done $0x0  }
0xa0: {  	[sflag:s6] =	ssyncadd.s32 s4;
	_ =	sdelay $0x1  }
0xa1: {  	s23 =	simm.s32 $0x1B8B  }
0xa2: {  	_ =	swait.ge [sflag:s23], $0x1  }
0xa3: {  	[sflag:s23] =	ssyncset.done $0x0  }
0xa4: {  	[sflag:s23] =	ssyncadd.s32 $0xFFFFFFFF  }
0xa5: {  	s4 =	sld [smem:$0x0]  }
0xa6: {  	s5 =	sand.u32 $0xFFFFFFFE, s1  }
0xa7: {  	p0 =	sne.s32 s1, s5  }
0xa8: {  	s5 =	sshll.u32 @p0 s5, $0xE  }
0xa9: {  	s5 =	sadd.s32 @p0 $0x11B8D, s5;
	s6 =	sshll.u32 @p0 s4, $0x11  }
0xaa: {  	s5 =	sor.u32 @p0 s6, s5  }
0xab: {  	[sflag:s5] =	ssyncadd.remote.s32 @p0 $0x1;
	_ =	sdelay $0x1  }
0xac: {  	s5 =	simm.s32 @p0 $0x1B8D  }
0xad: {  	_ =	swait.eq @p0 [sflag:s5], $0x1  }
0xae: {  	[sflag:s5] =	ssyncadd.s32 @p0 $0xFFFFFFFF  }
0xaf: {  	s6 =	sshll.u32 @!p0 s1, $0xE  }
0xb0: {  	s6 =	sor.u32 @!p0 $0x4000, s6;
	s5 =	simm.s32 @!p0 $0x1B8D  }
0xb1: {  	s4 =	sshll.u32 @!p0 s4, $0x11;
	s6 =	sadd.s32 @!p0 $0x11B8D, s6;
	_ =	swait.eq @!p0 [sflag:s5], $0x1  }
0xb2: {  	s4 =	sor.u32 @!p0 s4, s6;
	[sflag:s5] =	ssyncadd.s32 @!p0 $0xFFFFFFFF  }
0xb3: {  	s25 =	simm.s32 $0x1B8E;
	s24 =	sld [smem:$0x3FFE];
	[sflag:s4] =	ssyncadd.remote.s32 @!p0 $0x1  }
0xb4: {  	s26 =	simm.s32 $execute0_lowered;
	[smem:$0x3FD2] =	sst s25  }
0xb5: {  	s5 =	sshll.u32 s26, $0x1;
	_ =	strace $0x8000004F;
	[dreg:$0x1] =	wrdreg $0xFFFFFFFF  }
0xb6: {  	s28 =	simm.s32 $_size_execute0_lowered;
	s3 =	sadd.s32 s3, s5;
	[dreg:$0x0] =	wrdreg $0x0  }
0xb7: {  	s5 =	sshll.u32 s28, $0x1;
	[dreg:$0x2] =	wrdreg s3  }
0xb8: {  	[dreg:$0x3] =	wrdreg s5  }
0xb9: {  	[dreg:$0x4] =	wrdreg $0xC0  }
0xba: {  	_ =	task [dreg:s22], $0x5FFFF  }
0xbb: {  	[dreg:$0x1] =	wrdreg $0xFFFFFFFF  }
0xbc: {  	[dreg:$0x0] =	wrdreg $0x60  }
0xbd: {  	[dreg:$0x2] =	wrdreg s24  }
0xbe: {  	[dreg:$0x3] =	wrdreg $0x7F100  }
0xbf: {  	[dreg:$0x4] =	wrdreg $0xA  }
0xc0: {  	_ =	task.clear_ibuf [dreg:s22], $0x5FFFF;
	_ =	strace $0x9000004F  }
0xc1: {  	s29 =	simm.s32 $0xA;
	_ =	strace $0x80000051  }
0xc2: {  	_ =	swait.ge [sflag:s29], $0x1  }
0xc3: {  	[sflag:s29] =	ssyncadd.s32 $0xFFFFFFFF  }
0xc4: {  	_ =	strace $0x90000051  }
0xc5: {  	_ =	sfence  }
0xc6: {  	s30 =	sld [smem:$0x0];
	_ =	sdelay $0x2  }
0xc7: {  	s31 =	sshll.u32 s1, $0xD;
	s1 =	sshrl.u32 s1, $0x2  }
0xc8: {  	s4 =	sand.u32 $0x4000, s31;
	s1 =	sadd.s32 s1, s30  }
0xc9: {  	s0 =	sor.u32 s4, s0;
	s1 =	sshll.u32 s1, $0x11  }
0xca: {  	s0 =	sor.u32 s1, s0  }
0xcb: {  	s0 =	sadd.s32 $0x8F2B, s0  }
0xcc: {  	[sflag:s0] =	ssyncadd.remote.s32 $0x1  }
0xcd: {  	_ =	sfence.sel $0xFFFF  }
0xce: {  	[dreg:$0x0] =	wrdreg $0xFFFFFFFF;
	(pc) =	sbr.abs _section_cstart, $3  }
0xcf: {  	[dreg:$0x1] =	wrdreg $0xFFFFFFFF  }
0xd0: {  	_ =	task.clear_ibuf [dreg:s22], $0x2FFFF;
	_ =	strace $0x9FFFFFFF  }
0xd1: {  	(tm) =	ssettm $0x7FFFFFFF  }
tec
execute0_lowered:
.L_overlay_start_1:
0x0: {  	(tag) =	ssettag $0x1  }
0x1: {  	s0 =	srdreg.scid  }
0x2: {  	s1 =	rddreg [dreg:$0x0];
	s12 =	stileid.u32  }
0x3: {  	s2 =	rddreg [dreg:$0x1];
	s16 =	simm.s32 $0x5;
	s17 =	simm.s32 $0x3800  }
0x4: {  	s18 =	simm.s32 $0x4800;
	s19 =	simm.s32 $0x5800;
	s21 =	simm.s32 $0x28000  }
0x5: {  	s22 =	simm.s32 $0x2800;
	s28 =	simm.s32 $0x4;
	s29 =	simm.s32 $0x3  }
0x6: {  	s30 =	simm.s32 $0x0;
	s0 =	sand.u32 $0x1, s0;
	s8 =	smul.u32 $0x4F00, s12  }
0x7: {  	s23 =	sadd.s32 $0x28C00, s1;
	s6 =	sadd.s32 $0x29200, s1;
	s24 =	sshll.u32 s12, $0x6  }
0x8: {  	s3 =	sshll.u32 s0, $0x4;
	s7 =	smul.u32 $0x4F000, s0;
	s0 =	ssub.s32 $0x2, s0  }
0x9: {  	s4 =	sor.u32 s12, s3;
	s3 =	simm.s32 $0x0;
	s11 =	sshrl.u32 s0, $0x1  }
0xa: {  	s25 =	sadd.s32 s8, s2;
	s5 =	smul.u32 $0x280, s4;
	[smem:$0x7FF] =	sst s3  }
0xb: {  	s7 =	sadd.s32 s8, s7;
	s0 =	ssub.s32 s0, s11;
	s8 =	sor.u32 $0x1C05, s24  }
0xc: {  	s15 =	sshrl.u32 s25, $0x3;
	s24 =	simm.s32 $0x3000;
	s25 =	simm.s32 $0x1  }
0xd: {  	_ =	strace $0x80000050;
	[dreg:$0x3] =	wrdreg s23;
	s10 =	sshrl.u32 s7, $0x3  }
0xe: {  	s7 =	smul.u32 $0x1400, s4;
	s0 =	smax.u32 s0, $0x1;
	s9 =	sadd.s32 s5, s1  }
0xf: {  	s5 =	sadd.s32 $0x71000, s1;
	[dreg:$0x8] =	wrdreg s0;
	s31 =	sadd.s32 $0x30E00, s9  }
0x10: {  	s1 =	sadd.s32 s10, s1;
	s9 =	sadd.s32 $0x2BE00, s9;
	[dreg:$0x4] =	wrdreg s31  }
0x11: {  	s26 =	sshrl.u32 s7, $0x3;
	s1 =	sadd.s32 $0xC1000, s1;
	[dreg:$0x5] =	wrdreg s9  }
0x12: {  	v0 =	vlaneseq.u32;
	s23 =	simm.s32 $0x80;
	s4 =	sadd.s32 s5, s26;
	[dreg:$0x7] =	wrdreg s1  }
0x13: {  	v0 =	vmul.u32 $0x20, v0;
	s12 =	sor.u32 $0x100, s7;
	s26 =	simm.s32 $0x2;
	[dreg:$0x6] =	wrdreg s4  }
.LBB2_1:
0x14: {  	[spmem:s15], [sflag:s8] =	dma.local [hbm:s6], $0x9E0  }
0x15: {  	_ =	swait.ge [sflag:s16], $0x9E0  }
0x16: {  	[sflag:s16] =	ssyncset.done $0x0  }
0x17: {  	[sflag:s16] =	ssyncadd.s32 $0xFFFFF620  }
0x18: {  	[tilespmem:s17], [sflag:$0x5] =	stream.linear.gather [hbm4b:s6+s3], $0x1000, $0x38;
	[tilespmem:$0xCE10] =	vst v63  }
0x19: {  	_ =	swait.ge [sflag:s16], $0x1000  }
0x1a: {  	[sflag:s16] =	ssyncset.done $0x0  }
0x1b: {  	[sflag:s16] =	ssyncadd.s32 $0xFFFFF000  }
0x1c: {  	[tilespmem:s18], [sflag:$0x5] =	stream.linear.gather [hbm4b:s6+s3], $0x1000, $0x38;
	[tilespmem:$0xCE10] =	vst v63  }
0x1d: {  	_ =	swait.ge [sflag:s16], $0x1000  }
0x1e: {  	[sflag:s16] =	ssyncset.done $0x0  }
0x1f: {  	s0 =	rddreg [dreg:$0x3];
	[sflag:s16] =	ssyncadd.s32 $0xFFFFF000  }
0x20: {  	[tilespmem:s19], [sflag:$0x5] =	stream.linear.gather [hbm4b:s0+s3], $0x2710, $0x38;
	[tilespmem:$0xCE10] =	vst v63  }
0x21: {  	_ =	swait.ge [sflag:s16], $0x2710  }
0x22: {  	[sflag:s16] =	ssyncset.done $0x0  }
0x23: {  	s13 =	rddreg [dreg:$0x4];
	[sflag:s16] =	ssyncadd.s32 $0xFFFFD8F0  }
0x24: {  	[tilespmem:s3], [sflag:$0x5] =	stream.linear.gather [hbm4b:s13+s3], $0x1400, $0x38;
	[tilespmem:$0xCE10] =	vst v63  }
0x25: {  	_ =	swait.ge [sflag:s16], $0x1400  }
0x26: {  	[sflag:s16] =	ssyncset.done $0x0  }
0x27: {  	s1 =	simm.s32 $0x1400;
	s14 =	rddreg [dreg:$0x5];
	[sflag:s16] =	ssyncadd.s32 $0xFFFFEC00  }
0x28: {  	[tilespmem:s1], [sflag:$0x5] =	stream.linear.gather [hbm4b:s14+s3], $0x1400, $0x38;
	[tilespmem:$0xCE10] =	vst v63  }
0x29: {  	_ =	swait.ge [sflag:s16], $0x1400  }
0x2a: {  	[sflag:s16] =	ssyncset.done $0x0  }
0x2b: {  	[sflag:s16] =	ssyncadd.s32 $0xFFFFEC00  }
0x2c: {  	s31 =	simm.s32 $0x80;
	[bflag:$0x0] =	sbarrier.arrive $0xFFFF  }
0x2d: {  	s0 =	simm.s32 $0x0;
	s13 =	simm.s32 $0x0;
	s20 =	rddreg [dreg:$0x6]  }
0x2e: {  	[tilespmem:s22], [sflag:$0x1] =	stream.strided.gather [hbm4b:s20+s23], $0x800, s21, s23, $0x38;
	[tilespmem:$0xCE10] =	vst v63  }
.LBB2_2:
0x2f: {  	s4 =	sshll.u32 s0, $0x8  }
0x30: {  	s20 =	sor.u32 $0x80, s4  }
0x31: {  	s1 =	sadd.s32 s7, s20  }
0x32: {  	s1 =	sshrl.u32 s1, $0x3  }
0x33: {  	s1 =	sadd.s32 s5, s1  }
0x34: {  	[tilespmem:s24], [sflag:$0x2] =	stream.strided.gather [hbm4b:s1+s23], $0x800, s21, s23, $0x38;
	[tilespmem:$0xCE10] =	vst v63  }
0x35: {  	_ =	swait.ge [sflag:s25], $0x800  }
0x36: {  	p0 =	seq.s32 s0, $0x0;
	[sflag:s25] =	ssyncset.done $0x0  }
0x37: {  	s1 =	simm.s32 @!p0 $0x3;
	[sflag:s25] =	ssyncadd.s32 $0xFFFFF800  }
0x38: {  	_ =	swait.ge @!p0 [sflag:s1], $0x1000  }
0x39: {  	[sflag:s1] =	ssyncset.done @!p0 $0x0  }
0x3a: {  	[sflag:s1] =	ssyncadd.s32 @!p0 $0xFFFFF000  }
0x3b: {  	v1 =	vld [tilespmem:s13+$0x0];
	_ =	sdelay $0x5  }
0x3c: {  	s9 =	simm.s32 $0x2C00  }
0x3d: {  	s14 =	simm.s32 $0x0;
	v3 =	vld [tilespmem:s9+$0xFFFFFC00]  }
0x3e: {  	v2 =	vmov s14;
	v1 =	vld.idx.msk [tilespmem:v1+s19+$0x0], $0xffff  }
0x3f: {  	v2 =	vshll.u32 v2, $0x5  }
0x40: {  	v2 =	vor.u32 v0, v2;
	_ =	sdelay $0x2  }
0x41: {  	v3 =	vmul.f32 v3, v1;
	_ =	sdelay $0x1  }
0x42: {  	[tilespmem:v2+s17+$0x0] =	vst.idx.msk $0xffff, v3  }
0x43: {  	v3 =	vld [tilespmem:s9+$0xFFFFFC80];
	_ =	sdelay $0x1  }
0x44: {  	v4 =	vor.u32 $0x1, v2;
	_ =	sdelay $0x2  }
0x45: {  	v3 =	vmul.f32 v3, v1;
	_ =	sdelay $0x1  }
0x46: {  	[tilespmem:v4+s17+$0x0] =	vst.idx.msk $0xffff, v3  }
0x47: {  	v3 =	vld [tilespmem:s9+$0xFFFFFD00];
	_ =	sdelay $0x1  }
0x48: {  	v50 =	vor.u32 $0x2, v2;
	_ =	sdelay $0x2  }
0x49: {  	v3 =	vmul.f32 v3, v1;
	_ =	sdelay $0x1  }
0x4a: {  	[tilespmem:v50+s17+$0x0] =	vst.idx.msk $0xffff, v3  }
0x4b: {  	v3 =	vld [tilespmem:s9+$0xFFFFFD80];
	_ =	sdelay $0x1  }
0x4c: {  	v51 =	vor.u32 $0x3, v2;
	_ =	sdelay $0x2  }
0x4d: {  	v3 =	vmul.f32 v3, v1;
	_ =	sdelay $0x1  }
0x4e: {  	[tilespmem:v51+s17+$0x0] =	vst.idx.msk $0xffff, v3  }
0x4f: {  	v3 =	vld [tilespmem:s9+$0xFFFFFE00];
	_ =	sdelay $0x1  }
0x50: {  	v52 =	vor.u32 $0x4, v2;
	_ =	sdelay $0x2  }
0x51: {  	v3 =	vmul.f32 v3, v1;
	_ =	sdelay $0x1  }
0x52: {  	[tilespmem:v52+s17+$0x0] =	vst.idx.msk $0xffff, v3  }
0x53: {  	v3 =	vld [tilespmem:s9+$0xFFFFFE80];
	_ =	sdelay $0x1  }
0x54: {  	v53 =	vor.u32 $0x5, v2;
	_ =	sdelay $0x2  }
0x55: {  	v3 =	vmul.f32 v3, v1;
	_ =	sdelay $0x1  }
0x56: {  	[tilespmem:v53+s17+$0x0] =	vst.idx.msk $0xffff, v3  }
0x57: {  	v3 =	vld [tilespmem:s9+$0xFFFFFF00];
	_ =	sdelay $0x1  }
0x58: {  	v54 =	vor.u32 $0x6, v2;
	_ =	sdelay $0x2  }
0x59: {  	v3 =	vmul.f32 v3, v1;
	_ =	sdelay $0x1  }
0x5a: {  	[tilespmem:v54+s17+$0x0] =	vst.idx.msk $0xffff, v3  }
0x5b: {  	v3 =	vld [tilespmem:s9+$0xFFFFFF80];
	_ =	sdelay $0x1  }
0x5c: {  	v55 =	vor.u32 $0x7, v2;
	_ =	sdelay $0x2  }
0x5d: {  	v3 =	vmul.f32 v3, v1;
	_ =	sdelay $0x1  }
0x5e: {  	[tilespmem:v55+s17+$0x0] =	vst.idx.msk $0xffff, v3  }
0x5f: {  	v3 =	vld [tilespmem:s9+$0x0];
	_ =	sdelay $0x1  }
0x60: {  	v56 =	vor.u32 $0x8, v2;
	_ =	sdelay $0x2  }
0x61: {  	v3 =	vmul.f32 v3, v1;
	_ =	sdelay $0x1  }
0x62: {  	[tilespmem:v56+s17+$0x0] =	vst.idx.msk $0xffff, v3  }
0x63: {  	v3 =	vld [tilespmem:s9+$0x80];
	_ =	sdelay $0x1  }
0x64: {  	v57 =	vor.u32 $0x9, v2;
	_ =	sdelay $0x2  }
0x65: {  	v3 =	vmul.f32 v3, v1;
	_ =	sdelay $0x1  }
0x66: {  	[tilespmem:v57+s17+$0x0] =	vst.idx.msk $0xffff, v3  }
0x67: {  	v3 =	vld [tilespmem:s9+$0x100];
	_ =	sdelay $0x1  }
0x68: {  	v58 =	vor.u32 $0xA, v2;
	_ =	sdelay $0x2  }
0x69: {  	v3 =	vmul.f32 v3, v1;
	_ =	sdelay $0x1  }
0x6a: {  	[tilespmem:v58+s17+$0x0] =	vst.idx.msk $0xffff, v3  }
0x6b: {  	v3 =	vld [tilespmem:s9+$0x180];
	_ =	sdelay $0x1  }
0x6c: {  	v59 =	vor.u32 $0xB, v2;
	_ =	sdelay $0x2  }
0x6d: {  	v3 =	vmul.f32 v3, v1;
	_ =	sdelay $0x1  }
0x6e: {  	[tilespmem:v59+s17+$0x0] =	vst.idx.msk $0xffff, v3  }
0x6f: {  	v3 =	vld [tilespmem:s9+$0x200];
	_ =	sdelay $0x1  }
0x70: {  	v60 =	vor.u32 $0xC, v2;
	_ =	sdelay $0x2  }
0x71: {  	v3 =	vmul.f32 v3, v1;
	_ =	sdelay $0x1  }
0x72: {  	[tilespmem:v60+s17+$0x0] =	vst.idx.msk $0xffff, v3  }
0x73: {  	v3 =	vld [tilespmem:s9+$0x280];
	_ =	sdelay $0x1  }
0x74: {  	v61 =	vor.u32 $0xD, v2;
	_ =	sdelay $0x2  }
0x75: {  	v3 =	vmul.f32 v3, v1;
	_ =	sdelay $0x1  }
0x76: {  	[tilespmem:v61+s17+$0x0] =	vst.idx.msk $0xffff, v3  }
0x77: {  	v3 =	vld [tilespmem:s9+$0x300];
	_ =	sdelay $0x1  }
0x78: {  	v62 =	vor.u32 $0xE, v2;
	_ =	sdelay $0x2  }
0x79: {  	v3 =	vmul.f32 v3, v1;
	_ =	sdelay $0x1  }
0x7a: {  	[tilespmem:v62+s17+$0x0] =	vst.idx.msk $0xffff, v3  }
0x7b: {  	v3 =	vld [tilespmem:s9+$0x380];
	_ =	sdelay $0x1  }
0x7c: {  	v63 =	vor.u32 $0xF, v2  }
0x7d: {  	v2 =	vor.u32 $0x10, v2;
	_ =	sdelay $0x1  }
0x7e: {  	v3 =	vmul.f32 v3, v1;
	_ =	sdelay $0x1  }
0x7f: {  	s10 =	sshll.u32 s0, $0xA;
	s11 =	simm.s32 $0x10;
	s1 =	smov.u32 s13;
	[tilespmem:v63+s17+$0x0] =	vst.idx.msk $0xffff, v3  }
.LBB2_3:
0x80: {  	p1 =	sne.s32 s11, $0x70;
	[tilespmem:v2+s17+$0x0] =	vst.idx.msk $0xffff, v1;
	s1 =	sadd.s32 $0x10, s1;
	s9 =	sadd.s32 $0x10, s9  }
0x81: {  	s14 =	smov.u32 s11;
	s11 =	sadd.s32 $0x10, s11;
	v1 =	vld [tilespmem:s1+$0x0];
	_ =	sdelay $0x7  }
0x82: {  	v1 =	vld.idx.msk [tilespmem:v1+s19+$0x0], $0xffff  }
0x83: {  	v2 =	vmov s14;
	v3 =	vld [tilespmem:s9+$0xFFFFFC00]  }
0x84: {  	v2 =	vshll.u32 v2, $0x5  }
0x85: {  	v2 =	vor.u32 v0, v2;
	_ =	sdelay $0x2  }
0x86: {  	v3 =	vmul.f32 v3, v1;
	_ =	sdelay $0x1  }
0x87: {  	[tilespmem:v2+s17+$0x0] =	vst.idx.msk $0xffff, v3  }
0x88: {  	v3 =	vld [tilespmem:s9+$0xFFFFFC80];
	_ =	sdelay $0x1  }
0x89: {  	v4 =	vor.u32 $0x1, v2;
	_ =	sdelay $0x2  }
0x8a: {  	v3 =	vmul.f32 v3, v1;
	_ =	sdelay $0x1  }
0x8b: {  	[tilespmem:v4+s17+$0x0] =	vst.idx.msk $0xffff, v3  }
0x8c: {  	v3 =	vld [tilespmem:s9+$0xFFFFFD00];
	_ =	sdelay $0x1  }
0x8d: {  	v4 =	vor.u32 $0x2, v2;
	_ =	sdelay $0x2  }
0x8e: {  	v3 =	vmul.f32 v3, v1;
	_ =	sdelay $0x1  }
0x8f: {  	[tilespmem:v4+s17+$0x0] =	vst.idx.msk $0xffff, v3  }
0x90: {  	v3 =	vld [tilespmem:s9+$0xFFFFFD80];
	_ =	sdelay $0x1  }
0x91: {  	v4 =	vor.u32 $0x3, v2;
	_ =	sdelay $0x2  }
0x92: {  	v3 =	vmul.f32 v3, v1;
	_ =	sdelay $0x1  }
0x93: {  	[tilespmem:v4+s17+$0x0] =	vst.idx.msk $0xffff, v3  }
0x94: {  	v3 =	vld [tilespmem:s9+$0xFFFFFE00];
	_ =	sdelay $0x1  }
0x95: {  	v4 =	vor.u32 $0x4, v2;
	_ =	sdelay $0x2  }
0x96: {  	v3 =	vmul.f32 v3, v1;
	_ =	sdelay $0x1  }
0x97: {  	[tilespmem:v4+s17+$0x0] =	vst.idx.msk $0xffff, v3  }
0x98: {  	v3 =	vld [tilespmem:s9+$0xFFFFFE80];
	_ =	sdelay $0x1  }
0x99: {  	v4 =	vor.u32 $0x5, v2;
	_ =	sdelay $0x2  }
0x9a: {  	v3 =	vmul.f32 v3, v1;
	_ =	sdelay $0x1  }
0x9b: {  	[tilespmem:v4+s17+$0x0] =	vst.idx.msk $0xffff, v3  }
0x9c: {  	v3 =	vld [tilespmem:s9+$0xFFFFFF00];
	_ =	sdelay $0x1  }
0x9d: {  	v4 =	vor.u32 $0x6, v2;
	_ =	sdelay $0x2  }
0x9e: {  	v3 =	vmul.f32 v3, v1;
	_ =	sdelay $0x1  }
0x9f: {  	[tilespmem:v4+s17+$0x0] =	vst.idx.msk $0xffff, v3  }
0xa0: {  	v3 =	vld [tilespmem:s9+$0xFFFFFF80];
	_ =	sdelay $0x1  }
0xa1: {  	v4 =	vor.u32 $0x7, v2;
	_ =	sdelay $0x2  }
0xa2: {  	v3 =	vmul.f32 v3, v1;
	_ =	sdelay $0x1  }
0xa3: {  	[tilespmem:v4+s17+$0x0] =	vst.idx.msk $0xffff, v3  }
0xa4: {  	v3 =	vld [tilespmem:s9+$0x0];
	_ =	sdelay $0x1  }
0xa5: {  	v4 =	vor.u32 $0x8, v2;
	_ =	sdelay $0x2  }
0xa6: {  	v3 =	vmul.f32 v3, v1;
	_ =	sdelay $0x1  }
0xa7: {  	[tilespmem:v4+s17+$0x0] =	vst.idx.msk $0xffff, v3  }
0xa8: {  	v3 =	vld [tilespmem:s9+$0x80];
	_ =	sdelay $0x1  }
0xa9: {  	v4 =	vor.u32 $0x9, v2;
	_ =	sdelay $0x2  }
0xaa: {  	v3 =	vmul.f32 v3, v1;
	_ =	sdelay $0x1  }
0xab: {  	[tilespmem:v4+s17+$0x0] =	vst.idx.msk $0xffff, v3  }
0xac: {  	v3 =	vld [tilespmem:s9+$0x100];
	_ =	sdelay $0x1  }
0xad: {  	v4 =	vor.u32 $0xA, v2;
	_ =	sdelay $0x2  }
0xae: {  	v3 =	vmul.f32 v3, v1;
	_ =	sdelay $0x1  }
0xaf: {  	[tilespmem:v4+s17+$0x0] =	vst.idx.msk $0xffff, v3  }
0xb0: {  	v3 =	vld [tilespmem:s9+$0x180];
	_ =	sdelay $0x1  }
0xb1: {  	v4 =	vor.u32 $0xB, v2;
	_ =	sdelay $0x2  }
0xb2: {  	v3 =	vmul.f32 v3, v1;
	_ =	sdelay $0x1  }
0xb3: {  	[tilespmem:v4+s17+$0x0] =	vst.idx.msk $0xffff, v3  }
0xb4: {  	v3 =	vld [tilespmem:s9+$0x200];
	_ =	sdelay $0x1  }
0xb5: {  	v4 =	vor.u32 $0xC, v2;
	_ =	sdelay $0x2  }
0xb6: {  	v3 =	vmul.f32 v3, v1;
	_ =	sdelay $0x1  }
0xb7: {  	[tilespmem:v4+s17+$0x0] =	vst.idx.msk $0xffff, v3  }
0xb8: {  	v3 =	vld [tilespmem:s9+$0x280];
	_ =	sdelay $0x1  }
0xb9: {  	v4 =	vor.u32 $0xD, v2;
	_ =	sdelay $0x2  }
0xba: {  	v3 =	vmul.f32 v3, v1;
	_ =	sdelay $0x1  }
0xbb: {  	[tilespmem:v4+s17+$0x0] =	vst.idx.msk $0xffff, v3  }
0xbc: {  	v3 =	vld [tilespmem:s9+$0x300];
	_ =	sdelay $0x1  }
0xbd: {  	v4 =	vor.u32 $0xE, v2;
	_ =	sdelay $0x2  }
0xbe: {  	v3 =	vmul.f32 v3, v1;
	_ =	sdelay $0x1  }
0xbf: {  	[tilespmem:v4+s17+$0x0] =	vst.idx.msk $0xffff, v3  }
0xc0: {  	v3 =	vld [tilespmem:s9+$0x380];
	_ =	sdelay $0x1  }
0xc1: {  	v4 =	vor.u32 $0xF, v2  }
.Ltmp0:
0xc2: {  	v2 =	vor.u32 $0x10, v2;
	(pc) =	sbr.rel @p1 .LBB2_3-.Ltmp0, $3  }
0xc3: {  	_ = 	snop  }
0xc4: {  	v3 =	vmul.f32 v3, v1;
	_ =	sdelay $0x1  }
0xc5: {  	[tilespmem:v4+s17+$0x0] =	vst.idx.msk $0xffff, v3  }
0xc6: {  	p1 =	sne.s32 s0, $0x13  }
.Ltmp1:
0xc7: {  	_ = 	snop;
	(pc) =	sbr.rel @p1 .LBB2_6-.Ltmp1, $4  }
0xc8: {  	_ = 	snop  }
0xc9: {  	s1 =	sshrl.u32 s10, $0x2  }
0xca: {  	[tilespmem:v2+s17+$0x0] =	vst.idx.msk $0xffff, v1;
	s1 =	sadd.s32 $0x1400, s1  }
0xcb: {  	[spmem:s2] =	stream.indirect.scatter.add.f32 [tilespmem:s17], [sflag:$0x3], $0x20, s1, s23, $0xb8;
	[tilespmem:$0xCE10] =	vst v63  }
.Ltmp2:
0xcc: {  	(pc) =	sbr.rel .LBB2_7-.Ltmp2, $4  }
0xcd: {  	_ = 	snop  }
0xce: {  	_ =	swait.ge [sflag:s26], $0x800  }
0xcf: {  	[sflag:s26] =	ssyncset.done $0x0  }
0xd0: {  	[sflag:s26] =	ssyncadd.s32 $0xFFFFF800  }
.LBB2_6:
0xd1: {  	s1 =	sadd.s32 s4, s12  }
0xd2: {  	s1 =	sshrl.u32 s1, $0x3  }
.Ltmp3:
0xd3: {  	s1 =	sadd.s32 s5, s1;
	(pc) =	sbr.rel @p0 .LBB2_8-.Ltmp3, $4  }
0xd4: {  	[tilespmem:s22], [sflag:$0x1] =	stream.strided.gather [hbm4b:s1+s23], $0x800, s21, s23, $0x38;
	[tilespmem:$0xCE10] =	vst v63  }
0xd5: {  	_ =	swait.ge [sflag:s26], $0x800  }
0xd6: {  	[sflag:s26] =	ssyncset.done $0x0  }
0xd7: {  	[sflag:s26] =	ssyncadd.s32 $0xFFFFF800  }
.LBB2_7:
0xd8: {  	_ =	swait.ge [sflag:s28], $0x1000  }
0xd9: {  	[sflag:s28] =	ssyncset.done $0x0  }
0xda: {  	[sflag:s28] =	ssyncadd.s32 $0xFFFFF000  }
.LBB2_8:
0xdb: {  	v1 =	vld [tilespmem:s31+$0x0];
	_ =	sdelay $0x5  }
0xdc: {  	s4 =	simm.s32 $0x3400  }
0xdd: {  	s1 =	simm.s32 $0x0;
	v3 =	vld [tilespmem:s4+$0xFFFFFC00]  }
0xde: {  	v2 =	vmov s1;
	v1 =	vld.idx.msk [tilespmem:v1+s19+$0x0], $0xffff  }
0xdf: {  	v2 =	vshll.u32 v2, $0x5  }
0xe0: {  	v2 =	vor.u32 v0, v2;
	_ =	sdelay $0x2  }
0xe1: {  	v3 =	vmul.f32 v3, v1;
	_ =	sdelay $0x1  }
0xe2: {  	[tilespmem:v2+s18+$0x0] =	vst.idx.msk $0xffff, v3  }
0xe3: {  	v3 =	vld [tilespmem:s4+$0xFFFFFC80];
	_ =	sdelay $0x1  }
0xe4: {  	v4 =	vor.u32 $0x1, v2;
	_ =	sdelay $0x2  }
0xe5: {  	v3 =	vmul.f32 v3, v1;
	_ =	sdelay $0x1  }
0xe6: {  	[tilespmem:v4+s18+$0x0] =	vst.idx.msk $0xffff, v3  }
0xe7: {  	v3 =	vld [tilespmem:s4+$0xFFFFFD00];
	_ =	sdelay $0x1  }
0xe8: {  	v50 =	vor.u32 $0x2, v2;
	_ =	sdelay $0x2  }
0xe9: {  	v3 =	vmul.f32 v3, v1;
	_ =	sdelay $0x1  }
0xea: {  	[tilespmem:v50+s18+$0x0] =	vst.idx.msk $0xffff, v3  }
0xeb: {  	v3 =	vld [tilespmem:s4+$0xFFFFFD80];
	_ =	sdelay $0x1  }
0xec: {  	v51 =	vor.u32 $0x3, v2;
	_ =	sdelay $0x2  }
0xed: {  	v3 =	vmul.f32 v3, v1;
	_ =	sdelay $0x1  }
0xee: {  	[tilespmem:v51+s18+$0x0] =	vst.idx.msk $0xffff, v3  }
0xef: {  	v3 =	vld [tilespmem:s4+$0xFFFFFE00];
	_ =	sdelay $0x1  }
0xf0: {  	v52 =	vor.u32 $0x4, v2;
	_ =	sdelay $0x2  }
0xf1: {  	v3 =	vmul.f32 v3, v1;
	_ =	sdelay $0x1  }
0xf2: {  	[tilespmem:v52+s18+$0x0] =	vst.idx.msk $0xffff, v3  }
0xf3: {  	v3 =	vld [tilespmem:s4+$0xFFFFFE80];
	_ =	sdelay $0x1  }
0xf4: {  	v53 =	vor.u32 $0x5, v2;
	_ =	sdelay $0x2  }
0xf5: {  	v3 =	vmul.f32 v3, v1;
	_ =	sdelay $0x1  }
0xf6: {  	[tilespmem:v53+s18+$0x0] =	vst.idx.msk $0xffff, v3  }
0xf7: {  	v3 =	vld [tilespmem:s4+$0xFFFFFF00];
	_ =	sdelay $0x1  }
0xf8: {  	v54 =	vor.u32 $0x6, v2;
	_ =	sdelay $0x2  }
0xf9: {  	v3 =	vmul.f32 v3, v1;
	_ =	sdelay $0x1  }
0xfa: {  	[tilespmem:v54+s18+$0x0] =	vst.idx.msk $0xffff, v3  }
0xfb: {  	v3 =	vld [tilespmem:s4+$0xFFFFFF80];
	_ =	sdelay $0x1  }
0xfc: {  	v55 =	vor.u32 $0x7, v2;
	_ =	sdelay $0x2  }
0xfd: {  	v3 =	vmul.f32 v3, v1;
	_ =	sdelay $0x1  }
0xfe: {  	[tilespmem:v55+s18+$0x0] =	vst.idx.msk $0xffff, v3  }
0xff: {  	v3 =	vld [tilespmem:s4+$0x0];
	_ =	sdelay $0x1  }
0x100: {  	v56 =	vor.u32 $0x8, v2;
	_ =	sdelay $0x2  }
0x101: {  	v3 =	vmul.f32 v3, v1;
	_ =	sdelay $0x1  }
0x102: {  	[tilespmem:v56+s18+$0x0] =	vst.idx.msk $0xffff, v3  }
0x103: {  	v3 =	vld [tilespmem:s4+$0x80];
	_ =	sdelay $0x1  }
0x104: {  	v57 =	vor.u32 $0x9, v2;
	_ =	sdelay $0x2  }
0x105: {  	v3 =	vmul.f32 v3, v1;
	_ =	sdelay $0x1  }
0x106: {  	[tilespmem:v57+s18+$0x0] =	vst.idx.msk $0xffff, v3  }
0x107: {  	v3 =	vld [tilespmem:s4+$0x100];
	_ =	sdelay $0x1  }
0x108: {  	v58 =	vor.u32 $0xA, v2;
	_ =	sdelay $0x2  }
0x109: {  	v3 =	vmul.f32 v3, v1;
	_ =	sdelay $0x1  }
0x10a: {  	[tilespmem:v58+s18+$0x0] =	vst.idx.msk $0xffff, v3  }
0x10b: {  	v3 =	vld [tilespmem:s4+$0x180];
	_ =	sdelay $0x1  }
0x10c: {  	v59 =	vor.u32 $0xB, v2;
	_ =	sdelay $0x2  }
0x10d: {  	v3 =	vmul.f32 v3, v1;
	_ =	sdelay $0x1  }
0x10e: {  	[tilespmem:v59+s18+$0x0] =	vst.idx.msk $0xffff, v3  }
0x10f: {  	v3 =	vld [tilespmem:s4+$0x200];
	_ =	sdelay $0x1  }
0x110: {  	v60 =	vor.u32 $0xC, v2;
	_ =	sdelay $0x2  }
0x111: {  	v3 =	vmul.f32 v3, v1;
	_ =	sdelay $0x1  }
0x112: {  	[tilespmem:v60+s18+$0x0] =	vst.idx.msk $0xffff, v3  }
0x113: {  	v3 =	vld [tilespmem:s4+$0x280];
	_ =	sdelay $0x1  }
0x114: {  	v61 =	vor.u32 $0xD, v2;
	_ =	sdelay $0x2  }
0x115: {  	v3 =	vmul.f32 v3, v1;
	_ =	sdelay $0x1  }
0x116: {  	[tilespmem:v61+s18+$0x0] =	vst.idx.msk $0xffff, v3  }
0x117: {  	v3 =	vld [tilespmem:s4+$0x300];
	_ =	sdelay $0x1  }
0x118: {  	v62 =	vor.u32 $0xE, v2;
	_ =	sdelay $0x2  }
0x119: {  	v3 =	vmul.f32 v3, v1;
	_ =	sdelay $0x1  }
0x11a: {  	[tilespmem:v62+s18+$0x0] =	vst.idx.msk $0xffff, v3  }
0x11b: {  	v3 =	vld [tilespmem:s4+$0x380];
	_ =	sdelay $0x1  }
0x11c: {  	v63 =	vor.u32 $0xF, v2  }
0x11d: {  	v2 =	vor.u32 $0x10, v2;
	_ =	sdelay $0x1  }
0x11e: {  	v3 =	vmul.f32 v3, v1;
	_ =	sdelay $0x1  }
0x11f: {  	s9 =	simm.s32 $0x10;
	s1 =	smov.u32 s31;
	[tilespmem:v63+s18+$0x0] =	vst.idx.msk $0xffff, v3  }
.LBB2_9:
0x120: {  	p0 =	sne.s32 s9, $0x70;
	[tilespmem:v2+s18+$0x0] =	vst.idx.msk $0xffff, v1;
	s1 =	sadd.s32 $0x10, s1;
	s4 =	sadd.s32 $0x10, s4  }
0x121: {  	s10 =	smov.u32 s9;
	s9 =	sadd.s32 $0x10, s9;
	v1 =	vld [tilespmem:s1+$0x0];
	_ =	sdelay $0x7  }
0x122: {  	v1 =	vld.idx.msk [tilespmem:v1+s19+$0x0], $0xffff  }
0x123: {  	v2 =	vmov s10;
	v3 =	vld [tilespmem:s4+$0xFFFFFC00]  }
0x124: {  	v2 =	vshll.u32 v2, $0x5  }
0x125: {  	v2 =	vor.u32 v0, v2;
	_ =	sdelay $0x2  }
0x126: {  	v3 =	vmul.f32 v3, v1;
	_ =	sdelay $0x1  }
0x127: {  	[tilespmem:v2+s18+$0x0] =	vst.idx.msk $0xffff, v3  }
0x128: {  	v3 =	vld [tilespmem:s4+$0xFFFFFC80];
	_ =	sdelay $0x1  }
0x129: {  	v4 =	vor.u32 $0x1, v2;
	_ =	sdelay $0x2  }
0x12a: {  	v3 =	vmul.f32 v3, v1;
	_ =	sdelay $0x1  }
0x12b: {  	[tilespmem:v4+s18+$0x0] =	vst.idx.msk $0xffff, v3  }
0x12c: {  	v3 =	vld [tilespmem:s4+$0xFFFFFD00];
	_ =	sdelay $0x1  }
0x12d: {  	v4 =	vor.u32 $0x2, v2;
	_ =	sdelay $0x2  }
0x12e: {  	v3 =	vmul.f32 v3, v1;
	_ =	sdelay $0x1  }
0x12f: {  	[tilespmem:v4+s18+$0x0] =	vst.idx.msk $0xffff, v3  }
0x130: {  	v3 =	vld [tilespmem:s4+$0xFFFFFD80];
	_ =	sdelay $0x1  }
0x131: {  	v4 =	vor.u32 $0x3, v2;
	_ =	sdelay $0x2  }
0x132: {  	v3 =	vmul.f32 v3, v1;
	_ =	sdelay $0x1  }
0x133: {  	[tilespmem:v4+s18+$0x0] =	vst.idx.msk $0xffff, v3  }
0x134: {  	v3 =	vld [tilespmem:s4+$0xFFFFFE00];
	_ =	sdelay $0x1  }
0x135: {  	v4 =	vor.u32 $0x4, v2;
	_ =	sdelay $0x2  }
0x136: {  	v3 =	vmul.f32 v3, v1;
	_ =	sdelay $0x1  }
0x137: {  	[tilespmem:v4+s18+$0x0] =	vst.idx.msk $0xffff, v3  }
0x138: {  	v3 =	vld [tilespmem:s4+$0xFFFFFE80];
	_ =	sdelay $0x1  }
0x139: {  	v4 =	vor.u32 $0x5, v2;
	_ =	sdelay $0x2  }
0x13a: {  	v3 =	vmul.f32 v3, v1;
	_ =	sdelay $0x1  }
0x13b: {  	[tilespmem:v4+s18+$0x0] =	vst.idx.msk $0xffff, v3  }
0x13c: {  	v3 =	vld [tilespmem:s4+$0xFFFFFF00];
	_ =	sdelay $0x1  }
0x13d: {  	v4 =	vor.u32 $0x6, v2;
	_ =	sdelay $0x2  }
0x13e: {  	v3 =	vmul.f32 v3, v1;
	_ =	sdelay $0x1  }
0x13f: {  	[tilespmem:v4+s18+$0x0] =	vst.idx.msk $0xffff, v3  }
0x140: {  	v3 =	vld [tilespmem:s4+$0xFFFFFF80];
	_ =	sdelay $0x1  }
0x141: {  	v4 =	vor.u32 $0x7, v2;
	_ =	sdelay $0x2  }
0x142: {  	v3 =	vmul.f32 v3, v1;
	_ =	sdelay $0x1  }
0x143: {  	[tilespmem:v4+s18+$0x0] =	vst.idx.msk $0xffff, v3  }
0x144: {  	v3 =	vld [tilespmem:s4+$0x0];
	_ =	sdelay $0x1  }
0x145: {  	v4 =	vor.u32 $0x8, v2;
	_ =	sdelay $0x2  }
0x146: {  	v3 =	vmul.f32 v3, v1;
	_ =	sdelay $0x1  }
0x147: {  	[tilespmem:v4+s18+$0x0] =	vst.idx.msk $0xffff, v3  }
0x148: {  	v3 =	vld [tilespmem:s4+$0x80];
	_ =	sdelay $0x1  }
0x149: {  	v4 =	vor.u32 $0x9, v2;
	_ =	sdelay $0x2  }
0x14a: {  	v3 =	vmul.f32 v3, v1;
	_ =	sdelay $0x1  }
0x14b: {  	[tilespmem:v4+s18+$0x0] =	vst.idx.msk $0xffff, v3  }
0x14c: {  	v3 =	vld [tilespmem:s4+$0x100];
	_ =	sdelay $0x1  }
0x14d: {  	v4 =	vor.u32 $0xA, v2;
	_ =	sdelay $0x2  }
0x14e: {  	v3 =	vmul.f32 v3, v1;
	_ =	sdelay $0x1  }
0x14f: {  	[tilespmem:v4+s18+$0x0] =	vst.idx.msk $0xffff, v3  }
0x150: {  	v3 =	vld [tilespmem:s4+$0x180];
	_ =	sdelay $0x1  }
0x151: {  	v4 =	vor.u32 $0xB, v2;
	_ =	sdelay $0x2  }
0x152: {  	v3 =	vmul.f32 v3, v1;
	_ =	sdelay $0x1  }
0x153: {  	[tilespmem:v4+s18+$0x0] =	vst.idx.msk $0xffff, v3  }
0x154: {  	v3 =	vld [tilespmem:s4+$0x200];
	_ =	sdelay $0x1  }
0x155: {  	v4 =	vor.u32 $0xC, v2;
	_ =	sdelay $0x2  }
0x156: {  	v3 =	vmul.f32 v3, v1;
	_ =	sdelay $0x1  }
0x157: {  	[tilespmem:v4+s18+$0x0] =	vst.idx.msk $0xffff, v3  }
0x158: {  	v3 =	vld [tilespmem:s4+$0x280];
	_ =	sdelay $0x1  }
0x159: {  	v4 =	vor.u32 $0xD, v2;
	_ =	sdelay $0x2  }
0x15a: {  	v3 =	vmul.f32 v3, v1;
	_ =	sdelay $0x1  }
0x15b: {  	[tilespmem:v4+s18+$0x0] =	vst.idx.msk $0xffff, v3  }
0x15c: {  	v3 =	vld [tilespmem:s4+$0x300];
	_ =	sdelay $0x1  }
0x15d: {  	v4 =	vor.u32 $0xE, v2;
	_ =	sdelay $0x2  }
0x15e: {  	v3 =	vmul.f32 v3, v1;
	_ =	sdelay $0x1  }
0x15f: {  	[tilespmem:v4+s18+$0x0] =	vst.idx.msk $0xffff, v3  }
0x160: {  	v3 =	vld [tilespmem:s4+$0x380];
	_ =	sdelay $0x1  }
0x161: {  	v4 =	vor.u32 $0xF, v2  }
.Ltmp4:
0x162: {  	v2 =	vor.u32 $0x10, v2;
	(pc) =	sbr.rel @p0 .LBB2_9-.Ltmp4, $3  }
0x163: {  	_ = 	snop  }
0x164: {  	v3 =	vmul.f32 v3, v1;
	_ =	sdelay $0x1  }
0x165: {  	[tilespmem:v4+s18+$0x0] =	vst.idx.msk $0xffff, v3  }
0x166: {  	s0 =	sadd.s32 $0x1, s0  }
0x167: {  	p0 =	sne.s32 s0, $0x14  }
.Ltmp5:
0x168: {  	_ = 	snop;
	(pc) =	sbr.rel @p0 .LBB2_2-.Ltmp5, $3  }
0x169: {  	_ =	sdelay $0x1  }
0x16a: {  	[tilespmem:v2+s18+$0x0] =	vst.idx.msk $0xffff, v1;
	s1 =	sadd.s32 $0x1400, s20;
	s13 =	sadd.s32 $0x100, s13;
	s31 =	sadd.s32 $0x100, s31  }
0x16b: {  	[spmem:s2] =	stream.indirect.scatter.add.f32 [tilespmem:s18], [sflag:$0x4], $0x20, s1, s23, $0xb8;
	[tilespmem:$0xCE10] =	vst v63  }
0x16c: {  	_ =	swait.ge [sflag:s29], $0x1000  }
0x16d: {  	[sflag:s29] =	ssyncset.done $0x0  }
0x16e: {  	[sflag:s29] =	ssyncadd.s32 $0xFFFFF000  }
0x16f: {  	_ =	swait.ge [sflag:s28], $0x1000  }
0x170: {  	[sflag:s28] =	ssyncset.done $0x0  }
0x171: {  	[sflag:s28] =	ssyncadd.s32 $0xFFFFF000  }
0x172: {  	[bflag:$0x0] =	sbarrier.arrive $0xFFFF  }
0x173: {  	s0 =	rddreg [dreg:$0x7]  }
0x174: {  	[hbm:s0], [sflag:s8] =	dma.local [spmem:s15], $0x9E0  }
0x175: {  	_ =	swait.ge [sflag:s16], $0x9E0  }
0x176: {  	s30 =	sadd.s32 $0x1, s30;
	s31 =	rddreg [dreg:$0x8]  }
0x177: {  	p0 =	sne.s32 s30, s31  }
.Ltmp6:
0x178: {  	_ = 	snop;
	(pc) =	sbr.rel @p0 .LBB2_1-.Ltmp6, $3  }
0x179: {  	_ =	sdelay $0x1  }
0x17a: {  	[sflag:s16] =	ssyncset.done $0x0  }
0x17b: {  	[sflag:s16] =	ssyncadd.s32 $0xFFFFF620  }
0x17c: {  	_ =	sfence.sel $0x180000  }
0x17d: {  	[bflag:$0x0] =	sbarrier.arrive $0xFFFF  }
0x17e: {  	_ =	strace $0x90000050  }
0x17f: {  	s0 =	stileid.u32;
	[bflag:$0x2] =	sbarrier.arrive $0xFFFF  }
0x180: {  	p0 =	sne.s32 s0, $0x0;
	s0 =	rddreg [dreg:$0x2]  }
0x181: {  	s0 =	sadd.s32 @!p0 $0x100000, s0  }
0x182: {  	[sflag:s0] =	ssyncadd.tile.s32 @!p0 $0x1;
	_ =	shalt  }
.Lfunc_end2:
_tile_overlayer_lowered:
.L_overlay_start_2:
0x183: {  	(tag) =	ssettag $0x2  }
0x184: {  	s0 =	rddreg [dreg:$0x0];
	s2 =	stileid.u32  }
0x185: {  	s1 =	rddreg [dreg:$0x1];
	p0 =	sne.s32 s2, $0x0  }
0x186: {  	s3 =	rddreg [dreg:$0x2];
	[bflag:$0x3] =	sbarrier.arrive $0xFFFF;
	s2 =	simm.s32 @!p0 $0x1C05  }
0x187: {  	[timem:s3], [sflag:s2] =	dma.local @!p0 [hbm:s0], s1  }
0x188: {  	s0 =	simm.s32 @!p0 $0x5  }
0x189: {  	_ =	swait.ge @!p0 [sflag:s0], s1  }
0x18a: {  	s1 =	ssub.s32 @!p0 $0x0, s1;
	[sflag:s0] =	ssyncset.done @!p0 $0x0  }
0x18b: {  	[sflag:s0] =	ssyncadd.s32 @!p0 s1  }
0x18c: {  	[bflag:$0x3] =	sbarrier.arrive $0xFFFF  }
0x18d: {  	_ =	shalt  }

// kernel: kernel.9.cloned.1.call-start
scs
__scs_entry_jumppad:
0x0: {  	(pc) =	sbr.rel $0x88, $3  }
0x1: {  	(tag) =	ssettag $0x0;
	lr =	simm.s32 $0x1  }
0x2: {  	[smem:$0x3F94] =	sst lr;
	_ =	strace $0xD0000000  }
0x3: {  	_ = 	snop  }
0x4: {  	_ = 	snop  }
0x5: {  	_ = 	snop  }
0x6: {  	_ = 	snop  }
0x7: {  	_ = 	snop  }
__scs_overlays_trampoline_lowered:
0x8: {  	[smem:$0x3FA3] =	sst s0  }
0x9: {  	[smem:$0x3FA4] =	sst s1  }
0xa: {  	[smem:$0x3FA5] =	sst s2  }
0xb: {  	[smem:$0x3FA6] =	sst s3  }
0xc: {  	[smem:$0x3FA7] =	sst s4  }
0xd: {  	[smem:$0x3FA8] =	sst s5  }
0xe: {  	[smem:$0x3FA9] =	sst s6  }
0xf: {  	[smem:$0x3FAA] =	sst s7  }
0x10: {  	[smem:$0x3FAB] =	sst s8  }
0x11: {  	[smem:$0x3FAC] =	sst s9;
	s0 =	simm.s32 @!p0 $0x0  }
0x12: {  	s1 =	sld [smem:$0x3F92];
	s0 =	simm.s32 @p0 $0x1  }
0x13: {  	[smem:$0x3FAD] =	sst s0;
	s0 =	simm.s32 @!p1 $0x0  }
0x14: {  	s2 =	sld [smem:$0x3F91];
	s0 =	simm.s32 @p1 $0x1  }
0x15: {  	[smem:$0x3FAE] =	sst s0;
	s0 =	simm.s32 @!p2 $0x0  }
0x16: {  	s3 =	sld [smem:$0x3FDB];
	s0 =	simm.s32 @p2 $0x1  }
0x17: {  	s4 =	simm.s32 $0x1BF5;
	[smem:$0x3FB0] =	sst s0  }
0x18: {  	s0 =	sld [smem:$0x3F93];
	_ =	swait.ge [sflag:s4], $0x0  }
0x19: {  	s7 =	sld [smem:$0x3F94]  }
0x1a: {  	s8 =	sadd.s32 $0xFFFFE003, lr  }
0x1b: {  	s9 =	sadd.s32 $0xFFFFFEF7, lr;
	s5 =	simm.s32 $0xFFFFFFFF;
	p2 =	slt.u32 s8, $0xFFFFF086  }
0x1c: {  	p1 =	slt.u32 s9, $0xF7A;
	s5 =	simm.s32 @!p2 $0x0  }
0x1d: {  	s5 =	simm.s32 @p1 $0x1;
	p0 =	seq.s32 s7, s2  }
0x1e: {  	s7 =	smul.u32 @!p0 $0xF7A, s2;
	p2 =	seq.s32 @!p0 s5, $0x0  }
0x1f: {  	s9 =	smul.u32 $0xF7A, s1;
	s8 =	simm.s32 @!p0 $0x1BF5;
	p2 =	por !p2, p0  }
0x20: {  	[sflag:s8] =	ssyncset.s32 @!p0 $0xFFFFF086;
	s6 =	sadd.s32 @!p0 s3, s7;
	s7 =	simm.s32 @!p0 $0x108  }
0x21: {  	s3 =	sadd.s32 s3, s9;
	s6 =	sadd.s32 @!p0 $0x88, s6;
	s7 =	simm.s32 @p2 $0x1082  }
0x22: {  	[simem:s7], [sflag:s8] =	dma.local @!p0 [hbm:s6], $0xF7A  }
0x23: {  	s9 =	sor.u32 $0xD0000000, s2;
	s6 =	simm.s32 $0x108;
	_ =	swait.ge @!p0 [sflag:s8], $0x0  }
0x24: {  	s3 =	sadd.s32 $0x88, s3;
	s6 =	simm.s32 @!p1 $0x1082;
	[sflag:s4] =	ssyncset.s32 $0xFFFFF086  }
0x25: {  	[simem:s6], [sflag:s4] =	dma.local [hbm:s3], $0xF7A  }
0x26: {  	[smem:$0x3F94] =	sst s1;
	(tag) =	ssettag s2;
	_ =	strace s9  }
0x27: {  	s1 =	sld [smem:$0x3FA4]  }
0x28: {  	s2 =	sld [smem:$0x3FA5]  }
0x29: {  	s4 =	sld [smem:$0x3FA7]  }
0x2a: {  	p0 =	seq.s32 s5, $0x0;
	s5 =	sld [smem:$0x3FA8]  }
0x2b: {  	s6 =	sld [smem:$0x3FA9]  }
0x2c: {  	s7 =	sld [smem:$0x3FAA]  }
0x2d: {  	s3 =	simm.s32 $0x108;
	s8 =	sld [smem:$0x3FAB]  }
0x2e: {  	s3 =	simm.s32 @!p0 $0x1082;
	s9 =	sld [smem:$0x3FAC]  }
0x2f: {  	lr =	sadd.s32 s0, s3;
	s0 =	sld [smem:$0x3FA3]  }
0x30: {  	s3 =	sld [smem:$0x3FA6]  }
0x31: {  	[smem:$0x3FAF] =	sst s10  }
0x32: {  	s10 =	sld [smem:$0x3FAD];
	_ =	sdelay $0x3  }
0x33: {  	p0 =	seq.s32 s10, $0x1;
	s10 =	sld [smem:$0x3FAF];
	_ =	sdelay $0x3  }
0x34: {  	[smem:$0x3FAF] =	sst s10  }
0x35: {  	s10 =	sld [smem:$0x3FAE];
	_ =	sdelay $0x3  }
0x36: {  	p1 =	seq.s32 s10, $0x1;
	s10 =	sld [smem:$0x3FAF];
	_ =	sdelay $0x3  }
0x37: {  	[smem:$0x3FAF] =	sst s10  }
0x38: {  	s10 =	sld [smem:$0x3FB0]  }
0x39: {  	_ = 	snop;
	(pc) =	sbr.ind lr, $3  }
0x3a: {  	_ = 	snop  }
0x3b: {  	_ = 	snop  }
0x3c: {  	p2 =	seq.s32 s10, $0x1;
	s10 =	sld [smem:$0x3FAF]  }
0x3d: {  	_ =	shalt  }
0x3e: {  	_ =	shalt  }
0x3f: {  	_ =	shalt  }
0x40: {  	_ =	shalt  }
0x41: {  	_ =	shalt  }
0x42: {  	_ =	shalt  }
0x43: {  	_ =	shalt  }
0x44: {  	_ =	shalt  }
0x45: {  	_ =	shalt  }
0x46: {  	_ =	shalt  }
0x47: {  	_ =	shalt  }
0x48: {  	_ =	shalt  }
0x49: {  	_ =	shalt  }
0x4a: {  	_ =	shalt  }
0x4b: {  	_ =	shalt  }
0x4c: {  	_ =	shalt  }
0x4d: {  	_ =	shalt  }
0x4e: {  	_ =	shalt  }
0x4f: {  	_ =	shalt  }
0x50: {  	_ =	shalt  }
0x51: {  	_ =	shalt  }
0x52: {  	_ =	shalt  }
0x53: {  	_ =	shalt  }
0x54: {  	_ =	shalt  }
0x55: {  	_ =	shalt  }
0x56: {  	_ =	shalt  }
0x57: {  	_ =	shalt  }
0x58: {  	_ =	shalt  }
0x59: {  	_ =	shalt  }
0x5a: {  	_ =	shalt  }
0x5b: {  	_ =	shalt  }
0x5c: {  	_ =	shalt  }
0x5d: {  	_ =	shalt  }
0x5e: {  	_ =	shalt  }
0x5f: {  	_ =	shalt  }
0x60: {  	_ =	shalt  }
0x61: {  	_ =	shalt  }
0x62: {  	_ =	shalt  }
0x63: {  	_ =	shalt  }
0x64: {  	_ =	shalt  }
0x65: {  	_ =	shalt  }
0x66: {  	_ =	shalt  }
0x67: {  	_ =	shalt  }
0x68: {  	_ =	shalt  }
0x69: {  	_ =	shalt  }
0x6a: {  	_ =	shalt  }
0x6b: {  	_ =	shalt  }
0x6c: {  	_ =	shalt  }
0x6d: {  	_ =	shalt  }
0x6e: {  	_ =	shalt  }
0x6f: {  	_ =	shalt  }
0x70: {  	_ =	shalt  }
0x71: {  	_ =	shalt  }
0x72: {  	_ =	shalt  }
0x73: {  	_ =	shalt  }
0x74: {  	_ =	shalt  }
0x75: {  	_ =	shalt  }
0x76: {  	_ =	shalt  }
0x77: {  	_ =	shalt  }
0x78: {  	_ =	shalt  }
0x79: {  	_ =	shalt  }
0x7a: {  	_ =	shalt  }
0x7b: {  	_ =	shalt  }
0x7c: {  	_ =	shalt  }
0x7d: {  	_ =	shalt  }
0x7e: {  	_ =	shalt  }
0x7f: {  	_ =	shalt  }
0x80: {  	_ =	shalt  }
0x81: {  	_ =	shalt  }
0x82: {  	_ =	shalt  }
0x83: {  	_ =	shalt  }
0x84: {  	_ =	shalt  }
0x85: {  	_ =	shalt  }
0x86: {  	_ =	shalt  }
0x87: {  	_ =	shalt  }
.Lfunc_end0:
.L_simem_size_0:
called_computation_lowered:
.L_overlay_start_0:
0x88: {  	s2 =	sld [smem:$0x3FD9]  }
0x89: {  	s3 =	sld [smem:$0x3FFE];
	_ =	sdelay $0x1  }
0x8a: {  	s1 =	srdreg.scid  }
0x8b: {  	s0 =	sand.u32 $0x1, s1  }
0x8c: {  	s17 =	sshll.u32 s0, $0xA;
	s2 =	sadd.s32 s3, s2  }
0x8d: {  	s2 =	sadd.s32 s2, s17  }
0x8e: {  	[smem:$0x3FBB] =	sst s2  }
0x8f: {  	_ = 	snop  }
0x90: {  	s2 =	sld [smem:$0x3FD0];
	(tm) =	ssettm $0x1  }
0x91: {  	s18 =	sld [smem:$0x3FFB];
	_ =	sdelay $0x3  }
0x92: {  	_ =	strace s18  }
0x93: {  	s3 =	sld [smem:$0x3FFC];
	_ =	sdelay $0x3  }
0x94: {  	_ =	strace s3  }
0x95: {  	s3 =	sld [smem:$0x3FFD];
	_ =	sdelay $0x3  }
0x96: {  	_ =	strace s3  }
0x97: {  	_ =	strace $0x8FFFFFFF  }
0x98: {  	s19 =	sld [smem:$0x3FDB];
	_ =	sdelay $0x1  }
0x99: {  	s4 =	simm.s32 $_scs_section_size  }
0x9a: {  	s5 =	simm.s32 $_size__tile_overlayer_lowered;
	s6 =	simm.s32 $_tile_overlayer_lowered  }
0x9b: {  	s22 =	simm.s32 $0x1BFF;
	s21 =	sshll.u32 s6, $0x1;
	s3 =	sadd.s32 s4, s19  }
0x9c: {  	s7 =	simm.s32 $0x0;
	s20 =	sshll.u32 s5, $0x1;
	s5 =	sadd.s32 s21, s3  }
0x9d: {  	[timem:s7], [sflag:s22] =	dma.local [hbm:s5], s20  }
0x9e: {  	_ =	swait.ge [sflag:s22], s20  }
0x9f: {  	s4 =	ssub.s32 $0x0, s20;
	[sflag:s22] =	ssyncset.done $0x0  }
0xa0: {  	[sflag:s22] =	ssyncadd.s32 s4;
	_ =	sdelay $0x1  }
0xa1: {  	s23 =	simm.s32 $0x1B8B  }
0xa2: {  	_ =	swait.ge [sflag:s23], $0x1  }
0xa3: {  	[sflag:s23] =	ssyncset.done $0x0  }
0xa4: {  	s25 =	simm.s32 $0x1B8E;
	s24 =	sld [smem:$0x3FFE];
	[sflag:s23] =	ssyncadd.s32 $0xFFFFFFFF  }
0xa5: {  	s26 =	simm.s32 $execute0_lowered;
	[smem:$0x3FD2] =	sst s25  }
0xa6: {  	s5 =	sshll.u32 s26, $0x1;
	_ =	strace $0x80000046;
	[dreg:$0x1] =	wrdreg $0xFFFFFFFF  }
0xa7: {  	s28 =	simm.s32 $_size_execute0_lowered;
	s3 =	sadd.s32 s3, s5;
	[dreg:$0x0] =	wrdreg $0x0  }
0xa8: {  	s5 =	sshll.u32 s28, $0x1;
	[dreg:$0x2] =	wrdreg s3  }
0xa9: {  	[dreg:$0x3] =	wrdreg s5  }
0xaa: {  	[dreg:$0x4] =	wrdreg $0xC0  }
0xab: {  	_ =	task [dreg:s7], $0x5FFFF  }
0xac: {  	[dreg:$0x1] =	wrdreg $0xFFFFFFFF  }
0xad: {  	[dreg:$0x0] =	wrdreg $0x60  }
0xae: {  	[dreg:$0x2] =	wrdreg s24  }
0xaf: {  	[dreg:$0x3] =	wrdreg s2  }
0xb0: {  	[dreg:$0x4] =	wrdreg $0xA1400  }
0xb1: {  	[dreg:$0x5] =	wrdreg $0x1DD400  }
0xb2: {  	[dreg:$0x6] =	wrdreg $0x9  }
0xb3: {  	_ =	task.clear_ibuf [dreg:s7], $0x7FFFF;
	_ =	strace $0x90000046  }
0xb4: {  	s29 =	simm.s32 $0x9;
	_ =	strace $0x80000048  }
0xb5: {  	_ =	swait.ge [sflag:s29], $0x1  }
0xb6: {  	[sflag:s29] =	ssyncadd.s32 $0xFFFFFFFF  }
0xb7: {  	_ =	strace $0x90000048  }
0xb8: {  	_ =	sfence  }
0xb9: {  	s30 =	sld [smem:$0x0];
	_ =	sdelay $0x2  }
0xba: {  	s31 =	sshll.u32 s1, $0xD;
	s1 =	sshrl.u32 s1, $0x2  }
0xbb: {  	s3 =	sand.u32 $0x4000, s31;
	s1 =	sadd.s32 s1, s30  }
0xbc: {  	s0 =	sor.u32 s3, s0;
	s1 =	sshll.u32 s1, $0x11  }
0xbd: {  	s0 =	sor.u32 s1, s0  }
0xbe: {  	s0 =	sadd.s32 $0x8F2B, s0  }
0xbf: {  	[sflag:s0] =	ssyncadd.remote.s32 $0x1  }
0xc0: {  	_ =	sfence.sel $0xFFFF  }
0xc1: {  	[dreg:$0x0] =	wrdreg $0xFFFFFFFF;
	(pc) =	sbr.abs _section_cstart, $3  }
0xc2: {  	[dreg:$0x1] =	wrdreg $0xFFFFFFFF  }
0xc3: {  	_ =	task.clear_ibuf [dreg:s7], $0x2FFFF;
	_ =	strace $0x9FFFFFFF  }
0xc4: {  	(tm) =	ssettm $0x7FFFFFFF  }
0xc5: {  	_ =	shalt  }
tec
execute0_lowered:
.L_overlay_start_1:
0x0: {  	(tag) =	ssettag $0x1  }
0x1: {  	s0 =	rddreg [dreg:$0x0]  }
0x2: {  	s17 =	rddreg [dreg:$0x1]  }
0x3: {  	s3 =	rddreg [dreg:$0x2]  }
0x4: {  	s4 =	rddreg [dreg:$0x3]  }
0x5: {  	s2 =	stileid.u32;
	s5 =	srdreg.scid;
	s7 =	simm.s32 $0x0  }
0x6: {  	s28 =	simm.s32 $0x7800;
	s30 =	simm.s32 $0x8C00;
	s1 =	smul.u32 $0x500, s2  }
0x7: {  	s31 =	simm.s32 $0x1;
	s6 =	sand.u32 $0x1, s5;
	s19 =	smul.u32 $0x13C00, s2  }
0x8: {  	[smem:$0x7FF] =	sst s7;
	s7 =	sadd.s32 $0x4A00, s0;
	s9 =	smul.u32 $0x13C0, s2  }
0x9: {  	s10 =	sadd.s32 $0x35E00, s0;
	s11 =	sadd.s32 $0x38600, s0;
	s21 =	sadd.s32 $0x2BC00, s0  }
0xa: {  	s8 =	smul.u32 $0x13C000, s6;
	_ =	strace $0x80000047;
	[dreg:$0x5] =	wrdreg s10  }
0xb: {  	s24 =	sshll.u32 s2, $0x6;
	s20 =	smul.u32 $0x13C00, s6;
	[dreg:$0x6] =	wrdreg s11  }
0xc: {  	[dreg:$0x7] =	wrdreg s21;
	s22 =	ssub.s32 $0x2, s6;
	s11 =	sor.u32 $0x1C09, s24  }
0xd: {  	p0 =	seq.s32 s6, $0x0;
	s21 =	simm.s32 $0xA000;
	s24 =	simm.s32 $0x5000  }
0xe: {  	s1 =	sadd.s32 s1, s0;
	s12 =	sshrl.u32 s22, $0x1;
	s5 =	sadd.s32 s19, s3  }
0xf: {  	s17 =	smov.u32 @p0 s7;
	[dreg:$0x8] =	wrdreg s11;
	s8 =	sadd.s32 s19, s8  }
0x10: {  	s10 =	sadd.s32 s9, s20;
	s23 =	ssub.s32 s22, s12;
	s9 =	sadd.s32 s9, s4  }
0x11: {  	s25 =	sadd.s32 $0x30E00, s1;
	s1 =	sadd.s32 $0x2BE00, s1;
	s5 =	sshrl.u32 s5, $0x3  }
0x12: {  	s22 =	simm.s32 $0x4;
	s8 =	sshrl.u32 s8, $0x3;
	[dreg:$0x9] =	wrdreg s25  }
0x13: {  	s10 =	sshrl.u32 s10, $0x3;
	[dreg:$0xa] =	wrdreg s1;
	s29 =	smax.u32 s23, $0x1  }
0x14: {  	s9 =	sshrl.u32 s9, $0x3;
	s23 =	simm.s32 $0x28;
	[dreg:$0xe] =	wrdreg s5  }
0x15: {  	s1 =	simm.s32 $0x5;
	s8 =	sadd.s32 s8, s0;
	[dreg:$0xd] =	wrdreg s29  }
0x16: {  	s0 =	sadd.s32 s10, s0;
	[dreg:$0xf] =	wrdreg s9;
	s26 =	sadd.s32 $0x3DA00, s8  }
0x17: {  	s10 =	simm.s32 $0x0;
	s0 =	sadd.s32 $0x38A00, s0;
	[dreg:$0xb] =	wrdreg s26  }
0x18: {  	s8 =	simm.s32 $0x9;
	[dreg:$0xc] =	wrdreg s0;
	s0 =	simm.s32 $0x3  }
.LBB2_1:
0x19: {  	[dreg:$0x10] =	wrdreg s10  }
0x1a: {  	s2 =	rddreg [dreg:$0x5]  }
0x1b: {  	[spmem:s5], [sflag:s11] =	dma.local [hbm:s2], $0x2780  }
0x1c: {  	_ =	swait.ge [sflag:s8], $0x2780  }
0x1d: {  	[sflag:s8] =	ssyncset.done $0x0  }
0x1e: {  	s12 =	rddreg [dreg:$0x6];
	[sflag:s8] =	ssyncadd.s32 $0xFFFFD880  }
0x1f: {  	[spmem:s9], [sflag:s11] =	dma.local [hbm:s12], $0x278  }
0x20: {  	_ =	swait.ge [sflag:s8], $0x278  }
0x21: {  	[sflag:s8] =	ssyncset.done $0x0  }
0x22: {  	s13 =	simm.s32 $0x0;
	s14 =	rddreg [dreg:$0x7];
	[sflag:s8] =	ssyncadd.s32 $0xFFFFFD88  }
0x23: {  	[tilespmem:s21], [sflag:$0x9] =	stream.linear.gather [hbm4b:s14+s13], $0x140, $0x38;
	[tilespmem:$0x1F100] =	vst v63  }
0x24: {  	_ =	swait.ge [sflag:s8], $0x140  }
0x25: {  	[sflag:s8] =	ssyncset.done $0x0  }
0x26: {  	s15 =	rddreg [dreg:$0x9];
	[sflag:s8] =	ssyncadd.s32 $0xFFFFFEC0  }
0x27: {  	[tilespmem:s13], [sflag:$0x9] =	stream.linear.gather [hbm4b:s15+s13], $0x2800, $0x38;
	[tilespmem:$0x1F100] =	vst v63  }
0x28: {  	_ =	swait.ge [sflag:s8], $0x2800  }
0x29: {  	[sflag:s8] =	ssyncset.done $0x0  }
0x2a: {  	s18 =	simm.s32 $0x2800;
	s16 =	rddreg [dreg:$0xa];
	[sflag:s8] =	ssyncadd.s32 $0xFFFFD800  }
0x2b: {  	[tilespmem:s18], [sflag:$0x9] =	stream.linear.gather [hbm4b:s16+s13], $0x2800, $0x38;
	[tilespmem:$0x1F100] =	vst v63  }
0x2c: {  	_ =	swait.ge [sflag:s8], $0x2800  }
0x2d: {  	[sflag:s8] =	ssyncset.done $0x0  }
0x2e: {  	[sflag:s8] =	ssyncadd.s32 $0xFFFFD800  }
0x2f: {  	[bflag:$0x0] =	sbarrier.arrive $0xFFFF  }
0x30: {  	[tilespmem:s24], [sflag:$0x1] =	stream.indirect.gather [hbm4b:s17+s23], $0x80, s13, s23, $0xb8;
	[tilespmem:$0x1F100] =	vst v63  }
0x31: {  	s19 =	simm.s32 $0x6400;
	p1 =	por $0x1, $0x1  }
0x32: {  	[tilespmem:s19], [sflag:$0x2] =	stream.indirect.gather [hbm4b:s17+s23], $0x80, s23, s23, $0xb8;
	[tilespmem:$0x1F100] =	vst v63  }
0x33: {  	s20 =	simm.s32 $0x50;
	p0 =	por p1, p1  }
0x34: {  	[tilespmem:s28], [sflag:$0x3] =	stream.indirect.gather [hbm4b:s17+s23], $0x80, s20, s23, $0xb8;
	[tilespmem:$0x1F100] =	vst v63  }
0x35: {  	s25 =	simm.s32 $0x78;
	s5 =	simm.s32 @!p0 $0x6  }
0x36: {  	[tilespmem:s30], [sflag:$0x4] =	stream.indirect.gather [hbm4b:s17+s23], $0x80, s25, s23, $0xb8;
	[tilespmem:$0x1F100] =	vst v63  }
0x37: {  	_ =	swait.ge @!p0 [sflag:s5], $0x1400  }
0x38: {  	[sflag:s5] =	ssyncset.done @!p0 $0x0  }
0x39: {  	[sflag:s5] =	ssyncadd.s32 @!p0 $0xFFFFEC00  }
0x3a: {  	_ =	swait.ge @!p0 [sflag:s5], $0x140  }
0x3b: {  	s10 =	simm.s32 @!p0 $0x6400;
	[sflag:s5] =	ssyncset.done @!p0 $0x0  }
0x3c: {  	s9 =	simm.s32 @!p1 $0x28;
	[sflag:s5] =	ssyncadd.s32 @!p0 $0xFFFFFEC0;
	s5 =	simm.s32 @!p0 $0x28  }
0x3d: {  	[tilespmem:s10], [sflag:$0x2] =	stream.indirect.gather @!p0 [hbm4b:s17+s5], $0x80, s9, s5, $0xb8;
	[tilespmem:$0x1F100] =	vst v63  }
0x3e: {  	_ =	swait.ge [sflag:s31], $0x1400  }
0x3f: {  	[sflag:s31] =	ssyncset.done $0x0  }
0x40: {  	s26 =	simm.s32 $0x2800;
	[sflag:s31] =	ssyncadd.s32 $0xFFFFEC00  }
0x41: {  	[spmem:s3] =	stream.indirect.scatter.add.f32 [tilespmem:s24], [sflag:$0x5], $0x80, s26, s23, $0xb8;
	[tilespmem:$0x1F100] =	vst v63  }
0x42: {  	s12 =	simm.s32 @p0 $0x2  }
0x43: {  	[spmem:s4] =	stream.indirect.scatter.add.f32 [tilespmem:s21], [sflag:$0x5], $0x8, s26, s23, $0xb8;
	[tilespmem:$0x1F100] =	vst v63  }
0x44: {  	_ =	swait.ge @p0 [sflag:s12], $0x1400  }
0x45: {  	s13 =	simm.s32 @p0 $0x28;
	[sflag:s12] =	ssyncset.done @p0 $0x0  }
0x46: {  	s9 =	simm.s32 @p0 $0x6400;
	[sflag:s12] =	ssyncadd.s32 @p0 $0xFFFFEC00;
	s12 =	simm.s32 @p0 $0x2828  }
0x47: {  	[spmem:s3] =	stream.indirect.scatter.add.f32 @p0 [tilespmem:s9], [sflag:$0x6], $0x80, s12, s13, $0xb8;
	[tilespmem:$0x1F100] =	vst v63  }
0x48: {  	s14 =	simm.s32 @!p0 $0x7;
	s9 =	simm.s32 @p0 $0xA000  }
0x49: {  	[spmem:s4] =	stream.indirect.scatter.add.f32 @p0 [tilespmem:s9], [sflag:$0x6], $0x8, s12, s13, $0xb8;
	[tilespmem:$0x1F100] =	vst v63  }
0x4a: {  	_ =	swait.ge @!p0 [sflag:s14], $0x1400  }
0x4b: {  	[sflag:s14] =	ssyncset.done @!p0 $0x0  }
0x4c: {  	[sflag:s14] =	ssyncadd.s32 @!p0 $0xFFFFEC00  }
0x4d: {  	_ =	swait.ge @!p0 [sflag:s14], $0x140  }
0x4e: {  	s9 =	simm.s32 @!p1 $0x50;
	[sflag:s14] =	ssyncset.done @!p0 $0x0  }
0x4f: {  	s12 =	simm.s32 @!p0 $0x7800;
	s13 =	simm.s32 @!p0 $0x2;
	[sflag:s14] =	ssyncadd.s32 @!p0 $0xFFFFFEC0  }
0x50: {  	[tilespmem:s12], [sflag:$0x3] =	stream.indirect.gather @!p0 [hbm4b:s17+s5], $0x80, s9, s5, $0xb8;
	[tilespmem:$0x1F100] =	vst v63  }
0x51: {  	_ =	swait.ge @!p0 [sflag:s13], $0x1400  }
0x52: {  	[sflag:s13] =	ssyncset.done @!p0 $0x0  }
0x53: {  	s9 =	simm.s32 @!p0 $0x2828;
	[sflag:s13] =	ssyncadd.s32 @!p0 $0xFFFFEC00  }
0x54: {  	[spmem:s3] =	stream.indirect.scatter.add.f32 @!p0 [tilespmem:s10], [sflag:$0x6], $0x80, s9, s5, $0xb8;
	[tilespmem:$0x1F100] =	vst v63  }
0x55: {  	s12 =	simm.s32 @!p0 $0x8;
	s10 =	simm.s32 @!p0 $0xA000  }
0x56: {  	[spmem:s4] =	stream.indirect.scatter.add.f32 @!p0 [tilespmem:s10], [sflag:$0x6], $0x8, s9, s5, $0xb8;
	[tilespmem:$0x1F100] =	vst v63  }
0x57: {  	_ =	swait.ge @!p0 [sflag:s12], $0x1400  }
0x58: {  	[sflag:s12] =	ssyncset.done @!p0 $0x0  }
0x59: {  	p2 =	sne.s32 @!p1 s6, $0x0;
	[sflag:s12] =	ssyncadd.s32 @!p0 $0xFFFFEC00  }
0x5a: {  	p3 =	por !p2, p1;
	_ =	swait.ge @!p0 [sflag:s12], $0x140  }
0x5b: {  	p1 =	por p2, p1;
	p2 =	por p3, p3;
	[sflag:s12] =	ssyncset.done @!p0 $0x0  }
0x5c: {  	p1 =	por p1, p1;
	s5 =	simm.s32 @!p0 $0x78;
	[sflag:s12] =	ssyncadd.s32 @!p0 $0xFFFFFEC0  }
0x5d: {  	s9 =	simm.s32 @!p2 $0x28;
	s10 =	simm.s32 @!p2 $0x8C00;
	s2 =	rddreg [dreg:$0x1]  }
0x5e: {  	[tilespmem:s10], [sflag:$0x4] =	stream.indirect.gather @!p2 [hbm4b:s2+s9], $0x80, s5, s9, $0xb8;
	[tilespmem:$0x1F100] =	vst v63  }
0x5f: {  	s9 =	simm.s32 @!p1 $0x28;
	s10 =	simm.s32 @!p1 $0x8C00  }
0x60: {  	[tilespmem:s10], [sflag:$0x4] =	stream.indirect.gather @!p1 [hbm4b:s7+s9], $0x80, s5, s9, $0xb8;
	[tilespmem:$0x1F100] =	vst v63  }
0x61: {  	_ =	swait.ge [sflag:s0], $0x1400  }
0x62: {  	[sflag:s0] =	ssyncset.done $0x0  }
0x63: {  	s29 =	simm.s32 $0x2850;
	[sflag:s0] =	ssyncadd.s32 $0xFFFFEC00  }
0x64: {  	[spmem:s3] =	stream.indirect.scatter.add.f32 [tilespmem:s28], [sflag:$0x7], $0x80, s29, s23, $0xb8;
	[tilespmem:$0x1F100] =	vst v63  }
0x65: {  	_ = 	snop  }
0x66: {  	[spmem:s4] =	stream.indirect.scatter.add.f32 [tilespmem:s21], [sflag:$0x7], $0x8, s29, s23, $0xb8;
	[tilespmem:$0x1F100] =	vst v63  }
0x67: {  	_ =	swait.ge [sflag:s1], $0x1400  }
0x68: {  	p0 =	por $0x0, $0x0;
	[sflag:s1] =	ssyncset.done $0x0  }
0x69: {  	s15 =	simm.s32 $0x500;
	s13 =	simm.s32 @p0 $0xA0;
	[sflag:s1] =	ssyncadd.s32 $0xFFFFEC00  }
0x6a: {  	s14 =	simm.s32 @!p0 $0xC8;
	p1 =	por $0x0, $0x0;
	_ =	swait.ge [sflag:s1], $0x140  }
0x6b: {  	p2 =	por p0, p0;
	s5 =	simm.s32 @!p1 $0x5000;
	[sflag:s1] =	ssyncset.done $0x0  }
0x6c: {  	s10 =	simm.s32 @!p1 $0xA0;
	s12 =	simm.s32 @!p1 $0x28;
	[sflag:s1] =	ssyncadd.s32 $0xFFFFFEC0  }
0x6d: {  	[tilespmem:s5], [sflag:$0x1] =	stream.indirect.gather @!p1 [hbm4b:s17+s12], $0x80, s10, s12, $0xb8;
	[tilespmem:$0x1F100] =	vst v63  }
0x6e: {  	s9 =	simm.s32 $0x280;
	s10 =	simm.s32 @!p0 $0xA0;
	p1 =	sne.s32 @!p0 s6, $0x0  }
0x6f: {  	s5 =	simm.s32 $0x2878;
	s12 =	simm.s32 @!p0 $0xF0;
	_ =	swait.ge [sflag:s22], $0x1400  }
0x70: {  	p6 =	por !p1, p0;
	p4 =	por p1, p0;
	[sflag:s22] =	ssyncset.done $0x0  }
0x71: {  	p1 =	por p6, p6;
	p0 =	por p4, p4;
	[sflag:s22] =	ssyncadd.s32 $0xFFFFEC00  }
0x72: {  	[spmem:s3] =	stream.indirect.scatter.add.f32 [tilespmem:s30], [sflag:$0x8], $0x80, s5, s23, $0xb8;
	[tilespmem:$0x1F100] =	vst v63  }
.LBB2_2:
0x73: {  	[spmem:s4] =	stream.indirect.scatter.add.f32 [tilespmem:s21], [sflag:$0x8], $0x8, s5, s23, $0xb8;
	[tilespmem:$0x1F100] =	vst v63  }
0x74: {  	s5 =	simm.s32 @!p2 $0x6  }
0x75: {  	_ =	swait.ge @!p2 [sflag:s5], $0x1400  }
0x76: {  	[sflag:s5] =	ssyncset.done @!p2 $0x0  }
0x77: {  	[sflag:s5] =	ssyncadd.s32 @!p2 $0xFFFFEC00  }
0x78: {  	_ =	swait.ge @!p2 [sflag:s5], $0x140  }
0x79: {  	[sflag:s5] =	ssyncset.done @!p2 $0x0  }
0x7a: {  	s25 =	simm.s32 @!p2 $0x28;
	s11 =	simm.s32 @!p2 $0x6400;
	[sflag:s5] =	ssyncadd.s32 @!p2 $0xFFFFFEC0  }
0x7b: {  	[tilespmem:s11], [sflag:$0x2] =	stream.indirect.gather @!p2 [hbm4b:s17+s25], $0x80, s14, s25, $0xb8;
	[tilespmem:$0x1F100] =	vst v63  }
0x7c: {  	_ =	swait.ge [sflag:s31], $0x1400  }
0x7d: {  	s16 =	smov.u32 s15;
	s5 =	sshra.s32 s9, $0x2;
	[sflag:s31] =	ssyncset.done $0x0  }
0x7e: {  	p4 =	seq.s32 s16, $0x0;
	s19 =	sadd.s32 $0x2800, s5;
	[sflag:s31] =	ssyncadd.s32 $0xFFFFEC00  }
0x7f: {  	[spmem:s3] =	stream.indirect.scatter.add.f32 [tilespmem:s24], [sflag:$0x5], $0x80, s19, s23, $0xb8;
	[tilespmem:$0x1F100] =	vst v63  }
0x80: {  	s8 =	simm.s32 @p2 $0x2;
	s18 =	sshra.s32 @!p4 s16, $0x2  }
0x81: {  	[spmem:s4] =	stream.indirect.scatter.add.f32 [tilespmem:s21], [sflag:$0x5], $0x8, s19, s23, $0xb8;
	[tilespmem:$0x1F100] =	vst v63  }
0x82: {  	s29 =	sadd.s32 @!p4 $0x28, s18;
	_ =	swait.ge @p2 [sflag:s8], $0x1400  }
0x83: {  	s14 =	smov.u32 s29;
	s29 =	simm.s32 @p2 $0x6400;
	[sflag:s8] =	ssyncset.done @p2 $0x0  }
0x84: {  	s19 =	simm.s32 @p2 $0x28;
	[sflag:s8] =	ssyncadd.s32 @p2 $0xFFFFEC00;
	s8 =	sadd.s32 @p2 $0x2828, s13  }
0x85: {  	[spmem:s3] =	stream.indirect.scatter.add.f32 @p2 [tilespmem:s29], [sflag:$0x6], $0x80, s8, s19, $0xb8;
	[tilespmem:$0x1F100] =	vst v63  }
0x86: {  	s2 =	simm.s32 @!p2 $0x7;
	s29 =	simm.s32 @p2 $0xA000  }
0x87: {  	[spmem:s4] =	stream.indirect.scatter.add.f32 @p2 [tilespmem:s29], [sflag:$0x6], $0x8, s8, s19, $0xb8;
	[tilespmem:$0x1F100] =	vst v63  }
0x88: {  	_ =	swait.ge @!p2 [sflag:s2], $0x1400  }
0x89: {  	[sflag:s2] =	ssyncset.done @!p2 $0x0  }
0x8a: {  	[sflag:s2] =	ssyncadd.s32 @!p2 $0xFFFFEC00  }
0x8b: {  	_ =	swait.ge @!p2 [sflag:s2], $0x140  }
0x8c: {  	[sflag:s2] =	ssyncset.done @!p2 $0x0  }
0x8d: {  	s8 =	simm.s32 @!p2 $0x2;
	[sflag:s2] =	ssyncadd.s32 @!p2 $0xFFFFFEC0;
	s2 =	simm.s32 @!p2 $0x7800  }
0x8e: {  	[tilespmem:s2], [sflag:$0x3] =	stream.indirect.gather @!p2 [hbm4b:s17+s25], $0x80, s12, s25, $0xb8;
	[tilespmem:$0x1F100] =	vst v63  }
0x8f: {  	_ =	swait.ge @!p2 [sflag:s8], $0x1400  }
0x90: {  	[sflag:s8] =	ssyncset.done @!p2 $0x0  }
0x91: {  	s2 =	sadd.s32 @!p2 $0x2828, s10;
	[sflag:s8] =	ssyncadd.s32 @!p2 $0xFFFFEC00  }
0x92: {  	[spmem:s3] =	stream.indirect.scatter.add.f32 @!p2 [tilespmem:s11], [sflag:$0x6], $0x80, s2, s25, $0xb8;
	[tilespmem:$0x1F100] =	vst v63  }
0x93: {  	s8 =	simm.s32 @!p2 $0xA000;
	s11 =	simm.s32 @!p2 $0x8  }
0x94: {  	[spmem:s4] =	stream.indirect.scatter.add.f32 @!p2 [tilespmem:s8], [sflag:$0x6], $0x8, s2, s25, $0xb8;
	[tilespmem:$0x1F100] =	vst v63  }
0x95: {  	_ =	swait.ge @!p2 [sflag:s11], $0x1400  }
0x96: {  	[sflag:s11] =	ssyncset.done @!p2 $0x0  }
0x97: {  	[sflag:s11] =	ssyncadd.s32 @!p2 $0xFFFFEC00  }
0x98: {  	_ =	swait.ge @!p2 [sflag:s11], $0x140  }
0x99: {  	s20 =	sadd.s32 @!p4 $0x50, s18;
	[sflag:s11] =	ssyncset.done @!p2 $0x0  }
0x9a: {  	s2 =	sadd.s32 @!p2 $0x78, s10;
	s10 =	smov.u32 s18;
	[sflag:s11] =	ssyncadd.s32 @!p2 $0xFFFFFEC0  }
0x9b: {  	s8 =	simm.s32 @!p1 $0x28;
	s11 =	simm.s32 @!p1 $0x8C00;
	s18 =	rddreg [dreg:$0x1]  }
0x9c: {  	[tilespmem:s11], [sflag:$0x4] =	stream.indirect.gather @!p1 [hbm4b:s18+s8], $0x80, s2, s8, $0xb8;
	[tilespmem:$0x1F100] =	vst v63  }
0x9d: {  	s8 =	simm.s32 @!p0 $0x28;
	s11 =	simm.s32 @!p0 $0x8C00  }
0x9e: {  	[tilespmem:s11], [sflag:$0x4] =	stream.indirect.gather @!p0 [hbm4b:s7+s8], $0x80, s2, s8, $0xb8;
	[tilespmem:$0x1F100] =	vst v63  }
0x9f: {  	_ =	swait.ge [sflag:s0], $0x1400  }
0xa0: {  	[sflag:s0] =	ssyncset.done $0x0  }
0xa1: {  	s29 =	sadd.s32 $0x2850, s5;
	[sflag:s0] =	ssyncadd.s32 $0xFFFFEC00  }
0xa2: {  	[spmem:s3] =	stream.indirect.scatter.add.f32 [tilespmem:s28], [sflag:$0x7], $0x80, s29, s23, $0xb8;
	[tilespmem:$0x1F100] =	vst v63  }
0xa3: {  	s15 =	sadd.s32 $0x280, s15  }
0xa4: {  	[spmem:s4] =	stream.indirect.scatter.add.f32 [tilespmem:s21], [sflag:$0x7], $0x8, s29, s23, $0xb8;
	[tilespmem:$0x1F100] =	vst v63  }
0xa5: {  	p3 =	sne.s32 s15, $0xA000;
	_ =	swait.ge [sflag:s1], $0x1400  }
0xa6: {  	s26 =	sshra.s32 @p4 s16, $0x2;
	p6 =	sne.s32 @!p4 s6, $0x0;
	[sflag:s1] =	ssyncset.done $0x0  }
0xa7: {  	p5 =	por !p6, p4;
	p6 =	por p6, p4;
	[sflag:s1] =	ssyncadd.s32 $0xFFFFEC00  }
0xa8: {  	p2 =	por p4, p4;
	p4 =	seq.s32 s9, $0x9D80;
	_ =	swait.ge [sflag:s1], $0x140  }
0xa9: {  	s2 =	sshra.s32 @!p4 s9, $0x2;
	s8 =	simm.s32 @!p4 $0x5000;
	[sflag:s1] =	ssyncset.done $0x0  }
0xaa: {  	s9 =	simm.s32 @!p4 $0x28;
	s2 =	sadd.s32 @!p4 $0xA0, s2;
	[sflag:s1] =	ssyncadd.s32 $0xFFFFFEC0  }
0xab: {  	[tilespmem:s8], [sflag:$0x1] =	stream.indirect.gather @!p4 [hbm4b:s17+s9], $0x80, s2, s9, $0xb8;
	[tilespmem:$0x1F100] =	vst v63  }
.Ltmp0:
0xac: {  	_ = 	snop;
	(pc) =	sbr.rel @p3 .LBB2_2-.Ltmp0, $4  }
0xad: {  	s13 =	smov.u32 s26;
	s5 =	sadd.s32 $0x2878, s5;
	_ =	swait.ge [sflag:s22], $0x1400  }
0xae: {  	s12 =	smov.u32 s20;
	p1 =	por p5, p5;
	[sflag:s22] =	ssyncset.done $0x0  }
0xaf: {  	p0 =	por p6, p6;
	s9 =	smov.u32 s16;
	[sflag:s22] =	ssyncadd.s32 $0xFFFFEC00  }
0xb0: {  	[spmem:s3] =	stream.indirect.scatter.add.f32 [tilespmem:s30], [sflag:$0x8], $0x80, s5, s23, $0xb8;
	[tilespmem:$0x1F100] =	vst v63  }
0xb1: {  	[spmem:s4] =	stream.indirect.scatter.add.f32 [tilespmem:s21], [sflag:$0x8], $0x8, s5, s23, $0xb8;
	[tilespmem:$0x1F100] =	vst v63  }
0xb2: {  	s2 =	simm.s32 @!p2 $0x6  }
0xb3: {  	_ =	swait.ge @!p2 [sflag:s2], $0x1400  }
0xb4: {  	[sflag:s2] =	ssyncset.done @!p2 $0x0  }
0xb5: {  	[sflag:s2] =	ssyncadd.s32 @!p2 $0xFFFFEC00  }
0xb6: {  	_ =	swait.ge @!p2 [sflag:s2], $0x140  }
0xb7: {  	[sflag:s2] =	ssyncset.done @!p2 $0x0  }
0xb8: {  	s8 =	simm.s32 @!p2 $0x6400;
	[sflag:s2] =	ssyncadd.s32 @!p2 $0xFFFFFEC0;
	s2 =	simm.s32 @!p2 $0x28  }
0xb9: {  	[tilespmem:s8], [sflag:$0x2] =	stream.indirect.gather @!p2 [hbm4b:s17+s2], $0x80, s14, s2, $0xb8;
	[tilespmem:$0x1F100] =	vst v63  }
0xba: {  	_ =	swait.ge [sflag:s31], $0x1400  }
0xbb: {  	s29 =	sshra.s32 s9, $0x2;
	[sflag:s31] =	ssyncset.done $0x0  }
0xbc: {  	s11 =	sadd.s32 $0x2800, s29;
	[sflag:s31] =	ssyncadd.s32 $0xFFFFEC00  }
0xbd: {  	[spmem:s3] =	stream.indirect.scatter.add.f32 [tilespmem:s24], [sflag:$0x5], $0x80, s11, s23, $0xb8;
	[tilespmem:$0x1F100] =	vst v63  }
0xbe: {  	s14 =	simm.s32 @p2 $0x2  }
0xbf: {  	[spmem:s4] =	stream.indirect.scatter.add.f32 [tilespmem:s21], [sflag:$0x5], $0x8, s11, s23, $0xb8;
	[tilespmem:$0x1F100] =	vst v63  }
0xc0: {  	_ =	swait.ge @p2 [sflag:s14], $0x1400  }
0xc1: {  	s13 =	sadd.s32 @p2 $0x2828, s13;
	[sflag:s14] =	ssyncset.done @p2 $0x0  }
0xc2: {  	s11 =	simm.s32 @p2 $0x6400;
	[sflag:s14] =	ssyncadd.s32 @p2 $0xFFFFEC00;
	s14 =	simm.s32 @p2 $0x28  }
0xc3: {  	[spmem:s3] =	stream.indirect.scatter.add.f32 @p2 [tilespmem:s11], [sflag:$0x6], $0x80, s13, s14, $0xb8;
	[tilespmem:$0x1F100] =	vst v63  }
0xc4: {  	s11 =	simm.s32 @p2 $0xA000  }
0xc5: {  	[spmem:s4] =	stream.indirect.scatter.add.f32 @p2 [tilespmem:s11], [sflag:$0x6], $0x8, s13, s14, $0xb8;
	[tilespmem:$0x1F100] =	vst v63  }
0xc6: {  	s11 =	simm.s32 @!p2 $0x7  }
0xc7: {  	_ =	swait.ge @!p2 [sflag:s11], $0x1400  }
0xc8: {  	[sflag:s11] =	ssyncset.done @!p2 $0x0  }
0xc9: {  	[sflag:s11] =	ssyncadd.s32 @!p2 $0xFFFFEC00  }
0xca: {  	_ =	swait.ge @!p2 [sflag:s11], $0x140  }
0xcb: {  	[sflag:s11] =	ssyncset.done @!p2 $0x0  }
0xcc: {  	[sflag:s11] =	ssyncadd.s32 @!p2 $0xFFFFFEC0;
	s11 =	simm.s32 @!p2 $0x7800  }
0xcd: {  	[tilespmem:s11], [sflag:$0x3] =	stream.indirect.gather @!p2 [hbm4b:s17+s2], $0x80, s12, s2, $0xb8;
	[tilespmem:$0x1F100] =	vst v63  }
0xce: {  	s11 =	simm.s32 @!p2 $0x2  }
0xcf: {  	_ =	swait.ge @!p2 [sflag:s11], $0x1400  }
0xd0: {  	[sflag:s11] =	ssyncset.done @!p2 $0x0  }
0xd1: {  	[sflag:s11] =	ssyncadd.s32 @!p2 $0xFFFFEC00;
	s11 =	sadd.s32 @!p2 $0x2828, s10  }
0xd2: {  	[spmem:s3] =	stream.indirect.scatter.add.f32 @!p2 [tilespmem:s8], [sflag:$0x6], $0x80, s11, s2, $0xb8;
	[tilespmem:$0x1F100] =	vst v63  }
0xd3: {  	s8 =	simm.s32 @!p2 $0xA000  }
0xd4: {  	[spmem:s4] =	stream.indirect.scatter.add.f32 @!p2 [tilespmem:s8], [sflag:$0x6], $0x8, s11, s2, $0xb8;
	[tilespmem:$0x1F100] =	vst v63  }
0xd5: {  	s2 =	simm.s32 @!p2 $0x8  }
0xd6: {  	_ =	swait.ge @!p2 [sflag:s2], $0x1400  }
0xd7: {  	[sflag:s2] =	ssyncset.done @!p2 $0x0  }
0xd8: {  	[sflag:s2] =	ssyncadd.s32 @!p2 $0xFFFFEC00  }
0xd9: {  	_ =	swait.ge @!p2 [sflag:s2], $0x140  }
0xda: {  	[sflag:s2] =	ssyncset.done @!p2 $0x0  }
0xdb: {  	s8 =	sadd.s32 @!p2 $0x78, s10;
	[sflag:s2] =	ssyncadd.s32 @!p2 $0xFFFFFEC0  }
0xdc: {  	s10 =	simm.s32 @!p1 $0x8C00;
	s2 =	simm.s32 @!p1 $0x28;
	s11 =	rddreg [dreg:$0x1]  }
0xdd: {  	[tilespmem:s10], [sflag:$0x4] =	stream.indirect.gather @!p1 [hbm4b:s11+s2], $0x80, s8, s2, $0xb8;
	[tilespmem:$0x1F100] =	vst v63  }
0xde: {  	s2 =	simm.s32 @!p0 $0x28;
	s10 =	simm.s32 @!p0 $0x8C00  }
0xdf: {  	[tilespmem:s10], [sflag:$0x4] =	stream.indirect.gather @!p0 [hbm4b:s7+s2], $0x80, s8, s2, $0xb8;
	[tilespmem:$0x1F100] =	vst v63  }
0xe0: {  	_ =	swait.ge [sflag:s0], $0x1400  }
0xe1: {  	[sflag:s0] =	ssyncset.done $0x0  }
0xe2: {  	s14 =	sadd.s32 $0x2850, s29;
	[sflag:s0] =	ssyncadd.s32 $0xFFFFEC00  }
0xe3: {  	[spmem:s3] =	stream.indirect.scatter.add.f32 [tilespmem:s28], [sflag:$0x7], $0x80, s14, s23, $0xb8;
	[tilespmem:$0x1F100] =	vst v63  }
0xe4: {  	_ = 	snop  }
0xe5: {  	[spmem:s4] =	stream.indirect.scatter.add.f32 [tilespmem:s21], [sflag:$0x7], $0x8, s14, s23, $0xb8;
	[tilespmem:$0x1F100] =	vst v63  }
0xe6: {  	_ =	swait.ge [sflag:s1], $0x1400  }
0xe7: {  	[sflag:s1] =	ssyncset.done $0x0  }
0xe8: {  	[sflag:s1] =	ssyncadd.s32 $0xFFFFEC00  }
0xe9: {  	p0 =	seq.s32 s9, $0x9D80;
	_ =	swait.ge [sflag:s1], $0x140  }
0xea: {  	s2 =	sshra.s32 @!p0 s9, $0x2;
	s8 =	simm.s32 @!p0 $0x5000;
	[sflag:s1] =	ssyncset.done $0x0  }
0xeb: {  	s9 =	simm.s32 @!p0 $0x28;
	s2 =	sadd.s32 @!p0 $0xA0, s2;
	[sflag:s1] =	ssyncadd.s32 $0xFFFFFEC0  }
0xec: {  	[tilespmem:s8], [sflag:$0x1] =	stream.indirect.gather @!p0 [hbm4b:s17+s9], $0x80, s2, s9, $0xb8;
	[tilespmem:$0x1F100] =	vst v63  }
0xed: {  	_ =	swait.ge [sflag:s22], $0x1400  }
0xee: {  	[sflag:s22] =	ssyncset.done $0x0  }
0xef: {  	s15 =	sadd.s32 $0x2878, s29;
	[sflag:s22] =	ssyncadd.s32 $0xFFFFEC00  }
0xf0: {  	[spmem:s3] =	stream.indirect.scatter.add.f32 [tilespmem:s30], [sflag:$0x8], $0x80, s15, s23, $0xb8;
	[tilespmem:$0x1F100] =	vst v63  }
0xf1: {  	s16 =	simm.s32 $0x6  }
0xf2: {  	[spmem:s4] =	stream.indirect.scatter.add.f32 [tilespmem:s21], [sflag:$0x8], $0x8, s15, s23, $0xb8;
	[tilespmem:$0x1F100] =	vst v63  }
0xf3: {  	_ =	swait.ge [sflag:s16], $0x1400  }
0xf4: {  	[sflag:s16] =	ssyncset.done $0x0  }
0xf5: {  	[sflag:s16] =	ssyncadd.s32 $0xFFFFEC00  }
0xf6: {  	_ =	swait.ge [sflag:s16], $0x140  }
0xf7: {  	[sflag:s16] =	ssyncset.done $0x0  }
0xf8: {  	s18 =	simm.s32 $0x7;
	[sflag:s16] =	ssyncadd.s32 $0xFFFFFEC0  }
0xf9: {  	_ =	swait.ge [sflag:s18], $0x1400  }
0xfa: {  	[sflag:s18] =	ssyncset.done $0x0  }
0xfb: {  	[sflag:s18] =	ssyncadd.s32 $0xFFFFEC00  }
0xfc: {  	_ =	swait.ge [sflag:s18], $0x140  }
0xfd: {  	[sflag:s18] =	ssyncset.done $0x0  }
0xfe: {  	s19 =	simm.s32 $0x8;
	[sflag:s18] =	ssyncadd.s32 $0xFFFFFEC0  }
0xff: {  	_ =	swait.ge [sflag:s19], $0x1400  }
0x100: {  	[sflag:s19] =	ssyncset.done $0x0  }
0x101: {  	[sflag:s19] =	ssyncadd.s32 $0xFFFFEC00  }
0x102: {  	_ =	swait.ge [sflag:s19], $0x140  }
0x103: {  	[sflag:s19] =	ssyncset.done $0x0  }
0x104: {  	[sflag:s19] =	ssyncadd.s32 $0xFFFFFEC0  }
0x105: {  	[bflag:$0x0] =	sbarrier.arrive $0xFFFF  }
0x106: {  	s11 =	rddreg [dreg:$0x8]  }
0x107: {  	s20 =	rddreg [dreg:$0xb]  }
0x108: {  	s8 =	simm.s32 $0x9;
	s5 =	rddreg [dreg:$0xe]  }
0x109: {  	[hbm:s20], [sflag:s11] =	dma.local [spmem:s5], $0x2780  }
0x10a: {  	_ =	swait.ge [sflag:s8], $0x2780  }
0x10b: {  	[sflag:s8] =	ssyncset.done $0x0;
	s25 =	rddreg [dreg:$0xc]  }
0x10c: {  	s9 =	rddreg [dreg:$0xf];
	[sflag:s8] =	ssyncadd.s32 $0xFFFFD880  }
0x10d: {  	[hbm:s25], [sflag:s11] =	dma.local [spmem:s9], $0x278  }
0x10e: {  	_ =	swait.ge [sflag:s8], $0x278  }
0x10f: {  	s26 =	rddreg [dreg:$0x10]  }
0x110: {  	s29 =	rddreg [dreg:$0xd];
	s10 =	sadd.s32 $0x1, s26  }
0x111: {  	p0 =	sne.s32 s10, s29  }
.Ltmp1:
0x112: {  	_ = 	snop;
	(pc) =	sbr.rel @p0 .LBB2_1-.Ltmp1, $3  }
0x113: {  	_ =	sdelay $0x1  }
0x114: {  	[sflag:s8] =	ssyncset.done $0x0  }
0x115: {  	[sflag:s8] =	ssyncadd.s32 $0xFFFFFD88  }
0x116: {  	_ =	sfence.sel $0x180000  }
0x117: {  	[bflag:$0x0] =	sbarrier.arrive $0xFFFF  }
0x118: {  	_ =	strace $0x90000047  }
0x119: {  	s0 =	stileid.u32;
	[bflag:$0x2] =	sbarrier.arrive $0xFFFF  }
0x11a: {  	p0 =	sne.s32 s0, $0x0;
	s0 =	rddreg [dreg:$0x4]  }
0x11b: {  	s0 =	sadd.s32 @!p0 $0x100000, s0  }
0x11c: {  	[sflag:s0] =	ssyncadd.tile.s32 @!p0 $0x1;
	_ =	shalt  }
.Lfunc_end2:
_tile_overlayer_lowered:
.L_overlay_start_2:
0x11d: {  	(tag) =	ssettag $0x2  }
0x11e: {  	s0 =	rddreg [dreg:$0x0];
	s2 =	stileid.u32  }
0x11f: {  	s1 =	rddreg [dreg:$0x1];
	p0 =	sne.s32 s2, $0x0  }
0x120: {  	s3 =	rddreg [dreg:$0x2];
	[bflag:$0x3] =	sbarrier.arrive $0xFFFF;
	s2 =	simm.s32 @!p0 $0x1C09  }
0x121: {  	[timem:s3], [sflag:s2] =	dma.local @!p0 [hbm:s0], s1  }
0x122: {  	s0 =	simm.s32 @!p0 $0x9  }
0x123: {  	_ =	swait.ge @!p0 [sflag:s0], s1  }
0x124: {  	s1 =	ssub.s32 @!p0 $0x0, s1;
	[sflag:s0] =	ssyncset.done @!p0 $0x0  }
0x125: {  	[sflag:s0] =	ssyncadd.s32 @!p0 s1  }
0x126: {  	[bflag:$0x3] =	sbarrier.arrive $0xFFFF  }
0x127: {  	_ =	shalt  }

</sc_bundles>
